<compile_context>
chip_gen: v7x
topology: tpu7x:2x2x1
jax: 0.10.2.dev20260603
libtpu: 0.0.44.dev20260713+nightly
codegen_flags: <defaults>
</compile_context>

<pallas_src>
import functools

import jax
import jax.numpy as jnp
from jax import lax
from jax.experimental import pallas as pl
from jax.experimental.pallas import tpu as pltpu
from jax.experimental.pallas import tpu_sc as plsc

F32 = jnp.float32
I32 = jnp.int32

ALPHA = 0.1
K_ITERS = 10

NC = 2
NS = 16
LANES = 16

TILE_N = 6272
N_PAD = NS * TILE_N

BATCH = 8192
LOAD_E = 8192
JB = LOAD_E // BATCH


def _mlp_body(x_ref, w1_ref, b1_ref, w2_ref, b2_ref, o_ref):
    h = jnp.dot(x_ref[...], w1_ref[...], preferred_element_type=F32)
    h = jnp.maximum(h + b1_ref[...], 0.0)
    o_ref[...] = jnp.dot(h, w2_ref[...], preferred_element_type=F32) + b2_ref[...]


def _mlp(x, W1, b1, W2, b2):
    N, IN = x.shape
    HID = W1.shape[1]
    OUT = W2.shape[1]
    BM = 2000
    assert N % BM == 0
    return pl.pallas_call(
        _mlp_body,
        grid=(N // BM,),
        in_specs=[
            pl.BlockSpec((BM, IN), lambda i: (i, 0)),
            pl.BlockSpec((IN, HID), lambda i: (0, 0)),
            pl.BlockSpec((1, HID), lambda i: (0, 0)),
            pl.BlockSpec((HID, OUT), lambda i: (0, 0)),
            pl.BlockSpec((1, OUT), lambda i: (0, 0)),
        ],
        out_specs=pl.BlockSpec((BM, OUT), lambda i: (i, 0)),
        out_shape=jax.ShapeDtypeStruct((N, OUT), F32),
    )(x, W1, b1.reshape(1, HID), W2, b2.reshape(1, OUT))


def _make_appnp(E_PAD, NCHUNK):
    rows_per_load = LOAD_E // BATCH
    NROWS = E_PAD // BATCH
    tile_rows = NCHUNK * rows_per_load
    assert tile_rows * NS == NROWS

    mesh = plsc.VectorSubcoreMesh(
        core_axis_name="c", subcore_axis_name="s", num_cores=NC, num_subcores=NS
    )

    @functools.partial(
        pl.kernel,
        out_type=jax.ShapeDtypeStruct((NC, N_PAD), F32),
        mesh=mesh,
        scratch_types=[
            pltpu.VMEM_SHARED((N_PAD,), F32),
            pltpu.VMEM_SHARED((N_PAD,), F32),
            pltpu.VMEM_SHARED((N_PAD,), F32),
            pltpu.VMEM_SHARED((N_PAD,), F32),
            pltpu.VMEM((JB, BATCH), I32),
            pltpu.VMEM((JB, BATCH), I32),
            pltpu.VMEM((JB, BATCH), I32),
            pltpu.VMEM((JB, BATCH), I32),
            pltpu.VMEM((JB, BATCH), I32),
            pltpu.VMEM((JB, BATCH), I32),
            pltpu.VMEM((JB, BATCH), F32),
            pltpu.VMEM((JB, BATCH), F32),
            pltpu.VMEM((JB, BATCH), F32),
            pltpu.VMEM((TILE_N,), F32),
            pltpu.VMEM((TILE_N,), F32),
            pltpu.VMEM((TILE_N,), F32),
            pltpu.VMEM((TILE_N,), F32),
            pltpu.SemaphoreType.DMA((3,)),
            pltpu.SemaphoreType.DMA((3,)),
            pltpu.SemaphoreType.DMA((3,)),
        ],
    )
    def appnp(zt, col2, row2, val2, out,
              Hs, Ss, Zs, Ds, col_v0, col_v1, col_v2, row_v0, row_v1, row_v2,
              g_v0, g_v1, g_v2, u_a, u_b, u_c, zz, sem_l, sem_g, sem_s):
        v_v = g_v0
        col_b = [col_v0, col_v1, col_v2]
        row_b = [row_v0, row_v1, row_v2]
        g_b = [g_v0, g_v1, g_v2]
        row_v = row_v0
        c = lax.axis_index("c")
        s = lax.axis_index("s")
        node0 = s * TILE_N
        row0 = s * tile_rows

        def fill_zero(t, _):
            zz[pl.ds(t * LANES, LANES)] = jnp.zeros((LANES,), F32)
            return 0
        lax.fori_loop(0, TILE_N // LANES, fill_zero, 0)
        pltpu.sync_copy(zz, Ss.at[pl.ds(node0, TILE_N)])
        pltpu.sync_copy(zz, Ds.at[pl.ds(node0, TILE_N)])

        pltpu.sync_copy(zt.at[c].at[pl.ds(node0, TILE_N)], u_a)
        pltpu.sync_copy(u_a, Zs.at[pl.ds(node0, TILE_N)])
        pltpu.sync_copy(u_a, Hs.at[pl.ds(node0, TILE_N)])

        plsc.subcore_barrier()

        def dchunk(i, _):
            r0 = row0 + i * rows_per_load
            pltpu.sync_copy(row2.at[pl.ds(r0, rows_per_load)], row_v)
            pltpu.sync_copy(val2.at[pl.ds(r0, rows_per_load)], v_v)
            def dj(j, _):
                pltpu.sync_copy(v_v.at[j], Ds.at[row_v.at[j]])
                return 0
            lax.fori_loop(0, JB, dj, 0)
            return 0
        lax.fori_loop(0, NCHUNK, dchunk, 0)

        plsc.subcore_barrier()

        def one_iter(k, _):
            gat = [None, None, None]
            sca = [None, None, None]
            for i in range(NCHUNK):
                b = i % 3
                if sca[b] is not None:
                    sca[b].wait()
                r0 = row0 + i * rows_per_load
                lc = pltpu.async_copy(col2.at[pl.ds(r0, rows_per_load)],
                                      col_b[b], sem_l.at[b])
                lr = pltpu.async_copy(row2.at[pl.ds(r0, rows_per_load)],
                                      row_b[b], sem_l.at[b])
                if i > 0:
                    pb = (i - 1) % 3
                    gat[pb].wait()
                    sca[pb] = pltpu.async_copy(g_b[pb].at[0],
                                               Ss.at[row_b[pb].at[0]],
                                               sem_s.at[pb], add=True)
                lc.wait()
                lr.wait()
                gat[b] = pltpu.async_copy(Hs.at[col_b[b].at[0]], g_b[b].at[0],
                                          sem_g.at[b])
            lastb = (NCHUNK - 1) % 3
            gat[lastb].wait()
            sca_last = pltpu.async_copy(g_b[lastb].at[0],
                                        Ss.at[row_b[lastb].at[0]],
                                        sem_s.at[lastb], add=True)
            for cidx in range(max(0, NCHUNK - 3), NCHUNK - 1):
                sca[cidx % 3].wait()
            sca_last.wait()

            plsc.subcore_barrier()

            pltpu.sync_copy(Zs.at[pl.ds(node0, TILE_N)], u_a)
            pltpu.sync_copy(Ss.at[pl.ds(node0, TILE_N)], u_b)
            pltpu.sync_copy(Ds.at[pl.ds(node0, TILE_N)], u_c)
            def upd(t, _):
                sl = pl.ds(t * LANES, LANES)
                u_b[sl] = ALPHA * u_a[sl] + (1.0 - ALPHA) * (u_c[sl] * u_b[sl])
                return 0
            lax.fori_loop(0, TILE_N // LANES, upd, 0)
            pltpu.sync_copy(u_b, Hs.at[pl.ds(node0, TILE_N)])
            pltpu.sync_copy(zz, Ss.at[pl.ds(node0, TILE_N)])

            plsc.subcore_barrier()
            return 0

        lax.fori_loop(0, K_ITERS, one_iter, 0)

        pltpu.sync_copy(Hs.at[pl.ds(node0, TILE_N)], u_a)
        pltpu.sync_copy(u_a, out.at[c].at[pl.ds(node0, TILE_N)])

    return appnp


def kernel(x, W1, b1, W2, b2, edge_index, edge_vals):
    N = x.shape[0]
    E = edge_index.shape[1]

    Z = _mlp(x, W1, b1, W2, b2)
    zt = jnp.zeros((NC, N_PAD), F32).at[:, :N].set(Z.T)

    per_tile = -(-E // (NS * LOAD_E)) * LOAD_E
    E_PAD = per_tile * NS
    NCHUNK = per_tile // LOAD_E
    pad = E_PAD - E

    row = edge_index[0]
    col = edge_index[1]
    if pad:
        pad_idx = jnp.arange(pad, dtype=I32)
        colp = jnp.concatenate([col, pad_idx % N])
        rowp = jnp.concatenate([row, N + pad_idx % (N_PAD - N)])
        valp = jnp.concatenate([edge_vals, jnp.zeros((pad,), F32)])
    else:
        colp, rowp, valp = col, row, edge_vals

    col2 = colp.reshape(-1, BATCH)
    row2 = rowp.reshape(-1, BATCH)
    val2 = valp.reshape(-1, BATCH)

    appnp = _make_appnp(E_PAD, NCHUNK)
    ht = appnp(zt, col2, row2, val2)
    return ht[:, :N].T

# --- scband reference (transcript-rebuilt; emitter-appended) ---
"""Pipeline reference for scband-mlp-appnp-5755256177438 (READ-ONLY COPY).

The authoritative reference and input builder live on the scoring server;
editing this copy changes nothing except your own understanding.
"""

import jax, jax.numpy as jnp
import numpy as np

N = 100000
E = 3200000
IN_DIM = 128
HIDDEN = 64
OUT_DIM = 2
K = 10
ALPHA = 0.1


def setup_inputs(seed: int = 0) -> dict:
    key = jax.random.key(seed)
    k0, k1, k2, k3 = jax.random.split(key, 4)
    x = jax.random.normal(k0, (N, IN_DIM), dtype=jnp.float32)
    W1 = jax.random.normal(k1, (IN_DIM, HIDDEN), dtype=jnp.float32) * (1.0 / np.sqrt(IN_DIM))
    b1 = jnp.zeros((HIDDEN,), dtype=jnp.float32)
    W2 = jax.random.normal(k2, (HIDDEN, OUT_DIM), dtype=jnp.float32) * (1.0 / np.sqrt(HIDDEN))
    b2 = jnp.zeros((OUT_DIM,), dtype=jnp.float32)
    # Sparse propagation matrix S in COO form (row-normalized adjacency).
    edge_index = jax.random.randint(k3, (2, E), 0, N, dtype=jnp.int32)
    row = edge_index[0]
    deg = jnp.zeros((N,), dtype=jnp.float32).at[row].add(1.0)
    deg = jnp.maximum(deg, 1.0)
    edge_vals = (1.0 / deg)[row]
    return {"x": x, "W1": W1, "b1": b1, "W2": W2, "b2": b2,
            "edge_index": edge_index, "edge_vals": edge_vals}


def reference(x, W1, b1, W2, b2, edge_index, edge_vals):
    # MLP (dropout is identity in eval mode)
    h = jax.nn.relu(x @ W1 + b1)
    Z = h @ W2 + b2
    # APPNP propagation: H <- alpha*Z + (1-alpha) * S @ H, K times
    row = edge_index[0]
    col = edge_index[1]
    H = Z
    for _ in range(K):
        msg = edge_vals[:, None] * jnp.take(H, col, axis=0)  # gather
        SH = jax.ops.segment_sum(msg, row, num_segments=N)   # scatter-add (spmm)
        H = ALPHA * Z + (1.0 - ALPHA) * SH
    return H

if __name__ == "__main__":
    import jax
    _d = setup_inputs()
    print(jax.jit(kernel)(*tuple(_d.values())))

</pallas_src>

<mosaic_0001>
#map = affine_map<(d0, d1) -> (0, 0)>
module attributes {stable_mosaic.version = 14 : i64} {
  func.func @appnp(%arg0: i32, %arg1: i32, %arg2: memref<2x100352xf32, #tpu.memory_space<hbm>>, %arg3: memref<400x8192xi32, #tpu.memory_space<hbm>>, %arg4: memref<400x8192xi32, #tpu.memory_space<hbm>>, %arg5: memref<400x8192xf32, #tpu.memory_space<hbm>>, %arg6: memref<2x100352xf32, #tpu.memory_space<hbm>>, %arg7: memref<100352xf32, #tpu.memory_space<vmem_shared>>, %arg8: memref<100352xf32, #tpu.memory_space<vmem_shared>>, %arg9: memref<100352xf32, #tpu.memory_space<vmem_shared>>, %arg10: memref<100352xf32, #tpu.memory_space<vmem_shared>>, %arg11: memref<1x8192xi32, #tpu.memory_space<vmem>>, %arg12: memref<1x8192xi32, #tpu.memory_space<vmem>>, %arg13: memref<1x8192xi32, #tpu.memory_space<vmem>>, %arg14: memref<1x8192xi32, #tpu.memory_space<vmem>>, %arg15: memref<1x8192xi32, #tpu.memory_space<vmem>>, %arg16: memref<1x8192xi32, #tpu.memory_space<vmem>>, %arg17: memref<1x8192xf32, #tpu.memory_space<vmem>>, %arg18: memref<1x8192xf32, #tpu.memory_space<vmem>>, %arg19: memref<1x8192xf32, #tpu.memory_space<vmem>>, %arg20: memref<6272xf32, #tpu.memory_space<vmem>>, %arg21: memref<6272xf32, #tpu.memory_space<vmem>>, %arg22: memref<6272xf32, #tpu.memory_space<vmem>>, %arg23: memref<6272xf32, #tpu.memory_space<vmem>>, %arg24: memref<3x!tpu.dma_semaphore, #tpu.memory_space<semaphore_mem>>, %arg25: memref<3x!tpu.dma_semaphore, #tpu.memory_space<semaphore_mem>>, %arg26: memref<3x!tpu.dma_semaphore, #tpu.memory_space<semaphore_mem>>) attributes {dimension_semantics = [#tpu.dimension_semantics<core_parallel>, #tpu.dimension_semantics<subcore_parallel>], iteration_bounds = array<i64: 2, 16>, scalar_prefetch = 0 : i64, scratch_operands = 20 : i64, tpu.core_type = #tpu.core_type<sc_vector_subcore>, window_params = [{transform_indices = #map}, {transform_indices = #map}, {transform_indices = #map}, {transform_indices = #map}, {transform_indices = #map}]} {
    %mul3A = arith.constant 6272 : i32
    %mul3A_0 = arith.muli %arg1, %mul3A : i32
    %mul3A_1 = arith.constant 25 : i32
    %mul3A_2 = arith.muli %arg1, %mul3A_1 : i32
    %scan3A = arith.constant 0 : i32
    %scan3A_3 = arith.constant 0 : i32
    %scan3A_4 = arith.constant 392 : i32
    %scan3A_5 = arith.addi %scan3A_3, %scan3A_4 : i32
    %scan3A_6 = arith.constant 1 : i32
    %scan3A_7 = scf.for %scan3A_24 = %scan3A_3 to %scan3A_5 step %scan3A_6 iter_args(%scan3A_25 = %scan3A) -> (i32)  : i32 {
      %broadcast_in_dim3A = arith.constant 0.000000e+00 : f32
      %broadcast_in_dim3A_26 = vector.broadcast %broadcast_in_dim3A : f32 to vector<16xf32>
      %mul3A_27 = arith.constant 16 : i32
      %mul3A_28 = arith.muli %scan3A_24, %mul3A_27 : i32
      %swap3A = arith.index_cast %mul3A_28 : i32 to index
      %swap3A_29 = tpu.vector_load %arg23[%swap3A] {strides = array<i32>} : memref<6272xf32, #tpu.memory_space<vmem>>, vector<16xf32>,
      %swap3A_30 = vector.shape_cast %swap3A_29 : vector<16xf32> to vector<16xf32>
      %swap3A_31 = vector.shape_cast %broadcast_in_dim3A_26 : vector<16xf32> to vector<16xf32>
      tpu.vector_store %arg23[%swap3A], %swap3A_31 {strides = array<i32>} : memref<6272xf32, #tpu.memory_space<vmem>>, vector<16xf32>,
      %scan3A_32 = arith.constant 0 : i32
      scf.yield %scan3A_32 : i32
    }
    %scan3A_8 = arith.constant 392 : i32
    "tpu.region"() ({
      %run_scoped3A = tpu.sem_alloc : memref<!tpu.dma_semaphore, #tpu.memory_space<semaphore_mem>>
      %dma_start3A = tpu.memref_slice %arg8[%mul3A_0] : memref<100352xf32, #tpu.memory_space<vmem_shared>> -> memref<6272xf32, #tpu.memory_space<vmem_shared>>
      %dma_start3A_24 = tpu.memref_slice %arg8[%mul3A_0] : memref<100352xf32, #tpu.memory_space<vmem_shared>> -> memref<6272xf32, #tpu.memory_space<vmem_shared>>
      tpu.enqueue_dma source(%arg23 : memref<6272xf32, #tpu.memory_space<vmem>>) target(%dma_start3A_24 : memref<6272xf32, #tpu.memory_space<vmem_shared>>) target_semaphore(%run_scoped3A : memref<!tpu.dma_semaphore, #tpu.memory_space<semaphore_mem>>)
      %dma_wait3A = tpu.memref_slice %arg8[%mul3A_0] : memref<100352xf32, #tpu.memory_space<vmem_shared>> -> memref<6272xf32, #tpu.memory_space<vmem_shared>>
      %dma_wait3A_25 = tpu.memref_slice %arg8[%mul3A_0] : memref<100352xf32, #tpu.memory_space<vmem_shared>> -> memref<6272xf32, #tpu.memory_space<vmem_shared>>
      tpu.wait_dma2 semaphore(%run_scoped3A : memref<!tpu.dma_semaphore, #tpu.memory_space<semaphore_mem>>) src(%arg23 : memref<6272xf32, #tpu.memory_space<vmem>>) dst(%dma_wait3A_25 : memref<6272xf32, #tpu.memory_space<vmem_shared>>)
      tpu.yield
    }) : () -> ()
    "tpu.region"() ({
      %run_scoped3A = tpu.sem_alloc : memref<!tpu.dma_semaphore, #tpu.memory_space<semaphore_mem>>
      %dma_start3A = tpu.memref_slice %arg10[%mul3A_0] : memref<100352xf32, #tpu.memory_space<vmem_shared>> -> memref<6272xf32, #tpu.memory_space<vmem_shared>>
      %dma_start3A_24 = tpu.memref_slice %arg10[%mul3A_0] : memref<100352xf32, #tpu.memory_space<vmem_shared>> -> memref<6272xf32, #tpu.memory_space<vmem_shared>>
      tpu.enqueue_dma source(%arg23 : memref<6272xf32, #tpu.memory_space<vmem>>) target(%dma_start3A_24 : memref<6272xf32, #tpu.memory_space<vmem_shared>>) target_semaphore(%run_scoped3A : memref<!tpu.dma_semaphore, #tpu.memory_space<semaphore_mem>>)
      %dma_wait3A = tpu.memref_slice %arg10[%mul3A_0] : memref<100352xf32, #tpu.memory_space<vmem_shared>> -> memref<6272xf32, #tpu.memory_space<vmem_shared>>
      %dma_wait3A_25 = tpu.memref_slice %arg10[%mul3A_0] : memref<100352xf32, #tpu.memory_space<vmem_shared>> -> memref<6272xf32, #tpu.memory_space<vmem_shared>>
      tpu.wait_dma2 semaphore(%run_scoped3A : memref<!tpu.dma_semaphore, #tpu.memory_space<semaphore_mem>>) src(%arg23 : memref<6272xf32, #tpu.memory_space<vmem>>) dst(%dma_wait3A_25 : memref<6272xf32, #tpu.memory_space<vmem_shared>>)
      tpu.yield
    }) : () -> ()
    "tpu.region"() ({
      %run_scoped3A = tpu.sem_alloc : memref<!tpu.dma_semaphore, #tpu.memory_space<semaphore_mem>>
      %dma_start3A = arith.constant 0 : i32
      %dma_start3A_24 = tpu.memref_slice %arg2[%arg0, %dma_start3A] : memref<2x100352xf32, #tpu.memory_space<hbm>> -> memref<1x100352xf32, #tpu.memory_space<hbm>>
      %dma_start3A_25 = tpu.memref_squeeze %dma_start3A_24 : memref<1x100352xf32, #tpu.memory_space<hbm>> -> memref<100352xf32, #tpu.memory_space<hbm>>
      %dma_start3A_26 = tpu.memref_slice %dma_start3A_25[%mul3A_0] : memref<100352xf32, #tpu.memory_space<hbm>> -> memref<6272xf32, #tpu.memory_space<hbm>>
      %dma_start3A_27 = arith.constant 0 : i32
      %dma_start3A_28 = tpu.memref_slice %arg2[%arg0, %dma_start3A_27] : memref<2x100352xf32, #tpu.memory_space<hbm>> -> memref<1x100352xf32, #tpu.memory_space<hbm>>
      %dma_start3A_29 = tpu.memref_squeeze %dma_start3A_28 : memref<1x100352xf32, #tpu.memory_space<hbm>> -> memref<100352xf32, #tpu.memory_space<hbm>>
      %dma_start3A_30 = tpu.memref_slice %dma_start3A_29[%mul3A_0] : memref<100352xf32, #tpu.memory_space<hbm>> -> memref<6272xf32, #tpu.memory_space<hbm>>
      tpu.enqueue_dma source(%dma_start3A_30 : memref<6272xf32, #tpu.memory_space<hbm>>) target(%arg20 : memref<6272xf32, #tpu.memory_space<vmem>>) target_semaphore(%run_scoped3A : memref<!tpu.dma_semaphore, #tpu.memory_space<semaphore_mem>>)
      %dma_wait3A = arith.constant 0 : i32
      %dma_wait3A_31 = tpu.memref_slice %arg2[%arg0, %dma_wait3A] : memref<2x100352xf32, #tpu.memory_space<hbm>> -> memref<1x100352xf32, #tpu.memory_space<hbm>>
      %dma_wait3A_32 = tpu.memref_squeeze %dma_wait3A_31 : memref<1x100352xf32, #tpu.memory_space<hbm>> -> memref<100352xf32, #tpu.memory_space<hbm>>
      %dma_wait3A_33 = tpu.memref_slice %dma_wait3A_32[%mul3A_0] : memref<100352xf32, #tpu.memory_space<hbm>> -> memref<6272xf32, #tpu.memory_space<hbm>>
      %dma_wait3A_34 = arith.constant 0 : i32
      %dma_wait3A_35 = tpu.memref_slice %arg2[%arg0, %dma_wait3A_34] : memref<2x100352xf32, #tpu.memory_space<hbm>> -> memref<1x100352xf32, #tpu.memory_space<hbm>>
      %dma_wait3A_36 = tpu.memref_squeeze %dma_wait3A_35 : memref<1x100352xf32, #tpu.memory_space<hbm>> -> memref<100352xf32, #tpu.memory_space<hbm>>
      %dma_wait3A_37 = tpu.memref_slice %dma_wait3A_36[%mul3A_0] : memref<100352xf32, #tpu.memory_space<hbm>> -> memref<6272xf32, #tpu.memory_space<hbm>>
      tpu.wait_dma2 semaphore(%run_scoped3A : memref<!tpu.dma_semaphore, #tpu.memory_space<semaphore_mem>>) src(%dma_wait3A_37 : memref<6272xf32, #tpu.memory_space<hbm>>) dst(%arg20 : memref<6272xf32, #tpu.memory_space<vmem>>)
      tpu.yield
    }) : () -> ()
    "tpu.region"() ({
      %run_scoped3A = tpu.sem_alloc : memref<!tpu.dma_semaphore, #tpu.memory_space<semaphore_mem>>
      %dma_start3A = tpu.memref_slice %arg9[%mul3A_0] : memref<100352xf32, #tpu.memory_space<vmem_shared>> -> memref<6272xf32, #tpu.memory_space<vmem_shared>>
      %dma_start3A_24 = tpu.memref_slice %arg9[%mul3A_0] : memref<100352xf32, #tpu.memory_space<vmem_shared>> -> memref<6272xf32, #tpu.memory_space<vmem_shared>>
      tpu.enqueue_dma source(%arg20 : memref<6272xf32, #tpu.memory_space<vmem>>) target(%dma_start3A_24 : memref<6272xf32, #tpu.memory_space<vmem_shared>>) target_semaphore(%run_scoped3A : memref<!tpu.dma_semaphore, #tpu.memory_space<semaphore_mem>>)
      %dma_wait3A = tpu.memref_slice %arg9[%mul3A_0] : memref<100352xf32, #tpu.memory_space<vmem_shared>> -> memref<6272xf32, #tpu.memory_space<vmem_shared>>
      %dma_wait3A_25 = tpu.memref_slice %arg9[%mul3A_0] : memref<100352xf32, #tpu.memory_space<vmem_shared>> -> memref<6272xf32, #tpu.memory_space<vmem_shared>>
      tpu.wait_dma2 semaphore(%run_scoped3A : memref<!tpu.dma_semaphore, #tpu.memory_space<semaphore_mem>>) src(%arg20 : memref<6272xf32, #tpu.memory_space<vmem>>) dst(%dma_wait3A_25 : memref<6272xf32, #tpu.memory_space<vmem_shared>>)
      tpu.yield
    }) : () -> ()
    "tpu.region"() ({
      %run_scoped3A = tpu.sem_alloc : memref<!tpu.dma_semaphore, #tpu.memory_space<semaphore_mem>>
      %dma_start3A = tpu.memref_slice %arg7[%mul3A_0] : memref<100352xf32, #tpu.memory_space<vmem_shared>> -> memref<6272xf32, #tpu.memory_space<vmem_shared>>
      %dma_start3A_24 = tpu.memref_slice %arg7[%mul3A_0] : memref<100352xf32, #tpu.memory_space<vmem_shared>> -> memref<6272xf32, #tpu.memory_space<vmem_shared>>
      tpu.enqueue_dma source(%arg20 : memref<6272xf32, #tpu.memory_space<vmem>>) target(%dma_start3A_24 : memref<6272xf32, #tpu.memory_space<vmem_shared>>) target_semaphore(%run_scoped3A : memref<!tpu.dma_semaphore, #tpu.memory_space<semaphore_mem>>)
      %dma_wait3A = tpu.memref_slice %arg7[%mul3A_0] : memref<100352xf32, #tpu.memory_space<vmem_shared>> -> memref<6272xf32, #tpu.memory_space<vmem_shared>>
      %dma_wait3A_25 = tpu.memref_slice %arg7[%mul3A_0] : memref<100352xf32, #tpu.memory_space<vmem_shared>> -> memref<6272xf32, #tpu.memory_space<vmem_shared>>
      tpu.wait_dma2 semaphore(%run_scoped3A : memref<!tpu.dma_semaphore, #tpu.memory_space<semaphore_mem>>) src(%arg20 : memref<6272xf32, #tpu.memory_space<vmem>>) dst(%dma_wait3A_25 : memref<6272xf32, #tpu.memory_space<vmem_shared>>)
      tpu.yield
    }) : () -> ()
    %barrier3A = arith.constant 0 : index
    tpu.barrier barrier_id(%barrier3A)
    %scan3A_9 = arith.constant 0 : i32
    %scan3A_10 = arith.constant 0 : i32
    %scan3A_11 = arith.constant 25 : i32
    %scan3A_12 = arith.addi %scan3A_10, %scan3A_11 : i32
    %scan3A_13 = arith.constant 1 : i32
    %scan3A_14 = scf.for %scan3A_24 = %scan3A_10 to %scan3A_12 step %scan3A_13 iter_args(%scan3A_25 = %scan3A_9) -> (i32)  : i32 {
      %mul3A_26 = arith.constant 1 : i32
      %mul3A_27 = arith.muli %scan3A_24, %mul3A_26 : i32
      %add3A = arith.addi %mul3A_2, %mul3A_27 : i32
      "tpu.region"() ({
        %run_scoped3A = tpu.sem_alloc : memref<!tpu.dma_semaphore, #tpu.memory_space<semaphore_mem>>
        %dma_start3A = arith.constant 0 : i32
        %dma_start3A_33 = tpu.memref_slice %arg4[%add3A, %dma_start3A] : memref<400x8192xi32, #tpu.memory_space<hbm>> -> memref<1x8192xi32, #tpu.memory_space<hbm>>
        %dma_start3A_34 = arith.constant 0 : i32
        %dma_start3A_35 = tpu.memref_slice %arg4[%add3A, %dma_start3A_34] : memref<400x8192xi32, #tpu.memory_space<hbm>> -> memref<1x8192xi32, #tpu.memory_space<hbm>>
        tpu.enqueue_dma source(%dma_start3A_35 : memref<1x8192xi32, #tpu.memory_space<hbm>>) target(%arg14 : memref<1x8192xi32, #tpu.memory_space<vmem>>) target_semaphore(%run_scoped3A : memref<!tpu.dma_semaphore, #tpu.memory_space<semaphore_mem>>)
        %dma_wait3A = arith.constant 0 : i32
        %dma_wait3A_36 = tpu.memref_slice %arg4[%add3A, %dma_wait3A] : memref<400x8192xi32, #tpu.memory_space<hbm>> -> memref<1x8192xi32, #tpu.memory_space<hbm>>
        %dma_wait3A_37 = arith.constant 0 : i32
        %dma_wait3A_38 = tpu.memref_slice %arg4[%add3A, %dma_wait3A_37] : memref<400x8192xi32, #tpu.memory_space<hbm>> -> memref<1x8192xi32, #tpu.memory_space<hbm>>
        tpu.wait_dma2 semaphore(%run_scoped3A : memref<!tpu.dma_semaphore, #tpu.memory_space<semaphore_mem>>) src(%dma_wait3A_38 : memref<1x8192xi32, #tpu.memory_space<hbm>>) dst(%arg14 : memref<1x8192xi32, #tpu.memory_space<vmem>>)
        tpu.yield
      }) : () -> ()
      "tpu.region"() ({
        %run_scoped3A = tpu.sem_alloc : memref<!tpu.dma_semaphore, #tpu.memory_space<semaphore_mem>>
        %dma_start3A = arith.constant 0 : i32
        %dma_start3A_33 = tpu.memref_slice %arg5[%add3A, %dma_start3A] : memref<400x8192xf32, #tpu.memory_space<hbm>> -> memref<1x8192xf32, #tpu.memory_space<hbm>>
        %dma_start3A_34 = arith.constant 0 : i32
        %dma_start3A_35 = tpu.memref_slice %arg5[%add3A, %dma_start3A_34] : memref<400x8192xf32, #tpu.memory_space<hbm>> -> memref<1x8192xf32, #tpu.memory_space<hbm>>
        tpu.enqueue_dma source(%dma_start3A_35 : memref<1x8192xf32, #tpu.memory_space<hbm>>) target(%arg17 : memref<1x8192xf32, #tpu.memory_space<vmem>>) target_semaphore(%run_scoped3A : memref<!tpu.dma_semaphore, #tpu.memory_space<semaphore_mem>>)
        %dma_wait3A = arith.constant 0 : i32
        %dma_wait3A_36 = tpu.memref_slice %arg5[%add3A, %dma_wait3A] : memref<400x8192xf32, #tpu.memory_space<hbm>> -> memref<1x8192xf32, #tpu.memory_space<hbm>>
        %dma_wait3A_37 = arith.constant 0 : i32
        %dma_wait3A_38 = tpu.memref_slice %arg5[%add3A, %dma_wait3A_37] : memref<400x8192xf32, #tpu.memory_space<hbm>> -> memref<1x8192xf32, #tpu.memory_space<hbm>>
        tpu.wait_dma2 semaphore(%run_scoped3A : memref<!tpu.dma_semaphore, #tpu.memory_space<semaphore_mem>>) src(%dma_wait3A_38 : memref<1x8192xf32, #tpu.memory_space<hbm>>) dst(%arg17 : memref<1x8192xf32, #tpu.memory_space<vmem>>)
        tpu.yield
      }) : () -> ()
      %scan3A_28 = arith.constant 0 : i32
      %scan3A_29 = arith.constant 0 : i32
      "tpu.region"() ({
        %run_scoped3A = tpu.sem_alloc : memref<!tpu.dma_semaphore, #tpu.memory_space<semaphore_mem>>
        %dma_start3A = arith.constant 0 : i32
        %dma_start3A_33 = tpu.memref_slice %arg17[%scan3A_29, %dma_start3A] : memref<1x8192xf32, #tpu.memory_space<vmem>> -> memref<1x8192xf32, #tpu.memory_space<vmem>>
        %dma_start3A_34 = tpu.memref_squeeze %dma_start3A_33 : memref<1x8192xf32, #tpu.memory_space<vmem>> -> memref<8192xf32, #tpu.memory_space<vmem>>
        %dma_start3A_35 = arith.constant 0 : i32
        %dma_start3A_36 = tpu.memref_slice %arg14[%scan3A_29, %dma_start3A_35] : memref<1x8192xi32, #tpu.memory_space<vmem>> -> memref<1x8192xi32, #tpu.memory_space<vmem>>
        %dma_start3A_37 = tpu.memref_squeeze %dma_start3A_36 : memref<1x8192xi32, #tpu.memory_space<vmem>> -> memref<8192xi32, #tpu.memory_space<vmem>>
        %dma_start3A_38 = arith.constant 0 : i32
        %dma_start3A_39 = tpu.memref_slice %arg10[%dma_start3A_38] : memref<100352xf32, #tpu.memory_space<vmem_shared>> -> memref<100352xf32, #tpu.memory_space<vmem_shared>>
        tpu.enqueue_indirect_dma source(%dma_start3A_34 : memref<8192xf32, #tpu.memory_space<vmem>>) target(%dma_start3A_39 : memref<100352xf32, #tpu.memory_space<vmem_shared>>) offsets(%dma_start3A_37 : memref<8192xi32, #tpu.memory_space<vmem>>) semaphore(%run_scoped3A : memref<!tpu.dma_semaphore, #tpu.memory_space<semaphore_mem>>)
        %dma_wait3A = arith.constant 0 : i32
        %dma_wait3A_40 = tpu.memref_slice %arg17[%scan3A_29, %dma_wait3A] : memref<1x8192xf32, #tpu.memory_space<vmem>> -> memref<1x8192xf32, #tpu.memory_space<vmem>>
        %dma_wait3A_41 = tpu.memref_squeeze %dma_wait3A_40 : memref<1x8192xf32, #tpu.memory_space<vmem>> -> memref<8192xf32, #tpu.memory_space<vmem>>
        %dma_wait3A_42 = arith.constant 0 : i32
        %dma_wait3A_43 = tpu.memref_slice %arg14[%scan3A_29, %dma_wait3A_42] : memref<1x8192xi32, #tpu.memory_space<vmem>> -> memref<1x8192xi32, #tpu.memory_space<vmem>>
        %dma_wait3A_44 = tpu.memref_squeeze %dma_wait3A_43 : memref<1x8192xi32, #tpu.memory_space<vmem>> -> memref<8192xi32, #tpu.memory_space<vmem>>
        %dma_wait3A_45 = arith.constant 0 : i32
        %dma_wait3A_46 = tpu.memref_slice %arg10[%dma_wait3A_45] : memref<100352xf32, #tpu.memory_space<vmem_shared>> -> memref<100352xf32, #tpu.memory_space<vmem_shared>>
        tpu.wait_indirect_dma semaphore(%run_scoped3A : memref<!tpu.dma_semaphore, #tpu.memory_space<semaphore_mem>>) src(%dma_wait3A_41 : memref<8192xf32, #tpu.memory_space<vmem>>) dst(%dma_wait3A_46 : memref<100352xf32, #tpu.memory_space<vmem_shared>>)
        tpu.yield
      }) : () -> ()
      %scan3A_30 = arith.constant 0 : i32
      %scan3A_31 = arith.constant 1 : i32
      %scan3A_32 = arith.constant 0 : i32
      scf.yield %scan3A_32 : i32
    }
    %scan3A_15 = arith.constant 25 : i32
    %barrier3A_16 = arith.constant 0 : index
    tpu.barrier barrier_id(%barrier3A_16)
    %scan3A_17 = arith.constant 0 : i32
    %scan3A_18 = arith.constant 0 : i32
    %scan3A_19 = arith.constant 10 : i32
    %scan3A_20 = arith.addi %scan3A_18, %scan3A_19 : i32
    %scan3A_21 = arith.constant 1 : i32
    %scan3A_22 = scf.for %scan3A_24 = %scan3A_18 to %scan3A_20 step %scan3A_21 iter_args(%scan3A_25 = %scan3A_17) -> (i32)  : i32 {
      %add3A = arith.constant 0 : i32
      %add3A_26 = arith.addi %mul3A_2, %add3A : i32
      %dma_start3A = arith.constant 0 : i32
      %dma_start3A_27 = arith.constant 0 : i32
      %dma_start3A_28 = tpu.memref_slice %arg3[%add3A_26, %dma_start3A_27] : memref<400x8192xi32, #tpu.memory_space<hbm>> -> memref<1x8192xi32, #tpu.memory_space<hbm>>
      %dma_start3A_29 = tpu.memref_slice %arg24[%dma_start3A] : memref<3x!tpu.dma_semaphore, #tpu.memory_space<semaphore_mem>> -> memref<1x!tpu.dma_semaphore, #tpu.memory_space<semaphore_mem>>
      %dma_start3A_30 = tpu.memref_squeeze %dma_start3A_29 : memref<1x!tpu.dma_semaphore, #tpu.memory_space<semaphore_mem>> -> memref<!tpu.dma_semaphore, #tpu.memory_space<semaphore_mem>>
      %dma_start3A_31 = arith.constant 0 : i32
      %dma_start3A_32 = tpu.memref_slice %arg3[%add3A_26, %dma_start3A_31] : memref<400x8192xi32, #tpu.memory_space<hbm>> -> memref<1x8192xi32, #tpu.memory_space<hbm>>
      tpu.enqueue_dma source(%dma_start3A_32 : memref<1x8192xi32, #tpu.memory_space<hbm>>) target(%arg11 : memref<1x8192xi32, #tpu.memory_space<vmem>>) target_semaphore(%dma_start3A_30 : memref<!tpu.dma_semaphore, #tpu.memory_space<semaphore_mem>>)
      %dma_start3A_33 = arith.constant 0 : i32
      %dma_start3A_34 = arith.constant 0 : i32
      %dma_start3A_35 = tpu.memref_slice %arg4[%add3A_26, %dma_start3A_34] : memref<400x8192xi32, #tpu.memory_space<hbm>> -> memref<1x8192xi32, #tpu.memory_space<hbm>>
      %dma_start3A_36 = tpu.memref_slice %arg24[%dma_start3A_33] : memref<3x!tpu.dma_semaphore, #tpu.memory_space<semaphore_mem>> -> memref<1x!tpu.dma_semaphore, #tpu.memory_space<semaphore_mem>>
      %dma_start3A_37 = tpu.memref_squeeze %dma_start3A_36 : memref<1x!tpu.dma_semaphore, #tpu.memory_space<semaphore_mem>> -> memref<!tpu.dma_semaphore, #tpu.memory_space<semaphore_mem>>
      %dma_start3A_38 = arith.constant 0 : i32
      %dma_start3A_39 = tpu.memref_slice %arg4[%add3A_26, %dma_start3A_38] : memref<400x8192xi32, #tpu.memory_space<hbm>> -> memref<1x8192xi32, #tpu.memory_space<hbm>>
      tpu.enqueue_dma source(%dma_start3A_39 : memref<1x8192xi32, #tpu.memory_space<hbm>>) target(%arg14 : memref<1x8192xi32, #tpu.memory_space<vmem>>) target_semaphore(%dma_start3A_37 : memref<!tpu.dma_semaphore, #tpu.memory_space<semaphore_mem>>)
      %dma_wait3A = arith.constant 0 : i32
      %dma_wait3A_40 = arith.constant 0 : i32
      %dma_wait3A_41 = tpu.memref_slice %arg3[%add3A_26, %dma_wait3A_40] : memref<400x8192xi32, #tpu.memory_space<hbm>> -> memref<1x8192xi32, #tpu.memory_space<hbm>>
      %dma_wait3A_42 = tpu.memref_slice %arg24[%dma_wait3A] : memref<3x!tpu.dma_semaphore, #tpu.memory_space<semaphore_mem>> -> memref<1x!tpu.dma_semaphore, #tpu.memory_space<semaphore_mem>>
      %dma_wait3A_43 = tpu.memref_squeeze %dma_wait3A_42 : memref<1x!tpu.dma_semaphore, #tpu.memory_space<semaphore_mem>> -> memref<!tpu.dma_semaphore, #tpu.memory_space<semaphore_mem>>
      %dma_wait3A_44 = arith.constant 0 : i32
      %dma_wait3A_45 = tpu.memref_slice %arg3[%add3A_26, %dma_wait3A_44] : memref<400x8192xi32, #tpu.memory_space<hbm>> -> memref<1x8192xi32, #tpu.memory_space<hbm>>
      tpu.wait_dma2 semaphore(%dma_wait3A_43 : memref<!tpu.dma_semaphore, #tpu.memory_space<semaphore_mem>>) src(%dma_wait3A_45 : memref<1x8192xi32, #tpu.memory_space<hbm>>) dst(%arg11 : memref<1x8192xi32, #tpu.memory_space<vmem>>)
      %dma_wait3A_46 = arith.constant 0 : i32
      %dma_wait3A_47 = arith.constant 0 : i32
      %dma_wait3A_48 = tpu.memref_slice %arg4[%add3A_26, %dma_wait3A_47] : memref<400x8192xi32, #tpu.memory_space<hbm>> -> memref<1x8192xi32, #tpu.memory_space<hbm>>
      %dma_wait3A_49 = tpu.memref_slice %arg24[%dma_wait3A_46] : memref<3x!tpu.dma_semaphore, #tpu.memory_space<semaphore_mem>> -> memref<1x!tpu.dma_semaphore, #tpu.memory_space<semaphore_mem>>
      %dma_wait3A_50 = tpu.memref_squeeze %dma_wait3A_49 : memref<1x!tpu.dma_semaphore, #tpu.memory_space<semaphore_mem>> -> memref<!tpu.dma_semaphore, #tpu.memory_space<semaphore_mem>>
      %dma_wait3A_51 = arith.constant 0 : i32
      %dma_wait3A_52 = tpu.memref_slice %arg4[%add3A_26, %dma_wait3A_51] : memref<400x8192xi32, #tpu.memory_space<hbm>> -> memref<1x8192xi32, #tpu.memory_space<hbm>>
      tpu.wait_dma2 semaphore(%dma_wait3A_50 : memref<!tpu.dma_semaphore, #tpu.memory_space<semaphore_mem>>) src(%dma_wait3A_52 : memref<1x8192xi32, #tpu.memory_space<hbm>>) dst(%arg14 : memref<1x8192xi32, #tpu.memory_space<vmem>>)
      %dma_start3A_53 = arith.constant 0 : i32
      %dma_start3A_54 = arith.constant 0 : i32
      %dma_start3A_55 = arith.constant 0 : i32
      %dma_start3A_56 = arith.constant 0 : i32
      %dma_start3A_57 = tpu.memref_slice %arg17[%dma_start3A_54, %dma_start3A_56] : memref<1x8192xf32, #tpu.memory_space<vmem>> -> memref<1x8192xf32, #tpu.memory_space<vmem>>
      %dma_start3A_58 = tpu.memref_squeeze %dma_start3A_57 : memref<1x8192xf32, #tpu.memory_space<vmem>> -> memref<8192xf32, #tpu.memory_space<vmem>>
      %dma_start3A_59 = arith.constant 0 : i32
      %dma_start3A_60 = tpu.memref_slice %arg11[%dma_start3A_53, %dma_start3A_59] : memref<1x8192xi32, #tpu.memory_space<vmem>> -> memref<1x8192xi32, #tpu.memory_space<vmem>>
      %dma_start3A_61 = tpu.memref_squeeze %dma_start3A_60 : memref<1x8192xi32, #tpu.memory_space<vmem>> -> memref<8192xi32, #tpu.memory_space<vmem>>
      %dma_start3A_62 = arith.constant 0 : i32
      %dma_start3A_63 = tpu.memref_slice %arg7[%dma_start3A_62] : memref<100352xf32, #tpu.memory_space<vmem_shared>> -> memref<100352xf32, #tpu.memory_space<vmem_shared>>
      %dma_start3A_64 = tpu.memref_slice %arg25[%dma_start3A_55] : memref<3x!tpu.dma_semaphore, #tpu.memory_space<semaphore_mem>> -> memref<1x!tpu.dma_semaphore, #tpu.memory_space<semaphore_mem>>
      %dma_start3A_65 = tpu.memref_squeeze %dma_start3A_64 : memref<1x!tpu.dma_semaphore, #tpu.memory_space<semaphore_mem>> -> memref<!tpu.dma_semaphore, #tpu.memory_space<semaphore_mem>>
      tpu.enqueue_indirect_dma source(%dma_start3A_63 : memref<100352xf32, #tpu.memory_space<vmem_shared>>) target(%dma_start3A_58 : memref<8192xf32, #tpu.memory_space<vmem>>) offsets(%dma_start3A_61 : memref<8192xi32, #tpu.memory_space<vmem>>) semaphore(%dma_start3A_65 : memref<!tpu.dma_semaphore, #tpu.memory_space<semaphore_mem>>)
      %add3A_66 = arith.constant 1 : i32
      %add3A_67 = arith.addi %mul3A_2, %add3A_66 : i32
      %dma_start3A_68 = arith.constant 1 : i32
      %dma_start3A_69 = arith.constant 0 : i32
      %dma_start3A_70 = tpu.memref_slice %arg3[%add3A_67, %dma_start3A_69] : memref<400x8192xi32, #tpu.memory_space<hbm>> -> memref<1x8192xi32, #tpu.memory_space<hbm>>
      %dma_start3A_71 = tpu.memref_slice %arg24[%dma_start3A_68] : memref<3x!tpu.dma_semaphore, #tpu.memory_space<semaphore_mem>> -> memref<1x!tpu.dma_semaphore, #tpu.memory_space<semaphore_mem>>
      %dma_start3A_72 = tpu.memref_squeeze %dma_start3A_71 : memref<1x!tpu.dma_semaphore, #tpu.memory_space<semaphore_mem>> -> memref<!tpu.dma_semaphore, #tpu.memory_space<semaphore_mem>>
      %dma_start3A_73 = arith.constant 0 : i32
      %dma_start3A_74 = tpu.memref_slice %arg3[%add3A_67, %dma_start3A_73] : memref<400x8192xi32, #tpu.memory_space<hbm>> -> memref<1x8192xi32, #tpu.memory_space<hbm>>
      tpu.enqueue_dma source(%dma_start3A_74 : memref<1x8192xi32, #tpu.memory_space<hbm>>) target(%arg12 : memref<1x8192xi32, #tpu.memory_space<vmem>>) target_semaphore(%dma_start3A_72 : memref<!tpu.dma_semaphore, #tpu.memory_space<semaphore_mem>>)
      %dma_start3A_75 = arith.constant 1 : i32
      %dma_start3A_76 = arith.constant 0 : i32
      %dma_start3A_77 = tpu.memref_slice %arg4[%add3A_67, %dma_start3A_76] : memref<400x8192xi32, #tpu.memory_space<hbm>> -> memref<1x8192xi32, #tpu.memory_space<hbm>>
      %dma_start3A_78 = tpu.memref_slice %arg24[%dma_start3A_75] : memref<3x!tpu.dma_semaphore, #tpu.memory_space<semaphore_mem>> -> memref<1x!tpu.dma_semaphore, #tpu.memory_space<semaphore_mem>>
      %dma_start3A_79 = tpu.memref_squeeze %dma_start3A_78 : memref<1x!tpu.dma_semaphore, #tpu.memory_space<semaphore_mem>> -> memref<!tpu.dma_semaphore, #tpu.memory_space<semaphore_mem>>
      %dma_start3A_80 = arith.constant 0 : i32
      %dma_start3A_81 = tpu.memref_slice %arg4[%add3A_67, %dma_start3A_80] : memref<400x8192xi32, #tpu.memory_space<hbm>> -> memref<1x8192xi32, #tpu.memory_space<hbm>>
      tpu.enqueue_dma source(%dma_start3A_81 : memref<1x8192xi32, #tpu.memory_space<hbm>>) target(%arg15 : memref<1x8192xi32, #tpu.memory_space<vmem>>) target_semaphore(%dma_start3A_79 : memref<!tpu.dma_semaphore, #tpu.memory_space<semaphore_mem>>)
      %dma_wait3A_82 = arith.constant 0 : i32
      %dma_wait3A_83 = arith.constant 0 : i32
      %dma_wait3A_84 = arith.constant 0 : i32
      %dma_wait3A_85 = arith.constant 0 : i32
      %dma_wait3A_86 = tpu.memref_slice %arg17[%dma_wait3A_83, %dma_wait3A_85] : memref<1x8192xf32, #tpu.memory_space<vmem>> -> memref<1x8192xf32, #tpu.memory_space<vmem>>
      %dma_wait3A_87 = tpu.memref_squeeze %dma_wait3A_86 : memref<1x8192xf32, #tpu.memory_space<vmem>> -> memref<8192xf32, #tpu.memory_space<vmem>>
      %dma_wait3A_88 = arith.constant 0 : i32
      %dma_wait3A_89 = tpu.memref_slice %arg11[%dma_wait3A_82, %dma_wait3A_88] : memref<1x8192xi32, #tpu.memory_space<vmem>> -> memref<1x8192xi32, #tpu.memory_space<vmem>>
      %dma_wait3A_90 = tpu.memref_squeeze %dma_wait3A_89 : memref<1x8192xi32, #tpu.memory_space<vmem>> -> memref<8192xi32, #tpu.memory_space<vmem>>
      %dma_wait3A_91 = arith.constant 0 : i32
      %dma_wait3A_92 = tpu.memref_slice %arg7[%dma_wait3A_91] : memref<100352xf32, #tpu.memory_space<vmem_shared>> -> memref<100352xf32, #tpu.memory_space<vmem_shared>>
      %dma_wait3A_93 = tpu.memref_slice %arg25[%dma_wait3A_84] : memref<3x!tpu.dma_semaphore, #tpu.memory_space<semaphore_mem>> -> memref<1x!tpu.dma_semaphore, #tpu.memory_space<semaphore_mem>>
      %dma_wait3A_94 = tpu.memref_squeeze %dma_wait3A_93 : memref<1x!tpu.dma_semaphore, #tpu.memory_space<semaphore_mem>> -> memref<!tpu.dma_semaphore, #tpu.memory_space<semaphore_mem>>
      tpu.wait_indirect_dma semaphore(%dma_wait3A_94 : memref<!tpu.dma_semaphore, #tpu.memory_space<semaphore_mem>>) src(%dma_wait3A_92 : memref<100352xf32, #tpu.memory_space<vmem_shared>>) dst(%dma_wait3A_87 : memref<8192xf32, #tpu.memory_space<vmem>>)
      %dma_start3A_95 = arith.constant 0 : i32
      %dma_start3A_96 = arith.constant 0 : i32
      %dma_start3A_97 = arith.constant 0 : i32
      %dma_start3A_98 = arith.constant 0 : i32
      %dma_start3A_99 = tpu.memref_slice %arg17[%dma_start3A_95, %dma_start3A_98] : memref<1x8192xf32, #tpu.memory_space<vmem>> -> memref<1x8192xf32, #tpu.memory_space<vmem>>
      %dma_start3A_100 = tpu.memref_squeeze %dma_start3A_99 : memref<1x8192xf32, #tpu.memory_space<vmem>> -> memref<8192xf32, #tpu.memory_space<vmem>>
      %dma_start3A_101 = arith.constant 0 : i32
      %dma_start3A_102 = tpu.memref_slice %arg14[%dma_start3A_96, %dma_start3A_101] : memref<1x8192xi32, #tpu.memory_space<vmem>> -> memref<1x8192xi32, #tpu.memory_space<vmem>>
      %dma_start3A_103 = tpu.memref_squeeze %dma_start3A_102 : memref<1x8192xi32, #tpu.memory_space<vmem>> -> memref<8192xi32, #tpu.memory_space<vmem>>
      %dma_start3A_104 = arith.constant 0 : i32
      %dma_start3A_105 = tpu.memref_slice %arg8[%dma_start3A_104] : memref<100352xf32, #tpu.memory_space<vmem_shared>> -> memref<100352xf32, #tpu.memory_space<vmem_shared>>
      %dma_start3A_106 = tpu.memref_slice %arg26[%dma_start3A_97] : memref<3x!tpu.dma_semaphore, #tpu.memory_space<semaphore_mem>> -> memref<1x!tpu.dma_semaphore, #tpu.memory_space<semaphore_mem>>
      %dma_start3A_107 = tpu.memref_squeeze %dma_start3A_106 : memref<1x!tpu.dma_semaphore, #tpu.memory_space<semaphore_mem>> -> memref<!tpu.dma_semaphore, #tpu.memory_space<semaphore_mem>>
      tpu.enqueue_indirect_dma source(%dma_start3A_100 : memref<8192xf32, #tpu.memory_space<vmem>>) target(%dma_start3A_105 : memref<100352xf32, #tpu.memory_space<vmem_shared>>) offsets(%dma_start3A_103 : memref<8192xi32, #tpu.memory_space<vmem>>) semaphore(%dma_start3A_107 : memref<!tpu.dma_semaphore, #tpu.memory_space<semaphore_mem>>) {add = true}
      %dma_wait3A_108 = arith.constant 1 : i32
      %dma_wait3A_109 = arith.constant 0 : i32
      %dma_wait3A_110 = tpu.memref_slice %arg3[%add3A_67, %dma_wait3A_109] : memref<400x8192xi32, #tpu.memory_space<hbm>> -> memref<1x8192xi32, #tpu.memory_space<hbm>>
      %dma_wait3A_111 = tpu.memref_slice %arg24[%dma_wait3A_108] : memref<3x!tpu.dma_semaphore, #tpu.memory_space<semaphore_mem>> -> memref<1x!tpu.dma_semaphore, #tpu.memory_space<semaphore_mem>>
      %dma_wait3A_112 = tpu.memref_squeeze %dma_wait3A_111 : memref<1x!tpu.dma_semaphore, #tpu.memory_space<semaphore_mem>> -> memref<!tpu.dma_semaphore, #tpu.memory_space<semaphore_mem>>
      %dma_wait3A_113 = arith.constant 0 : i32
      %dma_wait3A_114 = tpu.memref_slice %arg3[%add3A_67, %dma_wait3A_113] : memref<400x8192xi32, #tpu.memory_space<hbm>> -> memref<1x8192xi32, #tpu.memory_space<hbm>>
      tpu.wait_dma2 semaphore(%dma_wait3A_112 : memref<!tpu.dma_semaphore, #tpu.memory_space<semaphore_mem>>) src(%dma_wait3A_114 : memref<1x8192xi32, #tpu.memory_space<hbm>>) dst(%arg12 : memref<1x8192xi32, #tpu.memory_space<vmem>>)
      %dma_wait3A_115 = arith.constant 1 : i32
      %dma_wait3A_116 = arith.constant 0 : i32
      %dma_wait3A_117 = tpu.memref_slice %arg4[%add3A_67, %dma_wait3A_116] : memref<400x8192xi32, #tpu.memory_space<hbm>> -> memref<1x8192xi32, #tpu.memory_space<hbm>>
      %dma_wait3A_118 = tpu.memref_slice %arg24[%dma_wait3A_115] : memref<3x!tpu.dma_semaphore, #tpu.memory_space<semaphore_mem>> -> memref<1x!tpu.dma_semaphore, #tpu.memory_space<semaphore_mem>>
      %dma_wait3A_119 = tpu.memref_squeeze %dma_wait3A_118 : memref<1x!tpu.dma_semaphore, #tpu.memory_space<semaphore_mem>> -> memref<!tpu.dma_semaphore, #tpu.memory_space<semaphore_mem>>
      %dma_wait3A_120 = arith.constant 0 : i32
      %dma_wait3A_121 = tpu.memref_slice %arg4[%add3A_67, %dma_wait3A_120] : memref<400x8192xi32, #tpu.memory_space<hbm>> -> memref<1x8192xi32, #tpu.memory_space<hbm>>
      tpu.wait_dma2 semaphore(%dma_wait3A_119 : memref<!tpu.dma_semaphore, #tpu.memory_space<semaphore_mem>>) src(%dma_wait3A_121 : memref<1x8192xi32, #tpu.memory_space<hbm>>) dst(%arg15 : memref<1x8192xi32, #tpu.memory_space<vmem>>)
      %dma_start3A_122 = arith.constant 0 : i32
      %dma_start3A_123 = arith.constant 0 : i32
      %dma_start3A_124 = arith.constant 1 : i32
      %dma_start3A_125 = arith.constant 0 : i32
      %dma_start3A_126 = tpu.memref_slice %arg18[%dma_start3A_123, %dma_start3A_125] : memref<1x8192xf32, #tpu.memory_space<vmem>> -> memref<1x8192xf32, #tpu.memory_space<vmem>>
      %dma_start3A_127 = tpu.memref_squeeze %dma_start3A_126 : memref<1x8192xf32, #tpu.memory_space<vmem>> -> memref<8192xf32, #tpu.memory_space<vmem>>
      %dma_start3A_128 = arith.constant 0 : i32
      %dma_start3A_129 = tpu.memref_slice %arg12[%dma_start3A_122, %dma_start3A_128] : memref<1x8192xi32, #tpu.memory_space<vmem>> -> memref<1x8192xi32, #tpu.memory_space<vmem>>
      %dma_start3A_130 = tpu.memref_squeeze %dma_start3A_129 : memref<1x8192xi32, #tpu.memory_space<vmem>> -> memref<8192xi32, #tpu.memory_space<vmem>>
      %dma_start3A_131 = arith.constant 0 : i32
      %dma_start3A_132 = tpu.memref_slice %arg7[%dma_start3A_131] : memref<100352xf32, #tpu.memory_space<vmem_shared>> -> memref<100352xf32, #tpu.memory_space<vmem_shared>>
      %dma_start3A_133 = tpu.memref_slice %arg25[%dma_start3A_124] : memref<3x!tpu.dma_semaphore, #tpu.memory_space<semaphore_mem>> -> memref<1x!tpu.dma_semaphore, #tpu.memory_space<semaphore_mem>>
      %dma_start3A_134 = tpu.memref_squeeze %dma_start3A_133 : memref<1x!tpu.dma_semaphore, #tpu.memory_space<semaphore_mem>> -> memref<!tpu.dma_semaphore, #tpu.memory_space<semaphore_mem>>
      tpu.enqueue_indirect_dma source(%dma_start3A_132 : memref<100352xf32, #tpu.memory_space<vmem_shared>>) target(%dma_start3A_127 : memref<8192xf32, #tpu.memory_space<vmem>>) offsets(%dma_start3A_130 : memref<8192xi32, #tpu.memory_space<vmem>>) semaphore(%dma_start3A_134 : memref<!tpu.dma_semaphore, #tpu.memory_space<semaphore_mem>>)
      %add3A_135 = arith.constant 2 : i32
      %add3A_136 = arith.addi %mul3A_2, %add3A_135 : i32
      %dma_start3A_137 = arith.constant 2 : i32
      %dma_start3A_138 = arith.constant 0 : i32
      %dma_start3A_139 = tpu.memref_slice %arg3[%add3A_136, %dma_start3A_138] : memref<400x8192xi32, #tpu.memory_space<hbm>> -> memref<1x8192xi32, #tpu.memory_space<hbm>>
      %dma_start3A_140 = tpu.memref_slice %arg24[%dma_start3A_137] : memref<3x!tpu.dma_semaphore, #tpu.memory_space<semaphore_mem>> -> memref<1x!tpu.dma_semaphore, #tpu.memory_space<semaphore_mem>>
      %dma_start3A_141 = tpu.memref_squeeze %dma_start3A_140 : memref<1x!tpu.dma_semaphore, #tpu.memory_space<semaphore_mem>> -> memref<!tpu.dma_semaphore, #tpu.memory_space<semaphore_mem>>
      %dma_start3A_142 = arith.constant 0 : i32
      %dma_start3A_143 = tpu.memref_slice %arg3[%add3A_136, %dma_start3A_142] : memref<400x8192xi32, #tpu.memory_space<hbm>> -> memref<1x8192xi32, #tpu.memory_space<hbm>>
      tpu.enqueue_dma source(%dma_start3A_143 : memref<1x8192xi32, #tpu.memory_space<hbm>>) target(%arg13 : memref<1x8192xi32, #tpu.memory_space<vmem>>) target_semaphore(%dma_start3A_141 : memref<!tpu.dma_semaphore, #tpu.memory_space<semaphore_mem>>)
      %dma_start3A_144 = arith.constant 2 : i32
      %dma_start3A_145 = arith.constant 0 : i32
      %dma_start3A_146 = tpu.memref_slice %arg4[%add3A_136, %dma_start3A_145] : memref<400x8192xi32, #tpu.memory_space<hbm>> -> memref<1x8192xi32, #tpu.memory_space<hbm>>
      %dma_start3A_147 = tpu.memref_slice %arg24[%dma_start3A_144] : memref<3x!tpu.dma_semaphore, #tpu.memory_space<semaphore_mem>> -> memref<1x!tpu.dma_semaphore, #tpu.memory_space<semaphore_mem>>
      %dma_start3A_148 = tpu.memref_squeeze %dma_start3A_147 : memref<1x!tpu.dma_semaphore, #tpu.memory_space<semaphore_mem>> -> memref<!tpu.dma_semaphore, #tpu.memory_space<semaphore_mem>>
      %dma_start3A_149 = arith.constant 0 : i32
      %dma_start3A_150 = tpu.memref_slice %arg4[%add3A_136, %dma_start3A_149] : memref<400x8192xi32, #tpu.memory_space<hbm>> -> memref<1x8192xi32, #tpu.memory_space<hbm>>
      tpu.enqueue_dma source(%dma_start3A_150 : memref<1x8192xi32, #tpu.memory_space<hbm>>) target(%arg16 : memref<1x8192xi32, #tpu.memory_space<vmem>>) target_semaphore(%dma_start3A_148 : memref<!tpu.dma_semaphore, #tpu.memory_space<semaphore_mem>>)
      %dma_wait3A_151 = arith.constant 0 : i32
      %dma_wait3A_152 = arith.constant 0 : i32
      %dma_wait3A_153 = arith.constant 1 : i32
      %dma_wait3A_154 = arith.constant 0 : i32
      %dma_wait3A_155 = tpu.memref_slice %arg18[%dma_wait3A_152, %dma_wait3A_154] : memref<1x8192xf32, #tpu.memory_space<vmem>> -> memref<1x8192xf32, #tpu.memory_space<vmem>>
      %dma_wait3A_156 = tpu.memref_squeeze %dma_wait3A_155 : memref<1x8192xf32, #tpu.memory_space<vmem>> -> memref<8192xf32, #tpu.memory_space<vmem>>
      %dma_wait3A_157 = arith.constant 0 : i32
      %dma_wait3A_158 = tpu.memref_slice %arg12[%dma_wait3A_151, %dma_wait3A_157] : memref<1x8192xi32, #tpu.memory_space<vmem>> -> memref<1x8192xi32, #tpu.memory_space<vmem>>
      %dma_wait3A_159 = tpu.memref_squeeze %dma_wait3A_158 : memref<1x8192xi32, #tpu.memory_space<vmem>> -> memref<8192xi32, #tpu.memory_space<vmem>>
      %dma_wait3A_160 = arith.constant 0 : i32
      %dma_wait3A_161 = tpu.memref_slice %arg7[%dma_wait3A_160] : memref<100352xf32, #tpu.memory_space<vmem_shared>> -> memref<100352xf32, #tpu.memory_space<vmem_shared>>
      %dma_wait3A_162 = tpu.memref_slice %arg25[%dma_wait3A_153] : memref<3x!tpu.dma_semaphore, #tpu.memory_space<semaphore_mem>> -> memref<1x!tpu.dma_semaphore, #tpu.memory_space<semaphore_mem>>
      %dma_wait3A_163 = tpu.memref_squeeze %dma_wait3A_162 : memref<1x!tpu.dma_semaphore, #tpu.memory_space<semaphore_mem>> -> memref<!tpu.dma_semaphore, #tpu.memory_space<semaphore_mem>>
      tpu.wait_indirect_dma semaphore(%dma_wait3A_163 : memref<!tpu.dma_semaphore, #tpu.memory_space<semaphore_mem>>) src(%dma_wait3A_161 : memref<100352xf32, #tpu.memory_space<vmem_shared>>) dst(%dma_wait3A_156 : memref<8192xf32, #tpu.memory_space<vmem>>)
      %dma_start3A_164 = arith.constant 0 : i32
      %dma_start3A_165 = arith.constant 0 : i32
      %dma_start3A_166 = arith.constant 1 : i32
      %dma_start3A_167 = arith.constant 0 : i32
      %dma_start3A_168 = tpu.memref_slice %arg18[%dma_start3A_164, %dma_start3A_167] : memref<1x8192xf32, #tpu.memory_space<vmem>> -> memref<1x8192xf32, #tpu.memory_space<vmem>>
      %dma_start3A_169 = tpu.memref_squeeze %dma_start3A_168 : memref<1x8192xf32, #tpu.memory_space<vmem>> -> memref<8192xf32, #tpu.memory_space<vmem>>
      %dma_start3A_170 = arith.constant 0 : i32
      %dma_start3A_171 = tpu.memref_slice %arg15[%dma_start3A_165, %dma_start3A_170] : memref<1x8192xi32, #tpu.memory_space<vmem>> -> memref<1x8192xi32, #tpu.memory_space<vmem>>
      %dma_start3A_172 = tpu.memref_squeeze %dma_start3A_171 : memref<1x8192xi32, #tpu.memory_space<vmem>> -> memref<8192xi32, #tpu.memory_space<vmem>>
      %dma_start3A_173 = arith.constant 0 : i32
      %dma_start3A_174 = tpu.memref_slice %arg8[%dma_start3A_173] : memref<100352xf32, #tpu.memory_space<vmem_shared>> -> memref<100352xf32, #tpu.memory_space<vmem_shared>>
      %dma_start3A_175 = tpu.memref_slice %arg26[%dma_start3A_166] : memref<3x!tpu.dma_semaphore, #tpu.memory_space<semaphore_mem>> -> memref<1x!tpu.dma_semaphore, #tpu.memory_space<semaphore_mem>>
      %dma_start3A_176 = tpu.memref_squeeze %dma_start3A_175 : memref<1x!tpu.dma_semaphore, #tpu.memory_space<semaphore_mem>> -> memref<!tpu.dma_semaphore, #tpu.memory_space<semaphore_mem>>
      tpu.enqueue_indirect_dma source(%dma_start3A_169 : memref<8192xf32, #tpu.memory_space<vmem>>) target(%dma_start3A_174 : memref<100352xf32, #tpu.memory_space<vmem_shared>>) offsets(%dma_start3A_172 : memref<8192xi32, #tpu.memory_space<vmem>>) semaphore(%dma_start3A_176 : memref<!tpu.dma_semaphore, #tpu.memory_space<semaphore_mem>>) {add = true}
      %dma_wait3A_177 = arith.constant 2 : i32
      %dma_wait3A_178 = arith.constant 0 : i32
      %dma_wait3A_179 = tpu.memref_slice %arg3[%add3A_136, %dma_wait3A_178] : memref<400x8192xi32, #tpu.memory_space<hbm>> -> memref<1x8192xi32, #tpu.memory_space<hbm>>
      %dma_wait3A_180 = tpu.memref_slice %arg24[%dma_wait3A_177] : memref<3x!tpu.dma_semaphore, #tpu.memory_space<semaphore_mem>> -> memref<1x!tpu.dma_semaphore, #tpu.memory_space<semaphore_mem>>
      %dma_wait3A_181 = tpu.memref_squeeze %dma_wait3A_180 : memref<1x!tpu.dma_semaphore, #tpu.memory_space<semaphore_mem>> -> memref<!tpu.dma_semaphore, #tpu.memory_space<semaphore_mem>>
      %dma_wait3A_182 = arith.constant 0 : i32
      %dma_wait3A_183 = tpu.memref_slice %arg3[%add3A_136, %dma_wait3A_182] : memref<400x8192xi32, #tpu.memory_space<hbm>> -> memref<1x8192xi32, #tpu.memory_space<hbm>>
      tpu.wait_dma2 semaphore(%dma_wait3A_181 : memref<!tpu.dma_semaphore, #tpu.memory_space<semaphore_mem>>) src(%dma_wait3A_183 : memref<1x8192xi32, #tpu.memory_space<hbm>>) dst(%arg13 : memref<1x8192xi32, #tpu.memory_space<vmem>>)
      %dma_wait3A_184 = arith.constant 2 : i32
      %dma_wait3A_185 = arith.constant 0 : i32
      %dma_wait3A_186 = tpu.memref_slice %arg4[%add3A_136, %dma_wait3A_185] : memref<400x8192xi32, #tpu.memory_space<hbm>> -> memref<1x8192xi32, #tpu.memory_space<hbm>>
      %dma_wait3A_187 = tpu.memref_slice %arg24[%dma_wait3A_184] : memref<3x!tpu.dma_semaphore, #tpu.memory_space<semaphore_mem>> -> memref<1x!tpu.dma_semaphore, #tpu.memory_space<semaphore_mem>>
      %dma_wait3A_188 = tpu.memref_squeeze %dma_wait3A_187 : memref<1x!tpu.dma_semaphore, #tpu.memory_space<semaphore_mem>> -> memref<!tpu.dma_semaphore, #tpu.memory_space<semaphore_mem>>
      %dma_wait3A_189 = arith.constant 0 : i32
      %dma_wait3A_190 = tpu.memref_slice %arg4[%add3A_136, %dma_wait3A_189] : memref<400x8192xi32, #tpu.memory_space<hbm>> -> memref<1x8192xi32, #tpu.memory_space<hbm>>
      tpu.wait_dma2 semaphore(%dma_wait3A_188 : memref<!tpu.dma_semaphore, #tpu.memory_space<semaphore_mem>>) src(%dma_wait3A_190 : memref<1x8192xi32, #tpu.memory_space<hbm>>) dst(%arg16 : memref<1x8192xi32, #tpu.memory_space<vmem>>)
      %dma_start3A_191 = arith.constant 0 : i32
      %dma_start3A_192 = arith.constant 0 : i32
      %dma_start3A_193 = arith.constant 2 : i32
      %dma_start3A_194 = arith.constant 0 : i32
      %dma_start3A_195 = tpu.memref_slice %arg19[%dma_start3A_192, %dma_start3A_194] : memref<1x8192xf32, #tpu.memory_space<vmem>> -> memref<1x8192xf32, #tpu.memory_space<vmem>>
      %dma_start3A_196 = tpu.memref_squeeze %dma_start3A_195 : memref<1x8192xf32, #tpu.memory_space<vmem>> -> memref<8192xf32, #tpu.memory_space<vmem>>
      %dma_start3A_197 = arith.constant 0 : i32
      %dma_start3A_198 = tpu.memref_slice %arg13[%dma_start3A_191, %dma_start3A_197] : memref<1x8192xi32, #tpu.memory_space<vmem>> -> memref<1x8192xi32, #tpu.memory_space<vmem>>
      %dma_start3A_199 = tpu.memref_squeeze %dma_start3A_198 : memref<1x8192xi32, #tpu.memory_space<vmem>> -> memref<8192xi32, #tpu.memory_space<vmem>>
      %dma_start3A_200 = arith.constant 0 : i32
      %dma_start3A_201 = tpu.memref_slice %arg7[%dma_start3A_200] : memref<100352xf32, #tpu.memory_space<vmem_shared>> -> memref<100352xf32, #tpu.memory_space<vmem_shared>>
      %dma_start3A_202 = tpu.memref_slice %arg25[%dma_start3A_193] : memref<3x!tpu.dma_semaphore, #tpu.memory_space<semaphore_mem>> -> memref<1x!tpu.dma_semaphore, #tpu.memory_space<semaphore_mem>>
      %dma_start3A_203 = tpu.memref_squeeze %dma_start3A_202 : memref<1x!tpu.dma_semaphore, #tpu.memory_space<semaphore_mem>> -> memref<!tpu.dma_semaphore, #tpu.memory_space<semaphore_mem>>
      tpu.enqueue_indirect_dma source(%dma_start3A_201 : memref<100352xf32, #tpu.memory_space<vmem_shared>>) target(%dma_start3A_196 : memref<8192xf32, #tpu.memory_space<vmem>>) offsets(%dma_start3A_199 : memref<8192xi32, #tpu.memory_space<vmem>>) semaphore(%dma_start3A_203 : memref<!tpu.dma_semaphore, #tpu.memory_space<semaphore_mem>>)
      %dma_wait3A_204 = arith.constant 0 : i32
      %dma_wait3A_205 = arith.constant 0 : i32
      %dma_wait3A_206 = arith.constant 0 : i32
      %dma_wait3A_207 = arith.constant 0 : i32
      %dma_wait3A_208 = tpu.memref_slice %arg17[%dma_wait3A_204, %dma_wait3A_207] : memref<1x8192xf32, #tpu.memory_space<vmem>> -> memref<1x8192xf32, #tpu.memory_space<vmem>>
      %dma_wait3A_209 = tpu.memref_squeeze %dma_wait3A_208 : memref<1x8192xf32, #tpu.memory_space<vmem>> -> memref<8192xf32, #tpu.memory_space<vmem>>
      %dma_wait3A_210 = arith.constant 0 : i32
      %dma_wait3A_211 = tpu.memref_slice %arg14[%dma_wait3A_205, %dma_wait3A_210] : memref<1x8192xi32, #tpu.memory_space<vmem>> -> memref<1x8192xi32, #tpu.memory_space<vmem>>
      %dma_wait3A_212 = tpu.memref_squeeze %dma_wait3A_211 : memref<1x8192xi32, #tpu.memory_space<vmem>> -> memref<8192xi32, #tpu.memory_space<vmem>>
      %dma_wait3A_213 = arith.constant 0 : i32
      %dma_wait3A_214 = tpu.memref_slice %arg8[%dma_wait3A_213] : memref<100352xf32, #tpu.memory_space<vmem_shared>> -> memref<100352xf32, #tpu.memory_space<vmem_shared>>
      %dma_wait3A_215 = tpu.memref_slice %arg26[%dma_wait3A_206] : memref<3x!tpu.dma_semaphore, #tpu.memory_space<semaphore_mem>> -> memref<1x!tpu.dma_semaphore, #tpu.memory_space<semaphore_mem>>
      %dma_wait3A_216 = tpu.memref_squeeze %dma_wait3A_215 : memref<1x!tpu.dma_semaphore, #tpu.memory_space<semaphore_mem>> -> memref<!tpu.dma_semaphore, #tpu.memory_space<semaphore_mem>>
      tpu.wait_indirect_dma semaphore(%dma_wait3A_216 : memref<!tpu.dma_semaphore, #tpu.memory_space<semaphore_mem>>) src(%dma_wait3A_209 : memref<8192xf32, #tpu.memory_space<vmem>>) dst(%dma_wait3A_214 : memref<100352xf32, #tpu.memory_space<vmem_shared>>)
      %add3A_217 = arith.constant 3 : i32
      %add3A_218 = arith.addi %mul3A_2, %add3A_217 : i32
      %dma_start3A_219 = arith.constant 0 : i32
      %dma_start3A_220 = arith.constant 0 : i32
      %dma_start3A_221 = tpu.memref_slice %arg3[%add3A_218, %dma_start3A_220] : memref<400x8192xi32, #tpu.memory_space<hbm>> -> memref<1x8192xi32, #tpu.memory_space<hbm>>
      %dma_start3A_222 = tpu.memref_slice %arg24[%dma_start3A_219] : memref<3x!tpu.dma_semaphore, #tpu.memory_space<semaphore_mem>> -> memref<1x!tpu.dma_semaphore, #tpu.memory_space<semaphore_mem>>
      %dma_start3A_223 = tpu.memref_squeeze %dma_start3A_222 : memref<1x!tpu.dma_semaphore, #tpu.memory_space<semaphore_mem>> -> memref<!tpu.dma_semaphore, #tpu.memory_space<semaphore_mem>>
      %dma_start3A_224 = arith.constant 0 : i32
      %dma_start3A_225 = tpu.memref_slice %arg3[%add3A_218, %dma_start3A_224] : memref<400x8192xi32, #tpu.memory_space<hbm>> -> memref<1x8192xi32, #tpu.memory_space<hbm>>
      tpu.enqueue_dma source(%dma_start3A_225 : memref<1x8192xi32, #tpu.memory_space<hbm>>) target(%arg11 : memref<1x8192xi32, #tpu.memory_space<vmem>>) target_semaphore(%dma_start3A_223 : memref<!tpu.dma_semaphore, #tpu.memory_space<semaphore_mem>>)
      %dma_start3A_226 = arith.constant 0 : i32
      %dma_start3A_227 = arith.constant 0 : i32
      %dma_start3A_228 = tpu.memref_slice %arg4[%add3A_218, %dma_start3A_227] : memref<400x8192xi32, #tpu.memory_space<hbm>> -> memref<1x8192xi32, #tpu.memory_space<hbm>>
      %dma_start3A_229 = tpu.memref_slice %arg24[%dma_start3A_226] : memref<3x!tpu.dma_semaphore, #tpu.memory_space<semaphore_mem>> -> memref<1x!tpu.dma_semaphore, #tpu.memory_space<semaphore_mem>>
      %dma_start3A_230 = tpu.memref_squeeze %dma_start3A_229 : memref<1x!tpu.dma_semaphore, #tpu.memory_space<semaphore_mem>> -> memref<!tpu.dma_semaphore, #tpu.memory_space<semaphore_mem>>
      %dma_start3A_231 = arith.constant 0 : i32
      %dma_start3A_232 = tpu.memref_slice %arg4[%add3A_218, %dma_start3A_231] : memref<400x8192xi32, #tpu.memory_space<hbm>> -> memref<1x8192xi32, #tpu.memory_space<hbm>>
      tpu.enqueue_dma source(%dma_start3A_232 : memref<1x8192xi32, #tpu.memory_space<hbm>>) target(%arg14 : memref<1x8192xi32, #tpu.memory_space<vmem>>) target_semaphore(%dma_start3A_230 : memref<!tpu.dma_semaphore, #tpu.memory_space<semaphore_mem>>)
      %dma_wait3A_233 = arith.constant 0 : i32
      %dma_wait3A_234 = arith.constant 0 : i32
      %dma_wait3A_235 = arith.constant 2 : i32
      %dma_wait3A_236 = arith.constant 0 : i32
      %dma_wait3A_237 = tpu.memref_slice %arg19[%dma_wait3A_234, %dma_wait3A_236] : memref<1x8192xf32, #tpu.memory_space<vmem>> -> memref<1x8192xf32, #tpu.memory_space<vmem>>
      %dma_wait3A_238 = tpu.memref_squeeze %dma_wait3A_237 : memref<1x8192xf32, #tpu.memory_space<vmem>> -> memref<8192xf32, #tpu.memory_space<vmem>>
      %dma_wait3A_239 = arith.constant 0 : i32
      %dma_wait3A_240 = tpu.memref_slice %arg13[%dma_wait3A_233, %dma_wait3A_239] : memref<1x8192xi32, #tpu.memory_space<vmem>> -> memref<1x8192xi32, #tpu.memory_space<vmem>>
      %dma_wait3A_241 = tpu.memref_squeeze %dma_wait3A_240 : memref<1x8192xi32, #tpu.memory_space<vmem>> -> memref<8192xi32, #tpu.memory_space<vmem>>
      %dma_wait3A_242 = arith.constant 0 : i32
      %dma_wait3A_243 = tpu.memref_slice %arg7[%dma_wait3A_242] : memref<100352xf32, #tpu.memory_space<vmem_shared>> -> memref<100352xf32, #tpu.memory_space<vmem_shared>>
      %dma_wait3A_244 = tpu.memref_slice %arg25[%dma_wait3A_235] : memref<3x!tpu.dma_semaphore, #tpu.memory_space<semaphore_mem>> -> memref<1x!tpu.dma_semaphore, #tpu.memory_space<semaphore_mem>>
      %dma_wait3A_245 = tpu.memref_squeeze %dma_wait3A_244 : memref<1x!tpu.dma_semaphore, #tpu.memory_space<semaphore_mem>> -> memref<!tpu.dma_semaphore, #tpu.memory_space<semaphore_mem>>
      tpu.wait_indirect_dma semaphore(%dma_wait3A_245 : memref<!tpu.dma_semaphore, #tpu.memory_space<semaphore_mem>>) src(%dma_wait3A_243 : memref<100352xf32, #tpu.memory_space<vmem_shared>>) dst(%dma_wait3A_238 : memref<8192xf32, #tpu.memory_space<vmem>>)
      %dma_start3A_246 = arith.constant 0 : i32
      %dma_start3A_247 = arith.constant 0 : i32
      %dma_start3A_248 = arith.constant 2 : i32
      %dma_start3A_249 = arith.constant 0 : i32
      %dma_start3A_250 = tpu.memref_slice %arg19[%dma_start3A_246, %dma_start3A_249] : memref<1x8192xf32, #tpu.memory_space<vmem>> -> memref<1x8192xf32, #tpu.memory_space<vmem>>
      %dma_start3A_251 = tpu.memref_squeeze %dma_start3A_250 : memref<1x8192xf32, #tpu.memory_space<vmem>> -> memref<8192xf32, #tpu.memory_space<vmem>>
      %dma_start3A_252 = arith.constant 0 : i32
      %dma_start3A_253 = tpu.memref_slice %arg16[%dma_start3A_247, %dma_start3A_252] : memref<1x8192xi32, #tpu.memory_space<vmem>> -> memref<1x8192xi32, #tpu.memory_space<vmem>>
      %dma_start3A_254 = tpu.memref_squeeze %dma_start3A_253 : memref<1x8192xi32, #tpu.memory_space<vmem>> -> memref<8192xi32, #tpu.memory_space<vmem>>
      %dma_start3A_255 = arith.constant 0 : i32
      %dma_start3A_256 = tpu.memref_slice %arg8[%dma_start3A_255] : memref<100352xf32, #tpu.memory_space<vmem_shared>> -> memref<100352xf32, #tpu.memory_space<vmem_shared>>
      %dma_start3A_257 = tpu.memref_slice %arg26[%dma_start3A_248] : memref<3x!tpu.dma_semaphore, #tpu.memory_space<semaphore_mem>> -> memref<1x!tpu.dma_semaphore, #tpu.memory_space<semaphore_mem>>
      %dma_start3A_258 = tpu.memref_squeeze %dma_start3A_257 : memref<1x!tpu.dma_semaphore, #tpu.memory_space<semaphore_mem>> -> memref<!tpu.dma_semaphore, #tpu.memory_space<semaphore_mem>>
      tpu.enqueue_indirect_dma source(%dma_start3A_251 : memref<8192xf32, #tpu.memory_space<vmem>>) target(%dma_start3A_256 : memref<100352xf32, #tpu.memory_space<vmem_shared>>) offsets(%dma_start3A_254 : memref<8192xi32, #tpu.memory_space<vmem>>) semaphore(%dma_start3A_258 : memref<!tpu.dma_semaphore, #tpu.memory_space<semaphore_mem>>) {add = true}
      %dma_wait3A_259 = arith.constant 0 : i32
      %dma_wait3A_260 = arith.constant 0 : i32
      %dma_wait3A_261 = tpu.memref_slice %arg3[%add3A_218, %dma_wait3A_260] : memref<400x8192xi32, #tpu.memory_space<hbm>> -> memref<1x8192xi32, #tpu.memory_space<hbm>>
      %dma_wait3A_262 = tpu.memref_slice %arg24[%dma_wait3A_259] : memref<3x!tpu.dma_semaphore, #tpu.memory_space<semaphore_mem>> -> memref<1x!tpu.dma_semaphore, #tpu.memory_space<semaphore_mem>>
      %dma_wait3A_263 = tpu.memref_squeeze %dma_wait3A_262 : memref<1x!tpu.dma_semaphore, #tpu.memory_space<semaphore_mem>> -> memref<!tpu.dma_semaphore, #tpu.memory_space<semaphore_mem>>
      %dma_wait3A_264 = arith.constant 0 : i32
      %dma_wait3A_265 = tpu.memref_slice %arg3[%add3A_218, %dma_wait3A_264] : memref<400x8192xi32, #tpu.memory_space<hbm>> -> memref<1x8192xi32, #tpu.memory_space<hbm>>
      tpu.wait_dma2 semaphore(%dma_wait3A_263 : memref<!tpu.dma_semaphore, #tpu.memory_space<semaphore_mem>>) src(%dma_wait3A_265 : memref<1x8192xi32, #tpu.memory_space<hbm>>) dst(%arg11 : memref<1x8192xi32, #tpu.memory_space<vmem>>)
      %dma_wait3A_266 = arith.constant 0 : i32
      %dma_wait3A_267 = arith.constant 0 : i32
      %dma_wait3A_268 = tpu.memref_slice %arg4[%add3A_218, %dma_wait3A_267] : memref<400x8192xi32, #tpu.memory_space<hbm>> -> memref<1x8192xi32, #tpu.memory_space<hbm>>
      %dma_wait3A_269 = tpu.memref_slice %arg24[%dma_wait3A_266] : memref<3x!tpu.dma_semaphore, #tpu.memory_space<semaphore_mem>> -> memref<1x!tpu.dma_semaphore, #tpu.memory_space<semaphore_mem>>
      %dma_wait3A_270 = tpu.memref_squeeze %dma_wait3A_269 : memref<1x!tpu.dma_semaphore, #tpu.memory_space<semaphore_mem>> -> memref<!tpu.dma_semaphore, #tpu.memory_space<semaphore_mem>>
      %dma_wait3A_271 = arith.constant 0 : i32
      %dma_wait3A_272 = tpu.memref_slice %arg4[%add3A_218, %dma_wait3A_271] : memref<400x8192xi32, #tpu.memory_space<hbm>> -> memref<1x8192xi32, #tpu.memory_space<hbm>>
      tpu.wait_dma2 semaphore(%dma_wait3A_270 : memref<!tpu.dma_semaphore, #tpu.memory_space<semaphore_mem>>) src(%dma_wait3A_272 : memref<1x8192xi32, #tpu.memory_space<hbm>>) dst(%arg14 : memref<1x8192xi32, #tpu.memory_space<vmem>>)
      %dma_start3A_273 = arith.constant 0 : i32
      %dma_start3A_274 = arith.constant 0 : i32
      %dma_start3A_275 = arith.constant 0 : i32
      %dma_start3A_276 = arith.constant 0 : i32
      %dma_start3A_277 = tpu.memref_slice %arg17[%dma_start3A_274, %dma_start3A_276] : memref<1x8192xf32, #tpu.memory_space<vmem>> -> memref<1x8192xf32, #tpu.memory_space<vmem>>
      %dma_start3A_278 = tpu.memref_squeeze %dma_start3A_277 : memref<1x8192xf32, #tpu.memory_space<vmem>> -> memref<8192xf32, #tpu.memory_space<vmem>>
      %dma_start3A_279 = arith.constant 0 : i32
      %dma_start3A_280 = tpu.memref_slice %arg11[%dma_start3A_273, %dma_start3A_279] : memref<1x8192xi32, #tpu.memory_space<vmem>> -> memref<1x8192xi32, #tpu.memory_space<vmem>>
      %dma_start3A_281 = tpu.memref_squeeze %dma_start3A_280 : memref<1x8192xi32, #tpu.memory_space<vmem>> -> memref<8192xi32, #tpu.memory_space<vmem>>
      %dma_start3A_282 = arith.constant 0 : i32
      %dma_start3A_283 = tpu.memref_slice %arg7[%dma_start3A_282] : memref<100352xf32, #tpu.memory_space<vmem_shared>> -> memref<100352xf32, #tpu.memory_space<vmem_shared>>
      %dma_start3A_284 = tpu.memref_slice %arg25[%dma_start3A_275] : memref<3x!tpu.dma_semaphore, #tpu.memory_space<semaphore_mem>> -> memref<1x!tpu.dma_semaphore, #tpu.memory_space<semaphore_mem>>
      %dma_start3A_285 = tpu.memref_squeeze %dma_start3A_284 : memref<1x!tpu.dma_semaphore, #tpu.memory_space<semaphore_mem>> -> memref<!tpu.dma_semaphore, #tpu.memory_space<semaphore_mem>>
      tpu.enqueue_indirect_dma source(%dma_start3A_283 : memref<100352xf32, #tpu.memory_space<vmem_shared>>) target(%dma_start3A_278 : memref<8192xf32, #tpu.memory_space<vmem>>) offsets(%dma_start3A_281 : memref<8192xi32, #tpu.memory_space<vmem>>) semaphore(%dma_start3A_285 : memref<!tpu.dma_semaphore, #tpu.memory_space<semaphore_mem>>)
      %dma_wait3A_286 = arith.constant 0 : i32
      %dma_wait3A_287 = arith.constant 0 : i32
      %dma_wait3A_288 = arith.constant 1 : i32
      %dma_wait3A_289 = arith.constant 0 : i32
      %dma_wait3A_290 = tpu.memref_slice %arg18[%dma_wait3A_286, %dma_wait3A_289] : memref<1x8192xf32, #tpu.memory_space<vmem>> -> memref<1x8192xf32, #tpu.memory_space<vmem>>
      %dma_wait3A_291 = tpu.memref_squeeze %dma_wait3A_290 : memref<1x8192xf32, #tpu.memory_space<vmem>> -> memref<8192xf32, #tpu.memory_space<vmem>>
      %dma_wait3A_292 = arith.constant 0 : i32
      %dma_wait3A_293 = tpu.memref_slice %arg15[%dma_wait3A_287, %dma_wait3A_292] : memref<1x8192xi32, #tpu.memory_space<vmem>> -> memref<1x8192xi32, #tpu.memory_space<vmem>>
      %dma_wait3A_294 = tpu.memref_squeeze %dma_wait3A_293 : memref<1x8192xi32, #tpu.memory_space<vmem>> -> memref<8192xi32, #tpu.memory_space<vmem>>
      %dma_wait3A_295 = arith.constant 0 : i32
      %dma_wait3A_296 = tpu.memref_slice %arg8[%dma_wait3A_295] : memref<100352xf32, #tpu.memory_space<vmem_shared>> -> memref<100352xf32, #tpu.memory_space<vmem_shared>>
      %dma_wait3A_297 = tpu.memref_slice %arg26[%dma_wait3A_288] : memref<3x!tpu.dma_semaphore, #tpu.memory_space<semaphore_mem>> -> memref<1x!tpu.dma_semaphore, #tpu.memory_space<semaphore_mem>>
      %dma_wait3A_298 = tpu.memref_squeeze %dma_wait3A_297 : memref<1x!tpu.dma_semaphore, #tpu.memory_space<semaphore_mem>> -> memref<!tpu.dma_semaphore, #tpu.memory_space<semaphore_mem>>
      tpu.wait_indirect_dma semaphore(%dma_wait3A_298 : memref<!tpu.dma_semaphore, #tpu.memory_space<semaphore_mem>>) src(%dma_wait3A_291 : memref<8192xf32, #tpu.memory_space<vmem>>) dst(%dma_wait3A_296 : memref<100352xf32, #tpu.memory_space<vmem_shared>>)
      %add3A_299 = arith.constant 4 : i32
      %add3A_300 = arith.addi %mul3A_2, %add3A_299 : i32
      %dma_start3A_301 = arith.constant 1 : i32
      %dma_start3A_302 = arith.constant 0 : i32
      %dma_start3A_303 = tpu.memref_slice %arg3[%add3A_300, %dma_start3A_302] : memref<400x8192xi32, #tpu.memory_space<hbm>> -> memref<1x8192xi32, #tpu.memory_space<hbm>>
      %dma_start3A_304 = tpu.memref_slice %arg24[%dma_start3A_301] : memref<3x!tpu.dma_semaphore, #tpu.memory_space<semaphore_mem>> -> memref<1x!tpu.dma_semaphore, #tpu.memory_space<semaphore_mem>>
      %dma_start3A_305 = tpu.memref_squeeze %dma_start3A_304 : memref<1x!tpu.dma_semaphore, #tpu.memory_space<semaphore_mem>> -> memref<!tpu.dma_semaphore, #tpu.memory_space<semaphore_mem>>
      %dma_start3A_306 = arith.constant 0 : i32
      %dma_start3A_307 = tpu.memref_slice %arg3[%add3A_300, %dma_start3A_306] : memref<400x8192xi32, #tpu.memory_space<hbm>> -> memref<1x8192xi32, #tpu.memory_space<hbm>>
      tpu.enqueue_dma source(%dma_start3A_307 : memref<1x8192xi32, #tpu.memory_space<hbm>>) target(%arg12 : memref<1x8192xi32, #tpu.memory_space<vmem>>) target_semaphore(%dma_start3A_305 : memref<!tpu.dma_semaphore, #tpu.memory_space<semaphore_mem>>)
      %dma_start3A_308 = arith.constant 1 : i32
      %dma_start3A_309 = arith.constant 0 : i32
      %dma_start3A_310 = tpu.memref_slice %arg4[%add3A_300, %dma_start3A_309] : memref<400x8192xi32, #tpu.memory_space<hbm>> -> memref<1x8192xi32, #tpu.memory_space<hbm>>
      %dma_start3A_311 = tpu.memref_slice %arg24[%dma_start3A_308] : memref<3x!tpu.dma_semaphore, #tpu.memory_space<semaphore_mem>> -> memref<1x!tpu.dma_semaphore, #tpu.memory_space<semaphore_mem>>
      %dma_start3A_312 = tpu.memref_squeeze %dma_start3A_311 : memref<1x!tpu.dma_semaphore, #tpu.memory_space<semaphore_mem>> -> memref<!tpu.dma_semaphore, #tpu.memory_space<semaphore_mem>>
      %dma_start3A_313 = arith.constant 0 : i32
      %dma_start3A_314 = tpu.memref_slice %arg4[%add3A_300, %dma_start3A_313] : memref<400x8192xi32, #tpu.memory_space<hbm>> -> memref<1x8192xi32, #tpu.memory_space<hbm>>
      tpu.enqueue_dma source(%dma_start3A_314 : memref<1x8192xi32, #tpu.memory_space<hbm>>) target(%arg15 : memref<1x8192xi32, #tpu.memory_space<vmem>>) target_semaphore(%dma_start3A_312 : memref<!tpu.dma_semaphore, #tpu.memory_space<semaphore_mem>>)
      %dma_wait3A_315 = arith.constant 0 : i32
      %dma_wait3A_316 = arith.constant 0 : i32
      %dma_wait3A_317 = arith.constant 0 : i32
      %dma_wait3A_318 = arith.constant 0 : i32
      %dma_wait3A_319 = tpu.memref_slice %arg17[%dma_wait3A_316, %dma_wait3A_318] : memref<1x8192xf32, #tpu.memory_space<vmem>> -> memref<1x8192xf32, #tpu.memory_space<vmem>>
      %dma_wait3A_320 = tpu.memref_squeeze %dma_wait3A_319 : memref<1x8192xf32, #tpu.memory_space<vmem>> -> memref<8192xf32, #tpu.memory_space<vmem>>
      %dma_wait3A_321 = arith.constant 0 : i32
      %dma_wait3A_322 = tpu.memref_slice %arg11[%dma_wait3A_315, %dma_wait3A_321] : memref<1x8192xi32, #tpu.memory_space<vmem>> -> memref<1x8192xi32, #tpu.memory_space<vmem>>
      %dma_wait3A_323 = tpu.memref_squeeze %dma_wait3A_322 : memref<1x8192xi32, #tpu.memory_space<vmem>> -> memref<8192xi32, #tpu.memory_space<vmem>>
      %dma_wait3A_324 = arith.constant 0 : i32
      %dma_wait3A_325 = tpu.memref_slice %arg7[%dma_wait3A_324] : memref<100352xf32, #tpu.memory_space<vmem_shared>> -> memref<100352xf32, #tpu.memory_space<vmem_shared>>
      %dma_wait3A_326 = tpu.memref_slice %arg25[%dma_wait3A_317] : memref<3x!tpu.dma_semaphore, #tpu.memory_space<semaphore_mem>> -> memref<1x!tpu.dma_semaphore, #tpu.memory_space<semaphore_mem>>
      %dma_wait3A_327 = tpu.memref_squeeze %dma_wait3A_326 : memref<1x!tpu.dma_semaphore, #tpu.memory_space<semaphore_mem>> -> memref<!tpu.dma_semaphore, #tpu.memory_space<semaphore_mem>>
      tpu.wait_indirect_dma semaphore(%dma_wait3A_327 : memref<!tpu.dma_semaphore, #tpu.memory_space<semaphore_mem>>) src(%dma_wait3A_325 : memref<100352xf32, #tpu.memory_space<vmem_shared>>) dst(%dma_wait3A_320 : memref<8192xf32, #tpu.memory_space<vmem>>)
      %dma_start3A_328 = arith.constant 0 : i32
      %dma_start3A_329 = arith.constant 0 : i32
      %dma_start3A_330 = arith.constant 0 : i32
      %dma_start3A_331 = arith.constant 0 : i32
      %dma_start3A_332 = tpu.memref_slice %arg17[%dma_start3A_328, %dma_start3A_331] : memref<1x8192xf32, #tpu.memory_space<vmem>> -> memref<1x8192xf32, #tpu.memory_space<vmem>>
      %dma_start3A_333 = tpu.memref_squeeze %dma_start3A_332 : memref<1x8192xf32, #tpu.memory_space<vmem>> -> memref<8192xf32, #tpu.memory_space<vmem>>
      %dma_start3A_334 = arith.constant 0 : i32
      %dma_start3A_335 = tpu.memref_slice %arg14[%dma_start3A_329, %dma_start3A_334] : memref<1x8192xi32, #tpu.memory_space<vmem>> -> memref<1x8192xi32, #tpu.memory_space<vmem>>
      %dma_start3A_336 = tpu.memref_squeeze %dma_start3A_335 : memref<1x8192xi32, #tpu.memory_space<vmem>> -> memref<8192xi32, #tpu.memory_space<vmem>>
      %dma_start3A_337 = arith.constant 0 : i32
      %dma_start3A_338 = tpu.memref_slice %arg8[%dma_start3A_337] : memref<100352xf32, #tpu.memory_space<vmem_shared>> -> memref<100352xf32, #tpu.memory_space<vmem_shared>>
      %dma_start3A_339 = tpu.memref_slice %arg26[%dma_start3A_330] : memref<3x!tpu.dma_semaphore, #tpu.memory_space<semaphore_mem>> -> memref<1x!tpu.dma_semaphore, #tpu.memory_space<semaphore_mem>>
      %dma_start3A_340 = tpu.memref_squeeze %dma_start3A_339 : memref<1x!tpu.dma_semaphore, #tpu.memory_space<semaphore_mem>> -> memref<!tpu.dma_semaphore, #tpu.memory_space<semaphore_mem>>
      tpu.enqueue_indirect_dma source(%dma_start3A_333 : memref<8192xf32, #tpu.memory_space<vmem>>) target(%dma_start3A_338 : memref<100352xf32, #tpu.memory_space<vmem_shared>>) offsets(%dma_start3A_336 : memref<8192xi32, #tpu.memory_space<vmem>>) semaphore(%dma_start3A_340 : memref<!tpu.dma_semaphore, #tpu.memory_space<semaphore_mem>>) {add = true}
      %dma_wait3A_341 = arith.constant 1 : i32
      %dma_wait3A_342 = arith.constant 0 : i32
      %dma_wait3A_343 = tpu.memref_slice %arg3[%add3A_300, %dma_wait3A_342] : memref<400x8192xi32, #tpu.memory_space<hbm>> -> memref<1x8192xi32, #tpu.memory_space<hbm>>
      %dma_wait3A_344 = tpu.memref_slice %arg24[%dma_wait3A_341] : memref<3x!tpu.dma_semaphore, #tpu.memory_space<semaphore_mem>> -> memref<1x!tpu.dma_semaphore, #tpu.memory_space<semaphore_mem>>
      %dma_wait3A_345 = tpu.memref_squeeze %dma_wait3A_344 : memref<1x!tpu.dma_semaphore, #tpu.memory_space<semaphore_mem>> -> memref<!tpu.dma_semaphore, #tpu.memory_space<semaphore_mem>>
      %dma_wait3A_346 = arith.constant 0 : i32
      %dma_wait3A_347 = tpu.memref_slice %arg3[%add3A_300, %dma_wait3A_346] : memref<400x8192xi32, #tpu.memory_space<hbm>> -> memref<1x8192xi32, #tpu.memory_space<hbm>>
      tpu.wait_dma2 semaphore(%dma_wait3A_345 : memref<!tpu.dma_semaphore, #tpu.memory_space<semaphore_mem>>) src(%dma_wait3A_347 : memref<1x8192xi32, #tpu.memory_space<hbm>>) dst(%arg12 : memref<1x8192xi32, #tpu.memory_space<vmem>>)
      %dma_wait3A_348 = arith.constant 1 : i32
      %dma_wait3A_349 = arith.constant 0 : i32
      %dma_wait3A_350 = tpu.memref_slice %arg4[%add3A_300, %dma_wait3A_349] : memref<400x8192xi32, #tpu.memory_space<hbm>> -> memref<1x8192xi32, #tpu.memory_space<hbm>>
      %dma_wait3A_351 = tpu.memref_slice %arg24[%dma_wait3A_348] : memref<3x!tpu.dma_semaphore, #tpu.memory_space<semaphore_mem>> -> memref<1x!tpu.dma_semaphore, #tpu.memory_space<semaphore_mem>>
      %dma_wait3A_352 = tpu.memref_squeeze %dma_wait3A_351 : memref<1x!tpu.dma_semaphore, #tpu.memory_space<semaphore_mem>> -> memref<!tpu.dma_semaphore, #tpu.memory_space<semaphore_mem>>
      %dma_wait3A_353 = arith.constant 0 : i32
      %dma_wait3A_354 = tpu.memref_slice %arg4[%add3A_300, %dma_wait3A_353] : memref<400x8192xi32, #tpu.memory_space<hbm>> -> memref<1x8192xi32, #tpu.memory_space<hbm>>
      tpu.wait_dma2 semaphore(%dma_wait3A_352 : memref<!tpu.dma_semaphore, #tpu.memory_space<semaphore_mem>>) src(%dma_wait3A_354 : memref<1x8192xi32, #tpu.memory_space<hbm>>) dst(%arg15 : memref<1x8192xi32, #tpu.memory_space<vmem>>)
      %dma_start3A_355 = arith.constant 0 : i32
      %dma_start3A_356 = arith.constant 0 : i32
      %dma_start3A_357 = arith.constant 1 : i32
      %dma_start3A_358 = arith.constant 0 : i32
      %dma_start3A_359 = tpu.memref_slice %arg18[%dma_start3A_356, %dma_start3A_358] : memref<1x8192xf32, #tpu.memory_space<vmem>> -> memref<1x8192xf32, #tpu.memory_space<vmem>>
      %dma_start3A_360 = tpu.memref_squeeze %dma_start3A_359 : memref<1x8192xf32, #tpu.memory_space<vmem>> -> memref<8192xf32, #tpu.memory_space<vmem>>
      %dma_start3A_361 = arith.constant 0 : i32
      %dma_start3A_362 = tpu.memref_slice %arg12[%dma_start3A_355, %dma_start3A_361] : memref<1x8192xi32, #tpu.memory_space<vmem>> -> memref<1x8192xi32, #tpu.memory_space<vmem>>
      %dma_start3A_363 = tpu.memref_squeeze %dma_start3A_362 : memref<1x8192xi32, #tpu.memory_space<vmem>> -> memref<8192xi32, #tpu.memory_space<vmem>>
      %dma_start3A_364 = arith.constant 0 : i32
      %dma_start3A_365 = tpu.memref_slice %arg7[%dma_start3A_364] : memref<100352xf32, #tpu.memory_space<vmem_shared>> -> memref<100352xf32, #tpu.memory_space<vmem_shared>>
      %dma_start3A_366 = tpu.memref_slice %arg25[%dma_start3A_357] : memref<3x!tpu.dma_semaphore, #tpu.memory_space<semaphore_mem>> -> memref<1x!tpu.dma_semaphore, #tpu.memory_space<semaphore_mem>>
      %dma_start3A_367 = tpu.memref_squeeze %dma_start3A_366 : memref<1x!tpu.dma_semaphore, #tpu.memory_space<semaphore_mem>> -> memref<!tpu.dma_semaphore, #tpu.memory_space<semaphore_mem>>
      tpu.enqueue_indirect_dma source(%dma_start3A_365 : memref<100352xf32, #tpu.memory_space<vmem_shared>>) target(%dma_start3A_360 : memref<8192xf32, #tpu.memory_space<vmem>>) offsets(%dma_start3A_363 : memref<8192xi32, #tpu.memory_space<vmem>>) semaphore(%dma_start3A_367 : memref<!tpu.dma_semaphore, #tpu.memory_space<semaphore_mem>>)
      %dma_wait3A_368 = arith.constant 0 : i32
      %dma_wait3A_369 = arith.constant 0 : i32
      %dma_wait3A_370 = arith.constant 2 : i32
      %dma_wait3A_371 = arith.constant 0 : i32
      %dma_wait3A_372 = tpu.memref_slice %arg19[%dma_wait3A_368, %dma_wait3A_371] : memref<1x8192xf32, #tpu.memory_space<vmem>> -> memref<1x8192xf32, #tpu.memory_space<vmem>>
      %dma_wait3A_373 = tpu.memref_squeeze %dma_wait3A_372 : memref<1x8192xf32, #tpu.memory_space<vmem>> -> memref<8192xf32, #tpu.memory_space<vmem>>
      %dma_wait3A_374 = arith.constant 0 : i32
      %dma_wait3A_375 = tpu.memref_slice %arg16[%dma_wait3A_369, %dma_wait3A_374] : memref<1x8192xi32, #tpu.memory_space<vmem>> -> memref<1x8192xi32, #tpu.memory_space<vmem>>
      %dma_wait3A_376 = tpu.memref_squeeze %dma_wait3A_375 : memref<1x8192xi32, #tpu.memory_space<vmem>> -> memref<8192xi32, #tpu.memory_space<vmem>>
      %dma_wait3A_377 = arith.constant 0 : i32
      %dma_wait3A_378 = tpu.memref_slice %arg8[%dma_wait3A_377] : memref<100352xf32, #tpu.memory_space<vmem_shared>> -> memref<100352xf32, #tpu.memory_space<vmem_shared>>
      %dma_wait3A_379 = tpu.memref_slice %arg26[%dma_wait3A_370] : memref<3x!tpu.dma_semaphore, #tpu.memory_space<semaphore_mem>> -> memref<1x!tpu.dma_semaphore, #tpu.memory_space<semaphore_mem>>
      %dma_wait3A_380 = tpu.memref_squeeze %dma_wait3A_379 : memref<1x!tpu.dma_semaphore, #tpu.memory_space<semaphore_mem>> -> memref<!tpu.dma_semaphore, #tpu.memory_space<semaphore_mem>>
      tpu.wait_indirect_dma semaphore(%dma_wait3A_380 : memref<!tpu.dma_semaphore, #tpu.memory_space<semaphore_mem>>) src(%dma_wait3A_373 : memref<8192xf32, #tpu.memory_space<vmem>>) dst(%dma_wait3A_378 : memref<100352xf32, #tpu.memory_space<vmem_shared>>)
      %add3A_381 = arith.constant 5 : i32
      %add3A_382 = arith.addi %mul3A_2, %add3A_381 : i32
      %dma_start3A_383 = arith.constant 2 : i32
      %dma_start3A_384 = arith.constant 0 : i32
      %dma_start3A_385 = tpu.memref_slice %arg3[%add3A_382, %dma_start3A_384] : memref<400x8192xi32, #tpu.memory_space<hbm>> -> memref<1x8192xi32, #tpu.memory_space<hbm>>
      %dma_start3A_386 = tpu.memref_slice %arg24[%dma_start3A_383] : memref<3x!tpu.dma_semaphore, #tpu.memory_space<semaphore_mem>> -> memref<1x!tpu.dma_semaphore, #tpu.memory_space<semaphore_mem>>
      %dma_start3A_387 = tpu.memref_squeeze %dma_start3A_386 : memref<1x!tpu.dma_semaphore, #tpu.memory_space<semaphore_mem>> -> memref<!tpu.dma_semaphore, #tpu.memory_space<semaphore_mem>>
      %dma_start3A_388 = arith.constant 0 : i32
      %dma_start3A_389 = tpu.memref_slice %arg3[%add3A_382, %dma_start3A_388] : memref<400x8192xi32, #tpu.memory_space<hbm>> -> memref<1x8192xi32, #tpu.memory_space<hbm>>
      tpu.enqueue_dma source(%dma_start3A_389 : memref<1x8192xi32, #tpu.memory_space<hbm>>) target(%arg13 : memref<1x8192xi32, #tpu.memory_space<vmem>>) target_semaphore(%dma_start3A_387 : memref<!tpu.dma_semaphore, #tpu.memory_space<semaphore_mem>>)
      %dma_start3A_390 = arith.constant 2 : i32
      %dma_start3A_391 = arith.constant 0 : i32
      %dma_start3A_392 = tpu.memref_slice %arg4[%add3A_382, %dma_start3A_391] : memref<400x8192xi32, #tpu.memory_space<hbm>> -> memref<1x8192xi32, #tpu.memory_space<hbm>>
      %dma_start3A_393 = tpu.memref_slice %arg24[%dma_start3A_390] : memref<3x!tpu.dma_semaphore, #tpu.memory_space<semaphore_mem>> -> memref<1x!tpu.dma_semaphore, #tpu.memory_space<semaphore_mem>>
      %dma_start3A_394 = tpu.memref_squeeze %dma_start3A_393 : memref<1x!tpu.dma_semaphore, #tpu.memory_space<semaphore_mem>> -> memref<!tpu.dma_semaphore, #tpu.memory_space<semaphore_mem>>
      %dma_start3A_395 = arith.constant 0 : i32
      %dma_start3A_396 = tpu.memref_slice %arg4[%add3A_382, %dma_start3A_395] : memref<400x8192xi32, #tpu.memory_space<hbm>> -> memref<1x8192xi32, #tpu.memory_space<hbm>>
      tpu.enqueue_dma source(%dma_start3A_396 : memref<1x8192xi32, #tpu.memory_space<hbm>>) target(%arg16 : memref<1x8192xi32, #tpu.memory_space<vmem>>) target_semaphore(%dma_start3A_394 : memref<!tpu.dma_semaphore, #tpu.memory_space<semaphore_mem>>)
      %dma_wait3A_397 = arith.constant 0 : i32
      %dma_wait3A_398 = arith.constant 0 : i32
      %dma_wait3A_399 = arith.constant 1 : i32
      %dma_wait3A_400 = arith.constant 0 : i32
      %dma_wait3A_401 = tpu.memref_slice %arg18[%dma_wait3A_398, %dma_wait3A_400] : memref<1x8192xf32, #tpu.memory_space<vmem>> -> memref<1x8192xf32, #tpu.memory_space<vmem>>
      %dma_wait3A_402 = tpu.memref_squeeze %dma_wait3A_401 : memref<1x8192xf32, #tpu.memory_space<vmem>> -> memref<8192xf32, #tpu.memory_space<vmem>>
      %dma_wait3A_403 = arith.constant 0 : i32
      %dma_wait3A_404 = tpu.memref_slice %arg12[%dma_wait3A_397, %dma_wait3A_403] : memref<1x8192xi32, #tpu.memory_space<vmem>> -> memref<1x8192xi32, #tpu.memory_space<vmem>>
      %dma_wait3A_405 = tpu.memref_squeeze %dma_wait3A_404 : memref<1x8192xi32, #tpu.memory_space<vmem>> -> memref<8192xi32, #tpu.memory_space<vmem>>
      %dma_wait3A_406 = arith.constant 0 : i32
      %dma_wait3A_407 = tpu.memref_slice %arg7[%dma_wait3A_406] : memref<100352xf32, #tpu.memory_space<vmem_shared>> -> memref<100352xf32, #tpu.memory_space<vmem_shared>>
      %dma_wait3A_408 = tpu.memref_slice %arg25[%dma_wait3A_399] : memref<3x!tpu.dma_semaphore, #tpu.memory_space<semaphore_mem>> -> memref<1x!tpu.dma_semaphore, #tpu.memory_space<semaphore_mem>>
      %dma_wait3A_409 = tpu.memref_squeeze %dma_wait3A_408 : memref<1x!tpu.dma_semaphore, #tpu.memory_space<semaphore_mem>> -> memref<!tpu.dma_semaphore, #tpu.memory_space<semaphore_mem>>
      tpu.wait_indirect_dma semaphore(%dma_wait3A_409 : memref<!tpu.dma_semaphore, #tpu.memory_space<semaphore_mem>>) src(%dma_wait3A_407 : memref<100352xf32, #tpu.memory_space<vmem_shared>>) dst(%dma_wait3A_402 : memref<8192xf32, #tpu.memory_space<vmem>>)
      %dma_start3A_410 = arith.constant 0 : i32
      %dma_start3A_411 = arith.constant 0 : i32
      %dma_start3A_412 = arith.constant 1 : i32
      %dma_start3A_413 = arith.constant 0 : i32
      %dma_start3A_414 = tpu.memref_slice %arg18[%dma_start3A_410, %dma_start3A_413] : memref<1x8192xf32, #tpu.memory_space<vmem>> -> memref<1x8192xf32, #tpu.memory_space<vmem>>
      %dma_start3A_415 = tpu.memref_squeeze %dma_start3A_414 : memref<1x8192xf32, #tpu.memory_space<vmem>> -> memref<8192xf32, #tpu.memory_space<vmem>>
      %dma_start3A_416 = arith.constant 0 : i32
      %dma_start3A_417 = tpu.memref_slice %arg15[%dma_start3A_411, %dma_start3A_416] : memref<1x8192xi32, #tpu.memory_space<vmem>> -> memref<1x8192xi32, #tpu.memory_space<vmem>>
      %dma_start3A_418 = tpu.memref_squeeze %dma_start3A_417 : memref<1x8192xi32, #tpu.memory_space<vmem>> -> memref<8192xi32, #tpu.memory_space<vmem>>
      %dma_start3A_419 = arith.constant 0 : i32
      %dma_start3A_420 = tpu.memref_slice %arg8[%dma_start3A_419] : memref<100352xf32, #tpu.memory_space<vmem_shared>> -> memref<100352xf32, #tpu.memory_space<vmem_shared>>
      %dma_start3A_421 = tpu.memref_slice %arg26[%dma_start3A_412] : memref<3x!tpu.dma_semaphore, #tpu.memory_space<semaphore_mem>> -> memref<1x!tpu.dma_semaphore, #tpu.memory_space<semaphore_mem>>
      %dma_start3A_422 = tpu.memref_squeeze %dma_start3A_421 : memref<1x!tpu.dma_semaphore, #tpu.memory_space<semaphore_mem>> -> memref<!tpu.dma_semaphore, #tpu.memory_space<semaphore_mem>>
      tpu.enqueue_indirect_dma source(%dma_start3A_415 : memref<8192xf32, #tpu.memory_space<vmem>>) target(%dma_start3A_420 : memref<100352xf32, #tpu.memory_space<vmem_shared>>) offsets(%dma_start3A_418 : memref<8192xi32, #tpu.memory_space<vmem>>) semaphore(%dma_start3A_422 : memref<!tpu.dma_semaphore, #tpu.memory_space<semaphore_mem>>) {add = true}
      %dma_wait3A_423 = arith.constant 2 : i32
      %dma_wait3A_424 = arith.constant 0 : i32
      %dma_wait3A_425 = tpu.memref_slice %arg3[%add3A_382, %dma_wait3A_424] : memref<400x8192xi32, #tpu.memory_space<hbm>> -> memref<1x8192xi32, #tpu.memory_space<hbm>>
      %dma_wait3A_426 = tpu.memref_slice %arg24[%dma_wait3A_423] : memref<3x!tpu.dma_semaphore, #tpu.memory_space<semaphore_mem>> -> memref<1x!tpu.dma_semaphore, #tpu.memory_space<semaphore_mem>>
      %dma_wait3A_427 = tpu.memref_squeeze %dma_wait3A_426 : memref<1x!tpu.dma_semaphore, #tpu.memory_space<semaphore_mem>> -> memref<!tpu.dma_semaphore, #tpu.memory_space<semaphore_mem>>
      %dma_wait3A_428 = arith.constant 0 : i32
      %dma_wait3A_429 = tpu.memref_slice %arg3[%add3A_382, %dma_wait3A_428] : memref<400x8192xi32, #tpu.memory_space<hbm>> -> memref<1x8192xi32, #tpu.memory_space<hbm>>
      tpu.wait_dma2 semaphore(%dma_wait3A_427 : memref<!tpu.dma_semaphore, #tpu.memory_space<semaphore_mem>>) src(%dma_wait3A_429 : memref<1x8192xi32, #tpu.memory_space<hbm>>) dst(%arg13 : memref<1x8192xi32, #tpu.memory_space<vmem>>)
      %dma_wait3A_430 = arith.constant 2 : i32
      %dma_wait3A_431 = arith.constant 0 : i32
      %dma_wait3A_432 = tpu.memref_slice %arg4[%add3A_382, %dma_wait3A_431] : memref<400x8192xi32, #tpu.memory_space<hbm>> -> memref<1x8192xi32, #tpu.memory_space<hbm>>
      %dma_wait3A_433 = tpu.memref_slice %arg24[%dma_wait3A_430] : memref<3x!tpu.dma_semaphore, #tpu.memory_space<semaphore_mem>> -> memref<1x!tpu.dma_semaphore, #tpu.memory_space<semaphore_mem>>
      %dma_wait3A_434 = tpu.memref_squeeze %dma_wait3A_433 : memref<1x!tpu.dma_semaphore, #tpu.memory_space<semaphore_mem>> -> memref<!tpu.dma_semaphore, #tpu.memory_space<semaphore_mem>>
      %dma_wait3A_435 = arith.constant 0 : i32
      %dma_wait3A_436 = tpu.memref_slice %arg4[%add3A_382, %dma_wait3A_435] : memref<400x8192xi32, #tpu.memory_space<hbm>> -> memref<1x8192xi32, #tpu.memory_space<hbm>>
      tpu.wait_dma2 semaphore(%dma_wait3A_434 : memref<!tpu.dma_semaphore, #tpu.memory_space<semaphore_mem>>) src(%dma_wait3A_436 : memref<1x8192xi32, #tpu.memory_space<hbm>>) dst(%arg16 : memref<1x8192xi32, #tpu.memory_space<vmem>>)
      %dma_start3A_437 = arith.constant 0 : i32
      %dma_start3A_438 = arith.constant 0 : i32
      %dma_start3A_439 = arith.constant 2 : i32
      %dma_start3A_440 = arith.constant 0 : i32
      %dma_start3A_441 = tpu.memref_slice %arg19[%dma_start3A_438, %dma_start3A_440] : memref<1x8192xf32, #tpu.memory_space<vmem>> -> memref<1x8192xf32, #tpu.memory_space<vmem>>
      %dma_start3A_442 = tpu.memref_squeeze %dma_start3A_441 : memref<1x8192xf32, #tpu.memory_space<vmem>> -> memref<8192xf32, #tpu.memory_space<vmem>>
      %dma_start3A_443 = arith.constant 0 : i32
      %dma_start3A_444 = tpu.memref_slice %arg13[%dma_start3A_437, %dma_start3A_443] : memref<1x8192xi32, #tpu.memory_space<vmem>> -> memref<1x8192xi32, #tpu.memory_space<vmem>>
      %dma_start3A_445 = tpu.memref_squeeze %dma_start3A_444 : memref<1x8192xi32, #tpu.memory_space<vmem>> -> memref<8192xi32, #tpu.memory_space<vmem>>
      %dma_start3A_446 = arith.constant 0 : i32
      %dma_start3A_447 = tpu.memref_slice %arg7[%dma_start3A_446] : memref<100352xf32, #tpu.memory_space<vmem_shared>> -> memref<100352xf32, #tpu.memory_space<vmem_shared>>
      %dma_start3A_448 = tpu.memref_slice %arg25[%dma_start3A_439] : memref<3x!tpu.dma_semaphore, #tpu.memory_space<semaphore_mem>> -> memref<1x!tpu.dma_semaphore, #tpu.memory_space<semaphore_mem>>
      %dma_start3A_449 = tpu.memref_squeeze %dma_start3A_448 : memref<1x!tpu.dma_semaphore, #tpu.memory_space<semaphore_mem>> -> memref<!tpu.dma_semaphore, #tpu.memory_space<semaphore_mem>>
      tpu.enqueue_indirect_dma source(%dma_start3A_447 : memref<100352xf32, #tpu.memory_space<vmem_shared>>) target(%dma_start3A_442 : memref<8192xf32, #tpu.memory_space<vmem>>) offsets(%dma_start3A_445 : memref<8192xi32, #tpu.memory_space<vmem>>) semaphore(%dma_start3A_449 : memref<!tpu.dma_semaphore, #tpu.memory_space<semaphore_mem>>)
      %dma_wait3A_450 = arith.constant 0 : i32
      %dma_wait3A_451 = arith.constant 0 : i32
      %dma_wait3A_452 = arith.constant 0 : i32
      %dma_wait3A_453 = arith.constant 0 : i32
      %dma_wait3A_454 = tpu.memref_slice %arg17[%dma_wait3A_450, %dma_wait3A_453] : memref<1x8192xf32, #tpu.memory_space<vmem>> -> memref<1x8192xf32, #tpu.memory_space<vmem>>
      %dma_wait3A_455 = tpu.memref_squeeze %dma_wait3A_454 : memref<1x8192xf32, #tpu.memory_space<vmem>> -> memref<8192xf32, #tpu.memory_space<vmem>>
      %dma_wait3A_456 = arith.constant 0 : i32
      %dma_wait3A_457 = tpu.memref_slice %arg14[%dma_wait3A_451, %dma_wait3A_456] : memref<1x8192xi32, #tpu.memory_space<vmem>> -> memref<1x8192xi32, #tpu.memory_space<vmem>>
      %dma_wait3A_458 = tpu.memref_squeeze %dma_wait3A_457 : memref<1x8192xi32, #tpu.memory_space<vmem>> -> memref<8192xi32, #tpu.memory_space<vmem>>
      %dma_wait3A_459 = arith.constant 0 : i32
      %dma_wait3A_460 = tpu.memref_slice %arg8[%dma_wait3A_459] : memref<100352xf32, #tpu.memory_space<vmem_shared>> -> memref<100352xf32, #tpu.memory_space<vmem_shared>>
      %dma_wait3A_461 = tpu.memref_slice %arg26[%dma_wait3A_452] : memref<3x!tpu.dma_semaphore, #tpu.memory_space<semaphore_mem>> -> memref<1x!tpu.dma_semaphore, #tpu.memory_space<semaphore_mem>>
      %dma_wait3A_462 = tpu.memref_squeeze %dma_wait3A_461 : memref<1x!tpu.dma_semaphore, #tpu.memory_space<semaphore_mem>> -> memref<!tpu.dma_semaphore, #tpu.memory_space<semaphore_mem>>
      tpu.wait_indirect_dma semaphore(%dma_wait3A_462 : memref<!tpu.dma_semaphore, #tpu.memory_space<semaphore_mem>>) src(%dma_wait3A_455 : memref<8192xf32, #tpu.memory_space<vmem>>) dst(%dma_wait3A_460 : memref<100352xf32, #tpu.memory_space<vmem_shared>>)
      %add3A_463 = arith.constant 6 : i32
      %add3A_464 = arith.addi %mul3A_2, %add3A_463 : i32
      %dma_start3A_465 = arith.constant 0 : i32
      %dma_start3A_466 = arith.constant 0 : i32
      %dma_start3A_467 = tpu.memref_slice %arg3[%add3A_464, %dma_start3A_466] : memref<400x8192xi32, #tpu.memory_space<hbm>> -> memref<1x8192xi32, #tpu.memory_space<hbm>>
      %dma_start3A_468 = tpu.memref_slice %arg24[%dma_start3A_465] : memref<3x!tpu.dma_semaphore, #tpu.memory_space<semaphore_mem>> -> memref<1x!tpu.dma_semaphore, #tpu.memory_space<semaphore_mem>>
      %dma_start3A_469 = tpu.memref_squeeze %dma_start3A_468 : memref<1x!tpu.dma_semaphore, #tpu.memory_space<semaphore_mem>> -> memref<!tpu.dma_semaphore, #tpu.memory_space<semaphore_mem>>
      %dma_start3A_470 = arith.constant 0 : i32
      %dma_start3A_471 = tpu.memref_slice %arg3[%add3A_464, %dma_start3A_470] : memref<400x8192xi32, #tpu.memory_space<hbm>> -> memref<1x8192xi32, #tpu.memory_space<hbm>>
      tpu.enqueue_dma source(%dma_start3A_471 : memref<1x8192xi32, #tpu.memory_space<hbm>>) target(%arg11 : memref<1x8192xi32, #tpu.memory_space<vmem>>) target_semaphore(%dma_start3A_469 : memref<!tpu.dma_semaphore, #tpu.memory_space<semaphore_mem>>)
      %dma_start3A_472 = arith.constant 0 : i32
      %dma_start3A_473 = arith.constant 0 : i32
      %dma_start3A_474 = tpu.memref_slice %arg4[%add3A_464, %dma_start3A_473] : memref<400x8192xi32, #tpu.memory_space<hbm>> -> memref<1x8192xi32, #tpu.memory_space<hbm>>
      %dma_start3A_475 = tpu.memref_slice %arg24[%dma_start3A_472] : memref<3x!tpu.dma_semaphore, #tpu.memory_space<semaphore_mem>> -> memref<1x!tpu.dma_semaphore, #tpu.memory_space<semaphore_mem>>
      %dma_start3A_476 = tpu.memref_squeeze %dma_start3A_475 : memref<1x!tpu.dma_semaphore, #tpu.memory_space<semaphore_mem>> -> memref<!tpu.dma_semaphore, #tpu.memory_space<semaphore_mem>>
      %dma_start3A_477 = arith.constant 0 : i32
      %dma_start3A_478 = tpu.memref_slice %arg4[%add3A_464, %dma_start3A_477] : memref<400x8192xi32, #tpu.memory_space<hbm>> -> memref<1x8192xi32, #tpu.memory_space<hbm>>
      tpu.enqueue_dma source(%dma_start3A_478 : memref<1x8192xi32, #tpu.memory_space<hbm>>) target(%arg14 : memref<1x8192xi32, #tpu.memory_space<vmem>>) target_semaphore(%dma_start3A_476 : memref<!tpu.dma_semaphore, #tpu.memory_space<semaphore_mem>>)
      %dma_wait3A_479 = arith.constant 0 : i32
      %dma_wait3A_480 = arith.constant 0 : i32
      %dma_wait3A_481 = arith.constant 2 : i32
      %dma_wait3A_482 = arith.constant 0 : i32
      %dma_wait3A_483 = tpu.memref_slice %arg19[%dma_wait3A_480, %dma_wait3A_482] : memref<1x8192xf32, #tpu.memory_space<vmem>> -> memref<1x8192xf32, #tpu.memory_space<vmem>>
      %dma_wait3A_484 = tpu.memref_squeeze %dma_wait3A_483 : memref<1x8192xf32, #tpu.memory_space<vmem>> -> memref<8192xf32, #tpu.memory_space<vmem>>
      %dma_wait3A_485 = arith.constant 0 : i32
      %dma_wait3A_486 = tpu.memref_slice %arg13[%dma_wait3A_479, %dma_wait3A_485] : memref<1x8192xi32, #tpu.memory_space<vmem>> -> memref<1x8192xi32, #tpu.memory_space<vmem>>
      %dma_wait3A_487 = tpu.memref_squeeze %dma_wait3A_486 : memref<1x8192xi32, #tpu.memory_space<vmem>> -> memref<8192xi32, #tpu.memory_space<vmem>>
      %dma_wait3A_488 = arith.constant 0 : i32
      %dma_wait3A_489 = tpu.memref_slice %arg7[%dma_wait3A_488] : memref<100352xf32, #tpu.memory_space<vmem_shared>> -> memref<100352xf32, #tpu.memory_space<vmem_shared>>
      %dma_wait3A_490 = tpu.memref_slice %arg25[%dma_wait3A_481] : memref<3x!tpu.dma_semaphore, #tpu.memory_space<semaphore_mem>> -> memref<1x!tpu.dma_semaphore, #tpu.memory_space<semaphore_mem>>
      %dma_wait3A_491 = tpu.memref_squeeze %dma_wait3A_490 : memref<1x!tpu.dma_semaphore, #tpu.memory_space<semaphore_mem>> -> memref<!tpu.dma_semaphore, #tpu.memory_space<semaphore_mem>>
      tpu.wait_indirect_dma semaphore(%dma_wait3A_491 : memref<!tpu.dma_semaphore, #tpu.memory_space<semaphore_mem>>) src(%dma_wait3A_489 : memref<100352xf32, #tpu.memory_space<vmem_shared>>) dst(%dma_wait3A_484 : memref<8192xf32, #tpu.memory_space<vmem>>)
      %dma_start3A_492 = arith.constant 0 : i32
      %dma_start3A_493 = arith.constant 0 : i32
      %dma_start3A_494 = arith.constant 2 : i32
      %dma_start3A_495 = arith.constant 0 : i32
      %dma_start3A_496 = tpu.memref_slice %arg19[%dma_start3A_492, %dma_start3A_495] : memref<1x8192xf32, #tpu.memory_space<vmem>> -> memref<1x8192xf32, #tpu.memory_space<vmem>>
      %dma_start3A_497 = tpu.memref_squeeze %dma_start3A_496 : memref<1x8192xf32, #tpu.memory_space<vmem>> -> memref<8192xf32, #tpu.memory_space<vmem>>
      %dma_start3A_498 = arith.constant 0 : i32
      %dma_start3A_499 = tpu.memref_slice %arg16[%dma_start3A_493, %dma_start3A_498] : memref<1x8192xi32, #tpu.memory_space<vmem>> -> memref<1x8192xi32, #tpu.memory_space<vmem>>
      %dma_start3A_500 = tpu.memref_squeeze %dma_start3A_499 : memref<1x8192xi32, #tpu.memory_space<vmem>> -> memref<8192xi32, #tpu.memory_space<vmem>>
      %dma_start3A_501 = arith.constant 0 : i32
      %dma_start3A_502 = tpu.memref_slice %arg8[%dma_start3A_501] : memref<100352xf32, #tpu.memory_space<vmem_shared>> -> memref<100352xf32, #tpu.memory_space<vmem_shared>>
      %dma_start3A_503 = tpu.memref_slice %arg26[%dma_start3A_494] : memref<3x!tpu.dma_semaphore, #tpu.memory_space<semaphore_mem>> -> memref<1x!tpu.dma_semaphore, #tpu.memory_space<semaphore_mem>>
      %dma_start3A_504 = tpu.memref_squeeze %dma_start3A_503 : memref<1x!tpu.dma_semaphore, #tpu.memory_space<semaphore_mem>> -> memref<!tpu.dma_semaphore, #tpu.memory_space<semaphore_mem>>
      tpu.enqueue_indirect_dma source(%dma_start3A_497 : memref<8192xf32, #tpu.memory_space<vmem>>) target(%dma_start3A_502 : memref<100352xf32, #tpu.memory_space<vmem_shared>>) offsets(%dma_start3A_500 : memref<8192xi32, #tpu.memory_space<vmem>>) semaphore(%dma_start3A_504 : memref<!tpu.dma_semaphore, #tpu.memory_space<semaphore_mem>>) {add = true}
      %dma_wait3A_505 = arith.constant 0 : i32
      %dma_wait3A_506 = arith.constant 0 : i32
      %dma_wait3A_507 = tpu.memref_slice %arg3[%add3A_464, %dma_wait3A_506] : memref<400x8192xi32, #tpu.memory_space<hbm>> -> memref<1x8192xi32, #tpu.memory_space<hbm>>
      %dma_wait3A_508 = tpu.memref_slice %arg24[%dma_wait3A_505] : memref<3x!tpu.dma_semaphore, #tpu.memory_space<semaphore_mem>> -> memref<1x!tpu.dma_semaphore, #tpu.memory_space<semaphore_mem>>
      %dma_wait3A_509 = tpu.memref_squeeze %dma_wait3A_508 : memref<1x!tpu.dma_semaphore, #tpu.memory_space<semaphore_mem>> -> memref<!tpu.dma_semaphore, #tpu.memory_space<semaphore_mem>>
      %dma_wait3A_510 = arith.constant 0 : i32
      %dma_wait3A_511 = tpu.memref_slice %arg3[%add3A_464, %dma_wait3A_510] : memref<400x8192xi32, #tpu.memory_space<hbm>> -> memref<1x8192xi32, #tpu.memory_space<hbm>>
      tpu.wait_dma2 semaphore(%dma_wait3A_509 : memref<!tpu.dma_semaphore, #tpu.memory_space<semaphore_mem>>) src(%dma_wait3A_511 : memref<1x8192xi32, #tpu.memory_space<hbm>>) dst(%arg11 : memref<1x8192xi32, #tpu.memory_space<vmem>>)
      %dma_wait3A_512 = arith.constant 0 : i32
      %dma_wait3A_513 = arith.constant 0 : i32
      %dma_wait3A_514 = tpu.memref_slice %arg4[%add3A_464, %dma_wait3A_513] : memref<400x8192xi32, #tpu.memory_space<hbm>> -> memref<1x8192xi32, #tpu.memory_space<hbm>>
      %dma_wait3A_515 = tpu.memref_slice %arg24[%dma_wait3A_512] : memref<3x!tpu.dma_semaphore, #tpu.memory_space<semaphore_mem>> -> memref<1x!tpu.dma_semaphore, #tpu.memory_space<semaphore_mem>>
      %dma_wait3A_516 = tpu.memref_squeeze %dma_wait3A_515 : memref<1x!tpu.dma_semaphore, #tpu.memory_space<semaphore_mem>> -> memref<!tpu.dma_semaphore, #tpu.memory_space<semaphore_mem>>
      %dma_wait3A_517 = arith.constant 0 : i32
      %dma_wait3A_518 = tpu.memref_slice %arg4[%add3A_464, %dma_wait3A_517] : memref<400x8192xi32, #tpu.memory_space<hbm>> -> memref<1x8192xi32, #tpu.memory_space<hbm>>
      tpu.wait_dma2 semaphore(%dma_wait3A_516 : memref<!tpu.dma_semaphore, #tpu.memory_space<semaphore_mem>>) src(%dma_wait3A_518 : memref<1x8192xi32, #tpu.memory_space<hbm>>) dst(%arg14 : memref<1x8192xi32, #tpu.memory_space<vmem>>)
      %dma_start3A_519 = arith.constant 0 : i32
      %dma_start3A_520 = arith.constant 0 : i32
      %dma_start3A_521 = arith.constant 0 : i32
      %dma_start3A_522 = arith.constant 0 : i32
      %dma_start3A_523 = tpu.memref_slice %arg17[%dma_start3A_520, %dma_start3A_522] : memref<1x8192xf32, #tpu.memory_space<vmem>> -> memref<1x8192xf32, #tpu.memory_space<vmem>>
      %dma_start3A_524 = tpu.memref_squeeze %dma_start3A_523 : memref<1x8192xf32, #tpu.memory_space<vmem>> -> memref<8192xf32, #tpu.memory_space<vmem>>
      %dma_start3A_525 = arith.constant 0 : i32
      %dma_start3A_526 = tpu.memref_slice %arg11[%dma_start3A_519, %dma_start3A_525] : memref<1x8192xi32, #tpu.memory_space<vmem>> -> memref<1x8192xi32, #tpu.memory_space<vmem>>
      %dma_start3A_527 = tpu.memref_squeeze %dma_start3A_526 : memref<1x8192xi32, #tpu.memory_space<vmem>> -> memref<8192xi32, #tpu.memory_space<vmem>>
      %dma_start3A_528 = arith.constant 0 : i32
      %dma_start3A_529 = tpu.memref_slice %arg7[%dma_start3A_528] : memref<100352xf32, #tpu.memory_space<vmem_shared>> -> memref<100352xf32, #tpu.memory_space<vmem_shared>>
      %dma_start3A_530 = tpu.memref_slice %arg25[%dma_start3A_521] : memref<3x!tpu.dma_semaphore, #tpu.memory_space<semaphore_mem>> -> memref<1x!tpu.dma_semaphore, #tpu.memory_space<semaphore_mem>>
      %dma_start3A_531 = tpu.memref_squeeze %dma_start3A_530 : memref<1x!tpu.dma_semaphore, #tpu.memory_space<semaphore_mem>> -> memref<!tpu.dma_semaphore, #tpu.memory_space<semaphore_mem>>
      tpu.enqueue_indirect_dma source(%dma_start3A_529 : memref<100352xf32, #tpu.memory_space<vmem_shared>>) target(%dma_start3A_524 : memref<8192xf32, #tpu.memory_space<vmem>>) offsets(%dma_start3A_527 : memref<8192xi32, #tpu.memory_space<vmem>>) semaphore(%dma_start3A_531 : memref<!tpu.dma_semaphore, #tpu.memory_space<semaphore_mem>>)
      %dma_wait3A_532 = arith.constant 0 : i32
      %dma_wait3A_533 = arith.constant 0 : i32
      %dma_wait3A_534 = arith.constant 1 : i32
      %dma_wait3A_535 = arith.constant 0 : i32
      %dma_wait3A_536 = tpu.memref_slice %arg18[%dma_wait3A_532, %dma_wait3A_535] : memref<1x8192xf32, #tpu.memory_space<vmem>> -> memref<1x8192xf32, #tpu.memory_space<vmem>>
      %dma_wait3A_537 = tpu.memref_squeeze %dma_wait3A_536 : memref<1x8192xf32, #tpu.memory_space<vmem>> -> memref<8192xf32, #tpu.memory_space<vmem>>
      %dma_wait3A_538 = arith.constant 0 : i32
      %dma_wait3A_539 = tpu.memref_slice %arg15[%dma_wait3A_533, %dma_wait3A_538] : memref<1x8192xi32, #tpu.memory_space<vmem>> -> memref<1x8192xi32, #tpu.memory_space<vmem>>
      %dma_wait3A_540 = tpu.memref_squeeze %dma_wait3A_539 : memref<1x8192xi32, #tpu.memory_space<vmem>> -> memref<8192xi32, #tpu.memory_space<vmem>>
      %dma_wait3A_541 = arith.constant 0 : i32
      %dma_wait3A_542 = tpu.memref_slice %arg8[%dma_wait3A_541] : memref<100352xf32, #tpu.memory_space<vmem_shared>> -> memref<100352xf32, #tpu.memory_space<vmem_shared>>
      %dma_wait3A_543 = tpu.memref_slice %arg26[%dma_wait3A_534] : memref<3x!tpu.dma_semaphore, #tpu.memory_space<semaphore_mem>> -> memref<1x!tpu.dma_semaphore, #tpu.memory_space<semaphore_mem>>
      %dma_wait3A_544 = tpu.memref_squeeze %dma_wait3A_543 : memref<1x!tpu.dma_semaphore, #tpu.memory_space<semaphore_mem>> -> memref<!tpu.dma_semaphore, #tpu.memory_space<semaphore_mem>>
      tpu.wait_indirect_dma semaphore(%dma_wait3A_544 : memref<!tpu.dma_semaphore, #tpu.memory_space<semaphore_mem>>) src(%dma_wait3A_537 : memref<8192xf32, #tpu.memory_space<vmem>>) dst(%dma_wait3A_542 : memref<100352xf32, #tpu.memory_space<vmem_shared>>)
      %add3A_545 = arith.constant 7 : i32
      %add3A_546 = arith.addi %mul3A_2, %add3A_545 : i32
      %dma_start3A_547 = arith.constant 1 : i32
      %dma_start3A_548 = arith.constant 0 : i32
      %dma_start3A_549 = tpu.memref_slice %arg3[%add3A_546, %dma_start3A_548] : memref<400x8192xi32, #tpu.memory_space<hbm>> -> memref<1x8192xi32, #tpu.memory_space<hbm>>
      %dma_start3A_550 = tpu.memref_slice %arg24[%dma_start3A_547] : memref<3x!tpu.dma_semaphore, #tpu.memory_space<semaphore_mem>> -> memref<1x!tpu.dma_semaphore, #tpu.memory_space<semaphore_mem>>
      %dma_start3A_551 = tpu.memref_squeeze %dma_start3A_550 : memref<1x!tpu.dma_semaphore, #tpu.memory_space<semaphore_mem>> -> memref<!tpu.dma_semaphore, #tpu.memory_space<semaphore_mem>>
      %dma_start3A_552 = arith.constant 0 : i32
      %dma_start3A_553 = tpu.memref_slice %arg3[%add3A_546, %dma_start3A_552] : memref<400x8192xi32, #tpu.memory_space<hbm>> -> memref<1x8192xi32, #tpu.memory_space<hbm>>
      tpu.enqueue_dma source(%dma_start3A_553 : memref<1x8192xi32, #tpu.memory_space<hbm>>) target(%arg12 : memref<1x8192xi32, #tpu.memory_space<vmem>>) target_semaphore(%dma_start3A_551 : memref<!tpu.dma_semaphore, #tpu.memory_space<semaphore_mem>>)
      %dma_start3A_554 = arith.constant 1 : i32
      %dma_start3A_555 = arith.constant 0 : i32
      %dma_start3A_556 = tpu.memref_slice %arg4[%add3A_546, %dma_start3A_555] : memref<400x8192xi32, #tpu.memory_space<hbm>> -> memref<1x8192xi32, #tpu.memory_space<hbm>>
      %dma_start3A_557 = tpu.memref_slice %arg24[%dma_start3A_554] : memref<3x!tpu.dma_semaphore, #tpu.memory_space<semaphore_mem>> -> memref<1x!tpu.dma_semaphore, #tpu.memory_space<semaphore_mem>>
      %dma_start3A_558 = tpu.memref_squeeze %dma_start3A_557 : memref<1x!tpu.dma_semaphore, #tpu.memory_space<semaphore_mem>> -> memref<!tpu.dma_semaphore, #tpu.memory_space<semaphore_mem>>
      %dma_start3A_559 = arith.constant 0 : i32
      %dma_start3A_560 = tpu.memref_slice %arg4[%add3A_546, %dma_start3A_559] : memref<400x8192xi32, #tpu.memory_space<hbm>> -> memref<1x8192xi32, #tpu.memory_space<hbm>>
      tpu.enqueue_dma source(%dma_start3A_560 : memref<1x8192xi32, #tpu.memory_space<hbm>>) target(%arg15 : memref<1x8192xi32, #tpu.memory_space<vmem>>) target_semaphore(%dma_start3A_558 : memref<!tpu.dma_semaphore, #tpu.memory_space<semaphore_mem>>)
      %dma_wait3A_561 = arith.constant 0 : i32
      %dma_wait3A_562 = arith.constant 0 : i32
      %dma_wait3A_563 = arith.constant 0 : i32
      %dma_wait3A_564 = arith.constant 0 : i32
      %dma_wait3A_565 = tpu.memref_slice %arg17[%dma_wait3A_562, %dma_wait3A_564] : memref<1x8192xf32, #tpu.memory_space<vmem>> -> memref<1x8192xf32, #tpu.memory_space<vmem>>
      %dma_wait3A_566 = tpu.memref_squeeze %dma_wait3A_565 : memref<1x8192xf32, #tpu.memory_space<vmem>> -> memref<8192xf32, #tpu.memory_space<vmem>>
      %dma_wait3A_567 = arith.constant 0 : i32
      %dma_wait3A_568 = tpu.memref_slice %arg11[%dma_wait3A_561, %dma_wait3A_567] : memref<1x8192xi32, #tpu.memory_space<vmem>> -> memref<1x8192xi32, #tpu.memory_space<vmem>>
      %dma_wait3A_569 = tpu.memref_squeeze %dma_wait3A_568 : memref<1x8192xi32, #tpu.memory_space<vmem>> -> memref<8192xi32, #tpu.memory_space<vmem>>
      %dma_wait3A_570 = arith.constant 0 : i32
      %dma_wait3A_571 = tpu.memref_slice %arg7[%dma_wait3A_570] : memref<100352xf32, #tpu.memory_space<vmem_shared>> -> memref<100352xf32, #tpu.memory_space<vmem_shared>>
      %dma_wait3A_572 = tpu.memref_slice %arg25[%dma_wait3A_563] : memref<3x!tpu.dma_semaphore, #tpu.memory_space<semaphore_mem>> -> memref<1x!tpu.dma_semaphore, #tpu.memory_space<semaphore_mem>>
      %dma_wait3A_573 = tpu.memref_squeeze %dma_wait3A_572 : memref<1x!tpu.dma_semaphore, #tpu.memory_space<semaphore_mem>> -> memref<!tpu.dma_semaphore, #tpu.memory_space<semaphore_mem>>
      tpu.wait_indirect_dma semaphore(%dma_wait3A_573 : memref<!tpu.dma_semaphore, #tpu.memory_space<semaphore_mem>>) src(%dma_wait3A_571 : memref<100352xf32, #tpu.memory_space<vmem_shared>>) dst(%dma_wait3A_566 : memref<8192xf32, #tpu.memory_space<vmem>>)
      %dma_start3A_574 = arith.constant 0 : i32
      %dma_start3A_575 = arith.constant 0 : i32
      %dma_start3A_576 = arith.constant 0 : i32
      %dma_start3A_577 = arith.constant 0 : i32
      %dma_start3A_578 = tpu.memref_slice %arg17[%dma_start3A_574, %dma_start3A_577] : memref<1x8192xf32, #tpu.memory_space<vmem>> -> memref<1x8192xf32, #tpu.memory_space<vmem>>
      %dma_start3A_579 = tpu.memref_squeeze %dma_start3A_578 : memref<1x8192xf32, #tpu.memory_space<vmem>> -> memref<8192xf32, #tpu.memory_space<vmem>>
      %dma_start3A_580 = arith.constant 0 : i32
      %dma_start3A_581 = tpu.memref_slice %arg14[%dma_start3A_575, %dma_start3A_580] : memref<1x8192xi32, #tpu.memory_space<vmem>> -> memref<1x8192xi32, #tpu.memory_space<vmem>>
      %dma_start3A_582 = tpu.memref_squeeze %dma_start3A_581 : memref<1x8192xi32, #tpu.memory_space<vmem>> -> memref<8192xi32, #tpu.memory_space<vmem>>
      %dma_start3A_583 = arith.constant 0 : i32
      %dma_start3A_584 = tpu.memref_slice %arg8[%dma_start3A_583] : memref<100352xf32, #tpu.memory_space<vmem_shared>> -> memref<100352xf32, #tpu.memory_space<vmem_shared>>
      %dma_start3A_585 = tpu.memref_slice %arg26[%dma_start3A_576] : memref<3x!tpu.dma_semaphore, #tpu.memory_space<semaphore_mem>> -> memref<1x!tpu.dma_semaphore, #tpu.memory_space<semaphore_mem>>
      %dma_start3A_586 = tpu.memref_squeeze %dma_start3A_585 : memref<1x!tpu.dma_semaphore, #tpu.memory_space<semaphore_mem>> -> memref<!tpu.dma_semaphore, #tpu.memory_space<semaphore_mem>>
      tpu.enqueue_indirect_dma source(%dma_start3A_579 : memref<8192xf32, #tpu.memory_space<vmem>>) target(%dma_start3A_584 : memref<100352xf32, #tpu.memory_space<vmem_shared>>) offsets(%dma_start3A_582 : memref<8192xi32, #tpu.memory_space<vmem>>) semaphore(%dma_start3A_586 : memref<!tpu.dma_semaphore, #tpu.memory_space<semaphore_mem>>) {add = true}
      %dma_wait3A_587 = arith.constant 1 : i32
      %dma_wait3A_588 = arith.constant 0 : i32
      %dma_wait3A_589 = tpu.memref_slice %arg3[%add3A_546, %dma_wait3A_588] : memref<400x8192xi32, #tpu.memory_space<hbm>> -> memref<1x8192xi32, #tpu.memory_space<hbm>>
      %dma_wait3A_590 = tpu.memref_slice %arg24[%dma_wait3A_587] : memref<3x!tpu.dma_semaphore, #tpu.memory_space<semaphore_mem>> -> memref<1x!tpu.dma_semaphore, #tpu.memory_space<semaphore_mem>>
      %dma_wait3A_591 = tpu.memref_squeeze %dma_wait3A_590 : memref<1x!tpu.dma_semaphore, #tpu.memory_space<semaphore_mem>> -> memref<!tpu.dma_semaphore, #tpu.memory_space<semaphore_mem>>
      %dma_wait3A_592 = arith.constant 0 : i32
      %dma_wait3A_593 = tpu.memref_slice %arg3[%add3A_546, %dma_wait3A_592] : memref<400x8192xi32, #tpu.memory_space<hbm>> -> memref<1x8192xi32, #tpu.memory_space<hbm>>
      tpu.wait_dma2 semaphore(%dma_wait3A_591 : memref<!tpu.dma_semaphore, #tpu.memory_space<semaphore_mem>>) src(%dma_wait3A_593 : memref<1x8192xi32, #tpu.memory_space<hbm>>) dst(%arg12 : memref<1x8192xi32, #tpu.memory_space<vmem>>)
      %dma_wait3A_594 = arith.constant 1 : i32
      %dma_wait3A_595 = arith.constant 0 : i32
      %dma_wait3A_596 = tpu.memref_slice %arg4[%add3A_546, %dma_wait3A_595] : memref<400x8192xi32, #tpu.memory_space<hbm>> -> memref<1x8192xi32, #tpu.memory_space<hbm>>
      %dma_wait3A_597 = tpu.memref_slice %arg24[%dma_wait3A_594] : memref<3x!tpu.dma_semaphore, #tpu.memory_space<semaphore_mem>> -> memref<1x!tpu.dma_semaphore, #tpu.memory_space<semaphore_mem>>
      %dma_wait3A_598 = tpu.memref_squeeze %dma_wait3A_597 : memref<1x!tpu.dma_semaphore, #tpu.memory_space<semaphore_mem>> -> memref<!tpu.dma_semaphore, #tpu.memory_space<semaphore_mem>>
      %dma_wait3A_599 = arith.constant 0 : i32
      %dma_wait3A_600 = tpu.memref_slice %arg4[%add3A_546, %dma_wait3A_599] : memref<400x8192xi32, #tpu.memory_space<hbm>> -> memref<1x8192xi32, #tpu.memory_space<hbm>>
      tpu.wait_dma2 semaphore(%dma_wait3A_598 : memref<!tpu.dma_semaphore, #tpu.memory_space<semaphore_mem>>) src(%dma_wait3A_600 : memref<1x8192xi32, #tpu.memory_space<hbm>>) dst(%arg15 : memref<1x8192xi32, #tpu.memory_space<vmem>>)
      %dma_start3A_601 = arith.constant 0 : i32
      %dma_start3A_602 = arith.constant 0 : i32
      %dma_start3A_603 = arith.constant 1 : i32
      %dma_start3A_604 = arith.constant 0 : i32
      %dma_start3A_605 = tpu.memref_slice %arg18[%dma_start3A_602, %dma_start3A_604] : memref<1x8192xf32, #tpu.memory_space<vmem>> -> memref<1x8192xf32, #tpu.memory_space<vmem>>
      %dma_start3A_606 = tpu.memref_squeeze %dma_start3A_605 : memref<1x8192xf32, #tpu.memory_space<vmem>> -> memref<8192xf32, #tpu.memory_space<vmem>>
      %dma_start3A_607 = arith.constant 0 : i32
      %dma_start3A_608 = tpu.memref_slice %arg12[%dma_start3A_601, %dma_start3A_607] : memref<1x8192xi32, #tpu.memory_space<vmem>> -> memref<1x8192xi32, #tpu.memory_space<vmem>>
      %dma_start3A_609 = tpu.memref_squeeze %dma_start3A_608 : memref<1x8192xi32, #tpu.memory_space<vmem>> -> memref<8192xi32, #tpu.memory_space<vmem>>
      %dma_start3A_610 = arith.constant 0 : i32
      %dma_start3A_611 = tpu.memref_slice %arg7[%dma_start3A_610] : memref<100352xf32, #tpu.memory_space<vmem_shared>> -> memref<100352xf32, #tpu.memory_space<vmem_shared>>
      %dma_start3A_612 = tpu.memref_slice %arg25[%dma_start3A_603] : memref<3x!tpu.dma_semaphore, #tpu.memory_space<semaphore_mem>> -> memref<1x!tpu.dma_semaphore, #tpu.memory_space<semaphore_mem>>
      %dma_start3A_613 = tpu.memref_squeeze %dma_start3A_612 : memref<1x!tpu.dma_semaphore, #tpu.memory_space<semaphore_mem>> -> memref<!tpu.dma_semaphore, #tpu.memory_space<semaphore_mem>>
      tpu.enqueue_indirect_dma source(%dma_start3A_611 : memref<100352xf32, #tpu.memory_space<vmem_shared>>) target(%dma_start3A_606 : memref<8192xf32, #tpu.memory_space<vmem>>) offsets(%dma_start3A_609 : memref<8192xi32, #tpu.memory_space<vmem>>) semaphore(%dma_start3A_613 : memref<!tpu.dma_semaphore, #tpu.memory_space<semaphore_mem>>)
      %dma_wait3A_614 = arith.constant 0 : i32
      %dma_wait3A_615 = arith.constant 0 : i32
      %dma_wait3A_616 = arith.constant 2 : i32
      %dma_wait3A_617 = arith.constant 0 : i32
      %dma_wait3A_618 = tpu.memref_slice %arg19[%dma_wait3A_614, %dma_wait3A_617] : memref<1x8192xf32, #tpu.memory_space<vmem>> -> memref<1x8192xf32, #tpu.memory_space<vmem>>
      %dma_wait3A_619 = tpu.memref_squeeze %dma_wait3A_618 : memref<1x8192xf32, #tpu.memory_space<vmem>> -> memref<8192xf32, #tpu.memory_space<vmem>>
      %dma_wait3A_620 = arith.constant 0 : i32
      %dma_wait3A_621 = tpu.memref_slice %arg16[%dma_wait3A_615, %dma_wait3A_620] : memref<1x8192xi32, #tpu.memory_space<vmem>> -> memref<1x8192xi32, #tpu.memory_space<vmem>>
      %dma_wait3A_622 = tpu.memref_squeeze %dma_wait3A_621 : memref<1x8192xi32, #tpu.memory_space<vmem>> -> memref<8192xi32, #tpu.memory_space<vmem>>
      %dma_wait3A_623 = arith.constant 0 : i32
      %dma_wait3A_624 = tpu.memref_slice %arg8[%dma_wait3A_623] : memref<100352xf32, #tpu.memory_space<vmem_shared>> -> memref<100352xf32, #tpu.memory_space<vmem_shared>>
      %dma_wait3A_625 = tpu.memref_slice %arg26[%dma_wait3A_616] : memref<3x!tpu.dma_semaphore, #tpu.memory_space<semaphore_mem>> -> memref<1x!tpu.dma_semaphore, #tpu.memory_space<semaphore_mem>>
      %dma_wait3A_626 = tpu.memref_squeeze %dma_wait3A_625 : memref<1x!tpu.dma_semaphore, #tpu.memory_space<semaphore_mem>> -> memref<!tpu.dma_semaphore, #tpu.memory_space<semaphore_mem>>
      tpu.wait_indirect_dma semaphore(%dma_wait3A_626 : memref<!tpu.dma_semaphore, #tpu.memory_space<semaphore_mem>>) src(%dma_wait3A_619 : memref<8192xf32, #tpu.memory_space<vmem>>) dst(%dma_wait3A_624 : memref<100352xf32, #tpu.memory_space<vmem_shared>>)
      %add3A_627 = arith.constant 8 : i32
      %add3A_628 = arith.addi %mul3A_2, %add3A_627 : i32
      %dma_start3A_629 = arith.constant 2 : i32
      %dma_start3A_630 = arith.constant 0 : i32
      %dma_start3A_631 = tpu.memref_slice %arg3[%add3A_628, %dma_start3A_630] : memref<400x8192xi32, #tpu.memory_space<hbm>> -> memref<1x8192xi32, #tpu.memory_space<hbm>>
      %dma_start3A_632 = tpu.memref_slice %arg24[%dma_start3A_629] : memref<3x!tpu.dma_semaphore, #tpu.memory_space<semaphore_mem>> -> memref<1x!tpu.dma_semaphore, #tpu.memory_space<semaphore_mem>>
      %dma_start3A_633 = tpu.memref_squeeze %dma_start3A_632 : memref<1x!tpu.dma_semaphore, #tpu.memory_space<semaphore_mem>> -> memref<!tpu.dma_semaphore, #tpu.memory_space<semaphore_mem>>
      %dma_start3A_634 = arith.constant 0 : i32
      %dma_start3A_635 = tpu.memref_slice %arg3[%add3A_628, %dma_start3A_634] : memref<400x8192xi32, #tpu.memory_space<hbm>> -> memref<1x8192xi32, #tpu.memory_space<hbm>>
      tpu.enqueue_dma source(%dma_start3A_635 : memref<1x8192xi32, #tpu.memory_space<hbm>>) target(%arg13 : memref<1x8192xi32, #tpu.memory_space<vmem>>) target_semaphore(%dma_start3A_633 : memref<!tpu.dma_semaphore, #tpu.memory_space<semaphore_mem>>)
      %dma_start3A_636 = arith.constant 2 : i32
      %dma_start3A_637 = arith.constant 0 : i32
      %dma_start3A_638 = tpu.memref_slice %arg4[%add3A_628, %dma_start3A_637] : memref<400x8192xi32, #tpu.memory_space<hbm>> -> memref<1x8192xi32, #tpu.memory_space<hbm>>
      %dma_start3A_639 = tpu.memref_slice %arg24[%dma_start3A_636] : memref<3x!tpu.dma_semaphore, #tpu.memory_space<semaphore_mem>> -> memref<1x!tpu.dma_semaphore, #tpu.memory_space<semaphore_mem>>
      %dma_start3A_640 = tpu.memref_squeeze %dma_start3A_639 : memref<1x!tpu.dma_semaphore, #tpu.memory_space<semaphore_mem>> -> memref<!tpu.dma_semaphore, #tpu.memory_space<semaphore_mem>>
      %dma_start3A_641 = arith.constant 0 : i32
      %dma_start3A_642 = tpu.memref_slice %arg4[%add3A_628, %dma_start3A_641] : memref<400x8192xi32, #tpu.memory_space<hbm>> -> memref<1x8192xi32, #tpu.memory_space<hbm>>
      tpu.enqueue_dma source(%dma_start3A_642 : memref<1x8192xi32, #tpu.memory_space<hbm>>) target(%arg16 : memref<1x8192xi32, #tpu.memory_space<vmem>>) target_semaphore(%dma_start3A_640 : memref<!tpu.dma_semaphore, #tpu.memory_space<semaphore_mem>>)
      %dma_wait3A_643 = arith.constant 0 : i32
      %dma_wait3A_644 = arith.constant 0 : i32
      %dma_wait3A_645 = arith.constant 1 : i32
      %dma_wait3A_646 = arith.constant 0 : i32
      %dma_wait3A_647 = tpu.memref_slice %arg18[%dma_wait3A_644, %dma_wait3A_646] : memref<1x8192xf32, #tpu.memory_space<vmem>> -> memref<1x8192xf32, #tpu.memory_space<vmem>>
      %dma_wait3A_648 = tpu.memref_squeeze %dma_wait3A_647 : memref<1x8192xf32, #tpu.memory_space<vmem>> -> memref<8192xf32, #tpu.memory_space<vmem>>
      %dma_wait3A_649 = arith.constant 0 : i32
      %dma_wait3A_650 = tpu.memref_slice %arg12[%dma_wait3A_643, %dma_wait3A_649] : memref<1x8192xi32, #tpu.memory_space<vmem>> -> memref<1x8192xi32, #tpu.memory_space<vmem>>
      %dma_wait3A_651 = tpu.memref_squeeze %dma_wait3A_650 : memref<1x8192xi32, #tpu.memory_space<vmem>> -> memref<8192xi32, #tpu.memory_space<vmem>>
      %dma_wait3A_652 = arith.constant 0 : i32
      %dma_wait3A_653 = tpu.memref_slice %arg7[%dma_wait3A_652] : memref<100352xf32, #tpu.memory_space<vmem_shared>> -> memref<100352xf32, #tpu.memory_space<vmem_shared>>
      %dma_wait3A_654 = tpu.memref_slice %arg25[%dma_wait3A_645] : memref<3x!tpu.dma_semaphore, #tpu.memory_space<semaphore_mem>> -> memref<1x!tpu.dma_semaphore, #tpu.memory_space<semaphore_mem>>
      %dma_wait3A_655 = tpu.memref_squeeze %dma_wait3A_654 : memref<1x!tpu.dma_semaphore, #tpu.memory_space<semaphore_mem>> -> memref<!tpu.dma_semaphore, #tpu.memory_space<semaphore_mem>>
      tpu.wait_indirect_dma semaphore(%dma_wait3A_655 : memref<!tpu.dma_semaphore, #tpu.memory_space<semaphore_mem>>) src(%dma_wait3A_653 : memref<100352xf32, #tpu.memory_space<vmem_shared>>) dst(%dma_wait3A_648 : memref<8192xf32, #tpu.memory_space<vmem>>)
      %dma_start3A_656 = arith.constant 0 : i32
      %dma_start3A_657 = arith.constant 0 : i32
      %dma_start3A_658 = arith.constant 1 : i32
      %dma_start3A_659 = arith.constant 0 : i32
      %dma_start3A_660 = tpu.memref_slice %arg18[%dma_start3A_656, %dma_start3A_659] : memref<1x8192xf32, #tpu.memory_space<vmem>> -> memref<1x8192xf32, #tpu.memory_space<vmem>>
      %dma_start3A_661 = tpu.memref_squeeze %dma_start3A_660 : memref<1x8192xf32, #tpu.memory_space<vmem>> -> memref<8192xf32, #tpu.memory_space<vmem>>
      %dma_start3A_662 = arith.constant 0 : i32
      %dma_start3A_663 = tpu.memref_slice %arg15[%dma_start3A_657, %dma_start3A_662] : memref<1x8192xi32, #tpu.memory_space<vmem>> -> memref<1x8192xi32, #tpu.memory_space<vmem>>
      %dma_start3A_664 = tpu.memref_squeeze %dma_start3A_663 : memref<1x8192xi32, #tpu.memory_space<vmem>> -> memref<8192xi32, #tpu.memory_space<vmem>>
      %dma_start3A_665 = arith.constant 0 : i32
      %dma_start3A_666 = tpu.memref_slice %arg8[%dma_start3A_665] : memref<100352xf32, #tpu.memory_space<vmem_shared>> -> memref<100352xf32, #tpu.memory_space<vmem_shared>>
      %dma_start3A_667 = tpu.memref_slice %arg26[%dma_start3A_658] : memref<3x!tpu.dma_semaphore, #tpu.memory_space<semaphore_mem>> -> memref<1x!tpu.dma_semaphore, #tpu.memory_space<semaphore_mem>>
      %dma_start3A_668 = tpu.memref_squeeze %dma_start3A_667 : memref<1x!tpu.dma_semaphore, #tpu.memory_space<semaphore_mem>> -> memref<!tpu.dma_semaphore, #tpu.memory_space<semaphore_mem>>
      tpu.enqueue_indirect_dma source(%dma_start3A_661 : memref<8192xf32, #tpu.memory_space<vmem>>) target(%dma_start3A_666 : memref<100352xf32, #tpu.memory_space<vmem_shared>>) offsets(%dma_start3A_664 : memref<8192xi32, #tpu.memory_space<vmem>>) semaphore(%dma_start3A_668 : memref<!tpu.dma_semaphore, #tpu.memory_space<semaphore_mem>>) {add = true}
      %dma_wait3A_669 = arith.constant 2 : i32
      %dma_wait3A_670 = arith.constant 0 : i32
      %dma_wait3A_671 = tpu.memref_slice %arg3[%add3A_628, %dma_wait3A_670] : memref<400x8192xi32, #tpu.memory_space<hbm>> -> memref<1x8192xi32, #tpu.memory_space<hbm>>
      %dma_wait3A_672 = tpu.memref_slice %arg24[%dma_wait3A_669] : memref<3x!tpu.dma_semaphore, #tpu.memory_space<semaphore_mem>> -> memref<1x!tpu.dma_semaphore, #tpu.memory_space<semaphore_mem>>
      %dma_wait3A_673 = tpu.memref_squeeze %dma_wait3A_672 : memref<1x!tpu.dma_semaphore, #tpu.memory_space<semaphore_mem>> -> memref<!tpu.dma_semaphore, #tpu.memory_space<semaphore_mem>>
      %dma_wait3A_674 = arith.constant 0 : i32
      %dma_wait3A_675 = tpu.memref_slice %arg3[%add3A_628, %dma_wait3A_674] : memref<400x8192xi32, #tpu.memory_space<hbm>> -> memref<1x8192xi32, #tpu.memory_space<hbm>>
      tpu.wait_dma2 semaphore(%dma_wait3A_673 : memref<!tpu.dma_semaphore, #tpu.memory_space<semaphore_mem>>) src(%dma_wait3A_675 : memref<1x8192xi32, #tpu.memory_space<hbm>>) dst(%arg13 : memref<1x8192xi32, #tpu.memory_space<vmem>>)
      %dma_wait3A_676 = arith.constant 2 : i32
      %dma_wait3A_677 = arith.constant 0 : i32
      %dma_wait3A_678 = tpu.memref_slice %arg4[%add3A_628, %dma_wait3A_677] : memref<400x8192xi32, #tpu.memory_space<hbm>> -> memref<1x8192xi32, #tpu.memory_space<hbm>>
      %dma_wait3A_679 = tpu.memref_slice %arg24[%dma_wait3A_676] : memref<3x!tpu.dma_semaphore, #tpu.memory_space<semaphore_mem>> -> memref<1x!tpu.dma_semaphore, #tpu.memory_space<semaphore_mem>>
      %dma_wait3A_680 = tpu.memref_squeeze %dma_wait3A_679 : memref<1x!tpu.dma_semaphore, #tpu.memory_space<semaphore_mem>> -> memref<!tpu.dma_semaphore, #tpu.memory_space<semaphore_mem>>
      %dma_wait3A_681 = arith.constant 0 : i32
      %dma_wait3A_682 = tpu.memref_slice %arg4[%add3A_628, %dma_wait3A_681] : memref<400x8192xi32, #tpu.memory_space<hbm>> -> memref<1x8192xi32, #tpu.memory_space<hbm>>
      tpu.wait_dma2 semaphore(%dma_wait3A_680 : memref<!tpu.dma_semaphore, #tpu.memory_space<semaphore_mem>>) src(%dma_wait3A_682 : memref<1x8192xi32, #tpu.memory_space<hbm>>) dst(%arg16 : memref<1x8192xi32, #tpu.memory_space<vmem>>)
      %dma_start3A_683 = arith.constant 0 : i32
      %dma_start3A_684 = arith.constant 0 : i32
      %dma_start3A_685 = arith.constant 2 : i32
      %dma_start3A_686 = arith.constant 0 : i32
      %dma_start3A_687 = tpu.memref_slice %arg19[%dma_start3A_684, %dma_start3A_686] : memref<1x8192xf32, #tpu.memory_space<vmem>> -> memref<1x8192xf32, #tpu.memory_space<vmem>>
      %dma_start3A_688 = tpu.memref_squeeze %dma_start3A_687 : memref<1x8192xf32, #tpu.memory_space<vmem>> -> memref<8192xf32, #tpu.memory_space<vmem>>
      %dma_start3A_689 = arith.constant 0 : i32
      %dma_start3A_690 = tpu.memref_slice %arg13[%dma_start3A_683, %dma_start3A_689] : memref<1x8192xi32, #tpu.memory_space<vmem>> -> memref<1x8192xi32, #tpu.memory_space<vmem>>
      %dma_start3A_691 = tpu.memref_squeeze %dma_start3A_690 : memref<1x8192xi32, #tpu.memory_space<vmem>> -> memref<8192xi32, #tpu.memory_space<vmem>>
      %dma_start3A_692 = arith.constant 0 : i32
      %dma_start3A_693 = tpu.memref_slice %arg7[%dma_start3A_692] : memref<100352xf32, #tpu.memory_space<vmem_shared>> -> memref<100352xf32, #tpu.memory_space<vmem_shared>>
      %dma_start3A_694 = tpu.memref_slice %arg25[%dma_start3A_685] : memref<3x!tpu.dma_semaphore, #tpu.memory_space<semaphore_mem>> -> memref<1x!tpu.dma_semaphore, #tpu.memory_space<semaphore_mem>>
      %dma_start3A_695 = tpu.memref_squeeze %dma_start3A_694 : memref<1x!tpu.dma_semaphore, #tpu.memory_space<semaphore_mem>> -> memref<!tpu.dma_semaphore, #tpu.memory_space<semaphore_mem>>
      tpu.enqueue_indirect_dma source(%dma_start3A_693 : memref<100352xf32, #tpu.memory_space<vmem_shared>>) target(%dma_start3A_688 : memref<8192xf32, #tpu.memory_space<vmem>>) offsets(%dma_start3A_691 : memref<8192xi32, #tpu.memory_space<vmem>>) semaphore(%dma_start3A_695 : memref<!tpu.dma_semaphore, #tpu.memory_space<semaphore_mem>>)
      %dma_wait3A_696 = arith.constant 0 : i32
      %dma_wait3A_697 = arith.constant 0 : i32
      %dma_wait3A_698 = arith.constant 0 : i32
      %dma_wait3A_699 = arith.constant 0 : i32
      %dma_wait3A_700 = tpu.memref_slice %arg17[%dma_wait3A_696, %dma_wait3A_699] : memref<1x8192xf32, #tpu.memory_space<vmem>> -> memref<1x8192xf32, #tpu.memory_space<vmem>>
      %dma_wait3A_701 = tpu.memref_squeeze %dma_wait3A_700 : memref<1x8192xf32, #tpu.memory_space<vmem>> -> memref<8192xf32, #tpu.memory_space<vmem>>
      %dma_wait3A_702 = arith.constant 0 : i32
      %dma_wait3A_703 = tpu.memref_slice %arg14[%dma_wait3A_697, %dma_wait3A_702] : memref<1x8192xi32, #tpu.memory_space<vmem>> -> memref<1x8192xi32, #tpu.memory_space<vmem>>
      %dma_wait3A_704 = tpu.memref_squeeze %dma_wait3A_703 : memref<1x8192xi32, #tpu.memory_space<vmem>> -> memref<8192xi32, #tpu.memory_space<vmem>>
      %dma_wait3A_705 = arith.constant 0 : i32
      %dma_wait3A_706 = tpu.memref_slice %arg8[%dma_wait3A_705] : memref<100352xf32, #tpu.memory_space<vmem_shared>> -> memref<100352xf32, #tpu.memory_space<vmem_shared>>
      %dma_wait3A_707 = tpu.memref_slice %arg26[%dma_wait3A_698] : memref<3x!tpu.dma_semaphore, #tpu.memory_space<semaphore_mem>> -> memref<1x!tpu.dma_semaphore, #tpu.memory_space<semaphore_mem>>
      %dma_wait3A_708 = tpu.memref_squeeze %dma_wait3A_707 : memref<1x!tpu.dma_semaphore, #tpu.memory_space<semaphore_mem>> -> memref<!tpu.dma_semaphore, #tpu.memory_space<semaphore_mem>>
      tpu.wait_indirect_dma semaphore(%dma_wait3A_708 : memref<!tpu.dma_semaphore, #tpu.memory_space<semaphore_mem>>) src(%dma_wait3A_701 : memref<8192xf32, #tpu.memory_space<vmem>>) dst(%dma_wait3A_706 : memref<100352xf32, #tpu.memory_space<vmem_shared>>)
      %add3A_709 = arith.constant 9 : i32
      %add3A_710 = arith.addi %mul3A_2, %add3A_709 : i32
      %dma_start3A_711 = arith.constant 0 : i32
      %dma_start3A_712 = arith.constant 0 : i32
      %dma_start3A_713 = tpu.memref_slice %arg3[%add3A_710, %dma_start3A_712] : memref<400x8192xi32, #tpu.memory_space<hbm>> -> memref<1x8192xi32, #tpu.memory_space<hbm>>
      %dma_start3A_714 = tpu.memref_slice %arg24[%dma_start3A_711] : memref<3x!tpu.dma_semaphore, #tpu.memory_space<semaphore_mem>> -> memref<1x!tpu.dma_semaphore, #tpu.memory_space<semaphore_mem>>
      %dma_start3A_715 = tpu.memref_squeeze %dma_start3A_714 : memref<1x!tpu.dma_semaphore, #tpu.memory_space<semaphore_mem>> -> memref<!tpu.dma_semaphore, #tpu.memory_space<semaphore_mem>>
      %dma_start3A_716 = arith.constant 0 : i32
      %dma_start3A_717 = tpu.memref_slice %arg3[%add3A_710, %dma_start3A_716] : memref<400x8192xi32, #tpu.memory_space<hbm>> -> memref<1x8192xi32, #tpu.memory_space<hbm>>
      tpu.enqueue_dma source(%dma_start3A_717 : memref<1x8192xi32, #tpu.memory_space<hbm>>) target(%arg11 : memref<1x8192xi32, #tpu.memory_space<vmem>>) target_semaphore(%dma_start3A_715 : memref<!tpu.dma_semaphore, #tpu.memory_space<semaphore_mem>>)
      %dma_start3A_718 = arith.constant 0 : i32
      %dma_start3A_719 = arith.constant 0 : i32
      %dma_start3A_720 = tpu.memref_slice %arg4[%add3A_710, %dma_start3A_719] : memref<400x8192xi32, #tpu.memory_space<hbm>> -> memref<1x8192xi32, #tpu.memory_space<hbm>>
      %dma_start3A_721 = tpu.memref_slice %arg24[%dma_start3A_718] : memref<3x!tpu.dma_semaphore, #tpu.memory_space<semaphore_mem>> -> memref<1x!tpu.dma_semaphore, #tpu.memory_space<semaphore_mem>>
      %dma_start3A_722 = tpu.memref_squeeze %dma_start3A_721 : memref<1x!tpu.dma_semaphore, #tpu.memory_space<semaphore_mem>> -> memref<!tpu.dma_semaphore, #tpu.memory_space<semaphore_mem>>
      %dma_start3A_723 = arith.constant 0 : i32
      %dma_start3A_724 = tpu.memref_slice %arg4[%add3A_710, %dma_start3A_723] : memref<400x8192xi32, #tpu.memory_space<hbm>> -> memref<1x8192xi32, #tpu.memory_space<hbm>>
      tpu.enqueue_dma source(%dma_start3A_724 : memref<1x8192xi32, #tpu.memory_space<hbm>>) target(%arg14 : memref<1x8192xi32, #tpu.memory_space<vmem>>) target_semaphore(%dma_start3A_722 : memref<!tpu.dma_semaphore, #tpu.memory_space<semaphore_mem>>)
      %dma_wait3A_725 = arith.constant 0 : i32
      %dma_wait3A_726 = arith.constant 0 : i32
      %dma_wait3A_727 = arith.constant 2 : i32
      %dma_wait3A_728 = arith.constant 0 : i32
      %dma_wait3A_729 = tpu.memref_slice %arg19[%dma_wait3A_726, %dma_wait3A_728] : memref<1x8192xf32, #tpu.memory_space<vmem>> -> memref<1x8192xf32, #tpu.memory_space<vmem>>
      %dma_wait3A_730 = tpu.memref_squeeze %dma_wait3A_729 : memref<1x8192xf32, #tpu.memory_space<vmem>> -> memref<8192xf32, #tpu.memory_space<vmem>>
      %dma_wait3A_731 = arith.constant 0 : i32
      %dma_wait3A_732 = tpu.memref_slice %arg13[%dma_wait3A_725, %dma_wait3A_731] : memref<1x8192xi32, #tpu.memory_space<vmem>> -> memref<1x8192xi32, #tpu.memory_space<vmem>>
      %dma_wait3A_733 = tpu.memref_squeeze %dma_wait3A_732 : memref<1x8192xi32, #tpu.memory_space<vmem>> -> memref<8192xi32, #tpu.memory_space<vmem>>
      %dma_wait3A_734 = arith.constant 0 : i32
      %dma_wait3A_735 = tpu.memref_slice %arg7[%dma_wait3A_734] : memref<100352xf32, #tpu.memory_space<vmem_shared>> -> memref<100352xf32, #tpu.memory_space<vmem_shared>>
      %dma_wait3A_736 = tpu.memref_slice %arg25[%dma_wait3A_727] : memref<3x!tpu.dma_semaphore, #tpu.memory_space<semaphore_mem>> -> memref<1x!tpu.dma_semaphore, #tpu.memory_space<semaphore_mem>>
      %dma_wait3A_737 = tpu.memref_squeeze %dma_wait3A_736 : memref<1x!tpu.dma_semaphore, #tpu.memory_space<semaphore_mem>> -> memref<!tpu.dma_semaphore, #tpu.memory_space<semaphore_mem>>
      tpu.wait_indirect_dma semaphore(%dma_wait3A_737 : memref<!tpu.dma_semaphore, #tpu.memory_space<semaphore_mem>>) src(%dma_wait3A_735 : memref<100352xf32, #tpu.memory_space<vmem_shared>>) dst(%dma_wait3A_730 : memref<8192xf32, #tpu.memory_space<vmem>>)
      %dma_start3A_738 = arith.constant 0 : i32
      %dma_start3A_739 = arith.constant 0 : i32
      %dma_start3A_740 = arith.constant 2 : i32
      %dma_start3A_741 = arith.constant 0 : i32
      %dma_start3A_742 = tpu.memref_slice %arg19[%dma_start3A_738, %dma_start3A_741] : memref<1x8192xf32, #tpu.memory_space<vmem>> -> memref<1x8192xf32, #tpu.memory_space<vmem>>
      %dma_start3A_743 = tpu.memref_squeeze %dma_start3A_742 : memref<1x8192xf32, #tpu.memory_space<vmem>> -> memref<8192xf32, #tpu.memory_space<vmem>>
      %dma_start3A_744 = arith.constant 0 : i32
      %dma_start3A_745 = tpu.memref_slice %arg16[%dma_start3A_739, %dma_start3A_744] : memref<1x8192xi32, #tpu.memory_space<vmem>> -> memref<1x8192xi32, #tpu.memory_space<vmem>>
      %dma_start3A_746 = tpu.memref_squeeze %dma_start3A_745 : memref<1x8192xi32, #tpu.memory_space<vmem>> -> memref<8192xi32, #tpu.memory_space<vmem>>
      %dma_start3A_747 = arith.constant 0 : i32
      %dma_start3A_748 = tpu.memref_slice %arg8[%dma_start3A_747] : memref<100352xf32, #tpu.memory_space<vmem_shared>> -> memref<100352xf32, #tpu.memory_space<vmem_shared>>
      %dma_start3A_749 = tpu.memref_slice %arg26[%dma_start3A_740] : memref<3x!tpu.dma_semaphore, #tpu.memory_space<semaphore_mem>> -> memref<1x!tpu.dma_semaphore, #tpu.memory_space<semaphore_mem>>
      %dma_start3A_750 = tpu.memref_squeeze %dma_start3A_749 : memref<1x!tpu.dma_semaphore, #tpu.memory_space<semaphore_mem>> -> memref<!tpu.dma_semaphore, #tpu.memory_space<semaphore_mem>>
      tpu.enqueue_indirect_dma source(%dma_start3A_743 : memref<8192xf32, #tpu.memory_space<vmem>>) target(%dma_start3A_748 : memref<100352xf32, #tpu.memory_space<vmem_shared>>) offsets(%dma_start3A_746 : memref<8192xi32, #tpu.memory_space<vmem>>) semaphore(%dma_start3A_750 : memref<!tpu.dma_semaphore, #tpu.memory_space<semaphore_mem>>) {add = true}
      %dma_wait3A_751 = arith.constant 0 : i32
      %dma_wait3A_752 = arith.constant 0 : i32
      %dma_wait3A_753 = tpu.memref_slice %arg3[%add3A_710, %dma_wait3A_752] : memref<400x8192xi32, #tpu.memory_space<hbm>> -> memref<1x8192xi32, #tpu.memory_space<hbm>>
      %dma_wait3A_754 = tpu.memref_slice %arg24[%dma_wait3A_751] : memref<3x!tpu.dma_semaphore, #tpu.memory_space<semaphore_mem>> -> memref<1x!tpu.dma_semaphore, #tpu.memory_space<semaphore_mem>>
      %dma_wait3A_755 = tpu.memref_squeeze %dma_wait3A_754 : memref<1x!tpu.dma_semaphore, #tpu.memory_space<semaphore_mem>> -> memref<!tpu.dma_semaphore, #tpu.memory_space<semaphore_mem>>
      %dma_wait3A_756 = arith.constant 0 : i32
      %dma_wait3A_757 = tpu.memref_slice %arg3[%add3A_710, %dma_wait3A_756] : memref<400x8192xi32, #tpu.memory_space<hbm>> -> memref<1x8192xi32, #tpu.memory_space<hbm>>
      tpu.wait_dma2 semaphore(%dma_wait3A_755 : memref<!tpu.dma_semaphore, #tpu.memory_space<semaphore_mem>>) src(%dma_wait3A_757 : memref<1x8192xi32, #tpu.memory_space<hbm>>) dst(%arg11 : memref<1x8192xi32, #tpu.memory_space<vmem>>)
      %dma_wait3A_758 = arith.constant 0 : i32
      %dma_wait3A_759 = arith.constant 0 : i32
      %dma_wait3A_760 = tpu.memref_slice %arg4[%add3A_710, %dma_wait3A_759] : memref<400x8192xi32, #tpu.memory_space<hbm>> -> memref<1x8192xi32, #tpu.memory_space<hbm>>
      %dma_wait3A_761 = tpu.memref_slice %arg24[%dma_wait3A_758] : memref<3x!tpu.dma_semaphore, #tpu.memory_space<semaphore_mem>> -> memref<1x!tpu.dma_semaphore, #tpu.memory_space<semaphore_mem>>
      %dma_wait3A_762 = tpu.memref_squeeze %dma_wait3A_761 : memref<1x!tpu.dma_semaphore, #tpu.memory_space<semaphore_mem>> -> memref<!tpu.dma_semaphore, #tpu.memory_space<semaphore_mem>>
      %dma_wait3A_763 = arith.constant 0 : i32
      %dma_wait3A_764 = tpu.memref_slice %arg4[%add3A_710, %dma_wait3A_763] : memref<400x8192xi32, #tpu.memory_space<hbm>> -> memref<1x8192xi32, #tpu.memory_space<hbm>>
      tpu.wait_dma2 semaphore(%dma_wait3A_762 : memref<!tpu.dma_semaphore, #tpu.memory_space<semaphore_mem>>) src(%dma_wait3A_764 : memref<1x8192xi32, #tpu.memory_space<hbm>>) dst(%arg14 : memref<1x8192xi32, #tpu.memory_space<vmem>>)
      %dma_start3A_765 = arith.constant 0 : i32
      %dma_start3A_766 = arith.constant 0 : i32
      %dma_start3A_767 = arith.constant 0 : i32
      %dma_start3A_768 = arith.constant 0 : i32
      %dma_start3A_769 = tpu.memref_slice %arg17[%dma_start3A_766, %dma_start3A_768] : memref<1x8192xf32, #tpu.memory_space<vmem>> -> memref<1x8192xf32, #tpu.memory_space<vmem>>
      %dma_start3A_770 = tpu.memref_squeeze %dma_start3A_769 : memref<1x8192xf32, #tpu.memory_space<vmem>> -> memref<8192xf32, #tpu.memory_space<vmem>>
      %dma_start3A_771 = arith.constant 0 : i32
      %dma_start3A_772 = tpu.memref_slice %arg11[%dma_start3A_765, %dma_start3A_771] : memref<1x8192xi32, #tpu.memory_space<vmem>> -> memref<1x8192xi32, #tpu.memory_space<vmem>>
      %dma_start3A_773 = tpu.memref_squeeze %dma_start3A_772 : memref<1x8192xi32, #tpu.memory_space<vmem>> -> memref<8192xi32, #tpu.memory_space<vmem>>
      %dma_start3A_774 = arith.constant 0 : i32
      %dma_start3A_775 = tpu.memref_slice %arg7[%dma_start3A_774] : memref<100352xf32, #tpu.memory_space<vmem_shared>> -> memref<100352xf32, #tpu.memory_space<vmem_shared>>
      %dma_start3A_776 = tpu.memref_slice %arg25[%dma_start3A_767] : memref<3x!tpu.dma_semaphore, #tpu.memory_space<semaphore_mem>> -> memref<1x!tpu.dma_semaphore, #tpu.memory_space<semaphore_mem>>
      %dma_start3A_777 = tpu.memref_squeeze %dma_start3A_776 : memref<1x!tpu.dma_semaphore, #tpu.memory_space<semaphore_mem>> -> memref<!tpu.dma_semaphore, #tpu.memory_space<semaphore_mem>>
      tpu.enqueue_indirect_dma source(%dma_start3A_775 : memref<100352xf32, #tpu.memory_space<vmem_shared>>) target(%dma_start3A_770 : memref<8192xf32, #tpu.memory_space<vmem>>) offsets(%dma_start3A_773 : memref<8192xi32, #tpu.memory_space<vmem>>) semaphore(%dma_start3A_777 : memref<!tpu.dma_semaphore, #tpu.memory_space<semaphore_mem>>)
      %dma_wait3A_778 = arith.constant 0 : i32
      %dma_wait3A_779 = arith.constant 0 : i32
      %dma_wait3A_780 = arith.constant 1 : i32
      %dma_wait3A_781 = arith.constant 0 : i32
      %dma_wait3A_782 = tpu.memref_slice %arg18[%dma_wait3A_778, %dma_wait3A_781] : memref<1x8192xf32, #tpu.memory_space<vmem>> -> memref<1x8192xf32, #tpu.memory_space<vmem>>
      %dma_wait3A_783 = tpu.memref_squeeze %dma_wait3A_782 : memref<1x8192xf32, #tpu.memory_space<vmem>> -> memref<8192xf32, #tpu.memory_space<vmem>>
      %dma_wait3A_784 = arith.constant 0 : i32
      %dma_wait3A_785 = tpu.memref_slice %arg15[%dma_wait3A_779, %dma_wait3A_784] : memref<1x8192xi32, #tpu.memory_space<vmem>> -> memref<1x8192xi32, #tpu.memory_space<vmem>>
      %dma_wait3A_786 = tpu.memref_squeeze %dma_wait3A_785 : memref<1x8192xi32, #tpu.memory_space<vmem>> -> memref<8192xi32, #tpu.memory_space<vmem>>
      %dma_wait3A_787 = arith.constant 0 : i32
      %dma_wait3A_788 = tpu.memref_slice %arg8[%dma_wait3A_787] : memref<100352xf32, #tpu.memory_space<vmem_shared>> -> memref<100352xf32, #tpu.memory_space<vmem_shared>>
      %dma_wait3A_789 = tpu.memref_slice %arg26[%dma_wait3A_780] : memref<3x!tpu.dma_semaphore, #tpu.memory_space<semaphore_mem>> -> memref<1x!tpu.dma_semaphore, #tpu.memory_space<semaphore_mem>>
      %dma_wait3A_790 = tpu.memref_squeeze %dma_wait3A_789 : memref<1x!tpu.dma_semaphore, #tpu.memory_space<semaphore_mem>> -> memref<!tpu.dma_semaphore, #tpu.memory_space<semaphore_mem>>
      tpu.wait_indirect_dma semaphore(%dma_wait3A_790 : memref<!tpu.dma_semaphore, #tpu.memory_space<semaphore_mem>>) src(%dma_wait3A_783 : memref<8192xf32, #tpu.memory_space<vmem>>) dst(%dma_wait3A_788 : memref<100352xf32, #tpu.memory_space<vmem_shared>>)
      %add3A_791 = arith.constant 10 : i32
      %add3A_792 = arith.addi %mul3A_2, %add3A_791 : i32
      %dma_start3A_793 = arith.constant 1 : i32
      %dma_start3A_794 = arith.constant 0 : i32
      %dma_start3A_795 = tpu.memref_slice %arg3[%add3A_792, %dma_start3A_794] : memref<400x8192xi32, #tpu.memory_space<hbm>> -> memref<1x8192xi32, #tpu.memory_space<hbm>>
      %dma_start3A_796 = tpu.memref_slice %arg24[%dma_start3A_793] : memref<3x!tpu.dma_semaphore, #tpu.memory_space<semaphore_mem>> -> memref<1x!tpu.dma_semaphore, #tpu.memory_space<semaphore_mem>>
      %dma_start3A_797 = tpu.memref_squeeze %dma_start3A_796 : memref<1x!tpu.dma_semaphore, #tpu.memory_space<semaphore_mem>> -> memref<!tpu.dma_semaphore, #tpu.memory_space<semaphore_mem>>
      %dma_start3A_798 = arith.constant 0 : i32
      %dma_start3A_799 = tpu.memref_slice %arg3[%add3A_792, %dma_start3A_798] : memref<400x8192xi32, #tpu.memory_space<hbm>> -> memref<1x8192xi32, #tpu.memory_space<hbm>>
      tpu.enqueue_dma source(%dma_start3A_799 : memref<1x8192xi32, #tpu.memory_space<hbm>>) target(%arg12 : memref<1x8192xi32, #tpu.memory_space<vmem>>) target_semaphore(%dma_start3A_797 : memref<!tpu.dma_semaphore, #tpu.memory_space<semaphore_mem>>)
      %dma_start3A_800 = arith.constant 1 : i32
      %dma_start3A_801 = arith.constant 0 : i32
      %dma_start3A_802 = tpu.memref_slice %arg4[%add3A_792, %dma_start3A_801] : memref<400x8192xi32, #tpu.memory_space<hbm>> -> memref<1x8192xi32, #tpu.memory_space<hbm>>
      %dma_start3A_803 = tpu.memref_slice %arg24[%dma_start3A_800] : memref<3x!tpu.dma_semaphore, #tpu.memory_space<semaphore_mem>> -> memref<1x!tpu.dma_semaphore, #tpu.memory_space<semaphore_mem>>
      %dma_start3A_804 = tpu.memref_squeeze %dma_start3A_803 : memref<1x!tpu.dma_semaphore, #tpu.memory_space<semaphore_mem>> -> memref<!tpu.dma_semaphore, #tpu.memory_space<semaphore_mem>>
      %dma_start3A_805 = arith.constant 0 : i32
      %dma_start3A_806 = tpu.memref_slice %arg4[%add3A_792, %dma_start3A_805] : memref<400x8192xi32, #tpu.memory_space<hbm>> -> memref<1x8192xi32, #tpu.memory_space<hbm>>
      tpu.enqueue_dma source(%dma_start3A_806 : memref<1x8192xi32, #tpu.memory_space<hbm>>) target(%arg15 : memref<1x8192xi32, #tpu.memory_space<vmem>>) target_semaphore(%dma_start3A_804 : memref<!tpu.dma_semaphore, #tpu.memory_space<semaphore_mem>>)
      %dma_wait3A_807 = arith.constant 0 : i32
      %dma_wait3A_808 = arith.constant 0 : i32
      %dma_wait3A_809 = arith.constant 0 : i32
      %dma_wait3A_810 = arith.constant 0 : i32
      %dma_wait3A_811 = tpu.memref_slice %arg17[%dma_wait3A_808, %dma_wait3A_810] : memref<1x8192xf32, #tpu.memory_space<vmem>> -> memref<1x8192xf32, #tpu.memory_space<vmem>>
      %dma_wait3A_812 = tpu.memref_squeeze %dma_wait3A_811 : memref<1x8192xf32, #tpu.memory_space<vmem>> -> memref<8192xf32, #tpu.memory_space<vmem>>
      %dma_wait3A_813 = arith.constant 0 : i32
      %dma_wait3A_814 = tpu.memref_slice %arg11[%dma_wait3A_807, %dma_wait3A_813] : memref<1x8192xi32, #tpu.memory_space<vmem>> -> memref<1x8192xi32, #tpu.memory_space<vmem>>
      %dma_wait3A_815 = tpu.memref_squeeze %dma_wait3A_814 : memref<1x8192xi32, #tpu.memory_space<vmem>> -> memref<8192xi32, #tpu.memory_space<vmem>>
      %dma_wait3A_816 = arith.constant 0 : i32
      %dma_wait3A_817 = tpu.memref_slice %arg7[%dma_wait3A_816] : memref<100352xf32, #tpu.memory_space<vmem_shared>> -> memref<100352xf32, #tpu.memory_space<vmem_shared>>
      %dma_wait3A_818 = tpu.memref_slice %arg25[%dma_wait3A_809] : memref<3x!tpu.dma_semaphore, #tpu.memory_space<semaphore_mem>> -> memref<1x!tpu.dma_semaphore, #tpu.memory_space<semaphore_mem>>
      %dma_wait3A_819 = tpu.memref_squeeze %dma_wait3A_818 : memref<1x!tpu.dma_semaphore, #tpu.memory_space<semaphore_mem>> -> memref<!tpu.dma_semaphore, #tpu.memory_space<semaphore_mem>>
      tpu.wait_indirect_dma semaphore(%dma_wait3A_819 : memref<!tpu.dma_semaphore, #tpu.memory_space<semaphore_mem>>) src(%dma_wait3A_817 : memref<100352xf32, #tpu.memory_space<vmem_shared>>) dst(%dma_wait3A_812 : memref<8192xf32, #tpu.memory_space<vmem>>)
      %dma_start3A_820 = arith.constant 0 : i32
      %dma_start3A_821 = arith.constant 0 : i32
      %dma_start3A_822 = arith.constant 0 : i32
      %dma_start3A_823 = arith.constant 0 : i32
      %dma_start3A_824 = tpu.memref_slice %arg17[%dma_start3A_820, %dma_start3A_823] : memref<1x8192xf32, #tpu.memory_space<vmem>> -> memref<1x8192xf32, #tpu.memory_space<vmem>>
      %dma_start3A_825 = tpu.memref_squeeze %dma_start3A_824 : memref<1x8192xf32, #tpu.memory_space<vmem>> -> memref<8192xf32, #tpu.memory_space<vmem>>
      %dma_start3A_826 = arith.constant 0 : i32
      %dma_start3A_827 = tpu.memref_slice %arg14[%dma_start3A_821, %dma_start3A_826] : memref<1x8192xi32, #tpu.memory_space<vmem>> -> memref<1x8192xi32, #tpu.memory_space<vmem>>
      %dma_start3A_828 = tpu.memref_squeeze %dma_start3A_827 : memref<1x8192xi32, #tpu.memory_space<vmem>> -> memref<8192xi32, #tpu.memory_space<vmem>>
      %dma_start3A_829 = arith.constant 0 : i32
      %dma_start3A_830 = tpu.memref_slice %arg8[%dma_start3A_829] : memref<100352xf32, #tpu.memory_space<vmem_shared>> -> memref<100352xf32, #tpu.memory_space<vmem_shared>>
      %dma_start3A_831 = tpu.memref_slice %arg26[%dma_start3A_822] : memref<3x!tpu.dma_semaphore, #tpu.memory_space<semaphore_mem>> -> memref<1x!tpu.dma_semaphore, #tpu.memory_space<semaphore_mem>>
      %dma_start3A_832 = tpu.memref_squeeze %dma_start3A_831 : memref<1x!tpu.dma_semaphore, #tpu.memory_space<semaphore_mem>> -> memref<!tpu.dma_semaphore, #tpu.memory_space<semaphore_mem>>
      tpu.enqueue_indirect_dma source(%dma_start3A_825 : memref<8192xf32, #tpu.memory_space<vmem>>) target(%dma_start3A_830 : memref<100352xf32, #tpu.memory_space<vmem_shared>>) offsets(%dma_start3A_828 : memref<8192xi32, #tpu.memory_space<vmem>>) semaphore(%dma_start3A_832 : memref<!tpu.dma_semaphore, #tpu.memory_space<semaphore_mem>>) {add = true}
      %dma_wait3A_833 = arith.constant 1 : i32
      %dma_wait3A_834 = arith.constant 0 : i32
      %dma_wait3A_835 = tpu.memref_slice %arg3[%add3A_792, %dma_wait3A_834] : memref<400x8192xi32, #tpu.memory_space<hbm>> -> memref<1x8192xi32, #tpu.memory_space<hbm>>
      %dma_wait3A_836 = tpu.memref_slice %arg24[%dma_wait3A_833] : memref<3x!tpu.dma_semaphore, #tpu.memory_space<semaphore_mem>> -> memref<1x!tpu.dma_semaphore, #tpu.memory_space<semaphore_mem>>
      %dma_wait3A_837 = tpu.memref_squeeze %dma_wait3A_836 : memref<1x!tpu.dma_semaphore, #tpu.memory_space<semaphore_mem>> -> memref<!tpu.dma_semaphore, #tpu.memory_space<semaphore_mem>>
      %dma_wait3A_838 = arith.constant 0 : i32
      %dma_wait3A_839 = tpu.memref_slice %arg3[%add3A_792, %dma_wait3A_838] : memref<400x8192xi32, #tpu.memory_space<hbm>> -> memref<1x8192xi32, #tpu.memory_space<hbm>>
      tpu.wait_dma2 semaphore(%dma_wait3A_837 : memref<!tpu.dma_semaphore, #tpu.memory_space<semaphore_mem>>) src(%dma_wait3A_839 : memref<1x8192xi32, #tpu.memory_space<hbm>>) dst(%arg12 : memref<1x8192xi32, #tpu.memory_space<vmem>>)
      %dma_wait3A_840 = arith.constant 1 : i32
      %dma_wait3A_841 = arith.constant 0 : i32
      %dma_wait3A_842 = tpu.memref_slice %arg4[%add3A_792, %dma_wait3A_841] : memref<400x8192xi32, #tpu.memory_space<hbm>> -> memref<1x8192xi32, #tpu.memory_space<hbm>>
      %dma_wait3A_843 = tpu.memref_slice %arg24[%dma_wait3A_840] : memref<3x!tpu.dma_semaphore, #tpu.memory_space<semaphore_mem>> -> memref<1x!tpu.dma_semaphore, #tpu.memory_space<semaphore_mem>>
      %dma_wait3A_844 = tpu.memref_squeeze %dma_wait3A_843 : memref<1x!tpu.dma_semaphore, #tpu.memory_space<semaphore_mem>> -> memref<!tpu.dma_semaphore, #tpu.memory_space<semaphore_mem>>
      %dma_wait3A_845 = arith.constant 0 : i32
      %dma_wait3A_846 = tpu.memref_slice %arg4[%add3A_792, %dma_wait3A_845] : memref<400x8192xi32, #tpu.memory_space<hbm>> -> memref<1x8192xi32, #tpu.memory_space<hbm>>
      tpu.wait_dma2 semaphore(%dma_wait3A_844 : memref<!tpu.dma_semaphore, #tpu.memory_space<semaphore_mem>>) src(%dma_wait3A_846 : memref<1x8192xi32, #tpu.memory_space<hbm>>) dst(%arg15 : memref<1x8192xi32, #tpu.memory_space<vmem>>)
      %dma_start3A_847 = arith.constant 0 : i32
      %dma_start3A_848 = arith.constant 0 : i32
      %dma_start3A_849 = arith.constant 1 : i32
      %dma_start3A_850 = arith.constant 0 : i32
      %dma_start3A_851 = tpu.memref_slice %arg18[%dma_start3A_848, %dma_start3A_850] : memref<1x8192xf32, #tpu.memory_space<vmem>> -> memref<1x8192xf32, #tpu.memory_space<vmem>>
      %dma_start3A_852 = tpu.memref_squeeze %dma_start3A_851 : memref<1x8192xf32, #tpu.memory_space<vmem>> -> memref<8192xf32, #tpu.memory_space<vmem>>
      %dma_start3A_853 = arith.constant 0 : i32
      %dma_start3A_854 = tpu.memref_slice %arg12[%dma_start3A_847, %dma_start3A_853] : memref<1x8192xi32, #tpu.memory_space<vmem>> -> memref<1x8192xi32, #tpu.memory_space<vmem>>
      %dma_start3A_855 = tpu.memref_squeeze %dma_start3A_854 : memref<1x8192xi32, #tpu.memory_space<vmem>> -> memref<8192xi32, #tpu.memory_space<vmem>>
      %dma_start3A_856 = arith.constant 0 : i32
      %dma_start3A_857 = tpu.memref_slice %arg7[%dma_start3A_856] : memref<100352xf32, #tpu.memory_space<vmem_shared>> -> memref<100352xf32, #tpu.memory_space<vmem_shared>>
      %dma_start3A_858 = tpu.memref_slice %arg25[%dma_start3A_849] : memref<3x!tpu.dma_semaphore, #tpu.memory_space<semaphore_mem>> -> memref<1x!tpu.dma_semaphore, #tpu.memory_space<semaphore_mem>>
      %dma_start3A_859 = tpu.memref_squeeze %dma_start3A_858 : memref<1x!tpu.dma_semaphore, #tpu.memory_space<semaphore_mem>> -> memref<!tpu.dma_semaphore, #tpu.memory_space<semaphore_mem>>
      tpu.enqueue_indirect_dma source(%dma_start3A_857 : memref<100352xf32, #tpu.memory_space<vmem_shared>>) target(%dma_start3A_852 : memref<8192xf32, #tpu.memory_space<vmem>>) offsets(%dma_start3A_855 : memref<8192xi32, #tpu.memory_space<vmem>>) semaphore(%dma_start3A_859 : memref<!tpu.dma_semaphore, #tpu.memory_space<semaphore_mem>>)
      %dma_wait3A_860 = arith.constant 0 : i32
      %dma_wait3A_861 = arith.constant 0 : i32
      %dma_wait3A_862 = arith.constant 2 : i32
      %dma_wait3A_863 = arith.constant 0 : i32
      %dma_wait3A_864 = tpu.memref_slice %arg19[%dma_wait3A_860, %dma_wait3A_863] : memref<1x8192xf32, #tpu.memory_space<vmem>> -> memref<1x8192xf32, #tpu.memory_space<vmem>>
      %dma_wait3A_865 = tpu.memref_squeeze %dma_wait3A_864 : memref<1x8192xf32, #tpu.memory_space<vmem>> -> memref<8192xf32, #tpu.memory_space<vmem>>
      %dma_wait3A_866 = arith.constant 0 : i32
      %dma_wait3A_867 = tpu.memref_slice %arg16[%dma_wait3A_861, %dma_wait3A_866] : memref<1x8192xi32, #tpu.memory_space<vmem>> -> memref<1x8192xi32, #tpu.memory_space<vmem>>
      %dma_wait3A_868 = tpu.memref_squeeze %dma_wait3A_867 : memref<1x8192xi32, #tpu.memory_space<vmem>> -> memref<8192xi32, #tpu.memory_space<vmem>>
      %dma_wait3A_869 = arith.constant 0 : i32
      %dma_wait3A_870 = tpu.memref_slice %arg8[%dma_wait3A_869] : memref<100352xf32, #tpu.memory_space<vmem_shared>> -> memref<100352xf32, #tpu.memory_space<vmem_shared>>
      %dma_wait3A_871 = tpu.memref_slice %arg26[%dma_wait3A_862] : memref<3x!tpu.dma_semaphore, #tpu.memory_space<semaphore_mem>> -> memref<1x!tpu.dma_semaphore, #tpu.memory_space<semaphore_mem>>
      %dma_wait3A_872 = tpu.memref_squeeze %dma_wait3A_871 : memref<1x!tpu.dma_semaphore, #tpu.memory_space<semaphore_mem>> -> memref<!tpu.dma_semaphore, #tpu.memory_space<semaphore_mem>>
      tpu.wait_indirect_dma semaphore(%dma_wait3A_872 : memref<!tpu.dma_semaphore, #tpu.memory_space<semaphore_mem>>) src(%dma_wait3A_865 : memref<8192xf32, #tpu.memory_space<vmem>>) dst(%dma_wait3A_870 : memref<100352xf32, #tpu.memory_space<vmem_shared>>)
      %add3A_873 = arith.constant 11 : i32
      %add3A_874 = arith.addi %mul3A_2, %add3A_873 : i32
      %dma_start3A_875 = arith.constant 2 : i32
      %dma_start3A_876 = arith.constant 0 : i32
      %dma_start3A_877 = tpu.memref_slice %arg3[%add3A_874, %dma_start3A_876] : memref<400x8192xi32, #tpu.memory_space<hbm>> -> memref<1x8192xi32, #tpu.memory_space<hbm>>
      %dma_start3A_878 = tpu.memref_slice %arg24[%dma_start3A_875] : memref<3x!tpu.dma_semaphore, #tpu.memory_space<semaphore_mem>> -> memref<1x!tpu.dma_semaphore, #tpu.memory_space<semaphore_mem>>
      %dma_start3A_879 = tpu.memref_squeeze %dma_start3A_878 : memref<1x!tpu.dma_semaphore, #tpu.memory_space<semaphore_mem>> -> memref<!tpu.dma_semaphore, #tpu.memory_space<semaphore_mem>>
      %dma_start3A_880 = arith.constant 0 : i32
      %dma_start3A_881 = tpu.memref_slice %arg3[%add3A_874, %dma_start3A_880] : memref<400x8192xi32, #tpu.memory_space<hbm>> -> memref<1x8192xi32, #tpu.memory_space<hbm>>
      tpu.enqueue_dma source(%dma_start3A_881 : memref<1x8192xi32, #tpu.memory_space<hbm>>) target(%arg13 : memref<1x8192xi32, #tpu.memory_space<vmem>>) target_semaphore(%dma_start3A_879 : memref<!tpu.dma_semaphore, #tpu.memory_space<semaphore_mem>>)
      %dma_start3A_882 = arith.constant 2 : i32
      %dma_start3A_883 = arith.constant 0 : i32
      %dma_start3A_884 = tpu.memref_slice %arg4[%add3A_874, %dma_start3A_883] : memref<400x8192xi32, #tpu.memory_space<hbm>> -> memref<1x8192xi32, #tpu.memory_space<hbm>>
      %dma_start3A_885 = tpu.memref_slice %arg24[%dma_start3A_882] : memref<3x!tpu.dma_semaphore, #tpu.memory_space<semaphore_mem>> -> memref<1x!tpu.dma_semaphore, #tpu.memory_space<semaphore_mem>>
      %dma_start3A_886 = tpu.memref_squeeze %dma_start3A_885 : memref<1x!tpu.dma_semaphore, #tpu.memory_space<semaphore_mem>> -> memref<!tpu.dma_semaphore, #tpu.memory_space<semaphore_mem>>
      %dma_start3A_887 = arith.constant 0 : i32
      %dma_start3A_888 = tpu.memref_slice %arg4[%add3A_874, %dma_start3A_887] : memref<400x8192xi32, #tpu.memory_space<hbm>> -> memref<1x8192xi32, #tpu.memory_space<hbm>>
      tpu.enqueue_dma source(%dma_start3A_888 : memref<1x8192xi32, #tpu.memory_space<hbm>>) target(%arg16 : memref<1x8192xi32, #tpu.memory_space<vmem>>) target_semaphore(%dma_start3A_886 : memref<!tpu.dma_semaphore, #tpu.memory_space<semaphore_mem>>)
      %dma_wait3A_889 = arith.constant 0 : i32
      %dma_wait3A_890 = arith.constant 0 : i32
      %dma_wait3A_891 = arith.constant 1 : i32
      %dma_wait3A_892 = arith.constant 0 : i32
      %dma_wait3A_893 = tpu.memref_slice %arg18[%dma_wait3A_890, %dma_wait3A_892] : memref<1x8192xf32, #tpu.memory_space<vmem>> -> memref<1x8192xf32, #tpu.memory_space<vmem>>
      %dma_wait3A_894 = tpu.memref_squeeze %dma_wait3A_893 : memref<1x8192xf32, #tpu.memory_space<vmem>> -> memref<8192xf32, #tpu.memory_space<vmem>>
      %dma_wait3A_895 = arith.constant 0 : i32
      %dma_wait3A_896 = tpu.memref_slice %arg12[%dma_wait3A_889, %dma_wait3A_895] : memref<1x8192xi32, #tpu.memory_space<vmem>> -> memref<1x8192xi32, #tpu.memory_space<vmem>>
      %dma_wait3A_897 = tpu.memref_squeeze %dma_wait3A_896 : memref<1x8192xi32, #tpu.memory_space<vmem>> -> memref<8192xi32, #tpu.memory_space<vmem>>
      %dma_wait3A_898 = arith.constant 0 : i32
      %dma_wait3A_899 = tpu.memref_slice %arg7[%dma_wait3A_898] : memref<100352xf32, #tpu.memory_space<vmem_shared>> -> memref<100352xf32, #tpu.memory_space<vmem_shared>>
      %dma_wait3A_900 = tpu.memref_slice %arg25[%dma_wait3A_891] : memref<3x!tpu.dma_semaphore, #tpu.memory_space<semaphore_mem>> -> memref<1x!tpu.dma_semaphore, #tpu.memory_space<semaphore_mem>>
      %dma_wait3A_901 = tpu.memref_squeeze %dma_wait3A_900 : memref<1x!tpu.dma_semaphore, #tpu.memory_space<semaphore_mem>> -> memref<!tpu.dma_semaphore, #tpu.memory_space<semaphore_mem>>
      tpu.wait_indirect_dma semaphore(%dma_wait3A_901 : memref<!tpu.dma_semaphore, #tpu.memory_space<semaphore_mem>>) src(%dma_wait3A_899 : memref<100352xf32, #tpu.memory_space<vmem_shared>>) dst(%dma_wait3A_894 : memref<8192xf32, #tpu.memory_space<vmem>>)
      %dma_start3A_902 = arith.constant 0 : i32
      %dma_start3A_903 = arith.constant 0 : i32
      %dma_start3A_904 = arith.constant 1 : i32
      %dma_start3A_905 = arith.constant 0 : i32
      %dma_start3A_906 = tpu.memref_slice %arg18[%dma_start3A_902, %dma_start3A_905] : memref<1x8192xf32, #tpu.memory_space<vmem>> -> memref<1x8192xf32, #tpu.memory_space<vmem>>
      %dma_start3A_907 = tpu.memref_squeeze %dma_start3A_906 : memref<1x8192xf32, #tpu.memory_space<vmem>> -> memref<8192xf32, #tpu.memory_space<vmem>>
      %dma_start3A_908 = arith.constant 0 : i32
      %dma_start3A_909 = tpu.memref_slice %arg15[%dma_start3A_903, %dma_start3A_908] : memref<1x8192xi32, #tpu.memory_space<vmem>> -> memref<1x8192xi32, #tpu.memory_space<vmem>>
      %dma_start3A_910 = tpu.memref_squeeze %dma_start3A_909 : memref<1x8192xi32, #tpu.memory_space<vmem>> -> memref<8192xi32, #tpu.memory_space<vmem>>
      %dma_start3A_911 = arith.constant 0 : i32
      %dma_start3A_912 = tpu.memref_slice %arg8[%dma_start3A_911] : memref<100352xf32, #tpu.memory_space<vmem_shared>> -> memref<100352xf32, #tpu.memory_space<vmem_shared>>
      %dma_start3A_913 = tpu.memref_slice %arg26[%dma_start3A_904] : memref<3x!tpu.dma_semaphore, #tpu.memory_space<semaphore_mem>> -> memref<1x!tpu.dma_semaphore, #tpu.memory_space<semaphore_mem>>
      %dma_start3A_914 = tpu.memref_squeeze %dma_start3A_913 : memref<1x!tpu.dma_semaphore, #tpu.memory_space<semaphore_mem>> -> memref<!tpu.dma_semaphore, #tpu.memory_space<semaphore_mem>>
      tpu.enqueue_indirect_dma source(%dma_start3A_907 : memref<8192xf32, #tpu.memory_space<vmem>>) target(%dma_start3A_912 : memref<100352xf32, #tpu.memory_space<vmem_shared>>) offsets(%dma_start3A_910 : memref<8192xi32, #tpu.memory_space<vmem>>) semaphore(%dma_start3A_914 : memref<!tpu.dma_semaphore, #tpu.memory_space<semaphore_mem>>) {add = true}
      %dma_wait3A_915 = arith.constant 2 : i32
      %dma_wait3A_916 = arith.constant 0 : i32
      %dma_wait3A_917 = tpu.memref_slice %arg3[%add3A_874, %dma_wait3A_916] : memref<400x8192xi32, #tpu.memory_space<hbm>> -> memref<1x8192xi32, #tpu.memory_space<hbm>>
      %dma_wait3A_918 = tpu.memref_slice %arg24[%dma_wait3A_915] : memref<3x!tpu.dma_semaphore, #tpu.memory_space<semaphore_mem>> -> memref<1x!tpu.dma_semaphore, #tpu.memory_space<semaphore_mem>>
      %dma_wait3A_919 = tpu.memref_squeeze %dma_wait3A_918 : memref<1x!tpu.dma_semaphore, #tpu.memory_space<semaphore_mem>> -> memref<!tpu.dma_semaphore, #tpu.memory_space<semaphore_mem>>
      %dma_wait3A_920 = arith.constant 0 : i32
      %dma_wait3A_921 = tpu.memref_slice %arg3[%add3A_874, %dma_wait3A_920] : memref<400x8192xi32, #tpu.memory_space<hbm>> -> memref<1x8192xi32, #tpu.memory_space<hbm>>
      tpu.wait_dma2 semaphore(%dma_wait3A_919 : memref<!tpu.dma_semaphore, #tpu.memory_space<semaphore_mem>>) src(%dma_wait3A_921 : memref<1x8192xi32, #tpu.memory_space<hbm>>) dst(%arg13 : memref<1x8192xi32, #tpu.memory_space<vmem>>)
      %dma_wait3A_922 = arith.constant 2 : i32
      %dma_wait3A_923 = arith.constant 0 : i32
      %dma_wait3A_924 = tpu.memref_slice %arg4[%add3A_874, %dma_wait3A_923] : memref<400x8192xi32, #tpu.memory_space<hbm>> -> memref<1x8192xi32, #tpu.memory_space<hbm>>
      %dma_wait3A_925 = tpu.memref_slice %arg24[%dma_wait3A_922] : memref<3x!tpu.dma_semaphore, #tpu.memory_space<semaphore_mem>> -> memref<1x!tpu.dma_semaphore, #tpu.memory_space<semaphore_mem>>
      %dma_wait3A_926 = tpu.memref_squeeze %dma_wait3A_925 : memref<1x!tpu.dma_semaphore, #tpu.memory_space<semaphore_mem>> -> memref<!tpu.dma_semaphore, #tpu.memory_space<semaphore_mem>>
      %dma_wait3A_927 = arith.constant 0 : i32
      %dma_wait3A_928 = tpu.memref_slice %arg4[%add3A_874, %dma_wait3A_927] : memref<400x8192xi32, #tpu.memory_space<hbm>> -> memref<1x8192xi32, #tpu.memory_space<hbm>>
      tpu.wait_dma2 semaphore(%dma_wait3A_926 : memref<!tpu.dma_semaphore, #tpu.memory_space<semaphore_mem>>) src(%dma_wait3A_928 : memref<1x8192xi32, #tpu.memory_space<hbm>>) dst(%arg16 : memref<1x8192xi32, #tpu.memory_space<vmem>>)
      %dma_start3A_929 = arith.constant 0 : i32
      %dma_start3A_930 = arith.constant 0 : i32
      %dma_start3A_931 = arith.constant 2 : i32
      %dma_start3A_932 = arith.constant 0 : i32
      %dma_start3A_933 = tpu.memref_slice %arg19[%dma_start3A_930, %dma_start3A_932] : memref<1x8192xf32, #tpu.memory_space<vmem>> -> memref<1x8192xf32, #tpu.memory_space<vmem>>
      %dma_start3A_934 = tpu.memref_squeeze %dma_start3A_933 : memref<1x8192xf32, #tpu.memory_space<vmem>> -> memref<8192xf32, #tpu.memory_space<vmem>>
      %dma_start3A_935 = arith.constant 0 : i32
      %dma_start3A_936 = tpu.memref_slice %arg13[%dma_start3A_929, %dma_start3A_935] : memref<1x8192xi32, #tpu.memory_space<vmem>> -> memref<1x8192xi32, #tpu.memory_space<vmem>>
      %dma_start3A_937 = tpu.memref_squeeze %dma_start3A_936 : memref<1x8192xi32, #tpu.memory_space<vmem>> -> memref<8192xi32, #tpu.memory_space<vmem>>
      %dma_start3A_938 = arith.constant 0 : i32
      %dma_start3A_939 = tpu.memref_slice %arg7[%dma_start3A_938] : memref<100352xf32, #tpu.memory_space<vmem_shared>> -> memref<100352xf32, #tpu.memory_space<vmem_shared>>
      %dma_start3A_940 = tpu.memref_slice %arg25[%dma_start3A_931] : memref<3x!tpu.dma_semaphore, #tpu.memory_space<semaphore_mem>> -> memref<1x!tpu.dma_semaphore, #tpu.memory_space<semaphore_mem>>
      %dma_start3A_941 = tpu.memref_squeeze %dma_start3A_940 : memref<1x!tpu.dma_semaphore, #tpu.memory_space<semaphore_mem>> -> memref<!tpu.dma_semaphore, #tpu.memory_space<semaphore_mem>>
      tpu.enqueue_indirect_dma source(%dma_start3A_939 : memref<100352xf32, #tpu.memory_space<vmem_shared>>) target(%dma_start3A_934 : memref<8192xf32, #tpu.memory_space<vmem>>) offsets(%dma_start3A_937 : memref<8192xi32, #tpu.memory_space<vmem>>) semaphore(%dma_start3A_941 : memref<!tpu.dma_semaphore, #tpu.memory_space<semaphore_mem>>)
      %dma_wait3A_942 = arith.constant 0 : i32
      %dma_wait3A_943 = arith.constant 0 : i32
      %dma_wait3A_944 = arith.constant 0 : i32
      %dma_wait3A_945 = arith.constant 0 : i32
      %dma_wait3A_946 = tpu.memref_slice %arg17[%dma_wait3A_942, %dma_wait3A_945] : memref<1x8192xf32, #tpu.memory_space<vmem>> -> memref<1x8192xf32, #tpu.memory_space<vmem>>
      %dma_wait3A_947 = tpu.memref_squeeze %dma_wait3A_946 : memref<1x8192xf32, #tpu.memory_space<vmem>> -> memref<8192xf32, #tpu.memory_space<vmem>>
      %dma_wait3A_948 = arith.constant 0 : i32
      %dma_wait3A_949 = tpu.memref_slice %arg14[%dma_wait3A_943, %dma_wait3A_948] : memref<1x8192xi32, #tpu.memory_space<vmem>> -> memref<1x8192xi32, #tpu.memory_space<vmem>>
      %dma_wait3A_950 = tpu.memref_squeeze %dma_wait3A_949 : memref<1x8192xi32, #tpu.memory_space<vmem>> -> memref<8192xi32, #tpu.memory_space<vmem>>
      %dma_wait3A_951 = arith.constant 0 : i32
      %dma_wait3A_952 = tpu.memref_slice %arg8[%dma_wait3A_951] : memref<100352xf32, #tpu.memory_space<vmem_shared>> -> memref<100352xf32, #tpu.memory_space<vmem_shared>>
      %dma_wait3A_953 = tpu.memref_slice %arg26[%dma_wait3A_944] : memref<3x!tpu.dma_semaphore, #tpu.memory_space<semaphore_mem>> -> memref<1x!tpu.dma_semaphore, #tpu.memory_space<semaphore_mem>>
      %dma_wait3A_954 = tpu.memref_squeeze %dma_wait3A_953 : memref<1x!tpu.dma_semaphore, #tpu.memory_space<semaphore_mem>> -> memref<!tpu.dma_semaphore, #tpu.memory_space<semaphore_mem>>
      tpu.wait_indirect_dma semaphore(%dma_wait3A_954 : memref<!tpu.dma_semaphore, #tpu.memory_space<semaphore_mem>>) src(%dma_wait3A_947 : memref<8192xf32, #tpu.memory_space<vmem>>) dst(%dma_wait3A_952 : memref<100352xf32, #tpu.memory_space<vmem_shared>>)
      %add3A_955 = arith.constant 12 : i32
      %add3A_956 = arith.addi %mul3A_2, %add3A_955 : i32
      %dma_start3A_957 = arith.constant 0 : i32
      %dma_start3A_958 = arith.constant 0 : i32
      %dma_start3A_959 = tpu.memref_slice %arg3[%add3A_956, %dma_start3A_958] : memref<400x8192xi32, #tpu.memory_space<hbm>> -> memref<1x8192xi32, #tpu.memory_space<hbm>>
      %dma_start3A_960 = tpu.memref_slice %arg24[%dma_start3A_957] : memref<3x!tpu.dma_semaphore, #tpu.memory_space<semaphore_mem>> -> memref<1x!tpu.dma_semaphore, #tpu.memory_space<semaphore_mem>>
      %dma_start3A_961 = tpu.memref_squeeze %dma_start3A_960 : memref<1x!tpu.dma_semaphore, #tpu.memory_space<semaphore_mem>> -> memref<!tpu.dma_semaphore, #tpu.memory_space<semaphore_mem>>
      %dma_start3A_962 = arith.constant 0 : i32
      %dma_start3A_963 = tpu.memref_slice %arg3[%add3A_956, %dma_start3A_962] : memref<400x8192xi32, #tpu.memory_space<hbm>> -> memref<1x8192xi32, #tpu.memory_space<hbm>>
      tpu.enqueue_dma source(%dma_start3A_963 : memref<1x8192xi32, #tpu.memory_space<hbm>>) target(%arg11 : memref<1x8192xi32, #tpu.memory_space<vmem>>) target_semaphore(%dma_start3A_961 : memref<!tpu.dma_semaphore, #tpu.memory_space<semaphore_mem>>)
      %dma_start3A_964 = arith.constant 0 : i32
      %dma_start3A_965 = arith.constant 0 : i32
      %dma_start3A_966 = tpu.memref_slice %arg4[%add3A_956, %dma_start3A_965] : memref<400x8192xi32, #tpu.memory_space<hbm>> -> memref<1x8192xi32, #tpu.memory_space<hbm>>
      %dma_start3A_967 = tpu.memref_slice %arg24[%dma_start3A_964] : memref<3x!tpu.dma_semaphore, #tpu.memory_space<semaphore_mem>> -> memref<1x!tpu.dma_semaphore, #tpu.memory_space<semaphore_mem>>
      %dma_start3A_968 = tpu.memref_squeeze %dma_start3A_967 : memref<1x!tpu.dma_semaphore, #tpu.memory_space<semaphore_mem>> -> memref<!tpu.dma_semaphore, #tpu.memory_space<semaphore_mem>>
      %dma_start3A_969 = arith.constant 0 : i32
      %dma_start3A_970 = tpu.memref_slice %arg4[%add3A_956, %dma_start3A_969] : memref<400x8192xi32, #tpu.memory_space<hbm>> -> memref<1x8192xi32, #tpu.memory_space<hbm>>
      tpu.enqueue_dma source(%dma_start3A_970 : memref<1x8192xi32, #tpu.memory_space<hbm>>) target(%arg14 : memref<1x8192xi32, #tpu.memory_space<vmem>>) target_semaphore(%dma_start3A_968 : memref<!tpu.dma_semaphore, #tpu.memory_space<semaphore_mem>>)
      %dma_wait3A_971 = arith.constant 0 : i32
      %dma_wait3A_972 = arith.constant 0 : i32
      %dma_wait3A_973 = arith.constant 2 : i32
      %dma_wait3A_974 = arith.constant 0 : i32
      %dma_wait3A_975 = tpu.memref_slice %arg19[%dma_wait3A_972, %dma_wait3A_974] : memref<1x8192xf32, #tpu.memory_space<vmem>> -> memref<1x8192xf32, #tpu.memory_space<vmem>>
      %dma_wait3A_976 = tpu.memref_squeeze %dma_wait3A_975 : memref<1x8192xf32, #tpu.memory_space<vmem>> -> memref<8192xf32, #tpu.memory_space<vmem>>
      %dma_wait3A_977 = arith.constant 0 : i32
      %dma_wait3A_978 = tpu.memref_slice %arg13[%dma_wait3A_971, %dma_wait3A_977] : memref<1x8192xi32, #tpu.memory_space<vmem>> -> memref<1x8192xi32, #tpu.memory_space<vmem>>
      %dma_wait3A_979 = tpu.memref_squeeze %dma_wait3A_978 : memref<1x8192xi32, #tpu.memory_space<vmem>> -> memref<8192xi32, #tpu.memory_space<vmem>>
      %dma_wait3A_980 = arith.constant 0 : i32
      %dma_wait3A_981 = tpu.memref_slice %arg7[%dma_wait3A_980] : memref<100352xf32, #tpu.memory_space<vmem_shared>> -> memref<100352xf32, #tpu.memory_space<vmem_shared>>
      %dma_wait3A_982 = tpu.memref_slice %arg25[%dma_wait3A_973] : memref<3x!tpu.dma_semaphore, #tpu.memory_space<semaphore_mem>> -> memref<1x!tpu.dma_semaphore, #tpu.memory_space<semaphore_mem>>
      %dma_wait3A_983 = tpu.memref_squeeze %dma_wait3A_982 : memref<1x!tpu.dma_semaphore, #tpu.memory_space<semaphore_mem>> -> memref<!tpu.dma_semaphore, #tpu.memory_space<semaphore_mem>>
      tpu.wait_indirect_dma semaphore(%dma_wait3A_983 : memref<!tpu.dma_semaphore, #tpu.memory_space<semaphore_mem>>) src(%dma_wait3A_981 : memref<100352xf32, #tpu.memory_space<vmem_shared>>) dst(%dma_wait3A_976 : memref<8192xf32, #tpu.memory_space<vmem>>)
      %dma_start3A_984 = arith.constant 0 : i32
      %dma_start3A_985 = arith.constant 0 : i32
      %dma_start3A_986 = arith.constant 2 : i32
      %dma_start3A_987 = arith.constant 0 : i32
      %dma_start3A_988 = tpu.memref_slice %arg19[%dma_start3A_984, %dma_start3A_987] : memref<1x8192xf32, #tpu.memory_space<vmem>> -> memref<1x8192xf32, #tpu.memory_space<vmem>>
      %dma_start3A_989 = tpu.memref_squeeze %dma_start3A_988 : memref<1x8192xf32, #tpu.memory_space<vmem>> -> memref<8192xf32, #tpu.memory_space<vmem>>
      %dma_start3A_990 = arith.constant 0 : i32
      %dma_start3A_991 = tpu.memref_slice %arg16[%dma_start3A_985, %dma_start3A_990] : memref<1x8192xi32, #tpu.memory_space<vmem>> -> memref<1x8192xi32, #tpu.memory_space<vmem>>
      %dma_start3A_992 = tpu.memref_squeeze %dma_start3A_991 : memref<1x8192xi32, #tpu.memory_space<vmem>> -> memref<8192xi32, #tpu.memory_space<vmem>>
      %dma_start3A_993 = arith.constant 0 : i32
      %dma_start3A_994 = tpu.memref_slice %arg8[%dma_start3A_993] : memref<100352xf32, #tpu.memory_space<vmem_shared>> -> memref<100352xf32, #tpu.memory_space<vmem_shared>>
      %dma_start3A_995 = tpu.memref_slice %arg26[%dma_start3A_986] : memref<3x!tpu.dma_semaphore, #tpu.memory_space<semaphore_mem>> -> memref<1x!tpu.dma_semaphore, #tpu.memory_space<semaphore_mem>>
      %dma_start3A_996 = tpu.memref_squeeze %dma_start3A_995 : memref<1x!tpu.dma_semaphore, #tpu.memory_space<semaphore_mem>> -> memref<!tpu.dma_semaphore, #tpu.memory_space<semaphore_mem>>
      tpu.enqueue_indirect_dma source(%dma_start3A_989 : memref<8192xf32, #tpu.memory_space<vmem>>) target(%dma_start3A_994 : memref<100352xf32, #tpu.memory_space<vmem_shared>>) offsets(%dma_start3A_992 : memref<8192xi32, #tpu.memory_space<vmem>>) semaphore(%dma_start3A_996 : memref<!tpu.dma_semaphore, #tpu.memory_space<semaphore_mem>>) {add = true}
      %dma_wait3A_997 = arith.constant 0 : i32
      %dma_wait3A_998 = arith.constant 0 : i32
      %dma_wait3A_999 = tpu.memref_slice %arg3[%add3A_956, %dma_wait3A_998] : memref<400x8192xi32, #tpu.memory_space<hbm>> -> memref<1x8192xi32, #tpu.memory_space<hbm>>
      %dma_wait3A_1000 = tpu.memref_slice %arg24[%dma_wait3A_997] : memref<3x!tpu.dma_semaphore, #tpu.memory_space<semaphore_mem>> -> memref<1x!tpu.dma_semaphore, #tpu.memory_space<semaphore_mem>>
      %dma_wait3A_1001 = tpu.memref_squeeze %dma_wait3A_1000 : memref<1x!tpu.dma_semaphore, #tpu.memory_space<semaphore_mem>> -> memref<!tpu.dma_semaphore, #tpu.memory_space<semaphore_mem>>
      %dma_wait3A_1002 = arith.constant 0 : i32
      %dma_wait3A_1003 = tpu.memref_slice %arg3[%add3A_956, %dma_wait3A_1002] : memref<400x8192xi32, #tpu.memory_space<hbm>> -> memref<1x8192xi32, #tpu.memory_space<hbm>>
      tpu.wait_dma2 semaphore(%dma_wait3A_1001 : memref<!tpu.dma_semaphore, #tpu.memory_space<semaphore_mem>>) src(%dma_wait3A_1003 : memref<1x8192xi32, #tpu.memory_space<hbm>>) dst(%arg11 : memref<1x8192xi32, #tpu.memory_space<vmem>>)
      %dma_wait3A_1004 = arith.constant 0 : i32
      %dma_wait3A_1005 = arith.constant 0 : i32
      %dma_wait3A_1006 = tpu.memref_slice %arg4[%add3A_956, %dma_wait3A_1005] : memref<400x8192xi32, #tpu.memory_space<hbm>> -> memref<1x8192xi32, #tpu.memory_space<hbm>>
      %dma_wait3A_1007 = tpu.memref_slice %arg24[%dma_wait3A_1004] : memref<3x!tpu.dma_semaphore, #tpu.memory_space<semaphore_mem>> -> memref<1x!tpu.dma_semaphore, #tpu.memory_space<semaphore_mem>>
      %dma_wait3A_1008 = tpu.memref_squeeze %dma_wait3A_1007 : memref<1x!tpu.dma_semaphore, #tpu.memory_space<semaphore_mem>> -> memref<!tpu.dma_semaphore, #tpu.memory_space<semaphore_mem>>
      %dma_wait3A_1009 = arith.constant 0 : i32
      %dma_wait3A_1010 = tpu.memref_slice %arg4[%add3A_956, %dma_wait3A_1009] : memref<400x8192xi32, #tpu.memory_space<hbm>> -> memref<1x8192xi32, #tpu.memory_space<hbm>>
      tpu.wait_dma2 semaphore(%dma_wait3A_1008 : memref<!tpu.dma_semaphore, #tpu.memory_space<semaphore_mem>>) src(%dma_wait3A_1010 : memref<1x8192xi32, #tpu.memory_space<hbm>>) dst(%arg14 : memref<1x8192xi32, #tpu.memory_space<vmem>>)
      %dma_start3A_1011 = arith.constant 0 : i32
      %dma_start3A_1012 = arith.constant 0 : i32
      %dma_start3A_1013 = arith.constant 0 : i32
      %dma_start3A_1014 = arith.constant 0 : i32
      %dma_start3A_1015 = tpu.memref_slice %arg17[%dma_start3A_1012, %dma_start3A_1014] : memref<1x8192xf32, #tpu.memory_space<vmem>> -> memref<1x8192xf32, #tpu.memory_space<vmem>>
      %dma_start3A_1016 = tpu.memref_squeeze %dma_start3A_1015 : memref<1x8192xf32, #tpu.memory_space<vmem>> -> memref<8192xf32, #tpu.memory_space<vmem>>
      %dma_start3A_1017 = arith.constant 0 : i32
      %dma_start3A_1018 = tpu.memref_slice %arg11[%dma_start3A_1011, %dma_start3A_1017] : memref<1x8192xi32, #tpu.memory_space<vmem>> -> memref<1x8192xi32, #tpu.memory_space<vmem>>
      %dma_start3A_1019 = tpu.memref_squeeze %dma_start3A_1018 : memref<1x8192xi32, #tpu.memory_space<vmem>> -> memref<8192xi32, #tpu.memory_space<vmem>>
      %dma_start3A_1020 = arith.constant 0 : i32
      %dma_start3A_1021 = tpu.memref_slice %arg7[%dma_start3A_1020] : memref<100352xf32, #tpu.memory_space<vmem_shared>> -> memref<100352xf32, #tpu.memory_space<vmem_shared>>
      %dma_start3A_1022 = tpu.memref_slice %arg25[%dma_start3A_1013] : memref<3x!tpu.dma_semaphore, #tpu.memory_space<semaphore_mem>> -> memref<1x!tpu.dma_semaphore, #tpu.memory_space<semaphore_mem>>
      %dma_start3A_1023 = tpu.memref_squeeze %dma_start3A_1022 : memref<1x!tpu.dma_semaphore, #tpu.memory_space<semaphore_mem>> -> memref<!tpu.dma_semaphore, #tpu.memory_space<semaphore_mem>>
      tpu.enqueue_indirect_dma source(%dma_start3A_1021 : memref<100352xf32, #tpu.memory_space<vmem_shared>>) target(%dma_start3A_1016 : memref<8192xf32, #tpu.memory_space<vmem>>) offsets(%dma_start3A_1019 : memref<8192xi32, #tpu.memory_space<vmem>>) semaphore(%dma_start3A_1023 : memref<!tpu.dma_semaphore, #tpu.memory_space<semaphore_mem>>)
      %dma_wait3A_1024 = arith.constant 0 : i32
      %dma_wait3A_1025 = arith.constant 0 : i32
      %dma_wait3A_1026 = arith.constant 1 : i32
      %dma_wait3A_1027 = arith.constant 0 : i32
      %dma_wait3A_1028 = tpu.memref_slice %arg18[%dma_wait3A_1024, %dma_wait3A_1027] : memref<1x8192xf32, #tpu.memory_space<vmem>> -> memref<1x8192xf32, #tpu.memory_space<vmem>>
      %dma_wait3A_1029 = tpu.memref_squeeze %dma_wait3A_1028 : memref<1x8192xf32, #tpu.memory_space<vmem>> -> memref<8192xf32, #tpu.memory_space<vmem>>
      %dma_wait3A_1030 = arith.constant 0 : i32
      %dma_wait3A_1031 = tpu.memref_slice %arg15[%dma_wait3A_1025, %dma_wait3A_1030] : memref<1x8192xi32, #tpu.memory_space<vmem>> -> memref<1x8192xi32, #tpu.memory_space<vmem>>
      %dma_wait3A_1032 = tpu.memref_squeeze %dma_wait3A_1031 : memref<1x8192xi32, #tpu.memory_space<vmem>> -> memref<8192xi32, #tpu.memory_space<vmem>>
      %dma_wait3A_1033 = arith.constant 0 : i32
      %dma_wait3A_1034 = tpu.memref_slice %arg8[%dma_wait3A_1033] : memref<100352xf32, #tpu.memory_space<vmem_shared>> -> memref<100352xf32, #tpu.memory_space<vmem_shared>>
      %dma_wait3A_1035 = tpu.memref_slice %arg26[%dma_wait3A_1026] : memref<3x!tpu.dma_semaphore, #tpu.memory_space<semaphore_mem>> -> memref<1x!tpu.dma_semaphore, #tpu.memory_space<semaphore_mem>>
      %dma_wait3A_1036 = tpu.memref_squeeze %dma_wait3A_1035 : memref<1x!tpu.dma_semaphore, #tpu.memory_space<semaphore_mem>> -> memref<!tpu.dma_semaphore, #tpu.memory_space<semaphore_mem>>
      tpu.wait_indirect_dma semaphore(%dma_wait3A_1036 : memref<!tpu.dma_semaphore, #tpu.memory_space<semaphore_mem>>) src(%dma_wait3A_1029 : memref<8192xf32, #tpu.memory_space<vmem>>) dst(%dma_wait3A_1034 : memref<100352xf32, #tpu.memory_space<vmem_shared>>)
      %add3A_1037 = arith.constant 13 : i32
      %add3A_1038 = arith.addi %mul3A_2, %add3A_1037 : i32
      %dma_start3A_1039 = arith.constant 1 : i32
      %dma_start3A_1040 = arith.constant 0 : i32
      %dma_start3A_1041 = tpu.memref_slice %arg3[%add3A_1038, %dma_start3A_1040] : memref<400x8192xi32, #tpu.memory_space<hbm>> -> memref<1x8192xi32, #tpu.memory_space<hbm>>
      %dma_start3A_1042 = tpu.memref_slice %arg24[%dma_start3A_1039] : memref<3x!tpu.dma_semaphore, #tpu.memory_space<semaphore_mem>> -> memref<1x!tpu.dma_semaphore, #tpu.memory_space<semaphore_mem>>
      %dma_start3A_1043 = tpu.memref_squeeze %dma_start3A_1042 : memref<1x!tpu.dma_semaphore, #tpu.memory_space<semaphore_mem>> -> memref<!tpu.dma_semaphore, #tpu.memory_space<semaphore_mem>>
      %dma_start3A_1044 = arith.constant 0 : i32
      %dma_start3A_1045 = tpu.memref_slice %arg3[%add3A_1038, %dma_start3A_1044] : memref<400x8192xi32, #tpu.memory_space<hbm>> -> memref<1x8192xi32, #tpu.memory_space<hbm>>
      tpu.enqueue_dma source(%dma_start3A_1045 : memref<1x8192xi32, #tpu.memory_space<hbm>>) target(%arg12 : memref<1x8192xi32, #tpu.memory_space<vmem>>) target_semaphore(%dma_start3A_1043 : memref<!tpu.dma_semaphore, #tpu.memory_space<semaphore_mem>>)
      %dma_start3A_1046 = arith.constant 1 : i32
      %dma_start3A_1047 = arith.constant 0 : i32
      %dma_start3A_1048 = tpu.memref_slice %arg4[%add3A_1038, %dma_start3A_1047] : memref<400x8192xi32, #tpu.memory_space<hbm>> -> memref<1x8192xi32, #tpu.memory_space<hbm>>
      %dma_start3A_1049 = tpu.memref_slice %arg24[%dma_start3A_1046] : memref<3x!tpu.dma_semaphore, #tpu.memory_space<semaphore_mem>> -> memref<1x!tpu.dma_semaphore, #tpu.memory_space<semaphore_mem>>
      %dma_start3A_1050 = tpu.memref_squeeze %dma_start3A_1049 : memref<1x!tpu.dma_semaphore, #tpu.memory_space<semaphore_mem>> -> memref<!tpu.dma_semaphore, #tpu.memory_space<semaphore_mem>>
      %dma_start3A_1051 = arith.constant 0 : i32
      %dma_start3A_1052 = tpu.memref_slice %arg4[%add3A_1038, %dma_start3A_1051] : memref<400x8192xi32, #tpu.memory_space<hbm>> -> memref<1x8192xi32, #tpu.memory_space<hbm>>
      tpu.enqueue_dma source(%dma_start3A_1052 : memref<1x8192xi32, #tpu.memory_space<hbm>>) target(%arg15 : memref<1x8192xi32, #tpu.memory_space<vmem>>) target_semaphore(%dma_start3A_1050 : memref<!tpu.dma_semaphore, #tpu.memory_space<semaphore_mem>>)
      %dma_wait3A_1053 = arith.constant 0 : i32
      %dma_wait3A_1054 = arith.constant 0 : i32
      %dma_wait3A_1055 = arith.constant 0 : i32
      %dma_wait3A_1056 = arith.constant 0 : i32
      %dma_wait3A_1057 = tpu.memref_slice %arg17[%dma_wait3A_1054, %dma_wait3A_1056] : memref<1x8192xf32, #tpu.memory_space<vmem>> -> memref<1x8192xf32, #tpu.memory_space<vmem>>
      %dma_wait3A_1058 = tpu.memref_squeeze %dma_wait3A_1057 : memref<1x8192xf32, #tpu.memory_space<vmem>> -> memref<8192xf32, #tpu.memory_space<vmem>>
      %dma_wait3A_1059 = arith.constant 0 : i32
      %dma_wait3A_1060 = tpu.memref_slice %arg11[%dma_wait3A_1053, %dma_wait3A_1059] : memref<1x8192xi32, #tpu.memory_space<vmem>> -> memref<1x8192xi32, #tpu.memory_space<vmem>>
      %dma_wait3A_1061 = tpu.memref_squeeze %dma_wait3A_1060 : memref<1x8192xi32, #tpu.memory_space<vmem>> -> memref<8192xi32, #tpu.memory_space<vmem>>
      %dma_wait3A_1062 = arith.constant 0 : i32
      %dma_wait3A_1063 = tpu.memref_slice %arg7[%dma_wait3A_1062] : memref<100352xf32, #tpu.memory_space<vmem_shared>> -> memref<100352xf32, #tpu.memory_space<vmem_shared>>
      %dma_wait3A_1064 = tpu.memref_slice %arg25[%dma_wait3A_1055] : memref<3x!tpu.dma_semaphore, #tpu.memory_space<semaphore_mem>> -> memref<1x!tpu.dma_semaphore, #tpu.memory_space<semaphore_mem>>
      %dma_wait3A_1065 = tpu.memref_squeeze %dma_wait3A_1064 : memref<1x!tpu.dma_semaphore, #tpu.memory_space<semaphore_mem>> -> memref<!tpu.dma_semaphore, #tpu.memory_space<semaphore_mem>>
      tpu.wait_indirect_dma semaphore(%dma_wait3A_1065 : memref<!tpu.dma_semaphore, #tpu.memory_space<semaphore_mem>>) src(%dma_wait3A_1063 : memref<100352xf32, #tpu.memory_space<vmem_shared>>) dst(%dma_wait3A_1058 : memref<8192xf32, #tpu.memory_space<vmem>>)
      %dma_start3A_1066 = arith.constant 0 : i32
      %dma_start3A_1067 = arith.constant 0 : i32
      %dma_start3A_1068 = arith.constant 0 : i32
      %dma_start3A_1069 = arith.constant 0 : i32
      %dma_start3A_1070 = tpu.memref_slice %arg17[%dma_start3A_1066, %dma_start3A_1069] : memref<1x8192xf32, #tpu.memory_space<vmem>> -> memref<1x8192xf32, #tpu.memory_space<vmem>>
      %dma_start3A_1071 = tpu.memref_squeeze %dma_start3A_1070 : memref<1x8192xf32, #tpu.memory_space<vmem>> -> memref<8192xf32, #tpu.memory_space<vmem>>
      %dma_start3A_1072 = arith.constant 0 : i32
      %dma_start3A_1073 = tpu.memref_slice %arg14[%dma_start3A_1067, %dma_start3A_1072] : memref<1x8192xi32, #tpu.memory_space<vmem>> -> memref<1x8192xi32, #tpu.memory_space<vmem>>
      %dma_start3A_1074 = tpu.memref_squeeze %dma_start3A_1073 : memref<1x8192xi32, #tpu.memory_space<vmem>> -> memref<8192xi32, #tpu.memory_space<vmem>>
      %dma_start3A_1075 = arith.constant 0 : i32
      %dma_start3A_1076 = tpu.memref_slice %arg8[%dma_start3A_1075] : memref<100352xf32, #tpu.memory_space<vmem_shared>> -> memref<100352xf32, #tpu.memory_space<vmem_shared>>
      %dma_start3A_1077 = tpu.memref_slice %arg26[%dma_start3A_1068] : memref<3x!tpu.dma_semaphore, #tpu.memory_space<semaphore_mem>> -> memref<1x!tpu.dma_semaphore, #tpu.memory_space<semaphore_mem>>
      %dma_start3A_1078 = tpu.memref_squeeze %dma_start3A_1077 : memref<1x!tpu.dma_semaphore, #tpu.memory_space<semaphore_mem>> -> memref<!tpu.dma_semaphore, #tpu.memory_space<semaphore_mem>>
      tpu.enqueue_indirect_dma source(%dma_start3A_1071 : memref<8192xf32, #tpu.memory_space<vmem>>) target(%dma_start3A_1076 : memref<100352xf32, #tpu.memory_space<vmem_shared>>) offsets(%dma_start3A_1074 : memref<8192xi32, #tpu.memory_space<vmem>>) semaphore(%dma_start3A_1078 : memref<!tpu.dma_semaphore, #tpu.memory_space<semaphore_mem>>) {add = true}
      %dma_wait3A_1079 = arith.constant 1 : i32
      %dma_wait3A_1080 = arith.constant 0 : i32
      %dma_wait3A_1081 = tpu.memref_slice %arg3[%add3A_1038, %dma_wait3A_1080] : memref<400x8192xi32, #tpu.memory_space<hbm>> -> memref<1x8192xi32, #tpu.memory_space<hbm>>
      %dma_wait3A_1082 = tpu.memref_slice %arg24[%dma_wait3A_1079] : memref<3x!tpu.dma_semaphore, #tpu.memory_space<semaphore_mem>> -> memref<1x!tpu.dma_semaphore, #tpu.memory_space<semaphore_mem>>
      %dma_wait3A_1083 = tpu.memref_squeeze %dma_wait3A_1082 : memref<1x!tpu.dma_semaphore, #tpu.memory_space<semaphore_mem>> -> memref<!tpu.dma_semaphore, #tpu.memory_space<semaphore_mem>>
      %dma_wait3A_1084 = arith.constant 0 : i32
      %dma_wait3A_1085 = tpu.memref_slice %arg3[%add3A_1038, %dma_wait3A_1084] : memref<400x8192xi32, #tpu.memory_space<hbm>> -> memref<1x8192xi32, #tpu.memory_space<hbm>>
      tpu.wait_dma2 semaphore(%dma_wait3A_1083 : memref<!tpu.dma_semaphore, #tpu.memory_space<semaphore_mem>>) src(%dma_wait3A_1085 : memref<1x8192xi32, #tpu.memory_space<hbm>>) dst(%arg12 : memref<1x8192xi32, #tpu.memory_space<vmem>>)
      %dma_wait3A_1086 = arith.constant 1 : i32
      %dma_wait3A_1087 = arith.constant 0 : i32
      %dma_wait3A_1088 = tpu.memref_slice %arg4[%add3A_1038, %dma_wait3A_1087] : memref<400x8192xi32, #tpu.memory_space<hbm>> -> memref<1x8192xi32, #tpu.memory_space<hbm>>
      %dma_wait3A_1089 = tpu.memref_slice %arg24[%dma_wait3A_1086] : memref<3x!tpu.dma_semaphore, #tpu.memory_space<semaphore_mem>> -> memref<1x!tpu.dma_semaphore, #tpu.memory_space<semaphore_mem>>
      %dma_wait3A_1090 = tpu.memref_squeeze %dma_wait3A_1089 : memref<1x!tpu.dma_semaphore, #tpu.memory_space<semaphore_mem>> -> memref<!tpu.dma_semaphore, #tpu.memory_space<semaphore_mem>>
      %dma_wait3A_1091 = arith.constant 0 : i32
      %dma_wait3A_1092 = tpu.memref_slice %arg4[%add3A_1038, %dma_wait3A_1091] : memref<400x8192xi32, #tpu.memory_space<hbm>> -> memref<1x8192xi32, #tpu.memory_space<hbm>>
      tpu.wait_dma2 semaphore(%dma_wait3A_1090 : memref<!tpu.dma_semaphore, #tpu.memory_space<semaphore_mem>>) src(%dma_wait3A_1092 : memref<1x8192xi32, #tpu.memory_space<hbm>>) dst(%arg15 : memref<1x8192xi32, #tpu.memory_space<vmem>>)
      %dma_start3A_1093 = arith.constant 0 : i32
      %dma_start3A_1094 = arith.constant 0 : i32
      %dma_start3A_1095 = arith.constant 1 : i32
      %dma_start3A_1096 = arith.constant 0 : i32
      %dma_start3A_1097 = tpu.memref_slice %arg18[%dma_start3A_1094, %dma_start3A_1096] : memref<1x8192xf32, #tpu.memory_space<vmem>> -> memref<1x8192xf32, #tpu.memory_space<vmem>>
      %dma_start3A_1098 = tpu.memref_squeeze %dma_start3A_1097 : memref<1x8192xf32, #tpu.memory_space<vmem>> -> memref<8192xf32, #tpu.memory_space<vmem>>
      %dma_start3A_1099 = arith.constant 0 : i32
      %dma_start3A_1100 = tpu.memref_slice %arg12[%dma_start3A_1093, %dma_start3A_1099] : memref<1x8192xi32, #tpu.memory_space<vmem>> -> memref<1x8192xi32, #tpu.memory_space<vmem>>
      %dma_start3A_1101 = tpu.memref_squeeze %dma_start3A_1100 : memref<1x8192xi32, #tpu.memory_space<vmem>> -> memref<8192xi32, #tpu.memory_space<vmem>>
      %dma_start3A_1102 = arith.constant 0 : i32
      %dma_start3A_1103 = tpu.memref_slice %arg7[%dma_start3A_1102] : memref<100352xf32, #tpu.memory_space<vmem_shared>> -> memref<100352xf32, #tpu.memory_space<vmem_shared>>
      %dma_start3A_1104 = tpu.memref_slice %arg25[%dma_start3A_1095] : memref<3x!tpu.dma_semaphore, #tpu.memory_space<semaphore_mem>> -> memref<1x!tpu.dma_semaphore, #tpu.memory_space<semaphore_mem>>
      %dma_start3A_1105 = tpu.memref_squeeze %dma_start3A_1104 : memref<1x!tpu.dma_semaphore, #tpu.memory_space<semaphore_mem>> -> memref<!tpu.dma_semaphore, #tpu.memory_space<semaphore_mem>>
      tpu.enqueue_indirect_dma source(%dma_start3A_1103 : memref<100352xf32, #tpu.memory_space<vmem_shared>>) target(%dma_start3A_1098 : memref<8192xf32, #tpu.memory_space<vmem>>) offsets(%dma_start3A_1101 : memref<8192xi32, #tpu.memory_space<vmem>>) semaphore(%dma_start3A_1105 : memref<!tpu.dma_semaphore, #tpu.memory_space<semaphore_mem>>)
      %dma_wait3A_1106 = arith.constant 0 : i32
      %dma_wait3A_1107 = arith.constant 0 : i32
      %dma_wait3A_1108 = arith.constant 2 : i32
      %dma_wait3A_1109 = arith.constant 0 : i32
      %dma_wait3A_1110 = tpu.memref_slice %arg19[%dma_wait3A_1106, %dma_wait3A_1109] : memref<1x8192xf32, #tpu.memory_space<vmem>> -> memref<1x8192xf32, #tpu.memory_space<vmem>>
      %dma_wait3A_1111 = tpu.memref_squeeze %dma_wait3A_1110 : memref<1x8192xf32, #tpu.memory_space<vmem>> -> memref<8192xf32, #tpu.memory_space<vmem>>
      %dma_wait3A_1112 = arith.constant 0 : i32
      %dma_wait3A_1113 = tpu.memref_slice %arg16[%dma_wait3A_1107, %dma_wait3A_1112] : memref<1x8192xi32, #tpu.memory_space<vmem>> -> memref<1x8192xi32, #tpu.memory_space<vmem>>
      %dma_wait3A_1114 = tpu.memref_squeeze %dma_wait3A_1113 : memref<1x8192xi32, #tpu.memory_space<vmem>> -> memref<8192xi32, #tpu.memory_space<vmem>>
      %dma_wait3A_1115 = arith.constant 0 : i32
      %dma_wait3A_1116 = tpu.memref_slice %arg8[%dma_wait3A_1115] : memref<100352xf32, #tpu.memory_space<vmem_shared>> -> memref<100352xf32, #tpu.memory_space<vmem_shared>>
      %dma_wait3A_1117 = tpu.memref_slice %arg26[%dma_wait3A_1108] : memref<3x!tpu.dma_semaphore, #tpu.memory_space<semaphore_mem>> -> memref<1x!tpu.dma_semaphore, #tpu.memory_space<semaphore_mem>>
      %dma_wait3A_1118 = tpu.memref_squeeze %dma_wait3A_1117 : memref<1x!tpu.dma_semaphore, #tpu.memory_space<semaphore_mem>> -> memref<!tpu.dma_semaphore, #tpu.memory_space<semaphore_mem>>
      tpu.wait_indirect_dma semaphore(%dma_wait3A_1118 : memref<!tpu.dma_semaphore, #tpu.memory_space<semaphore_mem>>) src(%dma_wait3A_1111 : memref<8192xf32, #tpu.memory_space<vmem>>) dst(%dma_wait3A_1116 : memref<100352xf32, #tpu.memory_space<vmem_shared>>)
      %add3A_1119 = arith.constant 14 : i32
      %add3A_1120 = arith.addi %mul3A_2, %add3A_1119 : i32
      %dma_start3A_1121 = arith.constant 2 : i32
      %dma_start3A_1122 = arith.constant 0 : i32
      %dma_start3A_1123 = tpu.memref_slice %arg3[%add3A_1120, %dma_start3A_1122] : memref<400x8192xi32, #tpu.memory_space<hbm>> -> memref<1x8192xi32, #tpu.memory_space<hbm>>
      %dma_start3A_1124 = tpu.memref_slice %arg24[%dma_start3A_1121] : memref<3x!tpu.dma_semaphore, #tpu.memory_space<semaphore_mem>> -> memref<1x!tpu.dma_semaphore, #tpu.memory_space<semaphore_mem>>
      %dma_start3A_1125 = tpu.memref_squeeze %dma_start3A_1124 : memref<1x!tpu.dma_semaphore, #tpu.memory_space<semaphore_mem>> -> memref<!tpu.dma_semaphore, #tpu.memory_space<semaphore_mem>>
      %dma_start3A_1126 = arith.constant 0 : i32
      %dma_start3A_1127 = tpu.memref_slice %arg3[%add3A_1120, %dma_start3A_1126] : memref<400x8192xi32, #tpu.memory_space<hbm>> -> memref<1x8192xi32, #tpu.memory_space<hbm>>
      tpu.enqueue_dma source(%dma_start3A_1127 : memref<1x8192xi32, #tpu.memory_space<hbm>>) target(%arg13 : memref<1x8192xi32, #tpu.memory_space<vmem>>) target_semaphore(%dma_start3A_1125 : memref<!tpu.dma_semaphore, #tpu.memory_space<semaphore_mem>>)
      %dma_start3A_1128 = arith.constant 2 : i32
      %dma_start3A_1129 = arith.constant 0 : i32
      %dma_start3A_1130 = tpu.memref_slice %arg4[%add3A_1120, %dma_start3A_1129] : memref<400x8192xi32, #tpu.memory_space<hbm>> -> memref<1x8192xi32, #tpu.memory_space<hbm>>
      %dma_start3A_1131 = tpu.memref_slice %arg24[%dma_start3A_1128] : memref<3x!tpu.dma_semaphore, #tpu.memory_space<semaphore_mem>> -> memref<1x!tpu.dma_semaphore, #tpu.memory_space<semaphore_mem>>
      %dma_start3A_1132 = tpu.memref_squeeze %dma_start3A_1131 : memref<1x!tpu.dma_semaphore, #tpu.memory_space<semaphore_mem>> -> memref<!tpu.dma_semaphore, #tpu.memory_space<semaphore_mem>>
      %dma_start3A_1133 = arith.constant 0 : i32
      %dma_start3A_1134 = tpu.memref_slice %arg4[%add3A_1120, %dma_start3A_1133] : memref<400x8192xi32, #tpu.memory_space<hbm>> -> memref<1x8192xi32, #tpu.memory_space<hbm>>
      tpu.enqueue_dma source(%dma_start3A_1134 : memref<1x8192xi32, #tpu.memory_space<hbm>>) target(%arg16 : memref<1x8192xi32, #tpu.memory_space<vmem>>) target_semaphore(%dma_start3A_1132 : memref<!tpu.dma_semaphore, #tpu.memory_space<semaphore_mem>>)
      %dma_wait3A_1135 = arith.constant 0 : i32
      %dma_wait3A_1136 = arith.constant 0 : i32
      %dma_wait3A_1137 = arith.constant 1 : i32
      %dma_wait3A_1138 = arith.constant 0 : i32
      %dma_wait3A_1139 = tpu.memref_slice %arg18[%dma_wait3A_1136, %dma_wait3A_1138] : memref<1x8192xf32, #tpu.memory_space<vmem>> -> memref<1x8192xf32, #tpu.memory_space<vmem>>
      %dma_wait3A_1140 = tpu.memref_squeeze %dma_wait3A_1139 : memref<1x8192xf32, #tpu.memory_space<vmem>> -> memref<8192xf32, #tpu.memory_space<vmem>>
      %dma_wait3A_1141 = arith.constant 0 : i32
      %dma_wait3A_1142 = tpu.memref_slice %arg12[%dma_wait3A_1135, %dma_wait3A_1141] : memref<1x8192xi32, #tpu.memory_space<vmem>> -> memref<1x8192xi32, #tpu.memory_space<vmem>>
      %dma_wait3A_1143 = tpu.memref_squeeze %dma_wait3A_1142 : memref<1x8192xi32, #tpu.memory_space<vmem>> -> memref<8192xi32, #tpu.memory_space<vmem>>
      %dma_wait3A_1144 = arith.constant 0 : i32
      %dma_wait3A_1145 = tpu.memref_slice %arg7[%dma_wait3A_1144] : memref<100352xf32, #tpu.memory_space<vmem_shared>> -> memref<100352xf32, #tpu.memory_space<vmem_shared>>
      %dma_wait3A_1146 = tpu.memref_slice %arg25[%dma_wait3A_1137] : memref<3x!tpu.dma_semaphore, #tpu.memory_space<semaphore_mem>> -> memref<1x!tpu.dma_semaphore, #tpu.memory_space<semaphore_mem>>
      %dma_wait3A_1147 = tpu.memref_squeeze %dma_wait3A_1146 : memref<1x!tpu.dma_semaphore, #tpu.memory_space<semaphore_mem>> -> memref<!tpu.dma_semaphore, #tpu.memory_space<semaphore_mem>>
      tpu.wait_indirect_dma semaphore(%dma_wait3A_1147 : memref<!tpu.dma_semaphore, #tpu.memory_space<semaphore_mem>>) src(%dma_wait3A_1145 : memref<100352xf32, #tpu.memory_space<vmem_shared>>) dst(%dma_wait3A_1140 : memref<8192xf32, #tpu.memory_space<vmem>>)
      %dma_start3A_1148 = arith.constant 0 : i32
      %dma_start3A_1149 = arith.constant 0 : i32
      %dma_start3A_1150 = arith.constant 1 : i32
      %dma_start3A_1151 = arith.constant 0 : i32
      %dma_start3A_1152 = tpu.memref_slice %arg18[%dma_start3A_1148, %dma_start3A_1151] : memref<1x8192xf32, #tpu.memory_space<vmem>> -> memref<1x8192xf32, #tpu.memory_space<vmem>>
      %dma_start3A_1153 = tpu.memref_squeeze %dma_start3A_1152 : memref<1x8192xf32, #tpu.memory_space<vmem>> -> memref<8192xf32, #tpu.memory_space<vmem>>
      %dma_start3A_1154 = arith.constant 0 : i32
      %dma_start3A_1155 = tpu.memref_slice %arg15[%dma_start3A_1149, %dma_start3A_1154] : memref<1x8192xi32, #tpu.memory_space<vmem>> -> memref<1x8192xi32, #tpu.memory_space<vmem>>
      %dma_start3A_1156 = tpu.memref_squeeze %dma_start3A_1155 : memref<1x8192xi32, #tpu.memory_space<vmem>> -> memref<8192xi32, #tpu.memory_space<vmem>>
      %dma_start3A_1157 = arith.constant 0 : i32
      %dma_start3A_1158 = tpu.memref_slice %arg8[%dma_start3A_1157] : memref<100352xf32, #tpu.memory_space<vmem_shared>> -> memref<100352xf32, #tpu.memory_space<vmem_shared>>
      %dma_start3A_1159 = tpu.memref_slice %arg26[%dma_start3A_1150] : memref<3x!tpu.dma_semaphore, #tpu.memory_space<semaphore_mem>> -> memref<1x!tpu.dma_semaphore, #tpu.memory_space<semaphore_mem>>
      %dma_start3A_1160 = tpu.memref_squeeze %dma_start3A_1159 : memref<1x!tpu.dma_semaphore, #tpu.memory_space<semaphore_mem>> -> memref<!tpu.dma_semaphore, #tpu.memory_space<semaphore_mem>>
      tpu.enqueue_indirect_dma source(%dma_start3A_1153 : memref<8192xf32, #tpu.memory_space<vmem>>) target(%dma_start3A_1158 : memref<100352xf32, #tpu.memory_space<vmem_shared>>) offsets(%dma_start3A_1156 : memref<8192xi32, #tpu.memory_space<vmem>>) semaphore(%dma_start3A_1160 : memref<!tpu.dma_semaphore, #tpu.memory_space<semaphore_mem>>) {add = true}
      %dma_wait3A_1161 = arith.constant 2 : i32
      %dma_wait3A_1162 = arith.constant 0 : i32
      %dma_wait3A_1163 = tpu.memref_slice %arg3[%add3A_1120, %dma_wait3A_1162] : memref<400x8192xi32, #tpu.memory_space<hbm>> -> memref<1x8192xi32, #tpu.memory_space<hbm>>
      %dma_wait3A_1164 = tpu.memref_slice %arg24[%dma_wait3A_1161] : memref<3x!tpu.dma_semaphore, #tpu.memory_space<semaphore_mem>> -> memref<1x!tpu.dma_semaphore, #tpu.memory_space<semaphore_mem>>
      %dma_wait3A_1165 = tpu.memref_squeeze %dma_wait3A_1164 : memref<1x!tpu.dma_semaphore, #tpu.memory_space<semaphore_mem>> -> memref<!tpu.dma_semaphore, #tpu.memory_space<semaphore_mem>>
      %dma_wait3A_1166 = arith.constant 0 : i32
      %dma_wait3A_1167 = tpu.memref_slice %arg3[%add3A_1120, %dma_wait3A_1166] : memref<400x8192xi32, #tpu.memory_space<hbm>> -> memref<1x8192xi32, #tpu.memory_space<hbm>>
      tpu.wait_dma2 semaphore(%dma_wait3A_1165 : memref<!tpu.dma_semaphore, #tpu.memory_space<semaphore_mem>>) src(%dma_wait3A_1167 : memref<1x8192xi32, #tpu.memory_space<hbm>>) dst(%arg13 : memref<1x8192xi32, #tpu.memory_space<vmem>>)
      %dma_wait3A_1168 = arith.constant 2 : i32
      %dma_wait3A_1169 = arith.constant 0 : i32
      %dma_wait3A_1170 = tpu.memref_slice %arg4[%add3A_1120, %dma_wait3A_1169] : memref<400x8192xi32, #tpu.memory_space<hbm>> -> memref<1x8192xi32, #tpu.memory_space<hbm>>
      %dma_wait3A_1171 = tpu.memref_slice %arg24[%dma_wait3A_1168] : memref<3x!tpu.dma_semaphore, #tpu.memory_space<semaphore_mem>> -> memref<1x!tpu.dma_semaphore, #tpu.memory_space<semaphore_mem>>
      %dma_wait3A_1172 = tpu.memref_squeeze %dma_wait3A_1171 : memref<1x!tpu.dma_semaphore, #tpu.memory_space<semaphore_mem>> -> memref<!tpu.dma_semaphore, #tpu.memory_space<semaphore_mem>>
      %dma_wait3A_1173 = arith.constant 0 : i32
      %dma_wait3A_1174 = tpu.memref_slice %arg4[%add3A_1120, %dma_wait3A_1173] : memref<400x8192xi32, #tpu.memory_space<hbm>> -> memref<1x8192xi32, #tpu.memory_space<hbm>>
      tpu.wait_dma2 semaphore(%dma_wait3A_1172 : memref<!tpu.dma_semaphore, #tpu.memory_space<semaphore_mem>>) src(%dma_wait3A_1174 : memref<1x8192xi32, #tpu.memory_space<hbm>>) dst(%arg16 : memref<1x8192xi32, #tpu.memory_space<vmem>>)
      %dma_start3A_1175 = arith.constant 0 : i32
      %dma_start3A_1176 = arith.constant 0 : i32
      %dma_start3A_1177 = arith.constant 2 : i32
      %dma_start3A_1178 = arith.constant 0 : i32
      %dma_start3A_1179 = tpu.memref_slice %arg19[%dma_start3A_1176, %dma_start3A_1178] : memref<1x8192xf32, #tpu.memory_space<vmem>> -> memref<1x8192xf32, #tpu.memory_space<vmem>>
      %dma_start3A_1180 = tpu.memref_squeeze %dma_start3A_1179 : memref<1x8192xf32, #tpu.memory_space<vmem>> -> memref<8192xf32, #tpu.memory_space<vmem>>
      %dma_start3A_1181 = arith.constant 0 : i32
      %dma_start3A_1182 = tpu.memref_slice %arg13[%dma_start3A_1175, %dma_start3A_1181] : memref<1x8192xi32, #tpu.memory_space<vmem>> -> memref<1x8192xi32, #tpu.memory_space<vmem>>
      %dma_start3A_1183 = tpu.memref_squeeze %dma_start3A_1182 : memref<1x8192xi32, #tpu.memory_space<vmem>> -> memref<8192xi32, #tpu.memory_space<vmem>>
      %dma_start3A_1184 = arith.constant 0 : i32
      %dma_start3A_1185 = tpu.memref_slice %arg7[%dma_start3A_1184] : memref<100352xf32, #tpu.memory_space<vmem_shared>> -> memref<100352xf32, #tpu.memory_space<vmem_shared>>
      %dma_start3A_1186 = tpu.memref_slice %arg25[%dma_start3A_1177] : memref<3x!tpu.dma_semaphore, #tpu.memory_space<semaphore_mem>> -> memref<1x!tpu.dma_semaphore, #tpu.memory_space<semaphore_mem>>
      %dma_start3A_1187 = tpu.memref_squeeze %dma_start3A_1186 : memref<1x!tpu.dma_semaphore, #tpu.memory_space<semaphore_mem>> -> memref<!tpu.dma_semaphore, #tpu.memory_space<semaphore_mem>>
      tpu.enqueue_indirect_dma source(%dma_start3A_1185 : memref<100352xf32, #tpu.memory_space<vmem_shared>>) target(%dma_start3A_1180 : memref<8192xf32, #tpu.memory_space<vmem>>) offsets(%dma_start3A_1183 : memref<8192xi32, #tpu.memory_space<vmem>>) semaphore(%dma_start3A_1187 : memref<!tpu.dma_semaphore, #tpu.memory_space<semaphore_mem>>)
      %dma_wait3A_1188 = arith.constant 0 : i32
      %dma_wait3A_1189 = arith.constant 0 : i32
      %dma_wait3A_1190 = arith.constant 0 : i32
      %dma_wait3A_1191 = arith.constant 0 : i32
      %dma_wait3A_1192 = tpu.memref_slice %arg17[%dma_wait3A_1188, %dma_wait3A_1191] : memref<1x8192xf32, #tpu.memory_space<vmem>> -> memref<1x8192xf32, #tpu.memory_space<vmem>>
      %dma_wait3A_1193 = tpu.memref_squeeze %dma_wait3A_1192 : memref<1x8192xf32, #tpu.memory_space<vmem>> -> memref<8192xf32, #tpu.memory_space<vmem>>
      %dma_wait3A_1194 = arith.constant 0 : i32
      %dma_wait3A_1195 = tpu.memref_slice %arg14[%dma_wait3A_1189, %dma_wait3A_1194] : memref<1x8192xi32, #tpu.memory_space<vmem>> -> memref<1x8192xi32, #tpu.memory_space<vmem>>
      %dma_wait3A_1196 = tpu.memref_squeeze %dma_wait3A_1195 : memref<1x8192xi32, #tpu.memory_space<vmem>> -> memref<8192xi32, #tpu.memory_space<vmem>>
      %dma_wait3A_1197 = arith.constant 0 : i32
      %dma_wait3A_1198 = tpu.memref_slice %arg8[%dma_wait3A_1197] : memref<100352xf32, #tpu.memory_space<vmem_shared>> -> memref<100352xf32, #tpu.memory_space<vmem_shared>>
      %dma_wait3A_1199 = tpu.memref_slice %arg26[%dma_wait3A_1190] : memref<3x!tpu.dma_semaphore, #tpu.memory_space<semaphore_mem>> -> memref<1x!tpu.dma_semaphore, #tpu.memory_space<semaphore_mem>>
      %dma_wait3A_1200 = tpu.memref_squeeze %dma_wait3A_1199 : memref<1x!tpu.dma_semaphore, #tpu.memory_space<semaphore_mem>> -> memref<!tpu.dma_semaphore, #tpu.memory_space<semaphore_mem>>
      tpu.wait_indirect_dma semaphore(%dma_wait3A_1200 : memref<!tpu.dma_semaphore, #tpu.memory_space<semaphore_mem>>) src(%dma_wait3A_1193 : memref<8192xf32, #tpu.memory_space<vmem>>) dst(%dma_wait3A_1198 : memref<100352xf32, #tpu.memory_space<vmem_shared>>)
      %add3A_1201 = arith.constant 15 : i32
      %add3A_1202 = arith.addi %mul3A_2, %add3A_1201 : i32
      %dma_start3A_1203 = arith.constant 0 : i32
      %dma_start3A_1204 = arith.constant 0 : i32
      %dma_start3A_1205 = tpu.memref_slice %arg3[%add3A_1202, %dma_start3A_1204] : memref<400x8192xi32, #tpu.memory_space<hbm>> -> memref<1x8192xi32, #tpu.memory_space<hbm>>
      %dma_start3A_1206 = tpu.memref_slice %arg24[%dma_start3A_1203] : memref<3x!tpu.dma_semaphore, #tpu.memory_space<semaphore_mem>> -> memref<1x!tpu.dma_semaphore, #tpu.memory_space<semaphore_mem>>
      %dma_start3A_1207 = tpu.memref_squeeze %dma_start3A_1206 : memref<1x!tpu.dma_semaphore, #tpu.memory_space<semaphore_mem>> -> memref<!tpu.dma_semaphore, #tpu.memory_space<semaphore_mem>>
      %dma_start3A_1208 = arith.constant 0 : i32
      %dma_start3A_1209 = tpu.memref_slice %arg3[%add3A_1202, %dma_start3A_1208] : memref<400x8192xi32, #tpu.memory_space<hbm>> -> memref<1x8192xi32, #tpu.memory_space<hbm>>
      tpu.enqueue_dma source(%dma_start3A_1209 : memref<1x8192xi32, #tpu.memory_space<hbm>>) target(%arg11 : memref<1x8192xi32, #tpu.memory_space<vmem>>) target_semaphore(%dma_start3A_1207 : memref<!tpu.dma_semaphore, #tpu.memory_space<semaphore_mem>>)
      %dma_start3A_1210 = arith.constant 0 : i32
      %dma_start3A_1211 = arith.constant 0 : i32
      %dma_start3A_1212 = tpu.memref_slice %arg4[%add3A_1202, %dma_start3A_1211] : memref<400x8192xi32, #tpu.memory_space<hbm>> -> memref<1x8192xi32, #tpu.memory_space<hbm>>
      %dma_start3A_1213 = tpu.memref_slice %arg24[%dma_start3A_1210] : memref<3x!tpu.dma_semaphore, #tpu.memory_space<semaphore_mem>> -> memref<1x!tpu.dma_semaphore, #tpu.memory_space<semaphore_mem>>
      %dma_start3A_1214 = tpu.memref_squeeze %dma_start3A_1213 : memref<1x!tpu.dma_semaphore, #tpu.memory_space<semaphore_mem>> -> memref<!tpu.dma_semaphore, #tpu.memory_space<semaphore_mem>>
      %dma_start3A_1215 = arith.constant 0 : i32
      %dma_start3A_1216 = tpu.memref_slice %arg4[%add3A_1202, %dma_start3A_1215] : memref<400x8192xi32, #tpu.memory_space<hbm>> -> memref<1x8192xi32, #tpu.memory_space<hbm>>
      tpu.enqueue_dma source(%dma_start3A_1216 : memref<1x8192xi32, #tpu.memory_space<hbm>>) target(%arg14 : memref<1x8192xi32, #tpu.memory_space<vmem>>) target_semaphore(%dma_start3A_1214 : memref<!tpu.dma_semaphore, #tpu.memory_space<semaphore_mem>>)
      %dma_wait3A_1217 = arith.constant 0 : i32
      %dma_wait3A_1218 = arith.constant 0 : i32
      %dma_wait3A_1219 = arith.constant 2 : i32
      %dma_wait3A_1220 = arith.constant 0 : i32
      %dma_wait3A_1221 = tpu.memref_slice %arg19[%dma_wait3A_1218, %dma_wait3A_1220] : memref<1x8192xf32, #tpu.memory_space<vmem>> -> memref<1x8192xf32, #tpu.memory_space<vmem>>
      %dma_wait3A_1222 = tpu.memref_squeeze %dma_wait3A_1221 : memref<1x8192xf32, #tpu.memory_space<vmem>> -> memref<8192xf32, #tpu.memory_space<vmem>>
      %dma_wait3A_1223 = arith.constant 0 : i32
      %dma_wait3A_1224 = tpu.memref_slice %arg13[%dma_wait3A_1217, %dma_wait3A_1223] : memref<1x8192xi32, #tpu.memory_space<vmem>> -> memref<1x8192xi32, #tpu.memory_space<vmem>>
      %dma_wait3A_1225 = tpu.memref_squeeze %dma_wait3A_1224 : memref<1x8192xi32, #tpu.memory_space<vmem>> -> memref<8192xi32, #tpu.memory_space<vmem>>
      %dma_wait3A_1226 = arith.constant 0 : i32
      %dma_wait3A_1227 = tpu.memref_slice %arg7[%dma_wait3A_1226] : memref<100352xf32, #tpu.memory_space<vmem_shared>> -> memref<100352xf32, #tpu.memory_space<vmem_shared>>
      %dma_wait3A_1228 = tpu.memref_slice %arg25[%dma_wait3A_1219] : memref<3x!tpu.dma_semaphore, #tpu.memory_space<semaphore_mem>> -> memref<1x!tpu.dma_semaphore, #tpu.memory_space<semaphore_mem>>
      %dma_wait3A_1229 = tpu.memref_squeeze %dma_wait3A_1228 : memref<1x!tpu.dma_semaphore, #tpu.memory_space<semaphore_mem>> -> memref<!tpu.dma_semaphore, #tpu.memory_space<semaphore_mem>>
      tpu.wait_indirect_dma semaphore(%dma_wait3A_1229 : memref<!tpu.dma_semaphore, #tpu.memory_space<semaphore_mem>>) src(%dma_wait3A_1227 : memref<100352xf32, #tpu.memory_space<vmem_shared>>) dst(%dma_wait3A_1222 : memref<8192xf32, #tpu.memory_space<vmem>>)
      %dma_start3A_1230 = arith.constant 0 : i32
      %dma_start3A_1231 = arith.constant 0 : i32
      %dma_start3A_1232 = arith.constant 2 : i32
      %dma_start3A_1233 = arith.constant 0 : i32
      %dma_start3A_1234 = tpu.memref_slice %arg19[%dma_start3A_1230, %dma_start3A_1233] : memref<1x8192xf32, #tpu.memory_space<vmem>> -> memref<1x8192xf32, #tpu.memory_space<vmem>>
      %dma_start3A_1235 = tpu.memref_squeeze %dma_start3A_1234 : memref<1x8192xf32, #tpu.memory_space<vmem>> -> memref<8192xf32, #tpu.memory_space<vmem>>
      %dma_start3A_1236 = arith.constant 0 : i32
      %dma_start3A_1237 = tpu.memref_slice %arg16[%dma_start3A_1231, %dma_start3A_1236] : memref<1x8192xi32, #tpu.memory_space<vmem>> -> memref<1x8192xi32, #tpu.memory_space<vmem>>
      %dma_start3A_1238 = tpu.memref_squeeze %dma_start3A_1237 : memref<1x8192xi32, #tpu.memory_space<vmem>> -> memref<8192xi32, #tpu.memory_space<vmem>>
      %dma_start3A_1239 = arith.constant 0 : i32
      %dma_start3A_1240 = tpu.memref_slice %arg8[%dma_start3A_1239] : memref<100352xf32, #tpu.memory_space<vmem_shared>> -> memref<100352xf32, #tpu.memory_space<vmem_shared>>
      %dma_start3A_1241 = tpu.memref_slice %arg26[%dma_start3A_1232] : memref<3x!tpu.dma_semaphore, #tpu.memory_space<semaphore_mem>> -> memref<1x!tpu.dma_semaphore, #tpu.memory_space<semaphore_mem>>
      %dma_start3A_1242 = tpu.memref_squeeze %dma_start3A_1241 : memref<1x!tpu.dma_semaphore, #tpu.memory_space<semaphore_mem>> -> memref<!tpu.dma_semaphore, #tpu.memory_space<semaphore_mem>>
      tpu.enqueue_indirect_dma source(%dma_start3A_1235 : memref<8192xf32, #tpu.memory_space<vmem>>) target(%dma_start3A_1240 : memref<100352xf32, #tpu.memory_space<vmem_shared>>) offsets(%dma_start3A_1238 : memref<8192xi32, #tpu.memory_space<vmem>>) semaphore(%dma_start3A_1242 : memref<!tpu.dma_semaphore, #tpu.memory_space<semaphore_mem>>) {add = true}
      %dma_wait3A_1243 = arith.constant 0 : i32
      %dma_wait3A_1244 = arith.constant 0 : i32
      %dma_wait3A_1245 = tpu.memref_slice %arg3[%add3A_1202, %dma_wait3A_1244] : memref<400x8192xi32, #tpu.memory_space<hbm>> -> memref<1x8192xi32, #tpu.memory_space<hbm>>
      %dma_wait3A_1246 = tpu.memref_slice %arg24[%dma_wait3A_1243] : memref<3x!tpu.dma_semaphore, #tpu.memory_space<semaphore_mem>> -> memref<1x!tpu.dma_semaphore, #tpu.memory_space<semaphore_mem>>
      %dma_wait3A_1247 = tpu.memref_squeeze %dma_wait3A_1246 : memref<1x!tpu.dma_semaphore, #tpu.memory_space<semaphore_mem>> -> memref<!tpu.dma_semaphore, #tpu.memory_space<semaphore_mem>>
      %dma_wait3A_1248 = arith.constant 0 : i32
      %dma_wait3A_1249 = tpu.memref_slice %arg3[%add3A_1202, %dma_wait3A_1248] : memref<400x8192xi32, #tpu.memory_space<hbm>> -> memref<1x8192xi32, #tpu.memory_space<hbm>>
      tpu.wait_dma2 semaphore(%dma_wait3A_1247 : memref<!tpu.dma_semaphore, #tpu.memory_space<semaphore_mem>>) src(%dma_wait3A_1249 : memref<1x8192xi32, #tpu.memory_space<hbm>>) dst(%arg11 : memref<1x8192xi32, #tpu.memory_space<vmem>>)
      %dma_wait3A_1250 = arith.constant 0 : i32
      %dma_wait3A_1251 = arith.constant 0 : i32
      %dma_wait3A_1252 = tpu.memref_slice %arg4[%add3A_1202, %dma_wait3A_1251] : memref<400x8192xi32, #tpu.memory_space<hbm>> -> memref<1x8192xi32, #tpu.memory_space<hbm>>
      %dma_wait3A_1253 = tpu.memref_slice %arg24[%dma_wait3A_1250] : memref<3x!tpu.dma_semaphore, #tpu.memory_space<semaphore_mem>> -> memref<1x!tpu.dma_semaphore, #tpu.memory_space<semaphore_mem>>
      %dma_wait3A_1254 = tpu.memref_squeeze %dma_wait3A_1253 : memref<1x!tpu.dma_semaphore, #tpu.memory_space<semaphore_mem>> -> memref<!tpu.dma_semaphore, #tpu.memory_space<semaphore_mem>>
      %dma_wait3A_1255 = arith.constant 0 : i32
      %dma_wait3A_1256 = tpu.memref_slice %arg4[%add3A_1202, %dma_wait3A_1255] : memref<400x8192xi32, #tpu.memory_space<hbm>> -> memref<1x8192xi32, #tpu.memory_space<hbm>>
      tpu.wait_dma2 semaphore(%dma_wait3A_1254 : memref<!tpu.dma_semaphore, #tpu.memory_space<semaphore_mem>>) src(%dma_wait3A_1256 : memref<1x8192xi32, #tpu.memory_space<hbm>>) dst(%arg14 : memref<1x8192xi32, #tpu.memory_space<vmem>>)
      %dma_start3A_1257 = arith.constant 0 : i32
      %dma_start3A_1258 = arith.constant 0 : i32
      %dma_start3A_1259 = arith.constant 0 : i32
      %dma_start3A_1260 = arith.constant 0 : i32
      %dma_start3A_1261 = tpu.memref_slice %arg17[%dma_start3A_1258, %dma_start3A_1260] : memref<1x8192xf32, #tpu.memory_space<vmem>> -> memref<1x8192xf32, #tpu.memory_space<vmem>>
      %dma_start3A_1262 = tpu.memref_squeeze %dma_start3A_1261 : memref<1x8192xf32, #tpu.memory_space<vmem>> -> memref<8192xf32, #tpu.memory_space<vmem>>
      %dma_start3A_1263 = arith.constant 0 : i32
      %dma_start3A_1264 = tpu.memref_slice %arg11[%dma_start3A_1257, %dma_start3A_1263] : memref<1x8192xi32, #tpu.memory_space<vmem>> -> memref<1x8192xi32, #tpu.memory_space<vmem>>
      %dma_start3A_1265 = tpu.memref_squeeze %dma_start3A_1264 : memref<1x8192xi32, #tpu.memory_space<vmem>> -> memref<8192xi32, #tpu.memory_space<vmem>>
      %dma_start3A_1266 = arith.constant 0 : i32
      %dma_start3A_1267 = tpu.memref_slice %arg7[%dma_start3A_1266] : memref<100352xf32, #tpu.memory_space<vmem_shared>> -> memref<100352xf32, #tpu.memory_space<vmem_shared>>
      %dma_start3A_1268 = tpu.memref_slice %arg25[%dma_start3A_1259] : memref<3x!tpu.dma_semaphore, #tpu.memory_space<semaphore_mem>> -> memref<1x!tpu.dma_semaphore, #tpu.memory_space<semaphore_mem>>
      %dma_start3A_1269 = tpu.memref_squeeze %dma_start3A_1268 : memref<1x!tpu.dma_semaphore, #tpu.memory_space<semaphore_mem>> -> memref<!tpu.dma_semaphore, #tpu.memory_space<semaphore_mem>>
      tpu.enqueue_indirect_dma source(%dma_start3A_1267 : memref<100352xf32, #tpu.memory_space<vmem_shared>>) target(%dma_start3A_1262 : memref<8192xf32, #tpu.memory_space<vmem>>) offsets(%dma_start3A_1265 : memref<8192xi32, #tpu.memory_space<vmem>>) semaphore(%dma_start3A_1269 : memref<!tpu.dma_semaphore, #tpu.memory_space<semaphore_mem>>)
      %dma_wait3A_1270 = arith.constant 0 : i32
      %dma_wait3A_1271 = arith.constant 0 : i32
      %dma_wait3A_1272 = arith.constant 1 : i32
      %dma_wait3A_1273 = arith.constant 0 : i32
      %dma_wait3A_1274 = tpu.memref_slice %arg18[%dma_wait3A_1270, %dma_wait3A_1273] : memref<1x8192xf32, #tpu.memory_space<vmem>> -> memref<1x8192xf32, #tpu.memory_space<vmem>>
      %dma_wait3A_1275 = tpu.memref_squeeze %dma_wait3A_1274 : memref<1x8192xf32, #tpu.memory_space<vmem>> -> memref<8192xf32, #tpu.memory_space<vmem>>
      %dma_wait3A_1276 = arith.constant 0 : i32
      %dma_wait3A_1277 = tpu.memref_slice %arg15[%dma_wait3A_1271, %dma_wait3A_1276] : memref<1x8192xi32, #tpu.memory_space<vmem>> -> memref<1x8192xi32, #tpu.memory_space<vmem>>
      %dma_wait3A_1278 = tpu.memref_squeeze %dma_wait3A_1277 : memref<1x8192xi32, #tpu.memory_space<vmem>> -> memref<8192xi32, #tpu.memory_space<vmem>>
      %dma_wait3A_1279 = arith.constant 0 : i32
      %dma_wait3A_1280 = tpu.memref_slice %arg8[%dma_wait3A_1279] : memref<100352xf32, #tpu.memory_space<vmem_shared>> -> memref<100352xf32, #tpu.memory_space<vmem_shared>>
      %dma_wait3A_1281 = tpu.memref_slice %arg26[%dma_wait3A_1272] : memref<3x!tpu.dma_semaphore, #tpu.memory_space<semaphore_mem>> -> memref<1x!tpu.dma_semaphore, #tpu.memory_space<semaphore_mem>>
      %dma_wait3A_1282 = tpu.memref_squeeze %dma_wait3A_1281 : memref<1x!tpu.dma_semaphore, #tpu.memory_space<semaphore_mem>> -> memref<!tpu.dma_semaphore, #tpu.memory_space<semaphore_mem>>
      tpu.wait_indirect_dma semaphore(%dma_wait3A_1282 : memref<!tpu.dma_semaphore, #tpu.memory_space<semaphore_mem>>) src(%dma_wait3A_1275 : memref<8192xf32, #tpu.memory_space<vmem>>) dst(%dma_wait3A_1280 : memref<100352xf32, #tpu.memory_space<vmem_shared>>)
      %add3A_1283 = arith.constant 16 : i32
      %add3A_1284 = arith.addi %mul3A_2, %add3A_1283 : i32
      %dma_start3A_1285 = arith.constant 1 : i32
      %dma_start3A_1286 = arith.constant 0 : i32
      %dma_start3A_1287 = tpu.memref_slice %arg3[%add3A_1284, %dma_start3A_1286] : memref<400x8192xi32, #tpu.memory_space<hbm>> -> memref<1x8192xi32, #tpu.memory_space<hbm>>
      %dma_start3A_1288 = tpu.memref_slice %arg24[%dma_start3A_1285] : memref<3x!tpu.dma_semaphore, #tpu.memory_space<semaphore_mem>> -> memref<1x!tpu.dma_semaphore, #tpu.memory_space<semaphore_mem>>
      %dma_start3A_1289 = tpu.memref_squeeze %dma_start3A_1288 : memref<1x!tpu.dma_semaphore, #tpu.memory_space<semaphore_mem>> -> memref<!tpu.dma_semaphore, #tpu.memory_space<semaphore_mem>>
      %dma_start3A_1290 = arith.constant 0 : i32
      %dma_start3A_1291 = tpu.memref_slice %arg3[%add3A_1284, %dma_start3A_1290] : memref<400x8192xi32, #tpu.memory_space<hbm>> -> memref<1x8192xi32, #tpu.memory_space<hbm>>
      tpu.enqueue_dma source(%dma_start3A_1291 : memref<1x8192xi32, #tpu.memory_space<hbm>>) target(%arg12 : memref<1x8192xi32, #tpu.memory_space<vmem>>) target_semaphore(%dma_start3A_1289 : memref<!tpu.dma_semaphore, #tpu.memory_space<semaphore_mem>>)
      %dma_start3A_1292 = arith.constant 1 : i32
      %dma_start3A_1293 = arith.constant 0 : i32
      %dma_start3A_1294 = tpu.memref_slice %arg4[%add3A_1284, %dma_start3A_1293] : memref<400x8192xi32, #tpu.memory_space<hbm>> -> memref<1x8192xi32, #tpu.memory_space<hbm>>
      %dma_start3A_1295 = tpu.memref_slice %arg24[%dma_start3A_1292] : memref<3x!tpu.dma_semaphore, #tpu.memory_space<semaphore_mem>> -> memref<1x!tpu.dma_semaphore, #tpu.memory_space<semaphore_mem>>
      %dma_start3A_1296 = tpu.memref_squeeze %dma_start3A_1295 : memref<1x!tpu.dma_semaphore, #tpu.memory_space<semaphore_mem>> -> memref<!tpu.dma_semaphore, #tpu.memory_space<semaphore_mem>>
      %dma_start3A_1297 = arith.constant 0 : i32
      %dma_start3A_1298 = tpu.memref_slice %arg4[%add3A_1284, %dma_start3A_1297] : memref<400x8192xi32, #tpu.memory_space<hbm>> -> memref<1x8192xi32, #tpu.memory_space<hbm>>
      tpu.enqueue_dma source(%dma_start3A_1298 : memref<1x8192xi32, #tpu.memory_space<hbm>>) target(%arg15 : memref<1x8192xi32, #tpu.memory_space<vmem>>) target_semaphore(%dma_start3A_1296 : memref<!tpu.dma_semaphore, #tpu.memory_space<semaphore_mem>>)
      %dma_wait3A_1299 = arith.constant 0 : i32
      %dma_wait3A_1300 = arith.constant 0 : i32
      %dma_wait3A_1301 = arith.constant 0 : i32
      %dma_wait3A_1302 = arith.constant 0 : i32
      %dma_wait3A_1303 = tpu.memref_slice %arg17[%dma_wait3A_1300, %dma_wait3A_1302] : memref<1x8192xf32, #tpu.memory_space<vmem>> -> memref<1x8192xf32, #tpu.memory_space<vmem>>
      %dma_wait3A_1304 = tpu.memref_squeeze %dma_wait3A_1303 : memref<1x8192xf32, #tpu.memory_space<vmem>> -> memref<8192xf32, #tpu.memory_space<vmem>>
      %dma_wait3A_1305 = arith.constant 0 : i32
      %dma_wait3A_1306 = tpu.memref_slice %arg11[%dma_wait3A_1299, %dma_wait3A_1305] : memref<1x8192xi32, #tpu.memory_space<vmem>> -> memref<1x8192xi32, #tpu.memory_space<vmem>>
      %dma_wait3A_1307 = tpu.memref_squeeze %dma_wait3A_1306 : memref<1x8192xi32, #tpu.memory_space<vmem>> -> memref<8192xi32, #tpu.memory_space<vmem>>
      %dma_wait3A_1308 = arith.constant 0 : i32
      %dma_wait3A_1309 = tpu.memref_slice %arg7[%dma_wait3A_1308] : memref<100352xf32, #tpu.memory_space<vmem_shared>> -> memref<100352xf32, #tpu.memory_space<vmem_shared>>
      %dma_wait3A_1310 = tpu.memref_slice %arg25[%dma_wait3A_1301] : memref<3x!tpu.dma_semaphore, #tpu.memory_space<semaphore_mem>> -> memref<1x!tpu.dma_semaphore, #tpu.memory_space<semaphore_mem>>
      %dma_wait3A_1311 = tpu.memref_squeeze %dma_wait3A_1310 : memref<1x!tpu.dma_semaphore, #tpu.memory_space<semaphore_mem>> -> memref<!tpu.dma_semaphore, #tpu.memory_space<semaphore_mem>>
      tpu.wait_indirect_dma semaphore(%dma_wait3A_1311 : memref<!tpu.dma_semaphore, #tpu.memory_space<semaphore_mem>>) src(%dma_wait3A_1309 : memref<100352xf32, #tpu.memory_space<vmem_shared>>) dst(%dma_wait3A_1304 : memref<8192xf32, #tpu.memory_space<vmem>>)
      %dma_start3A_1312 = arith.constant 0 : i32
      %dma_start3A_1313 = arith.constant 0 : i32
      %dma_start3A_1314 = arith.constant 0 : i32
      %dma_start3A_1315 = arith.constant 0 : i32
      %dma_start3A_1316 = tpu.memref_slice %arg17[%dma_start3A_1312, %dma_start3A_1315] : memref<1x8192xf32, #tpu.memory_space<vmem>> -> memref<1x8192xf32, #tpu.memory_space<vmem>>
      %dma_start3A_1317 = tpu.memref_squeeze %dma_start3A_1316 : memref<1x8192xf32, #tpu.memory_space<vmem>> -> memref<8192xf32, #tpu.memory_space<vmem>>
      %dma_start3A_1318 = arith.constant 0 : i32
      %dma_start3A_1319 = tpu.memref_slice %arg14[%dma_start3A_1313, %dma_start3A_1318] : memref<1x8192xi32, #tpu.memory_space<vmem>> -> memref<1x8192xi32, #tpu.memory_space<vmem>>
      %dma_start3A_1320 = tpu.memref_squeeze %dma_start3A_1319 : memref<1x8192xi32, #tpu.memory_space<vmem>> -> memref<8192xi32, #tpu.memory_space<vmem>>
      %dma_start3A_1321 = arith.constant 0 : i32
      %dma_start3A_1322 = tpu.memref_slice %arg8[%dma_start3A_1321] : memref<100352xf32, #tpu.memory_space<vmem_shared>> -> memref<100352xf32, #tpu.memory_space<vmem_shared>>
      %dma_start3A_1323 = tpu.memref_slice %arg26[%dma_start3A_1314] : memref<3x!tpu.dma_semaphore, #tpu.memory_space<semaphore_mem>> -> memref<1x!tpu.dma_semaphore, #tpu.memory_space<semaphore_mem>>
      %dma_start3A_1324 = tpu.memref_squeeze %dma_start3A_1323 : memref<1x!tpu.dma_semaphore, #tpu.memory_space<semaphore_mem>> -> memref<!tpu.dma_semaphore, #tpu.memory_space<semaphore_mem>>
      tpu.enqueue_indirect_dma source(%dma_start3A_1317 : memref<8192xf32, #tpu.memory_space<vmem>>) target(%dma_start3A_1322 : memref<100352xf32, #tpu.memory_space<vmem_shared>>) offsets(%dma_start3A_1320 : memref<8192xi32, #tpu.memory_space<vmem>>) semaphore(%dma_start3A_1324 : memref<!tpu.dma_semaphore, #tpu.memory_space<semaphore_mem>>) {add = true}
      %dma_wait3A_1325 = arith.constant 1 : i32
      %dma_wait3A_1326 = arith.constant 0 : i32
      %dma_wait3A_1327 = tpu.memref_slice %arg3[%add3A_1284, %dma_wait3A_1326] : memref<400x8192xi32, #tpu.memory_space<hbm>> -> memref<1x8192xi32, #tpu.memory_space<hbm>>
      %dma_wait3A_1328 = tpu.memref_slice %arg24[%dma_wait3A_1325] : memref<3x!tpu.dma_semaphore, #tpu.memory_space<semaphore_mem>> -> memref<1x!tpu.dma_semaphore, #tpu.memory_space<semaphore_mem>>
      %dma_wait3A_1329 = tpu.memref_squeeze %dma_wait3A_1328 : memref<1x!tpu.dma_semaphore, #tpu.memory_space<semaphore_mem>> -> memref<!tpu.dma_semaphore, #tpu.memory_space<semaphore_mem>>
      %dma_wait3A_1330 = arith.constant 0 : i32
      %dma_wait3A_1331 = tpu.memref_slice %arg3[%add3A_1284, %dma_wait3A_1330] : memref<400x8192xi32, #tpu.memory_space<hbm>> -> memref<1x8192xi32, #tpu.memory_space<hbm>>
      tpu.wait_dma2 semaphore(%dma_wait3A_1329 : memref<!tpu.dma_semaphore, #tpu.memory_space<semaphore_mem>>) src(%dma_wait3A_1331 : memref<1x8192xi32, #tpu.memory_space<hbm>>) dst(%arg12 : memref<1x8192xi32, #tpu.memory_space<vmem>>)
      %dma_wait3A_1332 = arith.constant 1 : i32
      %dma_wait3A_1333 = arith.constant 0 : i32
      %dma_wait3A_1334 = tpu.memref_slice %arg4[%add3A_1284, %dma_wait3A_1333] : memref<400x8192xi32, #tpu.memory_space<hbm>> -> memref<1x8192xi32, #tpu.memory_space<hbm>>
      %dma_wait3A_1335 = tpu.memref_slice %arg24[%dma_wait3A_1332] : memref<3x!tpu.dma_semaphore, #tpu.memory_space<semaphore_mem>> -> memref<1x!tpu.dma_semaphore, #tpu.memory_space<semaphore_mem>>
      %dma_wait3A_1336 = tpu.memref_squeeze %dma_wait3A_1335 : memref<1x!tpu.dma_semaphore, #tpu.memory_space<semaphore_mem>> -> memref<!tpu.dma_semaphore, #tpu.memory_space<semaphore_mem>>
      %dma_wait3A_1337 = arith.constant 0 : i32
      %dma_wait3A_1338 = tpu.memref_slice %arg4[%add3A_1284, %dma_wait3A_1337] : memref<400x8192xi32, #tpu.memory_space<hbm>> -> memref<1x8192xi32, #tpu.memory_space<hbm>>
      tpu.wait_dma2 semaphore(%dma_wait3A_1336 : memref<!tpu.dma_semaphore, #tpu.memory_space<semaphore_mem>>) src(%dma_wait3A_1338 : memref<1x8192xi32, #tpu.memory_space<hbm>>) dst(%arg15 : memref<1x8192xi32, #tpu.memory_space<vmem>>)
      %dma_start3A_1339 = arith.constant 0 : i32
      %dma_start3A_1340 = arith.constant 0 : i32
      %dma_start3A_1341 = arith.constant 1 : i32
      %dma_start3A_1342 = arith.constant 0 : i32
      %dma_start3A_1343 = tpu.memref_slice %arg18[%dma_start3A_1340, %dma_start3A_1342] : memref<1x8192xf32, #tpu.memory_space<vmem>> -> memref<1x8192xf32, #tpu.memory_space<vmem>>
      %dma_start3A_1344 = tpu.memref_squeeze %dma_start3A_1343 : memref<1x8192xf32, #tpu.memory_space<vmem>> -> memref<8192xf32, #tpu.memory_space<vmem>>
      %dma_start3A_1345 = arith.constant 0 : i32
      %dma_start3A_1346 = tpu.memref_slice %arg12[%dma_start3A_1339, %dma_start3A_1345] : memref<1x8192xi32, #tpu.memory_space<vmem>> -> memref<1x8192xi32, #tpu.memory_space<vmem>>
      %dma_start3A_1347 = tpu.memref_squeeze %dma_start3A_1346 : memref<1x8192xi32, #tpu.memory_space<vmem>> -> memref<8192xi32, #tpu.memory_space<vmem>>
      %dma_start3A_1348 = arith.constant 0 : i32
      %dma_start3A_1349 = tpu.memref_slice %arg7[%dma_start3A_1348] : memref<100352xf32, #tpu.memory_space<vmem_shared>> -> memref<100352xf32, #tpu.memory_space<vmem_shared>>
      %dma_start3A_1350 = tpu.memref_slice %arg25[%dma_start3A_1341] : memref<3x!tpu.dma_semaphore, #tpu.memory_space<semaphore_mem>> -> memref<1x!tpu.dma_semaphore, #tpu.memory_space<semaphore_mem>>
      %dma_start3A_1351 = tpu.memref_squeeze %dma_start3A_1350 : memref<1x!tpu.dma_semaphore, #tpu.memory_space<semaphore_mem>> -> memref<!tpu.dma_semaphore, #tpu.memory_space<semaphore_mem>>
      tpu.enqueue_indirect_dma source(%dma_start3A_1349 : memref<100352xf32, #tpu.memory_space<vmem_shared>>) target(%dma_start3A_1344 : memref<8192xf32, #tpu.memory_space<vmem>>) offsets(%dma_start3A_1347 : memref<8192xi32, #tpu.memory_space<vmem>>) semaphore(%dma_start3A_1351 : memref<!tpu.dma_semaphore, #tpu.memory_space<semaphore_mem>>)
      %dma_wait3A_1352 = arith.constant 0 : i32
      %dma_wait3A_1353 = arith.constant 0 : i32
      %dma_wait3A_1354 = arith.constant 2 : i32
      %dma_wait3A_1355 = arith.constant 0 : i32
      %dma_wait3A_1356 = tpu.memref_slice %arg19[%dma_wait3A_1352, %dma_wait3A_1355] : memref<1x8192xf32, #tpu.memory_space<vmem>> -> memref<1x8192xf32, #tpu.memory_space<vmem>>
      %dma_wait3A_1357 = tpu.memref_squeeze %dma_wait3A_1356 : memref<1x8192xf32, #tpu.memory_space<vmem>> -> memref<8192xf32, #tpu.memory_space<vmem>>
      %dma_wait3A_1358 = arith.constant 0 : i32
      %dma_wait3A_1359 = tpu.memref_slice %arg16[%dma_wait3A_1353, %dma_wait3A_1358] : memref<1x8192xi32, #tpu.memory_space<vmem>> -> memref<1x8192xi32, #tpu.memory_space<vmem>>
      %dma_wait3A_1360 = tpu.memref_squeeze %dma_wait3A_1359 : memref<1x8192xi32, #tpu.memory_space<vmem>> -> memref<8192xi32, #tpu.memory_space<vmem>>
      %dma_wait3A_1361 = arith.constant 0 : i32
      %dma_wait3A_1362 = tpu.memref_slice %arg8[%dma_wait3A_1361] : memref<100352xf32, #tpu.memory_space<vmem_shared>> -> memref<100352xf32, #tpu.memory_space<vmem_shared>>
      %dma_wait3A_1363 = tpu.memref_slice %arg26[%dma_wait3A_1354] : memref<3x!tpu.dma_semaphore, #tpu.memory_space<semaphore_mem>> -> memref<1x!tpu.dma_semaphore, #tpu.memory_space<semaphore_mem>>
      %dma_wait3A_1364 = tpu.memref_squeeze %dma_wait3A_1363 : memref<1x!tpu.dma_semaphore, #tpu.memory_space<semaphore_mem>> -> memref<!tpu.dma_semaphore, #tpu.memory_space<semaphore_mem>>
      tpu.wait_indirect_dma semaphore(%dma_wait3A_1364 : memref<!tpu.dma_semaphore, #tpu.memory_space<semaphore_mem>>) src(%dma_wait3A_1357 : memref<8192xf32, #tpu.memory_space<vmem>>) dst(%dma_wait3A_1362 : memref<100352xf32, #tpu.memory_space<vmem_shared>>)
      %add3A_1365 = arith.constant 17 : i32
      %add3A_1366 = arith.addi %mul3A_2, %add3A_1365 : i32
      %dma_start3A_1367 = arith.constant 2 : i32
      %dma_start3A_1368 = arith.constant 0 : i32
      %dma_start3A_1369 = tpu.memref_slice %arg3[%add3A_1366, %dma_start3A_1368] : memref<400x8192xi32, #tpu.memory_space<hbm>> -> memref<1x8192xi32, #tpu.memory_space<hbm>>
      %dma_start3A_1370 = tpu.memref_slice %arg24[%dma_start3A_1367] : memref<3x!tpu.dma_semaphore, #tpu.memory_space<semaphore_mem>> -> memref<1x!tpu.dma_semaphore, #tpu.memory_space<semaphore_mem>>
      %dma_start3A_1371 = tpu.memref_squeeze %dma_start3A_1370 : memref<1x!tpu.dma_semaphore, #tpu.memory_space<semaphore_mem>> -> memref<!tpu.dma_semaphore, #tpu.memory_space<semaphore_mem>>
      %dma_start3A_1372 = arith.constant 0 : i32
      %dma_start3A_1373 = tpu.memref_slice %arg3[%add3A_1366, %dma_start3A_1372] : memref<400x8192xi32, #tpu.memory_space<hbm>> -> memref<1x8192xi32, #tpu.memory_space<hbm>>
      tpu.enqueue_dma source(%dma_start3A_1373 : memref<1x8192xi32, #tpu.memory_space<hbm>>) target(%arg13 : memref<1x8192xi32, #tpu.memory_space<vmem>>) target_semaphore(%dma_start3A_1371 : memref<!tpu.dma_semaphore, #tpu.memory_space<semaphore_mem>>)
      %dma_start3A_1374 = arith.constant 2 : i32
      %dma_start3A_1375 = arith.constant 0 : i32
      %dma_start3A_1376 = tpu.memref_slice %arg4[%add3A_1366, %dma_start3A_1375] : memref<400x8192xi32, #tpu.memory_space<hbm>> -> memref<1x8192xi32, #tpu.memory_space<hbm>>
      %dma_start3A_1377 = tpu.memref_slice %arg24[%dma_start3A_1374] : memref<3x!tpu.dma_semaphore, #tpu.memory_space<semaphore_mem>> -> memref<1x!tpu.dma_semaphore, #tpu.memory_space<semaphore_mem>>
      %dma_start3A_1378 = tpu.memref_squeeze %dma_start3A_1377 : memref<1x!tpu.dma_semaphore, #tpu.memory_space<semaphore_mem>> -> memref<!tpu.dma_semaphore, #tpu.memory_space<semaphore_mem>>
      %dma_start3A_1379 = arith.constant 0 : i32
      %dma_start3A_1380 = tpu.memref_slice %arg4[%add3A_1366, %dma_start3A_1379] : memref<400x8192xi32, #tpu.memory_space<hbm>> -> memref<1x8192xi32, #tpu.memory_space<hbm>>
      tpu.enqueue_dma source(%dma_start3A_1380 : memref<1x8192xi32, #tpu.memory_space<hbm>>) target(%arg16 : memref<1x8192xi32, #tpu.memory_space<vmem>>) target_semaphore(%dma_start3A_1378 : memref<!tpu.dma_semaphore, #tpu.memory_space<semaphore_mem>>)
      %dma_wait3A_1381 = arith.constant 0 : i32
      %dma_wait3A_1382 = arith.constant 0 : i32
      %dma_wait3A_1383 = arith.constant 1 : i32
      %dma_wait3A_1384 = arith.constant 0 : i32
      %dma_wait3A_1385 = tpu.memref_slice %arg18[%dma_wait3A_1382, %dma_wait3A_1384] : memref<1x8192xf32, #tpu.memory_space<vmem>> -> memref<1x8192xf32, #tpu.memory_space<vmem>>
      %dma_wait3A_1386 = tpu.memref_squeeze %dma_wait3A_1385 : memref<1x8192xf32, #tpu.memory_space<vmem>> -> memref<8192xf32, #tpu.memory_space<vmem>>
      %dma_wait3A_1387 = arith.constant 0 : i32
      %dma_wait3A_1388 = tpu.memref_slice %arg12[%dma_wait3A_1381, %dma_wait3A_1387] : memref<1x8192xi32, #tpu.memory_space<vmem>> -> memref<1x8192xi32, #tpu.memory_space<vmem>>
      %dma_wait3A_1389 = tpu.memref_squeeze %dma_wait3A_1388 : memref<1x8192xi32, #tpu.memory_space<vmem>> -> memref<8192xi32, #tpu.memory_space<vmem>>
      %dma_wait3A_1390 = arith.constant 0 : i32
      %dma_wait3A_1391 = tpu.memref_slice %arg7[%dma_wait3A_1390] : memref<100352xf32, #tpu.memory_space<vmem_shared>> -> memref<100352xf32, #tpu.memory_space<vmem_shared>>
      %dma_wait3A_1392 = tpu.memref_slice %arg25[%dma_wait3A_1383] : memref<3x!tpu.dma_semaphore, #tpu.memory_space<semaphore_mem>> -> memref<1x!tpu.dma_semaphore, #tpu.memory_space<semaphore_mem>>
      %dma_wait3A_1393 = tpu.memref_squeeze %dma_wait3A_1392 : memref<1x!tpu.dma_semaphore, #tpu.memory_space<semaphore_mem>> -> memref<!tpu.dma_semaphore, #tpu.memory_space<semaphore_mem>>
      tpu.wait_indirect_dma semaphore(%dma_wait3A_1393 : memref<!tpu.dma_semaphore, #tpu.memory_space<semaphore_mem>>) src(%dma_wait3A_1391 : memref<100352xf32, #tpu.memory_space<vmem_shared>>) dst(%dma_wait3A_1386 : memref<8192xf32, #tpu.memory_space<vmem>>)
      %dma_start3A_1394 = arith.constant 0 : i32
      %dma_start3A_1395 = arith.constant 0 : i32
      %dma_start3A_1396 = arith.constant 1 : i32
      %dma_start3A_1397 = arith.constant 0 : i32
      %dma_start3A_1398 = tpu.memref_slice %arg18[%dma_start3A_1394, %dma_start3A_1397] : memref<1x8192xf32, #tpu.memory_space<vmem>> -> memref<1x8192xf32, #tpu.memory_space<vmem>>
      %dma_start3A_1399 = tpu.memref_squeeze %dma_start3A_1398 : memref<1x8192xf32, #tpu.memory_space<vmem>> -> memref<8192xf32, #tpu.memory_space<vmem>>
      %dma_start3A_1400 = arith.constant 0 : i32
      %dma_start3A_1401 = tpu.memref_slice %arg15[%dma_start3A_1395, %dma_start3A_1400] : memref<1x8192xi32, #tpu.memory_space<vmem>> -> memref<1x8192xi32, #tpu.memory_space<vmem>>
      %dma_start3A_1402 = tpu.memref_squeeze %dma_start3A_1401 : memref<1x8192xi32, #tpu.memory_space<vmem>> -> memref<8192xi32, #tpu.memory_space<vmem>>
      %dma_start3A_1403 = arith.constant 0 : i32
      %dma_start3A_1404 = tpu.memref_slice %arg8[%dma_start3A_1403] : memref<100352xf32, #tpu.memory_space<vmem_shared>> -> memref<100352xf32, #tpu.memory_space<vmem_shared>>
      %dma_start3A_1405 = tpu.memref_slice %arg26[%dma_start3A_1396] : memref<3x!tpu.dma_semaphore, #tpu.memory_space<semaphore_mem>> -> memref<1x!tpu.dma_semaphore, #tpu.memory_space<semaphore_mem>>
      %dma_start3A_1406 = tpu.memref_squeeze %dma_start3A_1405 : memref<1x!tpu.dma_semaphore, #tpu.memory_space<semaphore_mem>> -> memref<!tpu.dma_semaphore, #tpu.memory_space<semaphore_mem>>
      tpu.enqueue_indirect_dma source(%dma_start3A_1399 : memref<8192xf32, #tpu.memory_space<vmem>>) target(%dma_start3A_1404 : memref<100352xf32, #tpu.memory_space<vmem_shared>>) offsets(%dma_start3A_1402 : memref<8192xi32, #tpu.memory_space<vmem>>) semaphore(%dma_start3A_1406 : memref<!tpu.dma_semaphore, #tpu.memory_space<semaphore_mem>>) {add = true}
      %dma_wait3A_1407 = arith.constant 2 : i32
      %dma_wait3A_1408 = arith.constant 0 : i32
      %dma_wait3A_1409 = tpu.memref_slice %arg3[%add3A_1366, %dma_wait3A_1408] : memref<400x8192xi32, #tpu.memory_space<hbm>> -> memref<1x8192xi32, #tpu.memory_space<hbm>>
      %dma_wait3A_1410 = tpu.memref_slice %arg24[%dma_wait3A_1407] : memref<3x!tpu.dma_semaphore, #tpu.memory_space<semaphore_mem>> -> memref<1x!tpu.dma_semaphore, #tpu.memory_space<semaphore_mem>>
      %dma_wait3A_1411 = tpu.memref_squeeze %dma_wait3A_1410 : memref<1x!tpu.dma_semaphore, #tpu.memory_space<semaphore_mem>> -> memref<!tpu.dma_semaphore, #tpu.memory_space<semaphore_mem>>
      %dma_wait3A_1412 = arith.constant 0 : i32
      %dma_wait3A_1413 = tpu.memref_slice %arg3[%add3A_1366, %dma_wait3A_1412] : memref<400x8192xi32, #tpu.memory_space<hbm>> -> memref<1x8192xi32, #tpu.memory_space<hbm>>
      tpu.wait_dma2 semaphore(%dma_wait3A_1411 : memref<!tpu.dma_semaphore, #tpu.memory_space<semaphore_mem>>) src(%dma_wait3A_1413 : memref<1x8192xi32, #tpu.memory_space<hbm>>) dst(%arg13 : memref<1x8192xi32, #tpu.memory_space<vmem>>)
      %dma_wait3A_1414 = arith.constant 2 : i32
      %dma_wait3A_1415 = arith.constant 0 : i32
      %dma_wait3A_1416 = tpu.memref_slice %arg4[%add3A_1366, %dma_wait3A_1415] : memref<400x8192xi32, #tpu.memory_space<hbm>> -> memref<1x8192xi32, #tpu.memory_space<hbm>>
      %dma_wait3A_1417 = tpu.memref_slice %arg24[%dma_wait3A_1414] : memref<3x!tpu.dma_semaphore, #tpu.memory_space<semaphore_mem>> -> memref<1x!tpu.dma_semaphore, #tpu.memory_space<semaphore_mem>>
      %dma_wait3A_1418 = tpu.memref_squeeze %dma_wait3A_1417 : memref<1x!tpu.dma_semaphore, #tpu.memory_space<semaphore_mem>> -> memref<!tpu.dma_semaphore, #tpu.memory_space<semaphore_mem>>
      %dma_wait3A_1419 = arith.constant 0 : i32
      %dma_wait3A_1420 = tpu.memref_slice %arg4[%add3A_1366, %dma_wait3A_1419] : memref<400x8192xi32, #tpu.memory_space<hbm>> -> memref<1x8192xi32, #tpu.memory_space<hbm>>
      tpu.wait_dma2 semaphore(%dma_wait3A_1418 : memref<!tpu.dma_semaphore, #tpu.memory_space<semaphore_mem>>) src(%dma_wait3A_1420 : memref<1x8192xi32, #tpu.memory_space<hbm>>) dst(%arg16 : memref<1x8192xi32, #tpu.memory_space<vmem>>)
      %dma_start3A_1421 = arith.constant 0 : i32
      %dma_start3A_1422 = arith.constant 0 : i32
      %dma_start3A_1423 = arith.constant 2 : i32
      %dma_start3A_1424 = arith.constant 0 : i32
      %dma_start3A_1425 = tpu.memref_slice %arg19[%dma_start3A_1422, %dma_start3A_1424] : memref<1x8192xf32, #tpu.memory_space<vmem>> -> memref<1x8192xf32, #tpu.memory_space<vmem>>
      %dma_start3A_1426 = tpu.memref_squeeze %dma_start3A_1425 : memref<1x8192xf32, #tpu.memory_space<vmem>> -> memref<8192xf32, #tpu.memory_space<vmem>>
      %dma_start3A_1427 = arith.constant 0 : i32
      %dma_start3A_1428 = tpu.memref_slice %arg13[%dma_start3A_1421, %dma_start3A_1427] : memref<1x8192xi32, #tpu.memory_space<vmem>> -> memref<1x8192xi32, #tpu.memory_space<vmem>>
      %dma_start3A_1429 = tpu.memref_squeeze %dma_start3A_1428 : memref<1x8192xi32, #tpu.memory_space<vmem>> -> memref<8192xi32, #tpu.memory_space<vmem>>
      %dma_start3A_1430 = arith.constant 0 : i32
      %dma_start3A_1431 = tpu.memref_slice %arg7[%dma_start3A_1430] : memref<100352xf32, #tpu.memory_space<vmem_shared>> -> memref<100352xf32, #tpu.memory_space<vmem_shared>>
      %dma_start3A_1432 = tpu.memref_slice %arg25[%dma_start3A_1423] : memref<3x!tpu.dma_semaphore, #tpu.memory_space<semaphore_mem>> -> memref<1x!tpu.dma_semaphore, #tpu.memory_space<semaphore_mem>>
      %dma_start3A_1433 = tpu.memref_squeeze %dma_start3A_1432 : memref<1x!tpu.dma_semaphore, #tpu.memory_space<semaphore_mem>> -> memref<!tpu.dma_semaphore, #tpu.memory_space<semaphore_mem>>
      tpu.enqueue_indirect_dma source(%dma_start3A_1431 : memref<100352xf32, #tpu.memory_space<vmem_shared>>) target(%dma_start3A_1426 : memref<8192xf32, #tpu.memory_space<vmem>>) offsets(%dma_start3A_1429 : memref<8192xi32, #tpu.memory_space<vmem>>) semaphore(%dma_start3A_1433 : memref<!tpu.dma_semaphore, #tpu.memory_space<semaphore_mem>>)
      %dma_wait3A_1434 = arith.constant 0 : i32
      %dma_wait3A_1435 = arith.constant 0 : i32
      %dma_wait3A_1436 = arith.constant 0 : i32
      %dma_wait3A_1437 = arith.constant 0 : i32
      %dma_wait3A_1438 = tpu.memref_slice %arg17[%dma_wait3A_1434, %dma_wait3A_1437] : memref<1x8192xf32, #tpu.memory_space<vmem>> -> memref<1x8192xf32, #tpu.memory_space<vmem>>
      %dma_wait3A_1439 = tpu.memref_squeeze %dma_wait3A_1438 : memref<1x8192xf32, #tpu.memory_space<vmem>> -> memref<8192xf32, #tpu.memory_space<vmem>>
      %dma_wait3A_1440 = arith.constant 0 : i32
      %dma_wait3A_1441 = tpu.memref_slice %arg14[%dma_wait3A_1435, %dma_wait3A_1440] : memref<1x8192xi32, #tpu.memory_space<vmem>> -> memref<1x8192xi32, #tpu.memory_space<vmem>>
      %dma_wait3A_1442 = tpu.memref_squeeze %dma_wait3A_1441 : memref<1x8192xi32, #tpu.memory_space<vmem>> -> memref<8192xi32, #tpu.memory_space<vmem>>
      %dma_wait3A_1443 = arith.constant 0 : i32
      %dma_wait3A_1444 = tpu.memref_slice %arg8[%dma_wait3A_1443] : memref<100352xf32, #tpu.memory_space<vmem_shared>> -> memref<100352xf32, #tpu.memory_space<vmem_shared>>
      %dma_wait3A_1445 = tpu.memref_slice %arg26[%dma_wait3A_1436] : memref<3x!tpu.dma_semaphore, #tpu.memory_space<semaphore_mem>> -> memref<1x!tpu.dma_semaphore, #tpu.memory_space<semaphore_mem>>
      %dma_wait3A_1446 = tpu.memref_squeeze %dma_wait3A_1445 : memref<1x!tpu.dma_semaphore, #tpu.memory_space<semaphore_mem>> -> memref<!tpu.dma_semaphore, #tpu.memory_space<semaphore_mem>>
      tpu.wait_indirect_dma semaphore(%dma_wait3A_1446 : memref<!tpu.dma_semaphore, #tpu.memory_space<semaphore_mem>>) src(%dma_wait3A_1439 : memref<8192xf32, #tpu.memory_space<vmem>>) dst(%dma_wait3A_1444 : memref<100352xf32, #tpu.memory_space<vmem_shared>>)
      %add3A_1447 = arith.constant 18 : i32
      %add3A_1448 = arith.addi %mul3A_2, %add3A_1447 : i32
      %dma_start3A_1449 = arith.constant 0 : i32
      %dma_start3A_1450 = arith.constant 0 : i32
      %dma_start3A_1451 = tpu.memref_slice %arg3[%add3A_1448, %dma_start3A_1450] : memref<400x8192xi32, #tpu.memory_space<hbm>> -> memref<1x8192xi32, #tpu.memory_space<hbm>>
      %dma_start3A_1452 = tpu.memref_slice %arg24[%dma_start3A_1449] : memref<3x!tpu.dma_semaphore, #tpu.memory_space<semaphore_mem>> -> memref<1x!tpu.dma_semaphore, #tpu.memory_space<semaphore_mem>>
      %dma_start3A_1453 = tpu.memref_squeeze %dma_start3A_1452 : memref<1x!tpu.dma_semaphore, #tpu.memory_space<semaphore_mem>> -> memref<!tpu.dma_semaphore, #tpu.memory_space<semaphore_mem>>
      %dma_start3A_1454 = arith.constant 0 : i32
      %dma_start3A_1455 = tpu.memref_slice %arg3[%add3A_1448, %dma_start3A_1454] : memref<400x8192xi32, #tpu.memory_space<hbm>> -> memref<1x8192xi32, #tpu.memory_space<hbm>>
      tpu.enqueue_dma source(%dma_start3A_1455 : memref<1x8192xi32, #tpu.memory_space<hbm>>) target(%arg11 : memref<1x8192xi32, #tpu.memory_space<vmem>>) target_semaphore(%dma_start3A_1453 : memref<!tpu.dma_semaphore, #tpu.memory_space<semaphore_mem>>)
      %dma_start3A_1456 = arith.constant 0 : i32
      %dma_start3A_1457 = arith.constant 0 : i32
      %dma_start3A_1458 = tpu.memref_slice %arg4[%add3A_1448, %dma_start3A_1457] : memref<400x8192xi32, #tpu.memory_space<hbm>> -> memref<1x8192xi32, #tpu.memory_space<hbm>>
      %dma_start3A_1459 = tpu.memref_slice %arg24[%dma_start3A_1456] : memref<3x!tpu.dma_semaphore, #tpu.memory_space<semaphore_mem>> -> memref<1x!tpu.dma_semaphore, #tpu.memory_space<semaphore_mem>>
      %dma_start3A_1460 = tpu.memref_squeeze %dma_start3A_1459 : memref<1x!tpu.dma_semaphore, #tpu.memory_space<semaphore_mem>> -> memref<!tpu.dma_semaphore, #tpu.memory_space<semaphore_mem>>
      %dma_start3A_1461 = arith.constant 0 : i32
      %dma_start3A_1462 = tpu.memref_slice %arg4[%add3A_1448, %dma_start3A_1461] : memref<400x8192xi32, #tpu.memory_space<hbm>> -> memref<1x8192xi32, #tpu.memory_space<hbm>>
      tpu.enqueue_dma source(%dma_start3A_1462 : memref<1x8192xi32, #tpu.memory_space<hbm>>) target(%arg14 : memref<1x8192xi32, #tpu.memory_space<vmem>>) target_semaphore(%dma_start3A_1460 : memref<!tpu.dma_semaphore, #tpu.memory_space<semaphore_mem>>)
      %dma_wait3A_1463 = arith.constant 0 : i32
      %dma_wait3A_1464 = arith.constant 0 : i32
      %dma_wait3A_1465 = arith.constant 2 : i32
      %dma_wait3A_1466 = arith.constant 0 : i32
      %dma_wait3A_1467 = tpu.memref_slice %arg19[%dma_wait3A_1464, %dma_wait3A_1466] : memref<1x8192xf32, #tpu.memory_space<vmem>> -> memref<1x8192xf32, #tpu.memory_space<vmem>>
      %dma_wait3A_1468 = tpu.memref_squeeze %dma_wait3A_1467 : memref<1x8192xf32, #tpu.memory_space<vmem>> -> memref<8192xf32, #tpu.memory_space<vmem>>
      %dma_wait3A_1469 = arith.constant 0 : i32
      %dma_wait3A_1470 = tpu.memref_slice %arg13[%dma_wait3A_1463, %dma_wait3A_1469] : memref<1x8192xi32, #tpu.memory_space<vmem>> -> memref<1x8192xi32, #tpu.memory_space<vmem>>
      %dma_wait3A_1471 = tpu.memref_squeeze %dma_wait3A_1470 : memref<1x8192xi32, #tpu.memory_space<vmem>> -> memref<8192xi32, #tpu.memory_space<vmem>>
      %dma_wait3A_1472 = arith.constant 0 : i32
      %dma_wait3A_1473 = tpu.memref_slice %arg7[%dma_wait3A_1472] : memref<100352xf32, #tpu.memory_space<vmem_shared>> -> memref<100352xf32, #tpu.memory_space<vmem_shared>>
      %dma_wait3A_1474 = tpu.memref_slice %arg25[%dma_wait3A_1465] : memref<3x!tpu.dma_semaphore, #tpu.memory_space<semaphore_mem>> -> memref<1x!tpu.dma_semaphore, #tpu.memory_space<semaphore_mem>>
      %dma_wait3A_1475 = tpu.memref_squeeze %dma_wait3A_1474 : memref<1x!tpu.dma_semaphore, #tpu.memory_space<semaphore_mem>> -> memref<!tpu.dma_semaphore, #tpu.memory_space<semaphore_mem>>
      tpu.wait_indirect_dma semaphore(%dma_wait3A_1475 : memref<!tpu.dma_semaphore, #tpu.memory_space<semaphore_mem>>) src(%dma_wait3A_1473 : memref<100352xf32, #tpu.memory_space<vmem_shared>>) dst(%dma_wait3A_1468 : memref<8192xf32, #tpu.memory_space<vmem>>)
      %dma_start3A_1476 = arith.constant 0 : i32
      %dma_start3A_1477 = arith.constant 0 : i32
      %dma_start3A_1478 = arith.constant 2 : i32
      %dma_start3A_1479 = arith.constant 0 : i32
      %dma_start3A_1480 = tpu.memref_slice %arg19[%dma_start3A_1476, %dma_start3A_1479] : memref<1x8192xf32, #tpu.memory_space<vmem>> -> memref<1x8192xf32, #tpu.memory_space<vmem>>
      %dma_start3A_1481 = tpu.memref_squeeze %dma_start3A_1480 : memref<1x8192xf32, #tpu.memory_space<vmem>> -> memref<8192xf32, #tpu.memory_space<vmem>>
      %dma_start3A_1482 = arith.constant 0 : i32
      %dma_start3A_1483 = tpu.memref_slice %arg16[%dma_start3A_1477, %dma_start3A_1482] : memref<1x8192xi32, #tpu.memory_space<vmem>> -> memref<1x8192xi32, #tpu.memory_space<vmem>>
      %dma_start3A_1484 = tpu.memref_squeeze %dma_start3A_1483 : memref<1x8192xi32, #tpu.memory_space<vmem>> -> memref<8192xi32, #tpu.memory_space<vmem>>
      %dma_start3A_1485 = arith.constant 0 : i32
      %dma_start3A_1486 = tpu.memref_slice %arg8[%dma_start3A_1485] : memref<100352xf32, #tpu.memory_space<vmem_shared>> -> memref<100352xf32, #tpu.memory_space<vmem_shared>>
      %dma_start3A_1487 = tpu.memref_slice %arg26[%dma_start3A_1478] : memref<3x!tpu.dma_semaphore, #tpu.memory_space<semaphore_mem>> -> memref<1x!tpu.dma_semaphore, #tpu.memory_space<semaphore_mem>>
      %dma_start3A_1488 = tpu.memref_squeeze %dma_start3A_1487 : memref<1x!tpu.dma_semaphore, #tpu.memory_space<semaphore_mem>> -> memref<!tpu.dma_semaphore, #tpu.memory_space<semaphore_mem>>
      tpu.enqueue_indirect_dma source(%dma_start3A_1481 : memref<8192xf32, #tpu.memory_space<vmem>>) target(%dma_start3A_1486 : memref<100352xf32, #tpu.memory_space<vmem_shared>>) offsets(%dma_start3A_1484 : memref<8192xi32, #tpu.memory_space<vmem>>) semaphore(%dma_start3A_1488 : memref<!tpu.dma_semaphore, #tpu.memory_space<semaphore_mem>>) {add = true}
      %dma_wait3A_1489 = arith.constant 0 : i32
      %dma_wait3A_1490 = arith.constant 0 : i32
      %dma_wait3A_1491 = tpu.memref_slice %arg3[%add3A_1448, %dma_wait3A_1490] : memref<400x8192xi32, #tpu.memory_space<hbm>> -> memref<1x8192xi32, #tpu.memory_space<hbm>>
      %dma_wait3A_1492 = tpu.memref_slice %arg24[%dma_wait3A_1489] : memref<3x!tpu.dma_semaphore, #tpu.memory_space<semaphore_mem>> -> memref<1x!tpu.dma_semaphore, #tpu.memory_space<semaphore_mem>>
      %dma_wait3A_1493 = tpu.memref_squeeze %dma_wait3A_1492 : memref<1x!tpu.dma_semaphore, #tpu.memory_space<semaphore_mem>> -> memref<!tpu.dma_semaphore, #tpu.memory_space<semaphore_mem>>
      %dma_wait3A_1494 = arith.constant 0 : i32
      %dma_wait3A_1495 = tpu.memref_slice %arg3[%add3A_1448, %dma_wait3A_1494] : memref<400x8192xi32, #tpu.memory_space<hbm>> -> memref<1x8192xi32, #tpu.memory_space<hbm>>
      tpu.wait_dma2 semaphore(%dma_wait3A_1493 : memref<!tpu.dma_semaphore, #tpu.memory_space<semaphore_mem>>) src(%dma_wait3A_1495 : memref<1x8192xi32, #tpu.memory_space<hbm>>) dst(%arg11 : memref<1x8192xi32, #tpu.memory_space<vmem>>)
      %dma_wait3A_1496 = arith.constant 0 : i32
      %dma_wait3A_1497 = arith.constant 0 : i32
      %dma_wait3A_1498 = tpu.memref_slice %arg4[%add3A_1448, %dma_wait3A_1497] : memref<400x8192xi32, #tpu.memory_space<hbm>> -> memref<1x8192xi32, #tpu.memory_space<hbm>>
      %dma_wait3A_1499 = tpu.memref_slice %arg24[%dma_wait3A_1496] : memref<3x!tpu.dma_semaphore, #tpu.memory_space<semaphore_mem>> -> memref<1x!tpu.dma_semaphore, #tpu.memory_space<semaphore_mem>>
      %dma_wait3A_1500 = tpu.memref_squeeze %dma_wait3A_1499 : memref<1x!tpu.dma_semaphore, #tpu.memory_space<semaphore_mem>> -> memref<!tpu.dma_semaphore, #tpu.memory_space<semaphore_mem>>
      %dma_wait3A_1501 = arith.constant 0 : i32
      %dma_wait3A_1502 = tpu.memref_slice %arg4[%add3A_1448, %dma_wait3A_1501] : memref<400x8192xi32, #tpu.memory_space<hbm>> -> memref<1x8192xi32, #tpu.memory_space<hbm>>
      tpu.wait_dma2 semaphore(%dma_wait3A_1500 : memref<!tpu.dma_semaphore, #tpu.memory_space<semaphore_mem>>) src(%dma_wait3A_1502 : memref<1x8192xi32, #tpu.memory_space<hbm>>) dst(%arg14 : memref<1x8192xi32, #tpu.memory_space<vmem>>)
      %dma_start3A_1503 = arith.constant 0 : i32
      %dma_start3A_1504 = arith.constant 0 : i32
      %dma_start3A_1505 = arith.constant 0 : i32
      %dma_start3A_1506 = arith.constant 0 : i32
      %dma_start3A_1507 = tpu.memref_slice %arg17[%dma_start3A_1504, %dma_start3A_1506] : memref<1x8192xf32, #tpu.memory_space<vmem>> -> memref<1x8192xf32, #tpu.memory_space<vmem>>
      %dma_start3A_1508 = tpu.memref_squeeze %dma_start3A_1507 : memref<1x8192xf32, #tpu.memory_space<vmem>> -> memref<8192xf32, #tpu.memory_space<vmem>>
      %dma_start3A_1509 = arith.constant 0 : i32
      %dma_start3A_1510 = tpu.memref_slice %arg11[%dma_start3A_1503, %dma_start3A_1509] : memref<1x8192xi32, #tpu.memory_space<vmem>> -> memref<1x8192xi32, #tpu.memory_space<vmem>>
      %dma_start3A_1511 = tpu.memref_squeeze %dma_start3A_1510 : memref<1x8192xi32, #tpu.memory_space<vmem>> -> memref<8192xi32, #tpu.memory_space<vmem>>
      %dma_start3A_1512 = arith.constant 0 : i32
      %dma_start3A_1513 = tpu.memref_slice %arg7[%dma_start3A_1512] : memref<100352xf32, #tpu.memory_space<vmem_shared>> -> memref<100352xf32, #tpu.memory_space<vmem_shared>>
      %dma_start3A_1514 = tpu.memref_slice %arg25[%dma_start3A_1505] : memref<3x!tpu.dma_semaphore, #tpu.memory_space<semaphore_mem>> -> memref<1x!tpu.dma_semaphore, #tpu.memory_space<semaphore_mem>>
      %dma_start3A_1515 = tpu.memref_squeeze %dma_start3A_1514 : memref<1x!tpu.dma_semaphore, #tpu.memory_space<semaphore_mem>> -> memref<!tpu.dma_semaphore, #tpu.memory_space<semaphore_mem>>
      tpu.enqueue_indirect_dma source(%dma_start3A_1513 : memref<100352xf32, #tpu.memory_space<vmem_shared>>) target(%dma_start3A_1508 : memref<8192xf32, #tpu.memory_space<vmem>>) offsets(%dma_start3A_1511 : memref<8192xi32, #tpu.memory_space<vmem>>) semaphore(%dma_start3A_1515 : memref<!tpu.dma_semaphore, #tpu.memory_space<semaphore_mem>>)
      %dma_wait3A_1516 = arith.constant 0 : i32
      %dma_wait3A_1517 = arith.constant 0 : i32
      %dma_wait3A_1518 = arith.constant 1 : i32
      %dma_wait3A_1519 = arith.constant 0 : i32
      %dma_wait3A_1520 = tpu.memref_slice %arg18[%dma_wait3A_1516, %dma_wait3A_1519] : memref<1x8192xf32, #tpu.memory_space<vmem>> -> memref<1x8192xf32, #tpu.memory_space<vmem>>
      %dma_wait3A_1521 = tpu.memref_squeeze %dma_wait3A_1520 : memref<1x8192xf32, #tpu.memory_space<vmem>> -> memref<8192xf32, #tpu.memory_space<vmem>>
      %dma_wait3A_1522 = arith.constant 0 : i32
      %dma_wait3A_1523 = tpu.memref_slice %arg15[%dma_wait3A_1517, %dma_wait3A_1522] : memref<1x8192xi32, #tpu.memory_space<vmem>> -> memref<1x8192xi32, #tpu.memory_space<vmem>>
      %dma_wait3A_1524 = tpu.memref_squeeze %dma_wait3A_1523 : memref<1x8192xi32, #tpu.memory_space<vmem>> -> memref<8192xi32, #tpu.memory_space<vmem>>
      %dma_wait3A_1525 = arith.constant 0 : i32
      %dma_wait3A_1526 = tpu.memref_slice %arg8[%dma_wait3A_1525] : memref<100352xf32, #tpu.memory_space<vmem_shared>> -> memref<100352xf32, #tpu.memory_space<vmem_shared>>
      %dma_wait3A_1527 = tpu.memref_slice %arg26[%dma_wait3A_1518] : memref<3x!tpu.dma_semaphore, #tpu.memory_space<semaphore_mem>> -> memref<1x!tpu.dma_semaphore, #tpu.memory_space<semaphore_mem>>
      %dma_wait3A_1528 = tpu.memref_squeeze %dma_wait3A_1527 : memref<1x!tpu.dma_semaphore, #tpu.memory_space<semaphore_mem>> -> memref<!tpu.dma_semaphore, #tpu.memory_space<semaphore_mem>>
      tpu.wait_indirect_dma semaphore(%dma_wait3A_1528 : memref<!tpu.dma_semaphore, #tpu.memory_space<semaphore_mem>>) src(%dma_wait3A_1521 : memref<8192xf32, #tpu.memory_space<vmem>>) dst(%dma_wait3A_1526 : memref<100352xf32, #tpu.memory_space<vmem_shared>>)
      %add3A_1529 = arith.constant 19 : i32
      %add3A_1530 = arith.addi %mul3A_2, %add3A_1529 : i32
      %dma_start3A_1531 = arith.constant 1 : i32
      %dma_start3A_1532 = arith.constant 0 : i32
      %dma_start3A_1533 = tpu.memref_slice %arg3[%add3A_1530, %dma_start3A_1532] : memref<400x8192xi32, #tpu.memory_space<hbm>> -> memref<1x8192xi32, #tpu.memory_space<hbm>>
      %dma_start3A_1534 = tpu.memref_slice %arg24[%dma_start3A_1531] : memref<3x!tpu.dma_semaphore, #tpu.memory_space<semaphore_mem>> -> memref<1x!tpu.dma_semaphore, #tpu.memory_space<semaphore_mem>>
      %dma_start3A_1535 = tpu.memref_squeeze %dma_start3A_1534 : memref<1x!tpu.dma_semaphore, #tpu.memory_space<semaphore_mem>> -> memref<!tpu.dma_semaphore, #tpu.memory_space<semaphore_mem>>
      %dma_start3A_1536 = arith.constant 0 : i32
      %dma_start3A_1537 = tpu.memref_slice %arg3[%add3A_1530, %dma_start3A_1536] : memref<400x8192xi32, #tpu.memory_space<hbm>> -> memref<1x8192xi32, #tpu.memory_space<hbm>>
      tpu.enqueue_dma source(%dma_start3A_1537 : memref<1x8192xi32, #tpu.memory_space<hbm>>) target(%arg12 : memref<1x8192xi32, #tpu.memory_space<vmem>>) target_semaphore(%dma_start3A_1535 : memref<!tpu.dma_semaphore, #tpu.memory_space<semaphore_mem>>)
      %dma_start3A_1538 = arith.constant 1 : i32
      %dma_start3A_1539 = arith.constant 0 : i32
      %dma_start3A_1540 = tpu.memref_slice %arg4[%add3A_1530, %dma_start3A_1539] : memref<400x8192xi32, #tpu.memory_space<hbm>> -> memref<1x8192xi32, #tpu.memory_space<hbm>>
      %dma_start3A_1541 = tpu.memref_slice %arg24[%dma_start3A_1538] : memref<3x!tpu.dma_semaphore, #tpu.memory_space<semaphore_mem>> -> memref<1x!tpu.dma_semaphore, #tpu.memory_space<semaphore_mem>>
      %dma_start3A_1542 = tpu.memref_squeeze %dma_start3A_1541 : memref<1x!tpu.dma_semaphore, #tpu.memory_space<semaphore_mem>> -> memref<!tpu.dma_semaphore, #tpu.memory_space<semaphore_mem>>
      %dma_start3A_1543 = arith.constant 0 : i32
      %dma_start3A_1544 = tpu.memref_slice %arg4[%add3A_1530, %dma_start3A_1543] : memref<400x8192xi32, #tpu.memory_space<hbm>> -> memref<1x8192xi32, #tpu.memory_space<hbm>>
      tpu.enqueue_dma source(%dma_start3A_1544 : memref<1x8192xi32, #tpu.memory_space<hbm>>) target(%arg15 : memref<1x8192xi32, #tpu.memory_space<vmem>>) target_semaphore(%dma_start3A_1542 : memref<!tpu.dma_semaphore, #tpu.memory_space<semaphore_mem>>)
      %dma_wait3A_1545 = arith.constant 0 : i32
      %dma_wait3A_1546 = arith.constant 0 : i32
      %dma_wait3A_1547 = arith.constant 0 : i32
      %dma_wait3A_1548 = arith.constant 0 : i32
      %dma_wait3A_1549 = tpu.memref_slice %arg17[%dma_wait3A_1546, %dma_wait3A_1548] : memref<1x8192xf32, #tpu.memory_space<vmem>> -> memref<1x8192xf32, #tpu.memory_space<vmem>>
      %dma_wait3A_1550 = tpu.memref_squeeze %dma_wait3A_1549 : memref<1x8192xf32, #tpu.memory_space<vmem>> -> memref<8192xf32, #tpu.memory_space<vmem>>
      %dma_wait3A_1551 = arith.constant 0 : i32
      %dma_wait3A_1552 = tpu.memref_slice %arg11[%dma_wait3A_1545, %dma_wait3A_1551] : memref<1x8192xi32, #tpu.memory_space<vmem>> -> memref<1x8192xi32, #tpu.memory_space<vmem>>
      %dma_wait3A_1553 = tpu.memref_squeeze %dma_wait3A_1552 : memref<1x8192xi32, #tpu.memory_space<vmem>> -> memref<8192xi32, #tpu.memory_space<vmem>>
      %dma_wait3A_1554 = arith.constant 0 : i32
      %dma_wait3A_1555 = tpu.memref_slice %arg7[%dma_wait3A_1554] : memref<100352xf32, #tpu.memory_space<vmem_shared>> -> memref<100352xf32, #tpu.memory_space<vmem_shared>>
      %dma_wait3A_1556 = tpu.memref_slice %arg25[%dma_wait3A_1547] : memref<3x!tpu.dma_semaphore, #tpu.memory_space<semaphore_mem>> -> memref<1x!tpu.dma_semaphore, #tpu.memory_space<semaphore_mem>>
      %dma_wait3A_1557 = tpu.memref_squeeze %dma_wait3A_1556 : memref<1x!tpu.dma_semaphore, #tpu.memory_space<semaphore_mem>> -> memref<!tpu.dma_semaphore, #tpu.memory_space<semaphore_mem>>
      tpu.wait_indirect_dma semaphore(%dma_wait3A_1557 : memref<!tpu.dma_semaphore, #tpu.memory_space<semaphore_mem>>) src(%dma_wait3A_1555 : memref<100352xf32, #tpu.memory_space<vmem_shared>>) dst(%dma_wait3A_1550 : memref<8192xf32, #tpu.memory_space<vmem>>)
      %dma_start3A_1558 = arith.constant 0 : i32
      %dma_start3A_1559 = arith.constant 0 : i32
      %dma_start3A_1560 = arith.constant 0 : i32
      %dma_start3A_1561 = arith.constant 0 : i32
      %dma_start3A_1562 = tpu.memref_slice %arg17[%dma_start3A_1558, %dma_start3A_1561] : memref<1x8192xf32, #tpu.memory_space<vmem>> -> memref<1x8192xf32, #tpu.memory_space<vmem>>
      %dma_start3A_1563 = tpu.memref_squeeze %dma_start3A_1562 : memref<1x8192xf32, #tpu.memory_space<vmem>> -> memref<8192xf32, #tpu.memory_space<vmem>>
      %dma_start3A_1564 = arith.constant 0 : i32
      %dma_start3A_1565 = tpu.memref_slice %arg14[%dma_start3A_1559, %dma_start3A_1564] : memref<1x8192xi32, #tpu.memory_space<vmem>> -> memref<1x8192xi32, #tpu.memory_space<vmem>>
      %dma_start3A_1566 = tpu.memref_squeeze %dma_start3A_1565 : memref<1x8192xi32, #tpu.memory_space<vmem>> -> memref<8192xi32, #tpu.memory_space<vmem>>
      %dma_start3A_1567 = arith.constant 0 : i32
      %dma_start3A_1568 = tpu.memref_slice %arg8[%dma_start3A_1567] : memref<100352xf32, #tpu.memory_space<vmem_shared>> -> memref<100352xf32, #tpu.memory_space<vmem_shared>>
      %dma_start3A_1569 = tpu.memref_slice %arg26[%dma_start3A_1560] : memref<3x!tpu.dma_semaphore, #tpu.memory_space<semaphore_mem>> -> memref<1x!tpu.dma_semaphore, #tpu.memory_space<semaphore_mem>>
      %dma_start3A_1570 = tpu.memref_squeeze %dma_start3A_1569 : memref<1x!tpu.dma_semaphore, #tpu.memory_space<semaphore_mem>> -> memref<!tpu.dma_semaphore, #tpu.memory_space<semaphore_mem>>
      tpu.enqueue_indirect_dma source(%dma_start3A_1563 : memref<8192xf32, #tpu.memory_space<vmem>>) target(%dma_start3A_1568 : memref<100352xf32, #tpu.memory_space<vmem_shared>>) offsets(%dma_start3A_1566 : memref<8192xi32, #tpu.memory_space<vmem>>) semaphore(%dma_start3A_1570 : memref<!tpu.dma_semaphore, #tpu.memory_space<semaphore_mem>>) {add = true}
      %dma_wait3A_1571 = arith.constant 1 : i32
      %dma_wait3A_1572 = arith.constant 0 : i32
      %dma_wait3A_1573 = tpu.memref_slice %arg3[%add3A_1530, %dma_wait3A_1572] : memref<400x8192xi32, #tpu.memory_space<hbm>> -> memref<1x8192xi32, #tpu.memory_space<hbm>>
      %dma_wait3A_1574 = tpu.memref_slice %arg24[%dma_wait3A_1571] : memref<3x!tpu.dma_semaphore, #tpu.memory_space<semaphore_mem>> -> memref<1x!tpu.dma_semaphore, #tpu.memory_space<semaphore_mem>>
      %dma_wait3A_1575 = tpu.memref_squeeze %dma_wait3A_1574 : memref<1x!tpu.dma_semaphore, #tpu.memory_space<semaphore_mem>> -> memref<!tpu.dma_semaphore, #tpu.memory_space<semaphore_mem>>
      %dma_wait3A_1576 = arith.constant 0 : i32
      %dma_wait3A_1577 = tpu.memref_slice %arg3[%add3A_1530, %dma_wait3A_1576] : memref<400x8192xi32, #tpu.memory_space<hbm>> -> memref<1x8192xi32, #tpu.memory_space<hbm>>
      tpu.wait_dma2 semaphore(%dma_wait3A_1575 : memref<!tpu.dma_semaphore, #tpu.memory_space<semaphore_mem>>) src(%dma_wait3A_1577 : memref<1x8192xi32, #tpu.memory_space<hbm>>) dst(%arg12 : memref<1x8192xi32, #tpu.memory_space<vmem>>)
      %dma_wait3A_1578 = arith.constant 1 : i32
      %dma_wait3A_1579 = arith.constant 0 : i32
      %dma_wait3A_1580 = tpu.memref_slice %arg4[%add3A_1530, %dma_wait3A_1579] : memref<400x8192xi32, #tpu.memory_space<hbm>> -> memref<1x8192xi32, #tpu.memory_space<hbm>>
      %dma_wait3A_1581 = tpu.memref_slice %arg24[%dma_wait3A_1578] : memref<3x!tpu.dma_semaphore, #tpu.memory_space<semaphore_mem>> -> memref<1x!tpu.dma_semaphore, #tpu.memory_space<semaphore_mem>>
      %dma_wait3A_1582 = tpu.memref_squeeze %dma_wait3A_1581 : memref<1x!tpu.dma_semaphore, #tpu.memory_space<semaphore_mem>> -> memref<!tpu.dma_semaphore, #tpu.memory_space<semaphore_mem>>
      %dma_wait3A_1583 = arith.constant 0 : i32
      %dma_wait3A_1584 = tpu.memref_slice %arg4[%add3A_1530, %dma_wait3A_1583] : memref<400x8192xi32, #tpu.memory_space<hbm>> -> memref<1x8192xi32, #tpu.memory_space<hbm>>
      tpu.wait_dma2 semaphore(%dma_wait3A_1582 : memref<!tpu.dma_semaphore, #tpu.memory_space<semaphore_mem>>) src(%dma_wait3A_1584 : memref<1x8192xi32, #tpu.memory_space<hbm>>) dst(%arg15 : memref<1x8192xi32, #tpu.memory_space<vmem>>)
      %dma_start3A_1585 = arith.constant 0 : i32
      %dma_start3A_1586 = arith.constant 0 : i32
      %dma_start3A_1587 = arith.constant 1 : i32
      %dma_start3A_1588 = arith.constant 0 : i32
      %dma_start3A_1589 = tpu.memref_slice %arg18[%dma_start3A_1586, %dma_start3A_1588] : memref<1x8192xf32, #tpu.memory_space<vmem>> -> memref<1x8192xf32, #tpu.memory_space<vmem>>
      %dma_start3A_1590 = tpu.memref_squeeze %dma_start3A_1589 : memref<1x8192xf32, #tpu.memory_space<vmem>> -> memref<8192xf32, #tpu.memory_space<vmem>>
      %dma_start3A_1591 = arith.constant 0 : i32
      %dma_start3A_1592 = tpu.memref_slice %arg12[%dma_start3A_1585, %dma_start3A_1591] : memref<1x8192xi32, #tpu.memory_space<vmem>> -> memref<1x8192xi32, #tpu.memory_space<vmem>>
      %dma_start3A_1593 = tpu.memref_squeeze %dma_start3A_1592 : memref<1x8192xi32, #tpu.memory_space<vmem>> -> memref<8192xi32, #tpu.memory_space<vmem>>
      %dma_start3A_1594 = arith.constant 0 : i32
      %dma_start3A_1595 = tpu.memref_slice %arg7[%dma_start3A_1594] : memref<100352xf32, #tpu.memory_space<vmem_shared>> -> memref<100352xf32, #tpu.memory_space<vmem_shared>>
      %dma_start3A_1596 = tpu.memref_slice %arg25[%dma_start3A_1587] : memref<3x!tpu.dma_semaphore, #tpu.memory_space<semaphore_mem>> -> memref<1x!tpu.dma_semaphore, #tpu.memory_space<semaphore_mem>>
      %dma_start3A_1597 = tpu.memref_squeeze %dma_start3A_1596 : memref<1x!tpu.dma_semaphore, #tpu.memory_space<semaphore_mem>> -> memref<!tpu.dma_semaphore, #tpu.memory_space<semaphore_mem>>
      tpu.enqueue_indirect_dma source(%dma_start3A_1595 : memref<100352xf32, #tpu.memory_space<vmem_shared>>) target(%dma_start3A_1590 : memref<8192xf32, #tpu.memory_space<vmem>>) offsets(%dma_start3A_1593 : memref<8192xi32, #tpu.memory_space<vmem>>) semaphore(%dma_start3A_1597 : memref<!tpu.dma_semaphore, #tpu.memory_space<semaphore_mem>>)
      %dma_wait3A_1598 = arith.constant 0 : i32
      %dma_wait3A_1599 = arith.constant 0 : i32
      %dma_wait3A_1600 = arith.constant 2 : i32
      %dma_wait3A_1601 = arith.constant 0 : i32
      %dma_wait3A_1602 = tpu.memref_slice %arg19[%dma_wait3A_1598, %dma_wait3A_1601] : memref<1x8192xf32, #tpu.memory_space<vmem>> -> memref<1x8192xf32, #tpu.memory_space<vmem>>
      %dma_wait3A_1603 = tpu.memref_squeeze %dma_wait3A_1602 : memref<1x8192xf32, #tpu.memory_space<vmem>> -> memref<8192xf32, #tpu.memory_space<vmem>>
      %dma_wait3A_1604 = arith.constant 0 : i32
      %dma_wait3A_1605 = tpu.memref_slice %arg16[%dma_wait3A_1599, %dma_wait3A_1604] : memref<1x8192xi32, #tpu.memory_space<vmem>> -> memref<1x8192xi32, #tpu.memory_space<vmem>>
      %dma_wait3A_1606 = tpu.memref_squeeze %dma_wait3A_1605 : memref<1x8192xi32, #tpu.memory_space<vmem>> -> memref<8192xi32, #tpu.memory_space<vmem>>
      %dma_wait3A_1607 = arith.constant 0 : i32
      %dma_wait3A_1608 = tpu.memref_slice %arg8[%dma_wait3A_1607] : memref<100352xf32, #tpu.memory_space<vmem_shared>> -> memref<100352xf32, #tpu.memory_space<vmem_shared>>
      %dma_wait3A_1609 = tpu.memref_slice %arg26[%dma_wait3A_1600] : memref<3x!tpu.dma_semaphore, #tpu.memory_space<semaphore_mem>> -> memref<1x!tpu.dma_semaphore, #tpu.memory_space<semaphore_mem>>
      %dma_wait3A_1610 = tpu.memref_squeeze %dma_wait3A_1609 : memref<1x!tpu.dma_semaphore, #tpu.memory_space<semaphore_mem>> -> memref<!tpu.dma_semaphore, #tpu.memory_space<semaphore_mem>>
      tpu.wait_indirect_dma semaphore(%dma_wait3A_1610 : memref<!tpu.dma_semaphore, #tpu.memory_space<semaphore_mem>>) src(%dma_wait3A_1603 : memref<8192xf32, #tpu.memory_space<vmem>>) dst(%dma_wait3A_1608 : memref<100352xf32, #tpu.memory_space<vmem_shared>>)
      %add3A_1611 = arith.constant 20 : i32
      %add3A_1612 = arith.addi %mul3A_2, %add3A_1611 : i32
      %dma_start3A_1613 = arith.constant 2 : i32
      %dma_start3A_1614 = arith.constant 0 : i32
      %dma_start3A_1615 = tpu.memref_slice %arg3[%add3A_1612, %dma_start3A_1614] : memref<400x8192xi32, #tpu.memory_space<hbm>> -> memref<1x8192xi32, #tpu.memory_space<hbm>>
      %dma_start3A_1616 = tpu.memref_slice %arg24[%dma_start3A_1613] : memref<3x!tpu.dma_semaphore, #tpu.memory_space<semaphore_mem>> -> memref<1x!tpu.dma_semaphore, #tpu.memory_space<semaphore_mem>>
      %dma_start3A_1617 = tpu.memref_squeeze %dma_start3A_1616 : memref<1x!tpu.dma_semaphore, #tpu.memory_space<semaphore_mem>> -> memref<!tpu.dma_semaphore, #tpu.memory_space<semaphore_mem>>
      %dma_start3A_1618 = arith.constant 0 : i32
      %dma_start3A_1619 = tpu.memref_slice %arg3[%add3A_1612, %dma_start3A_1618] : memref<400x8192xi32, #tpu.memory_space<hbm>> -> memref<1x8192xi32, #tpu.memory_space<hbm>>
      tpu.enqueue_dma source(%dma_start3A_1619 : memref<1x8192xi32, #tpu.memory_space<hbm>>) target(%arg13 : memref<1x8192xi32, #tpu.memory_space<vmem>>) target_semaphore(%dma_start3A_1617 : memref<!tpu.dma_semaphore, #tpu.memory_space<semaphore_mem>>)
      %dma_start3A_1620 = arith.constant 2 : i32
      %dma_start3A_1621 = arith.constant 0 : i32
      %dma_start3A_1622 = tpu.memref_slice %arg4[%add3A_1612, %dma_start3A_1621] : memref<400x8192xi32, #tpu.memory_space<hbm>> -> memref<1x8192xi32, #tpu.memory_space<hbm>>
      %dma_start3A_1623 = tpu.memref_slice %arg24[%dma_start3A_1620] : memref<3x!tpu.dma_semaphore, #tpu.memory_space<semaphore_mem>> -> memref<1x!tpu.dma_semaphore, #tpu.memory_space<semaphore_mem>>
      %dma_start3A_1624 = tpu.memref_squeeze %dma_start3A_1623 : memref<1x!tpu.dma_semaphore, #tpu.memory_space<semaphore_mem>> -> memref<!tpu.dma_semaphore, #tpu.memory_space<semaphore_mem>>
      %dma_start3A_1625 = arith.constant 0 : i32
      %dma_start3A_1626 = tpu.memref_slice %arg4[%add3A_1612, %dma_start3A_1625] : memref<400x8192xi32, #tpu.memory_space<hbm>> -> memref<1x8192xi32, #tpu.memory_space<hbm>>
      tpu.enqueue_dma source(%dma_start3A_1626 : memref<1x8192xi32, #tpu.memory_space<hbm>>) target(%arg16 : memref<1x8192xi32, #tpu.memory_space<vmem>>) target_semaphore(%dma_start3A_1624 : memref<!tpu.dma_semaphore, #tpu.memory_space<semaphore_mem>>)
      %dma_wait3A_1627 = arith.constant 0 : i32
      %dma_wait3A_1628 = arith.constant 0 : i32
      %dma_wait3A_1629 = arith.constant 1 : i32
      %dma_wait3A_1630 = arith.constant 0 : i32
      %dma_wait3A_1631 = tpu.memref_slice %arg18[%dma_wait3A_1628, %dma_wait3A_1630] : memref<1x8192xf32, #tpu.memory_space<vmem>> -> memref<1x8192xf32, #tpu.memory_space<vmem>>
      %dma_wait3A_1632 = tpu.memref_squeeze %dma_wait3A_1631 : memref<1x8192xf32, #tpu.memory_space<vmem>> -> memref<8192xf32, #tpu.memory_space<vmem>>
      %dma_wait3A_1633 = arith.constant 0 : i32
      %dma_wait3A_1634 = tpu.memref_slice %arg12[%dma_wait3A_1627, %dma_wait3A_1633] : memref<1x8192xi32, #tpu.memory_space<vmem>> -> memref<1x8192xi32, #tpu.memory_space<vmem>>
      %dma_wait3A_1635 = tpu.memref_squeeze %dma_wait3A_1634 : memref<1x8192xi32, #tpu.memory_space<vmem>> -> memref<8192xi32, #tpu.memory_space<vmem>>
      %dma_wait3A_1636 = arith.constant 0 : i32
      %dma_wait3A_1637 = tpu.memref_slice %arg7[%dma_wait3A_1636] : memref<100352xf32, #tpu.memory_space<vmem_shared>> -> memref<100352xf32, #tpu.memory_space<vmem_shared>>
      %dma_wait3A_1638 = tpu.memref_slice %arg25[%dma_wait3A_1629] : memref<3x!tpu.dma_semaphore, #tpu.memory_space<semaphore_mem>> -> memref<1x!tpu.dma_semaphore, #tpu.memory_space<semaphore_mem>>
      %dma_wait3A_1639 = tpu.memref_squeeze %dma_wait3A_1638 : memref<1x!tpu.dma_semaphore, #tpu.memory_space<semaphore_mem>> -> memref<!tpu.dma_semaphore, #tpu.memory_space<semaphore_mem>>
      tpu.wait_indirect_dma semaphore(%dma_wait3A_1639 : memref<!tpu.dma_semaphore, #tpu.memory_space<semaphore_mem>>) src(%dma_wait3A_1637 : memref<100352xf32, #tpu.memory_space<vmem_shared>>) dst(%dma_wait3A_1632 : memref<8192xf32, #tpu.memory_space<vmem>>)
      %dma_start3A_1640 = arith.constant 0 : i32
      %dma_start3A_1641 = arith.constant 0 : i32
      %dma_start3A_1642 = arith.constant 1 : i32
      %dma_start3A_1643 = arith.constant 0 : i32
      %dma_start3A_1644 = tpu.memref_slice %arg18[%dma_start3A_1640, %dma_start3A_1643] : memref<1x8192xf32, #tpu.memory_space<vmem>> -> memref<1x8192xf32, #tpu.memory_space<vmem>>
      %dma_start3A_1645 = tpu.memref_squeeze %dma_start3A_1644 : memref<1x8192xf32, #tpu.memory_space<vmem>> -> memref<8192xf32, #tpu.memory_space<vmem>>
      %dma_start3A_1646 = arith.constant 0 : i32
      %dma_start3A_1647 = tpu.memref_slice %arg15[%dma_start3A_1641, %dma_start3A_1646] : memref<1x8192xi32, #tpu.memory_space<vmem>> -> memref<1x8192xi32, #tpu.memory_space<vmem>>
      %dma_start3A_1648 = tpu.memref_squeeze %dma_start3A_1647 : memref<1x8192xi32, #tpu.memory_space<vmem>> -> memref<8192xi32, #tpu.memory_space<vmem>>
      %dma_start3A_1649 = arith.constant 0 : i32
      %dma_start3A_1650 = tpu.memref_slice %arg8[%dma_start3A_1649] : memref<100352xf32, #tpu.memory_space<vmem_shared>> -> memref<100352xf32, #tpu.memory_space<vmem_shared>>
      %dma_start3A_1651 = tpu.memref_slice %arg26[%dma_start3A_1642] : memref<3x!tpu.dma_semaphore, #tpu.memory_space<semaphore_mem>> -> memref<1x!tpu.dma_semaphore, #tpu.memory_space<semaphore_mem>>
      %dma_start3A_1652 = tpu.memref_squeeze %dma_start3A_1651 : memref<1x!tpu.dma_semaphore, #tpu.memory_space<semaphore_mem>> -> memref<!tpu.dma_semaphore, #tpu.memory_space<semaphore_mem>>
      tpu.enqueue_indirect_dma source(%dma_start3A_1645 : memref<8192xf32, #tpu.memory_space<vmem>>) target(%dma_start3A_1650 : memref<100352xf32, #tpu.memory_space<vmem_shared>>) offsets(%dma_start3A_1648 : memref<8192xi32, #tpu.memory_space<vmem>>) semaphore(%dma_start3A_1652 : memref<!tpu.dma_semaphore, #tpu.memory_space<semaphore_mem>>) {add = true}
      %dma_wait3A_1653 = arith.constant 2 : i32
      %dma_wait3A_1654 = arith.constant 0 : i32
      %dma_wait3A_1655 = tpu.memref_slice %arg3[%add3A_1612, %dma_wait3A_1654] : memref<400x8192xi32, #tpu.memory_space<hbm>> -> memref<1x8192xi32, #tpu.memory_space<hbm>>
      %dma_wait3A_1656 = tpu.memref_slice %arg24[%dma_wait3A_1653] : memref<3x!tpu.dma_semaphore, #tpu.memory_space<semaphore_mem>> -> memref<1x!tpu.dma_semaphore, #tpu.memory_space<semaphore_mem>>
      %dma_wait3A_1657 = tpu.memref_squeeze %dma_wait3A_1656 : memref<1x!tpu.dma_semaphore, #tpu.memory_space<semaphore_mem>> -> memref<!tpu.dma_semaphore, #tpu.memory_space<semaphore_mem>>
      %dma_wait3A_1658 = arith.constant 0 : i32
      %dma_wait3A_1659 = tpu.memref_slice %arg3[%add3A_1612, %dma_wait3A_1658] : memref<400x8192xi32, #tpu.memory_space<hbm>> -> memref<1x8192xi32, #tpu.memory_space<hbm>>
      tpu.wait_dma2 semaphore(%dma_wait3A_1657 : memref<!tpu.dma_semaphore, #tpu.memory_space<semaphore_mem>>) src(%dma_wait3A_1659 : memref<1x8192xi32, #tpu.memory_space<hbm>>) dst(%arg13 : memref<1x8192xi32, #tpu.memory_space<vmem>>)
      %dma_wait3A_1660 = arith.constant 2 : i32
      %dma_wait3A_1661 = arith.constant 0 : i32
      %dma_wait3A_1662 = tpu.memref_slice %arg4[%add3A_1612, %dma_wait3A_1661] : memref<400x8192xi32, #tpu.memory_space<hbm>> -> memref<1x8192xi32, #tpu.memory_space<hbm>>
      %dma_wait3A_1663 = tpu.memref_slice %arg24[%dma_wait3A_1660] : memref<3x!tpu.dma_semaphore, #tpu.memory_space<semaphore_mem>> -> memref<1x!tpu.dma_semaphore, #tpu.memory_space<semaphore_mem>>
      %dma_wait3A_1664 = tpu.memref_squeeze %dma_wait3A_1663 : memref<1x!tpu.dma_semaphore, #tpu.memory_space<semaphore_mem>> -> memref<!tpu.dma_semaphore, #tpu.memory_space<semaphore_mem>>
      %dma_wait3A_1665 = arith.constant 0 : i32
      %dma_wait3A_1666 = tpu.memref_slice %arg4[%add3A_1612, %dma_wait3A_1665] : memref<400x8192xi32, #tpu.memory_space<hbm>> -> memref<1x8192xi32, #tpu.memory_space<hbm>>
      tpu.wait_dma2 semaphore(%dma_wait3A_1664 : memref<!tpu.dma_semaphore, #tpu.memory_space<semaphore_mem>>) src(%dma_wait3A_1666 : memref<1x8192xi32, #tpu.memory_space<hbm>>) dst(%arg16 : memref<1x8192xi32, #tpu.memory_space<vmem>>)
      %dma_start3A_1667 = arith.constant 0 : i32
      %dma_start3A_1668 = arith.constant 0 : i32
      %dma_start3A_1669 = arith.constant 2 : i32
      %dma_start3A_1670 = arith.constant 0 : i32
      %dma_start3A_1671 = tpu.memref_slice %arg19[%dma_start3A_1668, %dma_start3A_1670] : memref<1x8192xf32, #tpu.memory_space<vmem>> -> memref<1x8192xf32, #tpu.memory_space<vmem>>
      %dma_start3A_1672 = tpu.memref_squeeze %dma_start3A_1671 : memref<1x8192xf32, #tpu.memory_space<vmem>> -> memref<8192xf32, #tpu.memory_space<vmem>>
      %dma_start3A_1673 = arith.constant 0 : i32
      %dma_start3A_1674 = tpu.memref_slice %arg13[%dma_start3A_1667, %dma_start3A_1673] : memref<1x8192xi32, #tpu.memory_space<vmem>> -> memref<1x8192xi32, #tpu.memory_space<vmem>>
      %dma_start3A_1675 = tpu.memref_squeeze %dma_start3A_1674 : memref<1x8192xi32, #tpu.memory_space<vmem>> -> memref<8192xi32, #tpu.memory_space<vmem>>
      %dma_start3A_1676 = arith.constant 0 : i32
      %dma_start3A_1677 = tpu.memref_slice %arg7[%dma_start3A_1676] : memref<100352xf32, #tpu.memory_space<vmem_shared>> -> memref<100352xf32, #tpu.memory_space<vmem_shared>>
      %dma_start3A_1678 = tpu.memref_slice %arg25[%dma_start3A_1669] : memref<3x!tpu.dma_semaphore, #tpu.memory_space<semaphore_mem>> -> memref<1x!tpu.dma_semaphore, #tpu.memory_space<semaphore_mem>>
      %dma_start3A_1679 = tpu.memref_squeeze %dma_start3A_1678 : memref<1x!tpu.dma_semaphore, #tpu.memory_space<semaphore_mem>> -> memref<!tpu.dma_semaphore, #tpu.memory_space<semaphore_mem>>
      tpu.enqueue_indirect_dma source(%dma_start3A_1677 : memref<100352xf32, #tpu.memory_space<vmem_shared>>) target(%dma_start3A_1672 : memref<8192xf32, #tpu.memory_space<vmem>>) offsets(%dma_start3A_1675 : memref<8192xi32, #tpu.memory_space<vmem>>) semaphore(%dma_start3A_1679 : memref<!tpu.dma_semaphore, #tpu.memory_space<semaphore_mem>>)
      %dma_wait3A_1680 = arith.constant 0 : i32
      %dma_wait3A_1681 = arith.constant 0 : i32
      %dma_wait3A_1682 = arith.constant 0 : i32
      %dma_wait3A_1683 = arith.constant 0 : i32
      %dma_wait3A_1684 = tpu.memref_slice %arg17[%dma_wait3A_1680, %dma_wait3A_1683] : memref<1x8192xf32, #tpu.memory_space<vmem>> -> memref<1x8192xf32, #tpu.memory_space<vmem>>
      %dma_wait3A_1685 = tpu.memref_squeeze %dma_wait3A_1684 : memref<1x8192xf32, #tpu.memory_space<vmem>> -> memref<8192xf32, #tpu.memory_space<vmem>>
      %dma_wait3A_1686 = arith.constant 0 : i32
      %dma_wait3A_1687 = tpu.memref_slice %arg14[%dma_wait3A_1681, %dma_wait3A_1686] : memref<1x8192xi32, #tpu.memory_space<vmem>> -> memref<1x8192xi32, #tpu.memory_space<vmem>>
      %dma_wait3A_1688 = tpu.memref_squeeze %dma_wait3A_1687 : memref<1x8192xi32, #tpu.memory_space<vmem>> -> memref<8192xi32, #tpu.memory_space<vmem>>
      %dma_wait3A_1689 = arith.constant 0 : i32
      %dma_wait3A_1690 = tpu.memref_slice %arg8[%dma_wait3A_1689] : memref<100352xf32, #tpu.memory_space<vmem_shared>> -> memref<100352xf32, #tpu.memory_space<vmem_shared>>
      %dma_wait3A_1691 = tpu.memref_slice %arg26[%dma_wait3A_1682] : memref<3x!tpu.dma_semaphore, #tpu.memory_space<semaphore_mem>> -> memref<1x!tpu.dma_semaphore, #tpu.memory_space<semaphore_mem>>
      %dma_wait3A_1692 = tpu.memref_squeeze %dma_wait3A_1691 : memref<1x!tpu.dma_semaphore, #tpu.memory_space<semaphore_mem>> -> memref<!tpu.dma_semaphore, #tpu.memory_space<semaphore_mem>>
      tpu.wait_indirect_dma semaphore(%dma_wait3A_1692 : memref<!tpu.dma_semaphore, #tpu.memory_space<semaphore_mem>>) src(%dma_wait3A_1685 : memref<8192xf32, #tpu.memory_space<vmem>>) dst(%dma_wait3A_1690 : memref<100352xf32, #tpu.memory_space<vmem_shared>>)
      %add3A_1693 = arith.constant 21 : i32
      %add3A_1694 = arith.addi %mul3A_2, %add3A_1693 : i32
      %dma_start3A_1695 = arith.constant 0 : i32
      %dma_start3A_1696 = arith.constant 0 : i32
      %dma_start3A_1697 = tpu.memref_slice %arg3[%add3A_1694, %dma_start3A_1696] : memref<400x8192xi32, #tpu.memory_space<hbm>> -> memref<1x8192xi32, #tpu.memory_space<hbm>>
      %dma_start3A_1698 = tpu.memref_slice %arg24[%dma_start3A_1695] : memref<3x!tpu.dma_semaphore, #tpu.memory_space<semaphore_mem>> -> memref<1x!tpu.dma_semaphore, #tpu.memory_space<semaphore_mem>>
      %dma_start3A_1699 = tpu.memref_squeeze %dma_start3A_1698 : memref<1x!tpu.dma_semaphore, #tpu.memory_space<semaphore_mem>> -> memref<!tpu.dma_semaphore, #tpu.memory_space<semaphore_mem>>
      %dma_start3A_1700 = arith.constant 0 : i32
      %dma_start3A_1701 = tpu.memref_slice %arg3[%add3A_1694, %dma_start3A_1700] : memref<400x8192xi32, #tpu.memory_space<hbm>> -> memref<1x8192xi32, #tpu.memory_space<hbm>>
      tpu.enqueue_dma source(%dma_start3A_1701 : memref<1x8192xi32, #tpu.memory_space<hbm>>) target(%arg11 : memref<1x8192xi32, #tpu.memory_space<vmem>>) target_semaphore(%dma_start3A_1699 : memref<!tpu.dma_semaphore, #tpu.memory_space<semaphore_mem>>)
      %dma_start3A_1702 = arith.constant 0 : i32
      %dma_start3A_1703 = arith.constant 0 : i32
      %dma_start3A_1704 = tpu.memref_slice %arg4[%add3A_1694, %dma_start3A_1703] : memref<400x8192xi32, #tpu.memory_space<hbm>> -> memref<1x8192xi32, #tpu.memory_space<hbm>>
      %dma_start3A_1705 = tpu.memref_slice %arg24[%dma_start3A_1702] : memref<3x!tpu.dma_semaphore, #tpu.memory_space<semaphore_mem>> -> memref<1x!tpu.dma_semaphore, #tpu.memory_space<semaphore_mem>>
      %dma_start3A_1706 = tpu.memref_squeeze %dma_start3A_1705 : memref<1x!tpu.dma_semaphore, #tpu.memory_space<semaphore_mem>> -> memref<!tpu.dma_semaphore, #tpu.memory_space<semaphore_mem>>
      %dma_start3A_1707 = arith.constant 0 : i32
      %dma_start3A_1708 = tpu.memref_slice %arg4[%add3A_1694, %dma_start3A_1707] : memref<400x8192xi32, #tpu.memory_space<hbm>> -> memref<1x8192xi32, #tpu.memory_space<hbm>>
      tpu.enqueue_dma source(%dma_start3A_1708 : memref<1x8192xi32, #tpu.memory_space<hbm>>) target(%arg14 : memref<1x8192xi32, #tpu.memory_space<vmem>>) target_semaphore(%dma_start3A_1706 : memref<!tpu.dma_semaphore, #tpu.memory_space<semaphore_mem>>)
      %dma_wait3A_1709 = arith.constant 0 : i32
      %dma_wait3A_1710 = arith.constant 0 : i32
      %dma_wait3A_1711 = arith.constant 2 : i32
      %dma_wait3A_1712 = arith.constant 0 : i32
      %dma_wait3A_1713 = tpu.memref_slice %arg19[%dma_wait3A_1710, %dma_wait3A_1712] : memref<1x8192xf32, #tpu.memory_space<vmem>> -> memref<1x8192xf32, #tpu.memory_space<vmem>>
      %dma_wait3A_1714 = tpu.memref_squeeze %dma_wait3A_1713 : memref<1x8192xf32, #tpu.memory_space<vmem>> -> memref<8192xf32, #tpu.memory_space<vmem>>
      %dma_wait3A_1715 = arith.constant 0 : i32
      %dma_wait3A_1716 = tpu.memref_slice %arg13[%dma_wait3A_1709, %dma_wait3A_1715] : memref<1x8192xi32, #tpu.memory_space<vmem>> -> memref<1x8192xi32, #tpu.memory_space<vmem>>
      %dma_wait3A_1717 = tpu.memref_squeeze %dma_wait3A_1716 : memref<1x8192xi32, #tpu.memory_space<vmem>> -> memref<8192xi32, #tpu.memory_space<vmem>>
      %dma_wait3A_1718 = arith.constant 0 : i32
      %dma_wait3A_1719 = tpu.memref_slice %arg7[%dma_wait3A_1718] : memref<100352xf32, #tpu.memory_space<vmem_shared>> -> memref<100352xf32, #tpu.memory_space<vmem_shared>>
      %dma_wait3A_1720 = tpu.memref_slice %arg25[%dma_wait3A_1711] : memref<3x!tpu.dma_semaphore, #tpu.memory_space<semaphore_mem>> -> memref<1x!tpu.dma_semaphore, #tpu.memory_space<semaphore_mem>>
      %dma_wait3A_1721 = tpu.memref_squeeze %dma_wait3A_1720 : memref<1x!tpu.dma_semaphore, #tpu.memory_space<semaphore_mem>> -> memref<!tpu.dma_semaphore, #tpu.memory_space<semaphore_mem>>
      tpu.wait_indirect_dma semaphore(%dma_wait3A_1721 : memref<!tpu.dma_semaphore, #tpu.memory_space<semaphore_mem>>) src(%dma_wait3A_1719 : memref<100352xf32, #tpu.memory_space<vmem_shared>>) dst(%dma_wait3A_1714 : memref<8192xf32, #tpu.memory_space<vmem>>)
      %dma_start3A_1722 = arith.constant 0 : i32
      %dma_start3A_1723 = arith.constant 0 : i32
      %dma_start3A_1724 = arith.constant 2 : i32
      %dma_start3A_1725 = arith.constant 0 : i32
      %dma_start3A_1726 = tpu.memref_slice %arg19[%dma_start3A_1722, %dma_start3A_1725] : memref<1x8192xf32, #tpu.memory_space<vmem>> -> memref<1x8192xf32, #tpu.memory_space<vmem>>
      %dma_start3A_1727 = tpu.memref_squeeze %dma_start3A_1726 : memref<1x8192xf32, #tpu.memory_space<vmem>> -> memref<8192xf32, #tpu.memory_space<vmem>>
      %dma_start3A_1728 = arith.constant 0 : i32
      %dma_start3A_1729 = tpu.memref_slice %arg16[%dma_start3A_1723, %dma_start3A_1728] : memref<1x8192xi32, #tpu.memory_space<vmem>> -> memref<1x8192xi32, #tpu.memory_space<vmem>>
      %dma_start3A_1730 = tpu.memref_squeeze %dma_start3A_1729 : memref<1x8192xi32, #tpu.memory_space<vmem>> -> memref<8192xi32, #tpu.memory_space<vmem>>
      %dma_start3A_1731 = arith.constant 0 : i32
      %dma_start3A_1732 = tpu.memref_slice %arg8[%dma_start3A_1731] : memref<100352xf32, #tpu.memory_space<vmem_shared>> -> memref<100352xf32, #tpu.memory_space<vmem_shared>>
      %dma_start3A_1733 = tpu.memref_slice %arg26[%dma_start3A_1724] : memref<3x!tpu.dma_semaphore, #tpu.memory_space<semaphore_mem>> -> memref<1x!tpu.dma_semaphore, #tpu.memory_space<semaphore_mem>>
      %dma_start3A_1734 = tpu.memref_squeeze %dma_start3A_1733 : memref<1x!tpu.dma_semaphore, #tpu.memory_space<semaphore_mem>> -> memref<!tpu.dma_semaphore, #tpu.memory_space<semaphore_mem>>
      tpu.enqueue_indirect_dma source(%dma_start3A_1727 : memref<8192xf32, #tpu.memory_space<vmem>>) target(%dma_start3A_1732 : memref<100352xf32, #tpu.memory_space<vmem_shared>>) offsets(%dma_start3A_1730 : memref<8192xi32, #tpu.memory_space<vmem>>) semaphore(%dma_start3A_1734 : memref<!tpu.dma_semaphore, #tpu.memory_space<semaphore_mem>>) {add = true}
      %dma_wait3A_1735 = arith.constant 0 : i32
      %dma_wait3A_1736 = arith.constant 0 : i32
      %dma_wait3A_1737 = tpu.memref_slice %arg3[%add3A_1694, %dma_wait3A_1736] : memref<400x8192xi32, #tpu.memory_space<hbm>> -> memref<1x8192xi32, #tpu.memory_space<hbm>>
      %dma_wait3A_1738 = tpu.memref_slice %arg24[%dma_wait3A_1735] : memref<3x!tpu.dma_semaphore, #tpu.memory_space<semaphore_mem>> -> memref<1x!tpu.dma_semaphore, #tpu.memory_space<semaphore_mem>>
      %dma_wait3A_1739 = tpu.memref_squeeze %dma_wait3A_1738 : memref<1x!tpu.dma_semaphore, #tpu.memory_space<semaphore_mem>> -> memref<!tpu.dma_semaphore, #tpu.memory_space<semaphore_mem>>
      %dma_wait3A_1740 = arith.constant 0 : i32
      %dma_wait3A_1741 = tpu.memref_slice %arg3[%add3A_1694, %dma_wait3A_1740] : memref<400x8192xi32, #tpu.memory_space<hbm>> -> memref<1x8192xi32, #tpu.memory_space<hbm>>
      tpu.wait_dma2 semaphore(%dma_wait3A_1739 : memref<!tpu.dma_semaphore, #tpu.memory_space<semaphore_mem>>) src(%dma_wait3A_1741 : memref<1x8192xi32, #tpu.memory_space<hbm>>) dst(%arg11 : memref<1x8192xi32, #tpu.memory_space<vmem>>)
      %dma_wait3A_1742 = arith.constant 0 : i32
      %dma_wait3A_1743 = arith.constant 0 : i32
      %dma_wait3A_1744 = tpu.memref_slice %arg4[%add3A_1694, %dma_wait3A_1743] : memref<400x8192xi32, #tpu.memory_space<hbm>> -> memref<1x8192xi32, #tpu.memory_space<hbm>>
      %dma_wait3A_1745 = tpu.memref_slice %arg24[%dma_wait3A_1742] : memref<3x!tpu.dma_semaphore, #tpu.memory_space<semaphore_mem>> -> memref<1x!tpu.dma_semaphore, #tpu.memory_space<semaphore_mem>>
      %dma_wait3A_1746 = tpu.memref_squeeze %dma_wait3A_1745 : memref<1x!tpu.dma_semaphore, #tpu.memory_space<semaphore_mem>> -> memref<!tpu.dma_semaphore, #tpu.memory_space<semaphore_mem>>
      %dma_wait3A_1747 = arith.constant 0 : i32
      %dma_wait3A_1748 = tpu.memref_slice %arg4[%add3A_1694, %dma_wait3A_1747] : memref<400x8192xi32, #tpu.memory_space<hbm>> -> memref<1x8192xi32, #tpu.memory_space<hbm>>
      tpu.wait_dma2 semaphore(%dma_wait3A_1746 : memref<!tpu.dma_semaphore, #tpu.memory_space<semaphore_mem>>) src(%dma_wait3A_1748 : memref<1x8192xi32, #tpu.memory_space<hbm>>) dst(%arg14 : memref<1x8192xi32, #tpu.memory_space<vmem>>)
      %dma_start3A_1749 = arith.constant 0 : i32
      %dma_start3A_1750 = arith.constant 0 : i32
      %dma_start3A_1751 = arith.constant 0 : i32
      %dma_start3A_1752 = arith.constant 0 : i32
      %dma_start3A_1753 = tpu.memref_slice %arg17[%dma_start3A_1750, %dma_start3A_1752] : memref<1x8192xf32, #tpu.memory_space<vmem>> -> memref<1x8192xf32, #tpu.memory_space<vmem>>
      %dma_start3A_1754 = tpu.memref_squeeze %dma_start3A_1753 : memref<1x8192xf32, #tpu.memory_space<vmem>> -> memref<8192xf32, #tpu.memory_space<vmem>>
      %dma_start3A_1755 = arith.constant 0 : i32
      %dma_start3A_1756 = tpu.memref_slice %arg11[%dma_start3A_1749, %dma_start3A_1755] : memref<1x8192xi32, #tpu.memory_space<vmem>> -> memref<1x8192xi32, #tpu.memory_space<vmem>>
      %dma_start3A_1757 = tpu.memref_squeeze %dma_start3A_1756 : memref<1x8192xi32, #tpu.memory_space<vmem>> -> memref<8192xi32, #tpu.memory_space<vmem>>
      %dma_start3A_1758 = arith.constant 0 : i32
      %dma_start3A_1759 = tpu.memref_slice %arg7[%dma_start3A_1758] : memref<100352xf32, #tpu.memory_space<vmem_shared>> -> memref<100352xf32, #tpu.memory_space<vmem_shared>>
      %dma_start3A_1760 = tpu.memref_slice %arg25[%dma_start3A_1751] : memref<3x!tpu.dma_semaphore, #tpu.memory_space<semaphore_mem>> -> memref<1x!tpu.dma_semaphore, #tpu.memory_space<semaphore_mem>>
      %dma_start3A_1761 = tpu.memref_squeeze %dma_start3A_1760 : memref<1x!tpu.dma_semaphore, #tpu.memory_space<semaphore_mem>> -> memref<!tpu.dma_semaphore, #tpu.memory_space<semaphore_mem>>
      tpu.enqueue_indirect_dma source(%dma_start3A_1759 : memref<100352xf32, #tpu.memory_space<vmem_shared>>) target(%dma_start3A_1754 : memref<8192xf32, #tpu.memory_space<vmem>>) offsets(%dma_start3A_1757 : memref<8192xi32, #tpu.memory_space<vmem>>) semaphore(%dma_start3A_1761 : memref<!tpu.dma_semaphore, #tpu.memory_space<semaphore_mem>>)
      %dma_wait3A_1762 = arith.constant 0 : i32
      %dma_wait3A_1763 = arith.constant 0 : i32
      %dma_wait3A_1764 = arith.constant 1 : i32
      %dma_wait3A_1765 = arith.constant 0 : i32
      %dma_wait3A_1766 = tpu.memref_slice %arg18[%dma_wait3A_1762, %dma_wait3A_1765] : memref<1x8192xf32, #tpu.memory_space<vmem>> -> memref<1x8192xf32, #tpu.memory_space<vmem>>
      %dma_wait3A_1767 = tpu.memref_squeeze %dma_wait3A_1766 : memref<1x8192xf32, #tpu.memory_space<vmem>> -> memref<8192xf32, #tpu.memory_space<vmem>>
      %dma_wait3A_1768 = arith.constant 0 : i32
      %dma_wait3A_1769 = tpu.memref_slice %arg15[%dma_wait3A_1763, %dma_wait3A_1768] : memref<1x8192xi32, #tpu.memory_space<vmem>> -> memref<1x8192xi32, #tpu.memory_space<vmem>>
      %dma_wait3A_1770 = tpu.memref_squeeze %dma_wait3A_1769 : memref<1x8192xi32, #tpu.memory_space<vmem>> -> memref<8192xi32, #tpu.memory_space<vmem>>
      %dma_wait3A_1771 = arith.constant 0 : i32
      %dma_wait3A_1772 = tpu.memref_slice %arg8[%dma_wait3A_1771] : memref<100352xf32, #tpu.memory_space<vmem_shared>> -> memref<100352xf32, #tpu.memory_space<vmem_shared>>
      %dma_wait3A_1773 = tpu.memref_slice %arg26[%dma_wait3A_1764] : memref<3x!tpu.dma_semaphore, #tpu.memory_space<semaphore_mem>> -> memref<1x!tpu.dma_semaphore, #tpu.memory_space<semaphore_mem>>
      %dma_wait3A_1774 = tpu.memref_squeeze %dma_wait3A_1773 : memref<1x!tpu.dma_semaphore, #tpu.memory_space<semaphore_mem>> -> memref<!tpu.dma_semaphore, #tpu.memory_space<semaphore_mem>>
      tpu.wait_indirect_dma semaphore(%dma_wait3A_1774 : memref<!tpu.dma_semaphore, #tpu.memory_space<semaphore_mem>>) src(%dma_wait3A_1767 : memref<8192xf32, #tpu.memory_space<vmem>>) dst(%dma_wait3A_1772 : memref<100352xf32, #tpu.memory_space<vmem_shared>>)
      %add3A_1775 = arith.constant 22 : i32
      %add3A_1776 = arith.addi %mul3A_2, %add3A_1775 : i32
      %dma_start3A_1777 = arith.constant 1 : i32
      %dma_start3A_1778 = arith.constant 0 : i32
      %dma_start3A_1779 = tpu.memref_slice %arg3[%add3A_1776, %dma_start3A_1778] : memref<400x8192xi32, #tpu.memory_space<hbm>> -> memref<1x8192xi32, #tpu.memory_space<hbm>>
      %dma_start3A_1780 = tpu.memref_slice %arg24[%dma_start3A_1777] : memref<3x!tpu.dma_semaphore, #tpu.memory_space<semaphore_mem>> -> memref<1x!tpu.dma_semaphore, #tpu.memory_space<semaphore_mem>>
      %dma_start3A_1781 = tpu.memref_squeeze %dma_start3A_1780 : memref<1x!tpu.dma_semaphore, #tpu.memory_space<semaphore_mem>> -> memref<!tpu.dma_semaphore, #tpu.memory_space<semaphore_mem>>
      %dma_start3A_1782 = arith.constant 0 : i32
      %dma_start3A_1783 = tpu.memref_slice %arg3[%add3A_1776, %dma_start3A_1782] : memref<400x8192xi32, #tpu.memory_space<hbm>> -> memref<1x8192xi32, #tpu.memory_space<hbm>>
      tpu.enqueue_dma source(%dma_start3A_1783 : memref<1x8192xi32, #tpu.memory_space<hbm>>) target(%arg12 : memref<1x8192xi32, #tpu.memory_space<vmem>>) target_semaphore(%dma_start3A_1781 : memref<!tpu.dma_semaphore, #tpu.memory_space<semaphore_mem>>)
      %dma_start3A_1784 = arith.constant 1 : i32
      %dma_start3A_1785 = arith.constant 0 : i32
      %dma_start3A_1786 = tpu.memref_slice %arg4[%add3A_1776, %dma_start3A_1785] : memref<400x8192xi32, #tpu.memory_space<hbm>> -> memref<1x8192xi32, #tpu.memory_space<hbm>>
      %dma_start3A_1787 = tpu.memref_slice %arg24[%dma_start3A_1784] : memref<3x!tpu.dma_semaphore, #tpu.memory_space<semaphore_mem>> -> memref<1x!tpu.dma_semaphore, #tpu.memory_space<semaphore_mem>>
      %dma_start3A_1788 = tpu.memref_squeeze %dma_start3A_1787 : memref<1x!tpu.dma_semaphore, #tpu.memory_space<semaphore_mem>> -> memref<!tpu.dma_semaphore, #tpu.memory_space<semaphore_mem>>
      %dma_start3A_1789 = arith.constant 0 : i32
      %dma_start3A_1790 = tpu.memref_slice %arg4[%add3A_1776, %dma_start3A_1789] : memref<400x8192xi32, #tpu.memory_space<hbm>> -> memref<1x8192xi32, #tpu.memory_space<hbm>>
      tpu.enqueue_dma source(%dma_start3A_1790 : memref<1x8192xi32, #tpu.memory_space<hbm>>) target(%arg15 : memref<1x8192xi32, #tpu.memory_space<vmem>>) target_semaphore(%dma_start3A_1788 : memref<!tpu.dma_semaphore, #tpu.memory_space<semaphore_mem>>)
      %dma_wait3A_1791 = arith.constant 0 : i32
      %dma_wait3A_1792 = arith.constant 0 : i32
      %dma_wait3A_1793 = arith.constant 0 : i32
      %dma_wait3A_1794 = arith.constant 0 : i32
      %dma_wait3A_1795 = tpu.memref_slice %arg17[%dma_wait3A_1792, %dma_wait3A_1794] : memref<1x8192xf32, #tpu.memory_space<vmem>> -> memref<1x8192xf32, #tpu.memory_space<vmem>>
      %dma_wait3A_1796 = tpu.memref_squeeze %dma_wait3A_1795 : memref<1x8192xf32, #tpu.memory_space<vmem>> -> memref<8192xf32, #tpu.memory_space<vmem>>
      %dma_wait3A_1797 = arith.constant 0 : i32
      %dma_wait3A_1798 = tpu.memref_slice %arg11[%dma_wait3A_1791, %dma_wait3A_1797] : memref<1x8192xi32, #tpu.memory_space<vmem>> -> memref<1x8192xi32, #tpu.memory_space<vmem>>
      %dma_wait3A_1799 = tpu.memref_squeeze %dma_wait3A_1798 : memref<1x8192xi32, #tpu.memory_space<vmem>> -> memref<8192xi32, #tpu.memory_space<vmem>>
      %dma_wait3A_1800 = arith.constant 0 : i32
      %dma_wait3A_1801 = tpu.memref_slice %arg7[%dma_wait3A_1800] : memref<100352xf32, #tpu.memory_space<vmem_shared>> -> memref<100352xf32, #tpu.memory_space<vmem_shared>>
      %dma_wait3A_1802 = tpu.memref_slice %arg25[%dma_wait3A_1793] : memref<3x!tpu.dma_semaphore, #tpu.memory_space<semaphore_mem>> -> memref<1x!tpu.dma_semaphore, #tpu.memory_space<semaphore_mem>>
      %dma_wait3A_1803 = tpu.memref_squeeze %dma_wait3A_1802 : memref<1x!tpu.dma_semaphore, #tpu.memory_space<semaphore_mem>> -> memref<!tpu.dma_semaphore, #tpu.memory_space<semaphore_mem>>
      tpu.wait_indirect_dma semaphore(%dma_wait3A_1803 : memref<!tpu.dma_semaphore, #tpu.memory_space<semaphore_mem>>) src(%dma_wait3A_1801 : memref<100352xf32, #tpu.memory_space<vmem_shared>>) dst(%dma_wait3A_1796 : memref<8192xf32, #tpu.memory_space<vmem>>)
      %dma_start3A_1804 = arith.constant 0 : i32
      %dma_start3A_1805 = arith.constant 0 : i32
      %dma_start3A_1806 = arith.constant 0 : i32
      %dma_start3A_1807 = arith.constant 0 : i32
      %dma_start3A_1808 = tpu.memref_slice %arg17[%dma_start3A_1804, %dma_start3A_1807] : memref<1x8192xf32, #tpu.memory_space<vmem>> -> memref<1x8192xf32, #tpu.memory_space<vmem>>
      %dma_start3A_1809 = tpu.memref_squeeze %dma_start3A_1808 : memref<1x8192xf32, #tpu.memory_space<vmem>> -> memref<8192xf32, #tpu.memory_space<vmem>>
      %dma_start3A_1810 = arith.constant 0 : i32
      %dma_start3A_1811 = tpu.memref_slice %arg14[%dma_start3A_1805, %dma_start3A_1810] : memref<1x8192xi32, #tpu.memory_space<vmem>> -> memref<1x8192xi32, #tpu.memory_space<vmem>>
      %dma_start3A_1812 = tpu.memref_squeeze %dma_start3A_1811 : memref<1x8192xi32, #tpu.memory_space<vmem>> -> memref<8192xi32, #tpu.memory_space<vmem>>
      %dma_start3A_1813 = arith.constant 0 : i32
      %dma_start3A_1814 = tpu.memref_slice %arg8[%dma_start3A_1813] : memref<100352xf32, #tpu.memory_space<vmem_shared>> -> memref<100352xf32, #tpu.memory_space<vmem_shared>>
      %dma_start3A_1815 = tpu.memref_slice %arg26[%dma_start3A_1806] : memref<3x!tpu.dma_semaphore, #tpu.memory_space<semaphore_mem>> -> memref<1x!tpu.dma_semaphore, #tpu.memory_space<semaphore_mem>>
      %dma_start3A_1816 = tpu.memref_squeeze %dma_start3A_1815 : memref<1x!tpu.dma_semaphore, #tpu.memory_space<semaphore_mem>> -> memref<!tpu.dma_semaphore, #tpu.memory_space<semaphore_mem>>
      tpu.enqueue_indirect_dma source(%dma_start3A_1809 : memref<8192xf32, #tpu.memory_space<vmem>>) target(%dma_start3A_1814 : memref<100352xf32, #tpu.memory_space<vmem_shared>>) offsets(%dma_start3A_1812 : memref<8192xi32, #tpu.memory_space<vmem>>) semaphore(%dma_start3A_1816 : memref<!tpu.dma_semaphore, #tpu.memory_space<semaphore_mem>>) {add = true}
      %dma_wait3A_1817 = arith.constant 1 : i32
      %dma_wait3A_1818 = arith.constant 0 : i32
      %dma_wait3A_1819 = tpu.memref_slice %arg3[%add3A_1776, %dma_wait3A_1818] : memref<400x8192xi32, #tpu.memory_space<hbm>> -> memref<1x8192xi32, #tpu.memory_space<hbm>>
      %dma_wait3A_1820 = tpu.memref_slice %arg24[%dma_wait3A_1817] : memref<3x!tpu.dma_semaphore, #tpu.memory_space<semaphore_mem>> -> memref<1x!tpu.dma_semaphore, #tpu.memory_space<semaphore_mem>>
      %dma_wait3A_1821 = tpu.memref_squeeze %dma_wait3A_1820 : memref<1x!tpu.dma_semaphore, #tpu.memory_space<semaphore_mem>> -> memref<!tpu.dma_semaphore, #tpu.memory_space<semaphore_mem>>
      %dma_wait3A_1822 = arith.constant 0 : i32
      %dma_wait3A_1823 = tpu.memref_slice %arg3[%add3A_1776, %dma_wait3A_1822] : memref<400x8192xi32, #tpu.memory_space<hbm>> -> memref<1x8192xi32, #tpu.memory_space<hbm>>
      tpu.wait_dma2 semaphore(%dma_wait3A_1821 : memref<!tpu.dma_semaphore, #tpu.memory_space<semaphore_mem>>) src(%dma_wait3A_1823 : memref<1x8192xi32, #tpu.memory_space<hbm>>) dst(%arg12 : memref<1x8192xi32, #tpu.memory_space<vmem>>)
      %dma_wait3A_1824 = arith.constant 1 : i32
      %dma_wait3A_1825 = arith.constant 0 : i32
      %dma_wait3A_1826 = tpu.memref_slice %arg4[%add3A_1776, %dma_wait3A_1825] : memref<400x8192xi32, #tpu.memory_space<hbm>> -> memref<1x8192xi32, #tpu.memory_space<hbm>>
      %dma_wait3A_1827 = tpu.memref_slice %arg24[%dma_wait3A_1824] : memref<3x!tpu.dma_semaphore, #tpu.memory_space<semaphore_mem>> -> memref<1x!tpu.dma_semaphore, #tpu.memory_space<semaphore_mem>>
      %dma_wait3A_1828 = tpu.memref_squeeze %dma_wait3A_1827 : memref<1x!tpu.dma_semaphore, #tpu.memory_space<semaphore_mem>> -> memref<!tpu.dma_semaphore, #tpu.memory_space<semaphore_mem>>
      %dma_wait3A_1829 = arith.constant 0 : i32
      %dma_wait3A_1830 = tpu.memref_slice %arg4[%add3A_1776, %dma_wait3A_1829] : memref<400x8192xi32, #tpu.memory_space<hbm>> -> memref<1x8192xi32, #tpu.memory_space<hbm>>
      tpu.wait_dma2 semaphore(%dma_wait3A_1828 : memref<!tpu.dma_semaphore, #tpu.memory_space<semaphore_mem>>) src(%dma_wait3A_1830 : memref<1x8192xi32, #tpu.memory_space<hbm>>) dst(%arg15 : memref<1x8192xi32, #tpu.memory_space<vmem>>)
      %dma_start3A_1831 = arith.constant 0 : i32
      %dma_start3A_1832 = arith.constant 0 : i32
      %dma_start3A_1833 = arith.constant 1 : i32
      %dma_start3A_1834 = arith.constant 0 : i32
      %dma_start3A_1835 = tpu.memref_slice %arg18[%dma_start3A_1832, %dma_start3A_1834] : memref<1x8192xf32, #tpu.memory_space<vmem>> -> memref<1x8192xf32, #tpu.memory_space<vmem>>
      %dma_start3A_1836 = tpu.memref_squeeze %dma_start3A_1835 : memref<1x8192xf32, #tpu.memory_space<vmem>> -> memref<8192xf32, #tpu.memory_space<vmem>>
      %dma_start3A_1837 = arith.constant 0 : i32
      %dma_start3A_1838 = tpu.memref_slice %arg12[%dma_start3A_1831, %dma_start3A_1837] : memref<1x8192xi32, #tpu.memory_space<vmem>> -> memref<1x8192xi32, #tpu.memory_space<vmem>>
      %dma_start3A_1839 = tpu.memref_squeeze %dma_start3A_1838 : memref<1x8192xi32, #tpu.memory_space<vmem>> -> memref<8192xi32, #tpu.memory_space<vmem>>
      %dma_start3A_1840 = arith.constant 0 : i32
      %dma_start3A_1841 = tpu.memref_slice %arg7[%dma_start3A_1840] : memref<100352xf32, #tpu.memory_space<vmem_shared>> -> memref<100352xf32, #tpu.memory_space<vmem_shared>>
      %dma_start3A_1842 = tpu.memref_slice %arg25[%dma_start3A_1833] : memref<3x!tpu.dma_semaphore, #tpu.memory_space<semaphore_mem>> -> memref<1x!tpu.dma_semaphore, #tpu.memory_space<semaphore_mem>>
      %dma_start3A_1843 = tpu.memref_squeeze %dma_start3A_1842 : memref<1x!tpu.dma_semaphore, #tpu.memory_space<semaphore_mem>> -> memref<!tpu.dma_semaphore, #tpu.memory_space<semaphore_mem>>
      tpu.enqueue_indirect_dma source(%dma_start3A_1841 : memref<100352xf32, #tpu.memory_space<vmem_shared>>) target(%dma_start3A_1836 : memref<8192xf32, #tpu.memory_space<vmem>>) offsets(%dma_start3A_1839 : memref<8192xi32, #tpu.memory_space<vmem>>) semaphore(%dma_start3A_1843 : memref<!tpu.dma_semaphore, #tpu.memory_space<semaphore_mem>>)
      %dma_wait3A_1844 = arith.constant 0 : i32
      %dma_wait3A_1845 = arith.constant 0 : i32
      %dma_wait3A_1846 = arith.constant 2 : i32
      %dma_wait3A_1847 = arith.constant 0 : i32
      %dma_wait3A_1848 = tpu.memref_slice %arg19[%dma_wait3A_1844, %dma_wait3A_1847] : memref<1x8192xf32, #tpu.memory_space<vmem>> -> memref<1x8192xf32, #tpu.memory_space<vmem>>
      %dma_wait3A_1849 = tpu.memref_squeeze %dma_wait3A_1848 : memref<1x8192xf32, #tpu.memory_space<vmem>> -> memref<8192xf32, #tpu.memory_space<vmem>>
      %dma_wait3A_1850 = arith.constant 0 : i32
      %dma_wait3A_1851 = tpu.memref_slice %arg16[%dma_wait3A_1845, %dma_wait3A_1850] : memref<1x8192xi32, #tpu.memory_space<vmem>> -> memref<1x8192xi32, #tpu.memory_space<vmem>>
      %dma_wait3A_1852 = tpu.memref_squeeze %dma_wait3A_1851 : memref<1x8192xi32, #tpu.memory_space<vmem>> -> memref<8192xi32, #tpu.memory_space<vmem>>
      %dma_wait3A_1853 = arith.constant 0 : i32
      %dma_wait3A_1854 = tpu.memref_slice %arg8[%dma_wait3A_1853] : memref<100352xf32, #tpu.memory_space<vmem_shared>> -> memref<100352xf32, #tpu.memory_space<vmem_shared>>
      %dma_wait3A_1855 = tpu.memref_slice %arg26[%dma_wait3A_1846] : memref<3x!tpu.dma_semaphore, #tpu.memory_space<semaphore_mem>> -> memref<1x!tpu.dma_semaphore, #tpu.memory_space<semaphore_mem>>
      %dma_wait3A_1856 = tpu.memref_squeeze %dma_wait3A_1855 : memref<1x!tpu.dma_semaphore, #tpu.memory_space<semaphore_mem>> -> memref<!tpu.dma_semaphore, #tpu.memory_space<semaphore_mem>>
      tpu.wait_indirect_dma semaphore(%dma_wait3A_1856 : memref<!tpu.dma_semaphore, #tpu.memory_space<semaphore_mem>>) src(%dma_wait3A_1849 : memref<8192xf32, #tpu.memory_space<vmem>>) dst(%dma_wait3A_1854 : memref<100352xf32, #tpu.memory_space<vmem_shared>>)
      %add3A_1857 = arith.constant 23 : i32
      %add3A_1858 = arith.addi %mul3A_2, %add3A_1857 : i32
      %dma_start3A_1859 = arith.constant 2 : i32
      %dma_start3A_1860 = arith.constant 0 : i32
      %dma_start3A_1861 = tpu.memref_slice %arg3[%add3A_1858, %dma_start3A_1860] : memref<400x8192xi32, #tpu.memory_space<hbm>> -> memref<1x8192xi32, #tpu.memory_space<hbm>>
      %dma_start3A_1862 = tpu.memref_slice %arg24[%dma_start3A_1859] : memref<3x!tpu.dma_semaphore, #tpu.memory_space<semaphore_mem>> -> memref<1x!tpu.dma_semaphore, #tpu.memory_space<semaphore_mem>>
      %dma_start3A_1863 = tpu.memref_squeeze %dma_start3A_1862 : memref<1x!tpu.dma_semaphore, #tpu.memory_space<semaphore_mem>> -> memref<!tpu.dma_semaphore, #tpu.memory_space<semaphore_mem>>
      %dma_start3A_1864 = arith.constant 0 : i32
      %dma_start3A_1865 = tpu.memref_slice %arg3[%add3A_1858, %dma_start3A_1864] : memref<400x8192xi32, #tpu.memory_space<hbm>> -> memref<1x8192xi32, #tpu.memory_space<hbm>>
      tpu.enqueue_dma source(%dma_start3A_1865 : memref<1x8192xi32, #tpu.memory_space<hbm>>) target(%arg13 : memref<1x8192xi32, #tpu.memory_space<vmem>>) target_semaphore(%dma_start3A_1863 : memref<!tpu.dma_semaphore, #tpu.memory_space<semaphore_mem>>)
      %dma_start3A_1866 = arith.constant 2 : i32
      %dma_start3A_1867 = arith.constant 0 : i32
      %dma_start3A_1868 = tpu.memref_slice %arg4[%add3A_1858, %dma_start3A_1867] : memref<400x8192xi32, #tpu.memory_space<hbm>> -> memref<1x8192xi32, #tpu.memory_space<hbm>>
      %dma_start3A_1869 = tpu.memref_slice %arg24[%dma_start3A_1866] : memref<3x!tpu.dma_semaphore, #tpu.memory_space<semaphore_mem>> -> memref<1x!tpu.dma_semaphore, #tpu.memory_space<semaphore_mem>>
      %dma_start3A_1870 = tpu.memref_squeeze %dma_start3A_1869 : memref<1x!tpu.dma_semaphore, #tpu.memory_space<semaphore_mem>> -> memref<!tpu.dma_semaphore, #tpu.memory_space<semaphore_mem>>
      %dma_start3A_1871 = arith.constant 0 : i32
      %dma_start3A_1872 = tpu.memref_slice %arg4[%add3A_1858, %dma_start3A_1871] : memref<400x8192xi32, #tpu.memory_space<hbm>> -> memref<1x8192xi32, #tpu.memory_space<hbm>>
      tpu.enqueue_dma source(%dma_start3A_1872 : memref<1x8192xi32, #tpu.memory_space<hbm>>) target(%arg16 : memref<1x8192xi32, #tpu.memory_space<vmem>>) target_semaphore(%dma_start3A_1870 : memref<!tpu.dma_semaphore, #tpu.memory_space<semaphore_mem>>)
      %dma_wait3A_1873 = arith.constant 0 : i32
      %dma_wait3A_1874 = arith.constant 0 : i32
      %dma_wait3A_1875 = arith.constant 1 : i32
      %dma_wait3A_1876 = arith.constant 0 : i32
      %dma_wait3A_1877 = tpu.memref_slice %arg18[%dma_wait3A_1874, %dma_wait3A_1876] : memref<1x8192xf32, #tpu.memory_space<vmem>> -> memref<1x8192xf32, #tpu.memory_space<vmem>>
      %dma_wait3A_1878 = tpu.memref_squeeze %dma_wait3A_1877 : memref<1x8192xf32, #tpu.memory_space<vmem>> -> memref<8192xf32, #tpu.memory_space<vmem>>
      %dma_wait3A_1879 = arith.constant 0 : i32
      %dma_wait3A_1880 = tpu.memref_slice %arg12[%dma_wait3A_1873, %dma_wait3A_1879] : memref<1x8192xi32, #tpu.memory_space<vmem>> -> memref<1x8192xi32, #tpu.memory_space<vmem>>
      %dma_wait3A_1881 = tpu.memref_squeeze %dma_wait3A_1880 : memref<1x8192xi32, #tpu.memory_space<vmem>> -> memref<8192xi32, #tpu.memory_space<vmem>>
      %dma_wait3A_1882 = arith.constant 0 : i32
      %dma_wait3A_1883 = tpu.memref_slice %arg7[%dma_wait3A_1882] : memref<100352xf32, #tpu.memory_space<vmem_shared>> -> memref<100352xf32, #tpu.memory_space<vmem_shared>>
      %dma_wait3A_1884 = tpu.memref_slice %arg25[%dma_wait3A_1875] : memref<3x!tpu.dma_semaphore, #tpu.memory_space<semaphore_mem>> -> memref<1x!tpu.dma_semaphore, #tpu.memory_space<semaphore_mem>>
      %dma_wait3A_1885 = tpu.memref_squeeze %dma_wait3A_1884 : memref<1x!tpu.dma_semaphore, #tpu.memory_space<semaphore_mem>> -> memref<!tpu.dma_semaphore, #tpu.memory_space<semaphore_mem>>
      tpu.wait_indirect_dma semaphore(%dma_wait3A_1885 : memref<!tpu.dma_semaphore, #tpu.memory_space<semaphore_mem>>) src(%dma_wait3A_1883 : memref<100352xf32, #tpu.memory_space<vmem_shared>>) dst(%dma_wait3A_1878 : memref<8192xf32, #tpu.memory_space<vmem>>)
      %dma_start3A_1886 = arith.constant 0 : i32
      %dma_start3A_1887 = arith.constant 0 : i32
      %dma_start3A_1888 = arith.constant 1 : i32
      %dma_start3A_1889 = arith.constant 0 : i32
      %dma_start3A_1890 = tpu.memref_slice %arg18[%dma_start3A_1886, %dma_start3A_1889] : memref<1x8192xf32, #tpu.memory_space<vmem>> -> memref<1x8192xf32, #tpu.memory_space<vmem>>
      %dma_start3A_1891 = tpu.memref_squeeze %dma_start3A_1890 : memref<1x8192xf32, #tpu.memory_space<vmem>> -> memref<8192xf32, #tpu.memory_space<vmem>>
      %dma_start3A_1892 = arith.constant 0 : i32
      %dma_start3A_1893 = tpu.memref_slice %arg15[%dma_start3A_1887, %dma_start3A_1892] : memref<1x8192xi32, #tpu.memory_space<vmem>> -> memref<1x8192xi32, #tpu.memory_space<vmem>>
      %dma_start3A_1894 = tpu.memref_squeeze %dma_start3A_1893 : memref<1x8192xi32, #tpu.memory_space<vmem>> -> memref<8192xi32, #tpu.memory_space<vmem>>
      %dma_start3A_1895 = arith.constant 0 : i32
      %dma_start3A_1896 = tpu.memref_slice %arg8[%dma_start3A_1895] : memref<100352xf32, #tpu.memory_space<vmem_shared>> -> memref<100352xf32, #tpu.memory_space<vmem_shared>>
      %dma_start3A_1897 = tpu.memref_slice %arg26[%dma_start3A_1888] : memref<3x!tpu.dma_semaphore, #tpu.memory_space<semaphore_mem>> -> memref<1x!tpu.dma_semaphore, #tpu.memory_space<semaphore_mem>>
      %dma_start3A_1898 = tpu.memref_squeeze %dma_start3A_1897 : memref<1x!tpu.dma_semaphore, #tpu.memory_space<semaphore_mem>> -> memref<!tpu.dma_semaphore, #tpu.memory_space<semaphore_mem>>
      tpu.enqueue_indirect_dma source(%dma_start3A_1891 : memref<8192xf32, #tpu.memory_space<vmem>>) target(%dma_start3A_1896 : memref<100352xf32, #tpu.memory_space<vmem_shared>>) offsets(%dma_start3A_1894 : memref<8192xi32, #tpu.memory_space<vmem>>) semaphore(%dma_start3A_1898 : memref<!tpu.dma_semaphore, #tpu.memory_space<semaphore_mem>>) {add = true}
      %dma_wait3A_1899 = arith.constant 2 : i32
      %dma_wait3A_1900 = arith.constant 0 : i32
      %dma_wait3A_1901 = tpu.memref_slice %arg3[%add3A_1858, %dma_wait3A_1900] : memref<400x8192xi32, #tpu.memory_space<hbm>> -> memref<1x8192xi32, #tpu.memory_space<hbm>>
      %dma_wait3A_1902 = tpu.memref_slice %arg24[%dma_wait3A_1899] : memref<3x!tpu.dma_semaphore, #tpu.memory_space<semaphore_mem>> -> memref<1x!tpu.dma_semaphore, #tpu.memory_space<semaphore_mem>>
      %dma_wait3A_1903 = tpu.memref_squeeze %dma_wait3A_1902 : memref<1x!tpu.dma_semaphore, #tpu.memory_space<semaphore_mem>> -> memref<!tpu.dma_semaphore, #tpu.memory_space<semaphore_mem>>
      %dma_wait3A_1904 = arith.constant 0 : i32
      %dma_wait3A_1905 = tpu.memref_slice %arg3[%add3A_1858, %dma_wait3A_1904] : memref<400x8192xi32, #tpu.memory_space<hbm>> -> memref<1x8192xi32, #tpu.memory_space<hbm>>
      tpu.wait_dma2 semaphore(%dma_wait3A_1903 : memref<!tpu.dma_semaphore, #tpu.memory_space<semaphore_mem>>) src(%dma_wait3A_1905 : memref<1x8192xi32, #tpu.memory_space<hbm>>) dst(%arg13 : memref<1x8192xi32, #tpu.memory_space<vmem>>)
      %dma_wait3A_1906 = arith.constant 2 : i32
      %dma_wait3A_1907 = arith.constant 0 : i32
      %dma_wait3A_1908 = tpu.memref_slice %arg4[%add3A_1858, %dma_wait3A_1907] : memref<400x8192xi32, #tpu.memory_space<hbm>> -> memref<1x8192xi32, #tpu.memory_space<hbm>>
      %dma_wait3A_1909 = tpu.memref_slice %arg24[%dma_wait3A_1906] : memref<3x!tpu.dma_semaphore, #tpu.memory_space<semaphore_mem>> -> memref<1x!tpu.dma_semaphore, #tpu.memory_space<semaphore_mem>>
      %dma_wait3A_1910 = tpu.memref_squeeze %dma_wait3A_1909 : memref<1x!tpu.dma_semaphore, #tpu.memory_space<semaphore_mem>> -> memref<!tpu.dma_semaphore, #tpu.memory_space<semaphore_mem>>
      %dma_wait3A_1911 = arith.constant 0 : i32
      %dma_wait3A_1912 = tpu.memref_slice %arg4[%add3A_1858, %dma_wait3A_1911] : memref<400x8192xi32, #tpu.memory_space<hbm>> -> memref<1x8192xi32, #tpu.memory_space<hbm>>
      tpu.wait_dma2 semaphore(%dma_wait3A_1910 : memref<!tpu.dma_semaphore, #tpu.memory_space<semaphore_mem>>) src(%dma_wait3A_1912 : memref<1x8192xi32, #tpu.memory_space<hbm>>) dst(%arg16 : memref<1x8192xi32, #tpu.memory_space<vmem>>)
      %dma_start3A_1913 = arith.constant 0 : i32
      %dma_start3A_1914 = arith.constant 0 : i32
      %dma_start3A_1915 = arith.constant 2 : i32
      %dma_start3A_1916 = arith.constant 0 : i32
      %dma_start3A_1917 = tpu.memref_slice %arg19[%dma_start3A_1914, %dma_start3A_1916] : memref<1x8192xf32, #tpu.memory_space<vmem>> -> memref<1x8192xf32, #tpu.memory_space<vmem>>
      %dma_start3A_1918 = tpu.memref_squeeze %dma_start3A_1917 : memref<1x8192xf32, #tpu.memory_space<vmem>> -> memref<8192xf32, #tpu.memory_space<vmem>>
      %dma_start3A_1919 = arith.constant 0 : i32
      %dma_start3A_1920 = tpu.memref_slice %arg13[%dma_start3A_1913, %dma_start3A_1919] : memref<1x8192xi32, #tpu.memory_space<vmem>> -> memref<1x8192xi32, #tpu.memory_space<vmem>>
      %dma_start3A_1921 = tpu.memref_squeeze %dma_start3A_1920 : memref<1x8192xi32, #tpu.memory_space<vmem>> -> memref<8192xi32, #tpu.memory_space<vmem>>
      %dma_start3A_1922 = arith.constant 0 : i32
      %dma_start3A_1923 = tpu.memref_slice %arg7[%dma_start3A_1922] : memref<100352xf32, #tpu.memory_space<vmem_shared>> -> memref<100352xf32, #tpu.memory_space<vmem_shared>>
      %dma_start3A_1924 = tpu.memref_slice %arg25[%dma_start3A_1915] : memref<3x!tpu.dma_semaphore, #tpu.memory_space<semaphore_mem>> -> memref<1x!tpu.dma_semaphore, #tpu.memory_space<semaphore_mem>>
      %dma_start3A_1925 = tpu.memref_squeeze %dma_start3A_1924 : memref<1x!tpu.dma_semaphore, #tpu.memory_space<semaphore_mem>> -> memref<!tpu.dma_semaphore, #tpu.memory_space<semaphore_mem>>
      tpu.enqueue_indirect_dma source(%dma_start3A_1923 : memref<100352xf32, #tpu.memory_space<vmem_shared>>) target(%dma_start3A_1918 : memref<8192xf32, #tpu.memory_space<vmem>>) offsets(%dma_start3A_1921 : memref<8192xi32, #tpu.memory_space<vmem>>) semaphore(%dma_start3A_1925 : memref<!tpu.dma_semaphore, #tpu.memory_space<semaphore_mem>>)
      %dma_wait3A_1926 = arith.constant 0 : i32
      %dma_wait3A_1927 = arith.constant 0 : i32
      %dma_wait3A_1928 = arith.constant 0 : i32
      %dma_wait3A_1929 = arith.constant 0 : i32
      %dma_wait3A_1930 = tpu.memref_slice %arg17[%dma_wait3A_1926, %dma_wait3A_1929] : memref<1x8192xf32, #tpu.memory_space<vmem>> -> memref<1x8192xf32, #tpu.memory_space<vmem>>
      %dma_wait3A_1931 = tpu.memref_squeeze %dma_wait3A_1930 : memref<1x8192xf32, #tpu.memory_space<vmem>> -> memref<8192xf32, #tpu.memory_space<vmem>>
      %dma_wait3A_1932 = arith.constant 0 : i32
      %dma_wait3A_1933 = tpu.memref_slice %arg14[%dma_wait3A_1927, %dma_wait3A_1932] : memref<1x8192xi32, #tpu.memory_space<vmem>> -> memref<1x8192xi32, #tpu.memory_space<vmem>>
      %dma_wait3A_1934 = tpu.memref_squeeze %dma_wait3A_1933 : memref<1x8192xi32, #tpu.memory_space<vmem>> -> memref<8192xi32, #tpu.memory_space<vmem>>
      %dma_wait3A_1935 = arith.constant 0 : i32
      %dma_wait3A_1936 = tpu.memref_slice %arg8[%dma_wait3A_1935] : memref<100352xf32, #tpu.memory_space<vmem_shared>> -> memref<100352xf32, #tpu.memory_space<vmem_shared>>
      %dma_wait3A_1937 = tpu.memref_slice %arg26[%dma_wait3A_1928] : memref<3x!tpu.dma_semaphore, #tpu.memory_space<semaphore_mem>> -> memref<1x!tpu.dma_semaphore, #tpu.memory_space<semaphore_mem>>
      %dma_wait3A_1938 = tpu.memref_squeeze %dma_wait3A_1937 : memref<1x!tpu.dma_semaphore, #tpu.memory_space<semaphore_mem>> -> memref<!tpu.dma_semaphore, #tpu.memory_space<semaphore_mem>>
      tpu.wait_indirect_dma semaphore(%dma_wait3A_1938 : memref<!tpu.dma_semaphore, #tpu.memory_space<semaphore_mem>>) src(%dma_wait3A_1931 : memref<8192xf32, #tpu.memory_space<vmem>>) dst(%dma_wait3A_1936 : memref<100352xf32, #tpu.memory_space<vmem_shared>>)
      %add3A_1939 = arith.constant 24 : i32
      %add3A_1940 = arith.addi %mul3A_2, %add3A_1939 : i32
      %dma_start3A_1941 = arith.constant 0 : i32
      %dma_start3A_1942 = arith.constant 0 : i32
      %dma_start3A_1943 = tpu.memref_slice %arg3[%add3A_1940, %dma_start3A_1942] : memref<400x8192xi32, #tpu.memory_space<hbm>> -> memref<1x8192xi32, #tpu.memory_space<hbm>>
      %dma_start3A_1944 = tpu.memref_slice %arg24[%dma_start3A_1941] : memref<3x!tpu.dma_semaphore, #tpu.memory_space<semaphore_mem>> -> memref<1x!tpu.dma_semaphore, #tpu.memory_space<semaphore_mem>>
      %dma_start3A_1945 = tpu.memref_squeeze %dma_start3A_1944 : memref<1x!tpu.dma_semaphore, #tpu.memory_space<semaphore_mem>> -> memref<!tpu.dma_semaphore, #tpu.memory_space<semaphore_mem>>
      %dma_start3A_1946 = arith.constant 0 : i32
      %dma_start3A_1947 = tpu.memref_slice %arg3[%add3A_1940, %dma_start3A_1946] : memref<400x8192xi32, #tpu.memory_space<hbm>> -> memref<1x8192xi32, #tpu.memory_space<hbm>>
      tpu.enqueue_dma source(%dma_start3A_1947 : memref<1x8192xi32, #tpu.memory_space<hbm>>) target(%arg11 : memref<1x8192xi32, #tpu.memory_space<vmem>>) target_semaphore(%dma_start3A_1945 : memref<!tpu.dma_semaphore, #tpu.memory_space<semaphore_mem>>)
      %dma_start3A_1948 = arith.constant 0 : i32
      %dma_start3A_1949 = arith.constant 0 : i32
      %dma_start3A_1950 = tpu.memref_slice %arg4[%add3A_1940, %dma_start3A_1949] : memref<400x8192xi32, #tpu.memory_space<hbm>> -> memref<1x8192xi32, #tpu.memory_space<hbm>>
      %dma_start3A_1951 = tpu.memref_slice %arg24[%dma_start3A_1948] : memref<3x!tpu.dma_semaphore, #tpu.memory_space<semaphore_mem>> -> memref<1x!tpu.dma_semaphore, #tpu.memory_space<semaphore_mem>>
      %dma_start3A_1952 = tpu.memref_squeeze %dma_start3A_1951 : memref<1x!tpu.dma_semaphore, #tpu.memory_space<semaphore_mem>> -> memref<!tpu.dma_semaphore, #tpu.memory_space<semaphore_mem>>
      %dma_start3A_1953 = arith.constant 0 : i32
      %dma_start3A_1954 = tpu.memref_slice %arg4[%add3A_1940, %dma_start3A_1953] : memref<400x8192xi32, #tpu.memory_space<hbm>> -> memref<1x8192xi32, #tpu.memory_space<hbm>>
      tpu.enqueue_dma source(%dma_start3A_1954 : memref<1x8192xi32, #tpu.memory_space<hbm>>) target(%arg14 : memref<1x8192xi32, #tpu.memory_space<vmem>>) target_semaphore(%dma_start3A_1952 : memref<!tpu.dma_semaphore, #tpu.memory_space<semaphore_mem>>)
      %dma_wait3A_1955 = arith.constant 0 : i32
      %dma_wait3A_1956 = arith.constant 0 : i32
      %dma_wait3A_1957 = arith.constant 2 : i32
      %dma_wait3A_1958 = arith.constant 0 : i32
      %dma_wait3A_1959 = tpu.memref_slice %arg19[%dma_wait3A_1956, %dma_wait3A_1958] : memref<1x8192xf32, #tpu.memory_space<vmem>> -> memref<1x8192xf32, #tpu.memory_space<vmem>>
      %dma_wait3A_1960 = tpu.memref_squeeze %dma_wait3A_1959 : memref<1x8192xf32, #tpu.memory_space<vmem>> -> memref<8192xf32, #tpu.memory_space<vmem>>
      %dma_wait3A_1961 = arith.constant 0 : i32
      %dma_wait3A_1962 = tpu.memref_slice %arg13[%dma_wait3A_1955, %dma_wait3A_1961] : memref<1x8192xi32, #tpu.memory_space<vmem>> -> memref<1x8192xi32, #tpu.memory_space<vmem>>
      %dma_wait3A_1963 = tpu.memref_squeeze %dma_wait3A_1962 : memref<1x8192xi32, #tpu.memory_space<vmem>> -> memref<8192xi32, #tpu.memory_space<vmem>>
      %dma_wait3A_1964 = arith.constant 0 : i32
      %dma_wait3A_1965 = tpu.memref_slice %arg7[%dma_wait3A_1964] : memref<100352xf32, #tpu.memory_space<vmem_shared>> -> memref<100352xf32, #tpu.memory_space<vmem_shared>>
      %dma_wait3A_1966 = tpu.memref_slice %arg25[%dma_wait3A_1957] : memref<3x!tpu.dma_semaphore, #tpu.memory_space<semaphore_mem>> -> memref<1x!tpu.dma_semaphore, #tpu.memory_space<semaphore_mem>>
      %dma_wait3A_1967 = tpu.memref_squeeze %dma_wait3A_1966 : memref<1x!tpu.dma_semaphore, #tpu.memory_space<semaphore_mem>> -> memref<!tpu.dma_semaphore, #tpu.memory_space<semaphore_mem>>
      tpu.wait_indirect_dma semaphore(%dma_wait3A_1967 : memref<!tpu.dma_semaphore, #tpu.memory_space<semaphore_mem>>) src(%dma_wait3A_1965 : memref<100352xf32, #tpu.memory_space<vmem_shared>>) dst(%dma_wait3A_1960 : memref<8192xf32, #tpu.memory_space<vmem>>)
      %dma_start3A_1968 = arith.constant 0 : i32
      %dma_start3A_1969 = arith.constant 0 : i32
      %dma_start3A_1970 = arith.constant 2 : i32
      %dma_start3A_1971 = arith.constant 0 : i32
      %dma_start3A_1972 = tpu.memref_slice %arg19[%dma_start3A_1968, %dma_start3A_1971] : memref<1x8192xf32, #tpu.memory_space<vmem>> -> memref<1x8192xf32, #tpu.memory_space<vmem>>
      %dma_start3A_1973 = tpu.memref_squeeze %dma_start3A_1972 : memref<1x8192xf32, #tpu.memory_space<vmem>> -> memref<8192xf32, #tpu.memory_space<vmem>>
      %dma_start3A_1974 = arith.constant 0 : i32
      %dma_start3A_1975 = tpu.memref_slice %arg16[%dma_start3A_1969, %dma_start3A_1974] : memref<1x8192xi32, #tpu.memory_space<vmem>> -> memref<1x8192xi32, #tpu.memory_space<vmem>>
      %dma_start3A_1976 = tpu.memref_squeeze %dma_start3A_1975 : memref<1x8192xi32, #tpu.memory_space<vmem>> -> memref<8192xi32, #tpu.memory_space<vmem>>
      %dma_start3A_1977 = arith.constant 0 : i32
      %dma_start3A_1978 = tpu.memref_slice %arg8[%dma_start3A_1977] : memref<100352xf32, #tpu.memory_space<vmem_shared>> -> memref<100352xf32, #tpu.memory_space<vmem_shared>>
      %dma_start3A_1979 = tpu.memref_slice %arg26[%dma_start3A_1970] : memref<3x!tpu.dma_semaphore, #tpu.memory_space<semaphore_mem>> -> memref<1x!tpu.dma_semaphore, #tpu.memory_space<semaphore_mem>>
      %dma_start3A_1980 = tpu.memref_squeeze %dma_start3A_1979 : memref<1x!tpu.dma_semaphore, #tpu.memory_space<semaphore_mem>> -> memref<!tpu.dma_semaphore, #tpu.memory_space<semaphore_mem>>
      tpu.enqueue_indirect_dma source(%dma_start3A_1973 : memref<8192xf32, #tpu.memory_space<vmem>>) target(%dma_start3A_1978 : memref<100352xf32, #tpu.memory_space<vmem_shared>>) offsets(%dma_start3A_1976 : memref<8192xi32, #tpu.memory_space<vmem>>) semaphore(%dma_start3A_1980 : memref<!tpu.dma_semaphore, #tpu.memory_space<semaphore_mem>>) {add = true}
      %dma_wait3A_1981 = arith.constant 0 : i32
      %dma_wait3A_1982 = arith.constant 0 : i32
      %dma_wait3A_1983 = tpu.memref_slice %arg3[%add3A_1940, %dma_wait3A_1982] : memref<400x8192xi32, #tpu.memory_space<hbm>> -> memref<1x8192xi32, #tpu.memory_space<hbm>>
      %dma_wait3A_1984 = tpu.memref_slice %arg24[%dma_wait3A_1981] : memref<3x!tpu.dma_semaphore, #tpu.memory_space<semaphore_mem>> -> memref<1x!tpu.dma_semaphore, #tpu.memory_space<semaphore_mem>>
      %dma_wait3A_1985 = tpu.memref_squeeze %dma_wait3A_1984 : memref<1x!tpu.dma_semaphore, #tpu.memory_space<semaphore_mem>> -> memref<!tpu.dma_semaphore, #tpu.memory_space<semaphore_mem>>
      %dma_wait3A_1986 = arith.constant 0 : i32
      %dma_wait3A_1987 = tpu.memref_slice %arg3[%add3A_1940, %dma_wait3A_1986] : memref<400x8192xi32, #tpu.memory_space<hbm>> -> memref<1x8192xi32, #tpu.memory_space<hbm>>
      tpu.wait_dma2 semaphore(%dma_wait3A_1985 : memref<!tpu.dma_semaphore, #tpu.memory_space<semaphore_mem>>) src(%dma_wait3A_1987 : memref<1x8192xi32, #tpu.memory_space<hbm>>) dst(%arg11 : memref<1x8192xi32, #tpu.memory_space<vmem>>)
      %dma_wait3A_1988 = arith.constant 0 : i32
      %dma_wait3A_1989 = arith.constant 0 : i32
      %dma_wait3A_1990 = tpu.memref_slice %arg4[%add3A_1940, %dma_wait3A_1989] : memref<400x8192xi32, #tpu.memory_space<hbm>> -> memref<1x8192xi32, #tpu.memory_space<hbm>>
      %dma_wait3A_1991 = tpu.memref_slice %arg24[%dma_wait3A_1988] : memref<3x!tpu.dma_semaphore, #tpu.memory_space<semaphore_mem>> -> memref<1x!tpu.dma_semaphore, #tpu.memory_space<semaphore_mem>>
      %dma_wait3A_1992 = tpu.memref_squeeze %dma_wait3A_1991 : memref<1x!tpu.dma_semaphore, #tpu.memory_space<semaphore_mem>> -> memref<!tpu.dma_semaphore, #tpu.memory_space<semaphore_mem>>
      %dma_wait3A_1993 = arith.constant 0 : i32
      %dma_wait3A_1994 = tpu.memref_slice %arg4[%add3A_1940, %dma_wait3A_1993] : memref<400x8192xi32, #tpu.memory_space<hbm>> -> memref<1x8192xi32, #tpu.memory_space<hbm>>
      tpu.wait_dma2 semaphore(%dma_wait3A_1992 : memref<!tpu.dma_semaphore, #tpu.memory_space<semaphore_mem>>) src(%dma_wait3A_1994 : memref<1x8192xi32, #tpu.memory_space<hbm>>) dst(%arg14 : memref<1x8192xi32, #tpu.memory_space<vmem>>)
      %dma_start3A_1995 = arith.constant 0 : i32
      %dma_start3A_1996 = arith.constant 0 : i32
      %dma_start3A_1997 = arith.constant 0 : i32
      %dma_start3A_1998 = arith.constant 0 : i32
      %dma_start3A_1999 = tpu.memref_slice %arg17[%dma_start3A_1996, %dma_start3A_1998] : memref<1x8192xf32, #tpu.memory_space<vmem>> -> memref<1x8192xf32, #tpu.memory_space<vmem>>
      %dma_start3A_2000 = tpu.memref_squeeze %dma_start3A_1999 : memref<1x8192xf32, #tpu.memory_space<vmem>> -> memref<8192xf32, #tpu.memory_space<vmem>>
      %dma_start3A_2001 = arith.constant 0 : i32
      %dma_start3A_2002 = tpu.memref_slice %arg11[%dma_start3A_1995, %dma_start3A_2001] : memref<1x8192xi32, #tpu.memory_space<vmem>> -> memref<1x8192xi32, #tpu.memory_space<vmem>>
      %dma_start3A_2003 = tpu.memref_squeeze %dma_start3A_2002 : memref<1x8192xi32, #tpu.memory_space<vmem>> -> memref<8192xi32, #tpu.memory_space<vmem>>
      %dma_start3A_2004 = arith.constant 0 : i32
      %dma_start3A_2005 = tpu.memref_slice %arg7[%dma_start3A_2004] : memref<100352xf32, #tpu.memory_space<vmem_shared>> -> memref<100352xf32, #tpu.memory_space<vmem_shared>>
      %dma_start3A_2006 = tpu.memref_slice %arg25[%dma_start3A_1997] : memref<3x!tpu.dma_semaphore, #tpu.memory_space<semaphore_mem>> -> memref<1x!tpu.dma_semaphore, #tpu.memory_space<semaphore_mem>>
      %dma_start3A_2007 = tpu.memref_squeeze %dma_start3A_2006 : memref<1x!tpu.dma_semaphore, #tpu.memory_space<semaphore_mem>> -> memref<!tpu.dma_semaphore, #tpu.memory_space<semaphore_mem>>
      tpu.enqueue_indirect_dma source(%dma_start3A_2005 : memref<100352xf32, #tpu.memory_space<vmem_shared>>) target(%dma_start3A_2000 : memref<8192xf32, #tpu.memory_space<vmem>>) offsets(%dma_start3A_2003 : memref<8192xi32, #tpu.memory_space<vmem>>) semaphore(%dma_start3A_2007 : memref<!tpu.dma_semaphore, #tpu.memory_space<semaphore_mem>>)
      %dma_wait3A_2008 = arith.constant 0 : i32
      %dma_wait3A_2009 = arith.constant 0 : i32
      %dma_wait3A_2010 = arith.constant 0 : i32
      %dma_wait3A_2011 = arith.constant 0 : i32
      %dma_wait3A_2012 = tpu.memref_slice %arg17[%dma_wait3A_2009, %dma_wait3A_2011] : memref<1x8192xf32, #tpu.memory_space<vmem>> -> memref<1x8192xf32, #tpu.memory_space<vmem>>
      %dma_wait3A_2013 = tpu.memref_squeeze %dma_wait3A_2012 : memref<1x8192xf32, #tpu.memory_space<vmem>> -> memref<8192xf32, #tpu.memory_space<vmem>>
      %dma_wait3A_2014 = arith.constant 0 : i32
      %dma_wait3A_2015 = tpu.memref_slice %arg11[%dma_wait3A_2008, %dma_wait3A_2014] : memref<1x8192xi32, #tpu.memory_space<vmem>> -> memref<1x8192xi32, #tpu.memory_space<vmem>>
      %dma_wait3A_2016 = tpu.memref_squeeze %dma_wait3A_2015 : memref<1x8192xi32, #tpu.memory_space<vmem>> -> memref<8192xi32, #tpu.memory_space<vmem>>
      %dma_wait3A_2017 = arith.constant 0 : i32
      %dma_wait3A_2018 = tpu.memref_slice %arg7[%dma_wait3A_2017] : memref<100352xf32, #tpu.memory_space<vmem_shared>> -> memref<100352xf32, #tpu.memory_space<vmem_shared>>
      %dma_wait3A_2019 = tpu.memref_slice %arg25[%dma_wait3A_2010] : memref<3x!tpu.dma_semaphore, #tpu.memory_space<semaphore_mem>> -> memref<1x!tpu.dma_semaphore, #tpu.memory_space<semaphore_mem>>
      %dma_wait3A_2020 = tpu.memref_squeeze %dma_wait3A_2019 : memref<1x!tpu.dma_semaphore, #tpu.memory_space<semaphore_mem>> -> memref<!tpu.dma_semaphore, #tpu.memory_space<semaphore_mem>>
      tpu.wait_indirect_dma semaphore(%dma_wait3A_2020 : memref<!tpu.dma_semaphore, #tpu.memory_space<semaphore_mem>>) src(%dma_wait3A_2018 : memref<100352xf32, #tpu.memory_space<vmem_shared>>) dst(%dma_wait3A_2013 : memref<8192xf32, #tpu.memory_space<vmem>>)
      %dma_start3A_2021 = arith.constant 0 : i32
      %dma_start3A_2022 = arith.constant 0 : i32
      %dma_start3A_2023 = arith.constant 0 : i32
      %dma_start3A_2024 = arith.constant 0 : i32
      %dma_start3A_2025 = tpu.memref_slice %arg17[%dma_start3A_2021, %dma_start3A_2024] : memref<1x8192xf32, #tpu.memory_space<vmem>> -> memref<1x8192xf32, #tpu.memory_space<vmem>>
      %dma_start3A_2026 = tpu.memref_squeeze %dma_start3A_2025 : memref<1x8192xf32, #tpu.memory_space<vmem>> -> memref<8192xf32, #tpu.memory_space<vmem>>
      %dma_start3A_2027 = arith.constant 0 : i32
      %dma_start3A_2028 = tpu.memref_slice %arg14[%dma_start3A_2022, %dma_start3A_2027] : memref<1x8192xi32, #tpu.memory_space<vmem>> -> memref<1x8192xi32, #tpu.memory_space<vmem>>
      %dma_start3A_2029 = tpu.memref_squeeze %dma_start3A_2028 : memref<1x8192xi32, #tpu.memory_space<vmem>> -> memref<8192xi32, #tpu.memory_space<vmem>>
      %dma_start3A_2030 = arith.constant 0 : i32
      %dma_start3A_2031 = tpu.memref_slice %arg8[%dma_start3A_2030] : memref<100352xf32, #tpu.memory_space<vmem_shared>> -> memref<100352xf32, #tpu.memory_space<vmem_shared>>
      %dma_start3A_2032 = tpu.memref_slice %arg26[%dma_start3A_2023] : memref<3x!tpu.dma_semaphore, #tpu.memory_space<semaphore_mem>> -> memref<1x!tpu.dma_semaphore, #tpu.memory_space<semaphore_mem>>
      %dma_start3A_2033 = tpu.memref_squeeze %dma_start3A_2032 : memref<1x!tpu.dma_semaphore, #tpu.memory_space<semaphore_mem>> -> memref<!tpu.dma_semaphore, #tpu.memory_space<semaphore_mem>>
      tpu.enqueue_indirect_dma source(%dma_start3A_2026 : memref<8192xf32, #tpu.memory_space<vmem>>) target(%dma_start3A_2031 : memref<100352xf32, #tpu.memory_space<vmem_shared>>) offsets(%dma_start3A_2029 : memref<8192xi32, #tpu.memory_space<vmem>>) semaphore(%dma_start3A_2033 : memref<!tpu.dma_semaphore, #tpu.memory_space<semaphore_mem>>) {add = true}
      %dma_wait3A_2034 = arith.constant 0 : i32
      %dma_wait3A_2035 = arith.constant 0 : i32
      %dma_wait3A_2036 = arith.constant 1 : i32
      %dma_wait3A_2037 = arith.constant 0 : i32
      %dma_wait3A_2038 = tpu.memref_slice %arg18[%dma_wait3A_2034, %dma_wait3A_2037] : memref<1x8192xf32, #tpu.memory_space<vmem>> -> memref<1x8192xf32, #tpu.memory_space<vmem>>
      %dma_wait3A_2039 = tpu.memref_squeeze %dma_wait3A_2038 : memref<1x8192xf32, #tpu.memory_space<vmem>> -> memref<8192xf32, #tpu.memory_space<vmem>>
      %dma_wait3A_2040 = arith.constant 0 : i32
      %dma_wait3A_2041 = tpu.memref_slice %arg15[%dma_wait3A_2035, %dma_wait3A_2040] : memref<1x8192xi32, #tpu.memory_space<vmem>> -> memref<1x8192xi32, #tpu.memory_space<vmem>>
      %dma_wait3A_2042 = tpu.memref_squeeze %dma_wait3A_2041 : memref<1x8192xi32, #tpu.memory_space<vmem>> -> memref<8192xi32, #tpu.memory_space<vmem>>
      %dma_wait3A_2043 = arith.constant 0 : i32
      %dma_wait3A_2044 = tpu.memref_slice %arg8[%dma_wait3A_2043] : memref<100352xf32, #tpu.memory_space<vmem_shared>> -> memref<100352xf32, #tpu.memory_space<vmem_shared>>
      %dma_wait3A_2045 = tpu.memref_slice %arg26[%dma_wait3A_2036] : memref<3x!tpu.dma_semaphore, #tpu.memory_space<semaphore_mem>> -> memref<1x!tpu.dma_semaphore, #tpu.memory_space<semaphore_mem>>
      %dma_wait3A_2046 = tpu.memref_squeeze %dma_wait3A_2045 : memref<1x!tpu.dma_semaphore, #tpu.memory_space<semaphore_mem>> -> memref<!tpu.dma_semaphore, #tpu.memory_space<semaphore_mem>>
      tpu.wait_indirect_dma semaphore(%dma_wait3A_2046 : memref<!tpu.dma_semaphore, #tpu.memory_space<semaphore_mem>>) src(%dma_wait3A_2039 : memref<8192xf32, #tpu.memory_space<vmem>>) dst(%dma_wait3A_2044 : memref<100352xf32, #tpu.memory_space<vmem_shared>>)
      %dma_wait3A_2047 = arith.constant 0 : i32
      %dma_wait3A_2048 = arith.constant 0 : i32
      %dma_wait3A_2049 = arith.constant 2 : i32
      %dma_wait3A_2050 = arith.constant 0 : i32
      %dma_wait3A_2051 = tpu.memref_slice %arg19[%dma_wait3A_2047, %dma_wait3A_2050] : memref<1x8192xf32, #tpu.memory_space<vmem>> -> memref<1x8192xf32, #tpu.memory_space<vmem>>
      %dma_wait3A_2052 = tpu.memref_squeeze %dma_wait3A_2051 : memref<1x8192xf32, #tpu.memory_space<vmem>> -> memref<8192xf32, #tpu.memory_space<vmem>>
      %dma_wait3A_2053 = arith.constant 0 : i32
      %dma_wait3A_2054 = tpu.memref_slice %arg16[%dma_wait3A_2048, %dma_wait3A_2053] : memref<1x8192xi32, #tpu.memory_space<vmem>> -> memref<1x8192xi32, #tpu.memory_space<vmem>>
      %dma_wait3A_2055 = tpu.memref_squeeze %dma_wait3A_2054 : memref<1x8192xi32, #tpu.memory_space<vmem>> -> memref<8192xi32, #tpu.memory_space<vmem>>
      %dma_wait3A_2056 = arith.constant 0 : i32
      %dma_wait3A_2057 = tpu.memref_slice %arg8[%dma_wait3A_2056] : memref<100352xf32, #tpu.memory_space<vmem_shared>> -> memref<100352xf32, #tpu.memory_space<vmem_shared>>
      %dma_wait3A_2058 = tpu.memref_slice %arg26[%dma_wait3A_2049] : memref<3x!tpu.dma_semaphore, #tpu.memory_space<semaphore_mem>> -> memref<1x!tpu.dma_semaphore, #tpu.memory_space<semaphore_mem>>
      %dma_wait3A_2059 = tpu.memref_squeeze %dma_wait3A_2058 : memref<1x!tpu.dma_semaphore, #tpu.memory_space<semaphore_mem>> -> memref<!tpu.dma_semaphore, #tpu.memory_space<semaphore_mem>>
      tpu.wait_indirect_dma semaphore(%dma_wait3A_2059 : memref<!tpu.dma_semaphore, #tpu.memory_space<semaphore_mem>>) src(%dma_wait3A_2052 : memref<8192xf32, #tpu.memory_space<vmem>>) dst(%dma_wait3A_2057 : memref<100352xf32, #tpu.memory_space<vmem_shared>>)
      %dma_wait3A_2060 = arith.constant 0 : i32
      %dma_wait3A_2061 = arith.constant 0 : i32
      %dma_wait3A_2062 = arith.constant 0 : i32
      %dma_wait3A_2063 = arith.constant 0 : i32
      %dma_wait3A_2064 = tpu.memref_slice %arg17[%dma_wait3A_2060, %dma_wait3A_2063] : memref<1x8192xf32, #tpu.memory_space<vmem>> -> memref<1x8192xf32, #tpu.memory_space<vmem>>
      %dma_wait3A_2065 = tpu.memref_squeeze %dma_wait3A_2064 : memref<1x8192xf32, #tpu.memory_space<vmem>> -> memref<8192xf32, #tpu.memory_space<vmem>>
      %dma_wait3A_2066 = arith.constant 0 : i32
      %dma_wait3A_2067 = tpu.memref_slice %arg14[%dma_wait3A_2061, %dma_wait3A_2066] : memref<1x8192xi32, #tpu.memory_space<vmem>> -> memref<1x8192xi32, #tpu.memory_space<vmem>>
      %dma_wait3A_2068 = tpu.memref_squeeze %dma_wait3A_2067 : memref<1x8192xi32, #tpu.memory_space<vmem>> -> memref<8192xi32, #tpu.memory_space<vmem>>
      %dma_wait3A_2069 = arith.constant 0 : i32
      %dma_wait3A_2070 = tpu.memref_slice %arg8[%dma_wait3A_2069] : memref<100352xf32, #tpu.memory_space<vmem_shared>> -> memref<100352xf32, #tpu.memory_space<vmem_shared>>
      %dma_wait3A_2071 = tpu.memref_slice %arg26[%dma_wait3A_2062] : memref<3x!tpu.dma_semaphore, #tpu.memory_space<semaphore_mem>> -> memref<1x!tpu.dma_semaphore, #tpu.memory_space<semaphore_mem>>
      %dma_wait3A_2072 = tpu.memref_squeeze %dma_wait3A_2071 : memref<1x!tpu.dma_semaphore, #tpu.memory_space<semaphore_mem>> -> memref<!tpu.dma_semaphore, #tpu.memory_space<semaphore_mem>>
      tpu.wait_indirect_dma semaphore(%dma_wait3A_2072 : memref<!tpu.dma_semaphore, #tpu.memory_space<semaphore_mem>>) src(%dma_wait3A_2065 : memref<8192xf32, #tpu.memory_space<vmem>>) dst(%dma_wait3A_2070 : memref<100352xf32, #tpu.memory_space<vmem_shared>>)
      %barrier3A_2073 = arith.constant 0 : index
      tpu.barrier barrier_id(%barrier3A_2073)
      "tpu.region"() ({
        %run_scoped3A = tpu.sem_alloc : memref<!tpu.dma_semaphore, #tpu.memory_space<semaphore_mem>>
        %dma_start3A_2083 = tpu.memref_slice %arg9[%mul3A_0] : memref<100352xf32, #tpu.memory_space<vmem_shared>> -> memref<6272xf32, #tpu.memory_space<vmem_shared>>
        %dma_start3A_2084 = tpu.memref_slice %arg9[%mul3A_0] : memref<100352xf32, #tpu.memory_space<vmem_shared>> -> memref<6272xf32, #tpu.memory_space<vmem_shared>>
        tpu.enqueue_dma source(%dma_start3A_2084 : memref<6272xf32, #tpu.memory_space<vmem_shared>>) target(%arg20 : memref<6272xf32, #tpu.memory_space<vmem>>) target_semaphore(%run_scoped3A : memref<!tpu.dma_semaphore, #tpu.memory_space<semaphore_mem>>)
        %dma_wait3A_2085 = tpu.memref_slice %arg9[%mul3A_0] : memref<100352xf32, #tpu.memory_space<vmem_shared>> -> memref<6272xf32, #tpu.memory_space<vmem_shared>>
        %dma_wait3A_2086 = tpu.memref_slice %arg9[%mul3A_0] : memref<100352xf32, #tpu.memory_space<vmem_shared>> -> memref<6272xf32, #tpu.memory_space<vmem_shared>>
        tpu.wait_dma2 semaphore(%run_scoped3A : memref<!tpu.dma_semaphore, #tpu.memory_space<semaphore_mem>>) src(%dma_wait3A_2086 : memref<6272xf32, #tpu.memory_space<vmem_shared>>) dst(%arg20 : memref<6272xf32, #tpu.memory_space<vmem>>)
        tpu.yield
      }) : () -> ()
      "tpu.region"() ({
        %run_scoped3A = tpu.sem_alloc : memref<!tpu.dma_semaphore, #tpu.memory_space<semaphore_mem>>
        %dma_start3A_2083 = tpu.memref_slice %arg8[%mul3A_0] : memref<100352xf32, #tpu.memory_space<vmem_shared>> -> memref<6272xf32, #tpu.memory_space<vmem_shared>>
        %dma_start3A_2084 = tpu.memref_slice %arg8[%mul3A_0] : memref<100352xf32, #tpu.memory_space<vmem_shared>> -> memref<6272xf32, #tpu.memory_space<vmem_shared>>
        tpu.enqueue_dma source(%dma_start3A_2084 : memref<6272xf32, #tpu.memory_space<vmem_shared>>) target(%arg21 : memref<6272xf32, #tpu.memory_space<vmem>>) target_semaphore(%run_scoped3A : memref<!tpu.dma_semaphore, #tpu.memory_space<semaphore_mem>>)
        %dma_wait3A_2085 = tpu.memref_slice %arg8[%mul3A_0] : memref<100352xf32, #tpu.memory_space<vmem_shared>> -> memref<6272xf32, #tpu.memory_space<vmem_shared>>
        %dma_wait3A_2086 = tpu.memref_slice %arg8[%mul3A_0] : memref<100352xf32, #tpu.memory_space<vmem_shared>> -> memref<6272xf32, #tpu.memory_space<vmem_shared>>
        tpu.wait_dma2 semaphore(%run_scoped3A : memref<!tpu.dma_semaphore, #tpu.memory_space<semaphore_mem>>) src(%dma_wait3A_2086 : memref<6272xf32, #tpu.memory_space<vmem_shared>>) dst(%arg21 : memref<6272xf32, #tpu.memory_space<vmem>>)
        tpu.yield
      }) : () -> ()
      "tpu.region"() ({
        %run_scoped3A = tpu.sem_alloc : memref<!tpu.dma_semaphore, #tpu.memory_space<semaphore_mem>>
        %dma_start3A_2083 = tpu.memref_slice %arg10[%mul3A_0] : memref<100352xf32, #tpu.memory_space<vmem_shared>> -> memref<6272xf32, #tpu.memory_space<vmem_shared>>
        %dma_start3A_2084 = tpu.memref_slice %arg10[%mul3A_0] : memref<100352xf32, #tpu.memory_space<vmem_shared>> -> memref<6272xf32, #tpu.memory_space<vmem_shared>>
        tpu.enqueue_dma source(%dma_start3A_2084 : memref<6272xf32, #tpu.memory_space<vmem_shared>>) target(%arg22 : memref<6272xf32, #tpu.memory_space<vmem>>) target_semaphore(%run_scoped3A : memref<!tpu.dma_semaphore, #tpu.memory_space<semaphore_mem>>)
        %dma_wait3A_2085 = tpu.memref_slice %arg10[%mul3A_0] : memref<100352xf32, #tpu.memory_space<vmem_shared>> -> memref<6272xf32, #tpu.memory_space<vmem_shared>>
        %dma_wait3A_2086 = tpu.memref_slice %arg10[%mul3A_0] : memref<100352xf32, #tpu.memory_space<vmem_shared>> -> memref<6272xf32, #tpu.memory_space<vmem_shared>>
        tpu.wait_dma2 semaphore(%run_scoped3A : memref<!tpu.dma_semaphore, #tpu.memory_space<semaphore_mem>>) src(%dma_wait3A_2086 : memref<6272xf32, #tpu.memory_space<vmem_shared>>) dst(%arg22 : memref<6272xf32, #tpu.memory_space<vmem>>)
        tpu.yield
      }) : () -> ()
      %scan3A_2074 = arith.constant 0 : i32
      %scan3A_2075 = arith.constant 0 : i32
      %scan3A_2076 = arith.constant 392 : i32
      %scan3A_2077 = arith.addi %scan3A_2075, %scan3A_2076 : i32
      %scan3A_2078 = arith.constant 1 : i32
      %scan3A_2079 = scf.for %scan3A_2083 = %scan3A_2075 to %scan3A_2077 step %scan3A_2078 iter_args(%scan3A_2084 = %scan3A_2074) -> (i32)  : i32 {
        %mul3A_2085 = arith.constant 16 : i32
        %mul3A_2086 = arith.muli %scan3A_2083, %mul3A_2085 : i32
        %get3A = arith.index_cast %mul3A_2086 : i32 to index
        %get3A_2087 = tpu.vector_load %arg20[%get3A] {strides = array<i32>} : memref<6272xf32, #tpu.memory_space<vmem>>, vector<16xf32>,
        %get3A_2088 = vector.shape_cast %get3A_2087 : vector<16xf32> to vector<16xf32>
        %mul3A_2089 = arith.constant 1.000000e-01 : f32
        %mul3A_2090 = vector.broadcast %mul3A_2089 : f32 to vector<16xf32>
        %mul3A_2091 = arith.mulf %mul3A_2090, %get3A_2088 : vector<16xf32>
        %get3A_2092 = arith.index_cast %mul3A_2086 : i32 to index
        %get3A_2093 = tpu.vector_load %arg22[%get3A_2092] {strides = array<i32>} : memref<6272xf32, #tpu.memory_space<vmem>>, vector<16xf32>,
        %get3A_2094 = vector.shape_cast %get3A_2093 : vector<16xf32> to vector<16xf32>
        %get3A_2095 = arith.index_cast %mul3A_2086 : i32 to index
        %get3A_2096 = tpu.vector_load %arg21[%get3A_2095] {strides = array<i32>} : memref<6272xf32, #tpu.memory_space<vmem>>, vector<16xf32>,
        %get3A_2097 = vector.shape_cast %get3A_2096 : vector<16xf32> to vector<16xf32>
        %mul3A_2098 = arith.mulf %get3A_2094, %get3A_2097 : vector<16xf32>
        %mul3A_2099 = arith.constant 0.899999976 : f32
        %mul3A_2100 = vector.broadcast %mul3A_2099 : f32 to vector<16xf32>
        %mul3A_2101 = arith.mulf %mul3A_2100, %mul3A_2098 : vector<16xf32>
        %add3A_2102 = arith.addf %mul3A_2091, %mul3A_2101 : vector<16xf32>
        %swap3A = arith.index_cast %mul3A_2086 : i32 to index
        %swap3A_2103 = tpu.vector_load %arg21[%swap3A] {strides = array<i32>} : memref<6272xf32, #tpu.memory_space<vmem>>, vector<16xf32>,
        %swap3A_2104 = vector.shape_cast %swap3A_2103 : vector<16xf32> to vector<16xf32>
        %swap3A_2105 = vector.shape_cast %add3A_2102 : vector<16xf32> to vector<16xf32>
        tpu.vector_store %arg21[%swap3A], %swap3A_2105 {strides = array<i32>} : memref<6272xf32, #tpu.memory_space<vmem>>, vector<16xf32>,
        %scan3A_2106 = arith.constant 0 : i32
        scf.yield %scan3A_2106 : i32
      }
      %scan3A_2080 = arith.constant 392 : i32
      "tpu.region"() ({
        %run_scoped3A = tpu.sem_alloc : memref<!tpu.dma_semaphore, #tpu.memory_space<semaphore_mem>>
        %dma_start3A_2083 = tpu.memref_slice %arg7[%mul3A_0] : memref<100352xf32, #tpu.memory_space<vmem_shared>> -> memref<6272xf32, #tpu.memory_space<vmem_shared>>
        %dma_start3A_2084 = tpu.memref_slice %arg7[%mul3A_0] : memref<100352xf32, #tpu.memory_space<vmem_shared>> -> memref<6272xf32, #tpu.memory_space<vmem_shared>>
        tpu.enqueue_dma source(%arg21 : memref<6272xf32, #tpu.memory_space<vmem>>) target(%dma_start3A_2084 : memref<6272xf32, #tpu.memory_space<vmem_shared>>) target_semaphore(%run_scoped3A : memref<!tpu.dma_semaphore, #tpu.memory_space<semaphore_mem>>)
        %dma_wait3A_2085 = tpu.memref_slice %arg7[%mul3A_0] : memref<100352xf32, #tpu.memory_space<vmem_shared>> -> memref<6272xf32, #tpu.memory_space<vmem_shared>>
        %dma_wait3A_2086 = tpu.memref_slice %arg7[%mul3A_0] : memref<100352xf32, #tpu.memory_space<vmem_shared>> -> memref<6272xf32, #tpu.memory_space<vmem_shared>>
        tpu.wait_dma2 semaphore(%run_scoped3A : memref<!tpu.dma_semaphore, #tpu.memory_space<semaphore_mem>>) src(%arg21 : memref<6272xf32, #tpu.memory_space<vmem>>) dst(%dma_wait3A_2086 : memref<6272xf32, #tpu.memory_space<vmem_shared>>)
        tpu.yield
      }) : () -> ()
      "tpu.region"() ({
        %run_scoped3A = tpu.sem_alloc : memref<!tpu.dma_semaphore, #tpu.memory_space<semaphore_mem>>
        %dma_start3A_2083 = tpu.memref_slice %arg8[%mul3A_0] : memref<100352xf32, #tpu.memory_space<vmem_shared>> -> memref<6272xf32, #tpu.memory_space<vmem_shared>>
        %dma_start3A_2084 = tpu.memref_slice %arg8[%mul3A_0] : memref<100352xf32, #tpu.memory_space<vmem_shared>> -> memref<6272xf32, #tpu.memory_space<vmem_shared>>
        tpu.enqueue_dma source(%arg23 : memref<6272xf32, #tpu.memory_space<vmem>>) target(%dma_start3A_2084 : memref<6272xf32, #tpu.memory_space<vmem_shared>>) target_semaphore(%run_scoped3A : memref<!tpu.dma_semaphore, #tpu.memory_space<semaphore_mem>>)
        %dma_wait3A_2085 = tpu.memref_slice %arg8[%mul3A_0] : memref<100352xf32, #tpu.memory_space<vmem_shared>> -> memref<6272xf32, #tpu.memory_space<vmem_shared>>
        %dma_wait3A_2086 = tpu.memref_slice %arg8[%mul3A_0] : memref<100352xf32, #tpu.memory_space<vmem_shared>> -> memref<6272xf32, #tpu.memory_space<vmem_shared>>
        tpu.wait_dma2 semaphore(%run_scoped3A : memref<!tpu.dma_semaphore, #tpu.memory_space<semaphore_mem>>) src(%arg23 : memref<6272xf32, #tpu.memory_space<vmem>>) dst(%dma_wait3A_2086 : memref<6272xf32, #tpu.memory_space<vmem_shared>>)
        tpu.yield
      }) : () -> ()
      %barrier3A_2081 = arith.constant 0 : index
      tpu.barrier barrier_id(%barrier3A_2081)
      %scan3A_2082 = arith.constant 0 : i32
      scf.yield %scan3A_2082 : i32
    }
    %scan3A_23 = arith.constant 10 : i32
    "tpu.region"() ({
      %run_scoped3A = tpu.sem_alloc : memref<!tpu.dma_semaphore, #tpu.memory_space<semaphore_mem>>
      %dma_start3A = tpu.memref_slice %arg7[%mul3A_0] : memref<100352xf32, #tpu.memory_space<vmem_shared>> -> memref<6272xf32, #tpu.memory_space<vmem_shared>>
      %dma_start3A_24 = tpu.memref_slice %arg7[%mul3A_0] : memref<100352xf32, #tpu.memory_space<vmem_shared>> -> memref<6272xf32, #tpu.memory_space<vmem_shared>>
      tpu.enqueue_dma source(%dma_start3A_24 : memref<6272xf32, #tpu.memory_space<vmem_shared>>) target(%arg20 : memref<6272xf32, #tpu.memory_space<vmem>>) target_semaphore(%run_scoped3A : memref<!tpu.dma_semaphore, #tpu.memory_space<semaphore_mem>>)
      %dma_wait3A = tpu.memref_slice %arg7[%mul3A_0] : memref<100352xf32, #tpu.memory_space<vmem_shared>> -> memref<6272xf32, #tpu.memory_space<vmem_shared>>
      %dma_wait3A_25 = tpu.memref_slice %arg7[%mul3A_0] : memref<100352xf32, #tpu.memory_space<vmem_shared>> -> memref<6272xf32, #tpu.memory_space<vmem_shared>>
      tpu.wait_dma2 semaphore(%run_scoped3A : memref<!tpu.dma_semaphore, #tpu.memory_space<semaphore_mem>>) src(%dma_wait3A_25 : memref<6272xf32, #tpu.memory_space<vmem_shared>>) dst(%arg20 : memref<6272xf32, #tpu.memory_space<vmem>>)
      tpu.yield
    }) : () -> ()
    "tpu.region"() ({
      %run_scoped3A = tpu.sem_alloc : memref<!tpu.dma_semaphore, #tpu.memory_space<semaphore_mem>>
      %dma_start3A = arith.constant 0 : i32
      %dma_start3A_24 = tpu.memref_slice %arg6[%arg0, %dma_start3A] : memref<2x100352xf32, #tpu.memory_space<hbm>> -> memref<1x100352xf32, #tpu.memory_space<hbm>>
      %dma_start3A_25 = tpu.memref_squeeze %dma_start3A_24 : memref<1x100352xf32, #tpu.memory_space<hbm>> -> memref<100352xf32, #tpu.memory_space<hbm>>
      %dma_start3A_26 = tpu.memref_slice %dma_start3A_25[%mul3A_0] : memref<100352xf32, #tpu.memory_space<hbm>> -> memref<6272xf32, #tpu.memory_space<hbm>>
      %dma_start3A_27 = arith.constant 0 : i32
      %dma_start3A_28 = tpu.memref_slice %arg6[%arg0, %dma_start3A_27] : memref<2x100352xf32, #tpu.memory_space<hbm>> -> memref<1x100352xf32, #tpu.memory_space<hbm>>
      %dma_start3A_29 = tpu.memref_squeeze %dma_start3A_28 : memref<1x100352xf32, #tpu.memory_space<hbm>> -> memref<100352xf32, #tpu.memory_space<hbm>>
      %dma_start3A_30 = tpu.memref_slice %dma_start3A_29[%mul3A_0] : memref<100352xf32, #tpu.memory_space<hbm>> -> memref<6272xf32, #tpu.memory_space<hbm>>
      tpu.enqueue_dma source(%arg20 : memref<6272xf32, #tpu.memory_space<vmem>>) target(%dma_start3A_30 : memref<6272xf32, #tpu.memory_space<hbm>>) target_semaphore(%run_scoped3A : memref<!tpu.dma_semaphore, #tpu.memory_space<semaphore_mem>>)
      %dma_wait3A = arith.constant 0 : i32
      %dma_wait3A_31 = tpu.memref_slice %arg6[%arg0, %dma_wait3A] : memref<2x100352xf32, #tpu.memory_space<hbm>> -> memref<1x100352xf32, #tpu.memory_space<hbm>>
      %dma_wait3A_32 = tpu.memref_squeeze %dma_wait3A_31 : memref<1x100352xf32, #tpu.memory_space<hbm>> -> memref<100352xf32, #tpu.memory_space<hbm>>
      %dma_wait3A_33 = tpu.memref_slice %dma_wait3A_32[%mul3A_0] : memref<100352xf32, #tpu.memory_space<hbm>> -> memref<6272xf32, #tpu.memory_space<hbm>>
      %dma_wait3A_34 = arith.constant 0 : i32
      %dma_wait3A_35 = tpu.memref_slice %arg6[%arg0, %dma_wait3A_34] : memref<2x100352xf32, #tpu.memory_space<hbm>> -> memref<1x100352xf32, #tpu.memory_space<hbm>>
      %dma_wait3A_36 = tpu.memref_squeeze %dma_wait3A_35 : memref<1x100352xf32, #tpu.memory_space<hbm>> -> memref<100352xf32, #tpu.memory_space<hbm>>
      %dma_wait3A_37 = tpu.memref_slice %dma_wait3A_36[%mul3A_0] : memref<100352xf32, #tpu.memory_space<hbm>> -> memref<6272xf32, #tpu.memory_space<hbm>>
      tpu.wait_dma2 semaphore(%run_scoped3A : memref<!tpu.dma_semaphore, #tpu.memory_space<semaphore_mem>>) src(%arg20 : memref<6272xf32, #tpu.memory_space<vmem>>) dst(%dma_wait3A_37 : memref<6272xf32, #tpu.memory_space<hbm>>)
      tpu.yield
    }) : () -> ()
    return
  }
}

module attributes {stable_mosaic.version = 14 : i64} {
  func.func @_mlp_body(%arg0: i32, %arg1: memref<2000x128xf32, #tpu.memory_space<vmem>>, %arg2: memref<128x64xf32, #tpu.memory_space<vmem>>, %arg3: memref<1x64xf32, #tpu.memory_space<vmem>>, %arg4: memref<64x2xf32, #tpu.memory_space<vmem>>, %arg5: memref<1x2xf32, #tpu.memory_space<vmem>>, %arg6: memref<2000x2xf32, #tpu.memory_space<vmem>>) attributes {dimension_semantics = [#tpu.dimension_semantics<arbitrary>], iteration_bounds = array<i64: 50>, scalar_prefetch = 0 : i64, scratch_operands = 0 : i64, tpu.core_type = #tpu.core_type<tc>, window_params = [{transform_indices = @transform_0, window_bounds = array<i64: 2000, 128>}, {pipeline_mode = #tpu.pipeline_mode<synchronous>, transform_indices = @transform_1, window_bounds = array<i64: 128, 64>}, {pipeline_mode = #tpu.pipeline_mode<synchronous>, transform_indices = @transform_2, window_bounds = array<i64: 1, 64>}, {pipeline_mode = #tpu.pipeline_mode<synchronous>, transform_indices = @transform_3, window_bounds = array<i64: 64, 2>}, {pipeline_mode = #tpu.pipeline_mode<synchronous>, transform_indices = @transform_4, window_bounds = array<i64: 1, 2>}, {transform_indices = @transform_5, window_bounds = array<i64: 2000, 2>}]} {
    %get3A = arith.constant 0 : index
    %get3A_0 = arith.constant 0 : index
    %get3A_1 = vector.load %arg1[%get3A, %get3A_0] : memref<2000x128xf32, #tpu.memory_space<vmem>>, vector<2000x128xf32>
    %get3A_2 = arith.constant 0 : index
    %get3A_3 = arith.constant 0 : index
    %get3A_4 = vector.load %arg2[%get3A_2, %get3A_3] : memref<128x64xf32, #tpu.memory_space<vmem>>, vector<128x64xf32>
    %dot_general3A = arith.constant dense<0.000000e+00> : vector<2000x64xf32>
    %dot_general3A_5 = tpu.matmul %get3A_1, %get3A_4, %dot_general3A {dimension_numbers = #tpu.dot_dimension_numbers<[1], [0], [0], [1], [0, 0, 1, 1], [], []>, transpose_lhs_hint = false} : vector<2000x128xf32>, vector<128x64xf32>, vector<2000x64xf32> -> vector<2000x64xf32>
    %get3A_6 = arith.constant 0 : index
    %get3A_7 = arith.constant 0 : index
    %get3A_8 = vector.load %arg3[%get3A_6, %get3A_7] : memref<1x64xf32, #tpu.memory_space<vmem>>, vector<1x64xf32>
    %add3A = vector.broadcast %get3A_8 : vector<1x64xf32> to vector<2000x64xf32>
    %add3A_9 = arith.addf %dot_general3A_5, %add3A : vector<2000x64xf32>
    %max3A = arith.constant 0.000000e+00 : f32
    %max3A_10 = vector.broadcast %max3A : f32 to vector<2000x64xf32>
    %max3A_11 = arith.maximumf %add3A_9, %max3A_10 : vector<2000x64xf32>
    %get3A_12 = arith.constant 0 : index
    %get3A_13 = arith.constant 0 : index
    %get3A_14 = vector.load %arg4[%get3A_12, %get3A_13] : memref<64x2xf32, #tpu.memory_space<vmem>>, vector<64x2xf32>
    %dot_general3A_15 = arith.constant dense<0.000000e+00> : vector<2000x2xf32>
    %dot_general3A_16 = tpu.matmul %max3A_11, %get3A_14, %dot_general3A_15 {dimension_numbers = #tpu.dot_dimension_numbers<[1], [0], [0], [1], [0, 0, 1, 1], [], []>, transpose_lhs_hint = false} : vector<2000x64xf32>, vector<64x2xf32>, vector<2000x2xf32> -> vector<2000x2xf32>
    %get3A_17 = arith.constant 0 : index
    %get3A_18 = arith.constant 0 : index
    %get3A_19 = vector.load %arg5[%get3A_17, %get3A_18] : memref<1x2xf32, #tpu.memory_space<vmem>>, vector<1x2xf32>
    %add3A_20 = vector.broadcast %get3A_19 : vector<1x2xf32> to vector<2000x2xf32>
    %add3A_21 = arith.addf %dot_general3A_16, %add3A_20 : vector<2000x2xf32>
    %swap3A = arith.constant 0 : index
    %swap3A_22 = arith.constant 0 : index
    %swap3A_23 = vector.load %arg6[%swap3A, %swap3A_22] : memref<2000x2xf32, #tpu.memory_space<vmem>>, vector<2000x2xf32>
    tpu.vector_store %arg6[%swap3A, %swap3A_22], %add3A_21 {strides = array<i32>} : memref<2000x2xf32, #tpu.memory_space<vmem>>, vector<2000x2xf32>,
    return
  }
  func.func @transform_0(%arg0: i32) -> (i32, i32) {
    %c0_i32 = arith.constant 0 : i32
    %c0_i32_0 = arith.constant 0 : i32
    return %arg0, %c0_i32 : i32, i32
  }
  func.func @transform_1(%arg0: i32) -> (i32, i32) {
    %c0_i32 = arith.constant 0 : i32
    %c0_i32_0 = arith.constant 0 : i32
    %c0_i32_1 = arith.constant 0 : i32
    return %c0_i32, %c0_i32_0 : i32, i32
  }
  func.func @transform_2(%arg0: i32) -> (i32, i32) {
    %c0_i32 = arith.constant 0 : i32
    %c0_i32_0 = arith.constant 0 : i32
    %c0_i32_1 = arith.constant 0 : i32
    return %c0_i32, %c0_i32_0 : i32, i32
  }
  func.func @transform_3(%arg0: i32) -> (i32, i32) {
    %c0_i32 = arith.constant 0 : i32
    %c0_i32_0 = arith.constant 0 : i32
    %c0_i32_1 = arith.constant 0 : i32
    return %c0_i32, %c0_i32_0 : i32, i32
  }
  func.func @transform_4(%arg0: i32) -> (i32, i32) {
    %c0_i32 = arith.constant 0 : i32
    %c0_i32_0 = arith.constant 0 : i32
    %c0_i32_1 = arith.constant 0 : i32
    return %c0_i32, %c0_i32_0 : i32, i32
  }
  func.func @transform_5(%arg0: i32) -> (i32, i32) {
    %c0_i32 = arith.constant 0 : i32
    %c0_i32_0 = arith.constant 0 : i32
    return %arg0, %c0_i32 : i32, i32
  }
}

</mosaic_0001>

<sc_bundles>
// kernel: kernel.4.cloned.1.call-start
scs
__scs_entry_jumppad:
0x0: {  	(pc) =	sbr.rel $0x88, $3  }
0x1: {  	(tag) =	ssettag $0x0;
	lr =	simm.s32 $0x1  }
0x2: {  	[smem:$0x3F9A] =	sst lr;
	_ =	strace $0xD0000000  }
0x3: {  	_ = 	snop  }
0x4: {  	_ = 	snop  }
0x5: {  	_ = 	snop  }
0x6: {  	_ = 	snop  }
0x7: {  	_ = 	snop  }
__scs_overlays_trampoline_lowered:
0x8: {  	[smem:$0x3FA9] =	sst s0  }
0x9: {  	[smem:$0x3FAA] =	sst s1  }
0xa: {  	[smem:$0x3FAB] =	sst s2  }
0xb: {  	[smem:$0x3FAC] =	sst s3  }
0xc: {  	[smem:$0x3FAD] =	sst s4  }
0xd: {  	[smem:$0x3FAE] =	sst s5  }
0xe: {  	[smem:$0x3FAF] =	sst s6  }
0xf: {  	[smem:$0x3FB0] =	sst s7  }
0x10: {  	[smem:$0x3FB1] =	sst s8  }
0x11: {  	[smem:$0x3FB2] =	sst s9;
	s0 =	simm.s32 @!p0 $0x0  }
0x12: {  	s1 =	sld [smem:$0x3F98];
	s0 =	simm.s32 @p0 $0x1  }
0x13: {  	[smem:$0x3FB3] =	sst s0;
	s0 =	simm.s32 @!p1 $0x0  }
0x14: {  	s2 =	sld [smem:$0x3F97];
	s0 =	simm.s32 @p1 $0x1  }
0x15: {  	[smem:$0x3FB4] =	sst s0;
	s0 =	simm.s32 @!p2 $0x0  }
0x16: {  	s3 =	sld [smem:$0x3FDB];
	s0 =	simm.s32 @p2 $0x1  }
0x17: {  	s4 =	simm.s32 $0x1BF5;
	[smem:$0x3FB6] =	sst s0  }
0x18: {  	s0 =	sld [smem:$0x3F99];
	_ =	swait.ge [sflag:s4], $0x0  }
0x19: {  	s7 =	sld [smem:$0x3F9A]  }
0x1a: {  	s8 =	sadd.s32 $0xFFFFE003, lr  }
0x1b: {  	s9 =	sadd.s32 $0xFFFFFEF7, lr;
	s5 =	simm.s32 $0xFFFFFFFF;
	p2 =	slt.u32 s8, $0xFFFFF086  }
0x1c: {  	p1 =	slt.u32 s9, $0xF7A;
	s5 =	simm.s32 @!p2 $0x0  }
0x1d: {  	s5 =	simm.s32 @p1 $0x1;
	p0 =	seq.s32 s7, s2  }
0x1e: {  	s7 =	smul.u32 @!p0 $0xF7A, s2;
	p2 =	seq.s32 @!p0 s5, $0x0  }
0x1f: {  	s9 =	smul.u32 $0xF7A, s1;
	s8 =	simm.s32 @!p0 $0x1BF5;
	p2 =	por !p2, p0  }
0x20: {  	[sflag:s8] =	ssyncset.s32 @!p0 $0xFFFFF086;
	s6 =	sadd.s32 @!p0 s3, s7;
	s7 =	simm.s32 @!p0 $0x108  }
0x21: {  	s3 =	sadd.s32 s3, s9;
	s6 =	sadd.s32 @!p0 $0x88, s6;
	s7 =	simm.s32 @p2 $0x1082  }
0x22: {  	[simem:s7], [sflag:s8] =	dma.local @!p0 [hbm:s6], $0xF7A  }
0x23: {  	s9 =	sor.u32 $0xD0000000, s2;
	s6 =	simm.s32 $0x108;
	_ =	swait.ge @!p0 [sflag:s8], $0x0  }
0x24: {  	s3 =	sadd.s32 $0x88, s3;
	s6 =	simm.s32 @!p1 $0x1082;
	[sflag:s4] =	ssyncset.s32 $0xFFFFF086  }
0x25: {  	[simem:s6], [sflag:s4] =	dma.local [hbm:s3], $0xF7A  }
0x26: {  	[smem:$0x3F9A] =	sst s1;
	(tag) =	ssettag s2;
	_ =	strace s9  }
0x27: {  	s1 =	sld [smem:$0x3FAA]  }
0x28: {  	s2 =	sld [smem:$0x3FAB]  }
0x29: {  	s4 =	sld [smem:$0x3FAD]  }
0x2a: {  	p0 =	seq.s32 s5, $0x0;
	s5 =	sld [smem:$0x3FAE]  }
0x2b: {  	s6 =	sld [smem:$0x3FAF]  }
0x2c: {  	s7 =	sld [smem:$0x3FB0]  }
0x2d: {  	s3 =	simm.s32 $0x108;
	s8 =	sld [smem:$0x3FB1]  }
0x2e: {  	s3 =	simm.s32 @!p0 $0x1082;
	s9 =	sld [smem:$0x3FB2]  }
0x2f: {  	lr =	sadd.s32 s0, s3;
	s0 =	sld [smem:$0x3FA9]  }
0x30: {  	s3 =	sld [smem:$0x3FAC]  }
0x31: {  	[smem:$0x3FB5] =	sst s10  }
0x32: {  	s10 =	sld [smem:$0x3FB3];
	_ =	sdelay $0x3  }
0x33: {  	p0 =	seq.s32 s10, $0x1;
	s10 =	sld [smem:$0x3FB5];
	_ =	sdelay $0x3  }
0x34: {  	[smem:$0x3FB5] =	sst s10  }
0x35: {  	s10 =	sld [smem:$0x3FB4];
	_ =	sdelay $0x3  }
0x36: {  	p1 =	seq.s32 s10, $0x1;
	s10 =	sld [smem:$0x3FB5];
	_ =	sdelay $0x3  }
0x37: {  	[smem:$0x3FB5] =	sst s10  }
0x38: {  	s10 =	sld [smem:$0x3FB6]  }
0x39: {  	_ = 	snop;
	(pc) =	sbr.ind lr, $3  }
0x3a: {  	_ = 	snop  }
0x3b: {  	_ = 	snop  }
0x3c: {  	p2 =	seq.s32 s10, $0x1;
	s10 =	sld [smem:$0x3FB5]  }
0x3d: {  	_ =	shalt  }
0x3e: {  	_ =	shalt  }
0x3f: {  	_ =	shalt  }
0x40: {  	_ =	shalt  }
0x41: {  	_ =	shalt  }
0x42: {  	_ =	shalt  }
0x43: {  	_ =	shalt  }
0x44: {  	_ =	shalt  }
0x45: {  	_ =	shalt  }
0x46: {  	_ =	shalt  }
0x47: {  	_ =	shalt  }
0x48: {  	_ =	shalt  }
0x49: {  	_ =	shalt  }
0x4a: {  	_ =	shalt  }
0x4b: {  	_ =	shalt  }
0x4c: {  	_ =	shalt  }
0x4d: {  	_ =	shalt  }
0x4e: {  	_ =	shalt  }
0x4f: {  	_ =	shalt  }
0x50: {  	_ =	shalt  }
0x51: {  	_ =	shalt  }
0x52: {  	_ =	shalt  }
0x53: {  	_ =	shalt  }
0x54: {  	_ =	shalt  }
0x55: {  	_ =	shalt  }
0x56: {  	_ =	shalt  }
0x57: {  	_ =	shalt  }
0x58: {  	_ =	shalt  }
0x59: {  	_ =	shalt  }
0x5a: {  	_ =	shalt  }
0x5b: {  	_ =	shalt  }
0x5c: {  	_ =	shalt  }
0x5d: {  	_ =	shalt  }
0x5e: {  	_ =	shalt  }
0x5f: {  	_ =	shalt  }
0x60: {  	_ =	shalt  }
0x61: {  	_ =	shalt  }
0x62: {  	_ =	shalt  }
0x63: {  	_ =	shalt  }
0x64: {  	_ =	shalt  }
0x65: {  	_ =	shalt  }
0x66: {  	_ =	shalt  }
0x67: {  	_ =	shalt  }
0x68: {  	_ =	shalt  }
0x69: {  	_ =	shalt  }
0x6a: {  	_ =	shalt  }
0x6b: {  	_ =	shalt  }
0x6c: {  	_ =	shalt  }
0x6d: {  	_ =	shalt  }
0x6e: {  	_ =	shalt  }
0x6f: {  	_ =	shalt  }
0x70: {  	_ =	shalt  }
0x71: {  	_ =	shalt  }
0x72: {  	_ =	shalt  }
0x73: {  	_ =	shalt  }
0x74: {  	_ =	shalt  }
0x75: {  	_ =	shalt  }
0x76: {  	_ =	shalt  }
0x77: {  	_ =	shalt  }
0x78: {  	_ =	shalt  }
0x79: {  	_ =	shalt  }
0x7a: {  	_ =	shalt  }
0x7b: {  	_ =	shalt  }
0x7c: {  	_ =	shalt  }
0x7d: {  	_ =	shalt  }
0x7e: {  	_ =	shalt  }
0x7f: {  	_ =	shalt  }
0x80: {  	_ =	shalt  }
0x81: {  	_ =	shalt  }
0x82: {  	_ =	shalt  }
0x83: {  	_ =	shalt  }
0x84: {  	_ =	shalt  }
0x85: {  	_ =	shalt  }
0x86: {  	_ =	shalt  }
0x87: {  	_ =	shalt  }
.Lfunc_end0:
.L_simem_size_0:
called_computation_lowered:
.L_overlay_start_0:
0x88: {  	s2 =	sld [smem:$0x3FD9]  }
0x89: {  	s3 =	sld [smem:$0x3FFE];
	_ =	sdelay $0x1  }
0x8a: {  	s1 =	srdreg.scid  }
0x8b: {  	s0 =	sand.u32 $0x1, s1  }
0x8c: {  	s16 =	sshll.u32 s0, $0xA;
	s2 =	sadd.s32 s3, s2  }
0x8d: {  	s2 =	sadd.s32 s2, s16  }
0x8e: {  	[smem:$0x3FC1] =	sst s2  }
0x8f: {  	_ = 	snop  }
0x90: {  	(tm) =	ssettm $0x1  }
0x91: {  	s17 =	sld [smem:$0x3FFB];
	_ =	sdelay $0x3  }
0x92: {  	_ =	strace s17  }
0x93: {  	s2 =	sld [smem:$0x3FFC];
	_ =	sdelay $0x3  }
0x94: {  	_ =	strace s2  }
0x95: {  	s2 =	sld [smem:$0x3FFD];
	_ =	sdelay $0x3  }
0x96: {  	_ =	strace s2  }
0x97: {  	_ =	strace $0x8FFFFFFF  }
0x98: {  	s18 =	sld [smem:$0x3FDB];
	_ =	sdelay $0x1  }
0x99: {  	s19 =	simm.s32 $_scs_section_size  }
0x9a: {  	s4 =	simm.s32 $_size__tile_overlayer_lowered;
	s5 =	simm.s32 $_tile_overlayer_lowered  }
0x9b: {  	s22 =	simm.s32 $0x1BFF;
	s21 =	sshll.u32 s5, $0x1;
	s2 =	sadd.s32 s19, s18  }
0x9c: {  	s6 =	simm.s32 $0x0;
	s20 =	sshll.u32 s4, $0x1;
	s4 =	sadd.s32 s21, s2  }
0x9d: {  	[timem:s6], [sflag:s22] =	dma.local [hbm:s4], s20  }
0x9e: {  	_ =	swait.ge [sflag:s22], s20  }
0x9f: {  	s3 =	ssub.s32 $0x0, s20;
	[sflag:s22] =	ssyncset.done $0x0  }
0xa0: {  	[sflag:s22] =	ssyncadd.s32 s3;
	_ =	sdelay $0x1  }
0xa1: {  	s23 =	simm.s32 $0x1B8B  }
0xa2: {  	_ =	swait.ge [sflag:s23], $0x1  }
0xa3: {  	[sflag:s23] =	ssyncset.done $0x0  }
0xa4: {  	s25 =	simm.s32 $0x1B8E;
	s24 =	sld [smem:$0x3FFE];
	[sflag:s23] =	ssyncadd.s32 $0xFFFFFFFF  }
0xa5: {  	s26 =	simm.s32 $execute0_lowered;
	[smem:$0x3FD2] =	sst s25  }
0xa6: {  	s4 =	sshll.u32 s26, $0x1;
	_ =	strace $0x80000046;
	[dreg:$0x1] =	wrdreg $0xFFFFFFFF  }
0xa7: {  	s28 =	simm.s32 $_size_execute0_lowered;
	s2 =	sadd.s32 s2, s4;
	[dreg:$0x0] =	wrdreg $0x0  }
0xa8: {  	s4 =	sshll.u32 s28, $0x1;
	[dreg:$0x2] =	wrdreg s2  }
0xa9: {  	[dreg:$0x3] =	wrdreg s4  }
0xaa: {  	[dreg:$0x4] =	wrdreg $0xC0  }
0xab: {  	_ =	task [dreg:s6], $0x5FFFF  }
0xac: {  	[dreg:$0x1] =	wrdreg $0xFFFFFFFF  }
0xad: {  	[dreg:$0x0] =	wrdreg $0x60  }
0xae: {  	[dreg:$0x2] =	wrdreg s24  }
0xaf: {  	[dreg:$0x3] =	wrdreg $0x18800  }
0xb0: {  	[dreg:$0x4] =	wrdreg $0x49800  }
0xb1: {  	[dreg:$0x5] =	wrdreg $0x31000  }
0xb2: {  	[dreg:$0x6] =	wrdreg $0x0  }
0xb3: {  	[dreg:$0x7] =	wrdreg $0x9  }
0xb4: {  	_ =	task.clear_ibuf [dreg:s6], $0x8FFFF;
	_ =	strace $0x90000046  }
0xb5: {  	s29 =	simm.s32 $0x9;
	_ =	strace $0x80000048  }
0xb6: {  	_ =	swait.ge [sflag:s29], $0x1  }
0xb7: {  	[sflag:s29] =	ssyncadd.s32 $0xFFFFFFFF  }
0xb8: {  	_ =	strace $0x90000048  }
0xb9: {  	_ =	sfence  }
0xba: {  	s30 =	sld [smem:$0x0];
	_ =	sdelay $0x2  }
0xbb: {  	s31 =	sshll.u32 s1, $0xD;
	s1 =	sshrl.u32 s1, $0x2  }
0xbc: {  	s3 =	sand.u32 $0x4000, s31;
	s1 =	sadd.s32 s1, s30  }
0xbd: {  	s0 =	sor.u32 s3, s0;
	s1 =	sshll.u32 s1, $0x11  }
0xbe: {  	s0 =	sor.u32 s1, s0  }
0xbf: {  	s0 =	sadd.s32 $0x8F2B, s0  }
0xc0: {  	[sflag:s0] =	ssyncadd.remote.s32 $0x1  }
0xc1: {  	_ =	sfence.sel $0xFFFF  }
0xc2: {  	[dreg:$0x0] =	wrdreg $0xFFFFFFFF;
	(pc) =	sbr.abs _section_cstart, $3  }
0xc3: {  	[dreg:$0x1] =	wrdreg $0xFFFFFFFF  }
0xc4: {  	_ =	task.clear_ibuf [dreg:s6], $0x2FFFF;
	_ =	strace $0x9FFFFFFF  }
0xc5: {  	(tm) =	ssettm $0x7FFFFFFF  }
tec
execute0_lowered:
.L_overlay_start_1:
0x0: {  	(tag) =	ssettag $0x1  }
0x1: {  	s0 =	srdreg.scid;
	s6 =	stileid.u32  }
0x2: {  	s2 =	sand.u32 $0x1, s0;
	s3 =	smul.u32 $0x19, s6  }
0x3: {  	s4 =	smul.u32 $0x32000, s6;
	s0 =	ssub.s32 $0x2, s2  }
0x4: {  	s8 =	sshll.u32 s6, $0x7;
	s2 =	sshll.u32 s2, $0x4;
	s1 =	sshrl.u32 s0, $0x1  }
0x5: {  	s5 =	sadd.s32 $0x1, s3;
	s11 =	sadd.s32 $0x2, s3;
	s13 =	sadd.s32 $0x3, s3  }
0x6: {  	s16 =	sadd.s32 $0x5, s3;
	s17 =	sadd.s32 $0x6, s3;
	s19 =	sadd.s32 $0x7, s3  }
0x7: {  	s21 =	sadd.s32 $0x9, s3;
	s23 =	sadd.s32 $0xA, s3;
	s25 =	sadd.s32 $0xB, s3  }
0x8: {  	s0 =	ssub.s32 s0, s1;
	s9 =	sshll.u32 s5, $0xA;
	s1 =	sor.u32 s8, s4  }
0x9: {  	s5 =	sshll.u32 s5, $0x4;
	s7 =	sshll.u32 s11, $0xA;
	s6 =	sshll.u32 s11, $0x4  }
0xa: {  	s14 =	sshll.u32 s13, $0xA;
	s8 =	sadd.s32 $0x4, s3;
	s18 =	sshll.u32 s17, $0xA  }
0xb: {  	s11 =	sshll.u32 s19, $0xA;
	s22 =	sshll.u32 s21, $0xA;
	s24 =	sshll.u32 s23, $0xA  }
0xc: {  	s26 =	sshll.u32 s25, $0xA;
	[smem:$0x7FB] =	sst s0;
	s10 =	sand.u32 $0xFE000, s9  }
0xd: {  	s5 =	sand.u32 $0x70, s5;
	s7 =	sand.u32 $0xFE000, s7;
	s6 =	sand.u32 $0x70, s6  }
0xe: {  	s9 =	sshll.u32 s8, $0xA;
	s8 =	sshll.u32 s8, $0x4;
	s20 =	sand.u32 $0xFE000, s11  }
0xf: {  	s11 =	sand.u32 $0xFE000, s22;
	s28 =	sand.u32 $0xFE000, s26;
	s0 =	sadd.s32 $0xC, s3  }
0x10: {  	s4 =	sor.u32 s5, s10;
	s12 =	sor.u32 s6, s7;
	s6 =	sshll.u32 s13, $0x4  }
0x11: {  	s7 =	sand.u32 $0xFE000, s14;
	s15 =	sand.u32 $0xFE000, s9;
	s10 =	sshll.u32 s16, $0xA  }
0x12: {  	s9 =	sshll.u32 s16, $0x4;
	s8 =	sand.u32 $0x70, s8;
	s5 =	sshll.u32 s0, $0xA  }
0x13: {  	[smem:$0x7DB] =	sst s12;
	s6 =	sand.u32 $0x70, s6;
	s10 =	sand.u32 $0xFE000, s10  }
0x14: {  	s9 =	sand.u32 $0x70, s9;
	s12 =	sor.u32 s8, s15;
	s7 =	sor.u32 s6, s7  }
0x15: {  	s10 =	sor.u32 s9, s10;
	s6 =	sshll.u32 s17, $0x4;
	s9 =	sshll.u32 s19, $0x4  }
0x16: {  	s8 =	sand.u32 $0xFE000, s18;
	s6 =	sand.u32 $0x70, s6;
	s9 =	sand.u32 $0x70, s9  }
0x17: {  	s13 =	sor.u32 s6, s8;
	s8 =	sshll.u32 s21, $0x4;
	s15 =	sor.u32 s9, s20  }
0x18: {  	s6 =	sshll.u32 s23, $0x4;
	s9 =	sshll.u32 s25, $0x4;
	s20 =	sadd.s32 $0xE, s3  }
0x19: {  	s23 =	sadd.s32 $0xF, s3;
	s25 =	sadd.s32 $0x11, s3;
	s8 =	sand.u32 $0x70, s8  }
0x1a: {  	s6 =	sand.u32 $0x70, s6;
	s9 =	sand.u32 $0x70, s9;
	s21 =	sshll.u32 s20, $0xA  }
0x1b: {  	s26 =	sshll.u32 s25, $0xA;
	s14 =	sor.u32 s8, s11;
	s8 =	sand.u32 $0xFE000, s24  }
0x1c: {  	s11 =	sand.u32 $0xFE000, s5;
	s18 =	sor.u32 s9, s28;
	s22 =	sand.u32 $0xFE000, s21  }
0x1d: {  	s9 =	sshll.u32 s20, $0x4;
	s24 =	sshll.u32 s23, $0xA;
	s28 =	sadd.s32 $0x12, s3  }
0x1e: {  	s16 =	sor.u32 s6, s8;
	s8 =	sshll.u32 s0, $0x4;
	s9 =	sand.u32 $0x70, s9  }
0x1f: {  	s0 =	sshll.u32 s28, $0xA;
	s8 =	sand.u32 $0x70, s8;
	s21 =	sor.u32 s9, s22  }
0x20: {  	s5 =	sand.u32 $0xFE000, s0;
	s9 =	sshll.u32 s28, $0x4;
	s28 =	sadd.s32 $0x15, s3  }
0x21: {  	s17 =	sor.u32 s8, s11;
	s11 =	sadd.s32 $0xD, s3;
	s9 =	sand.u32 $0x70, s9  }
0x22: {  	s0 =	sshll.u32 s28, $0xA;
	s19 =	sshll.u32 s11, $0xA;
	s6 =	sshll.u32 s11, $0x4  }
0x23: {  	s11 =	sand.u32 $0xFE000, s24;
	s8 =	sand.u32 $0xFE000, s19;
	s6 =	sand.u32 $0x70, s6  }
0x24: {  	s19 =	sor.u32 s6, s8;
	s8 =	sshll.u32 s23, $0x4;
	s6 =	sshll.u32 s25, $0x4  }
0x25: {  	s23 =	sadd.s32 $0x13, s3;
	s25 =	sadd.s32 $0x14, s3;
	s8 =	sand.u32 $0x70, s8  }
0x26: {  	s6 =	sand.u32 $0x70, s6;
	s24 =	sshll.u32 s23, $0xA;
	s20 =	sor.u32 s8, s11  }
0x27: {  	s8 =	sand.u32 $0xFE000, s26;
	s11 =	sand.u32 $0xFE000, s24;
	s24 =	sor.u32 s9, s5  }
0x28: {  	s26 =	sshll.u32 s25, $0xA;
	s5 =	sand.u32 $0xFE000, s0;
	s9 =	sshll.u32 s28, $0x4  }
0x29: {  	s0 =	simm.s32 $0x0;
	s22 =	sor.u32 s6, s8;
	s8 =	sshll.u32 s23, $0x4  }
0x2a: {  	s6 =	sshll.u32 s25, $0x4;
	s9 =	sand.u32 $0x70, s9;
	[smem:$0x7FF] =	sst s0  }
0x2b: {  	s0 =	stileid.u32;
	s8 =	sand.u32 $0x70, s8;
	s6 =	sand.u32 $0x70, s6  }
0x2c: {  	s23 =	sor.u32 s8, s11;
	s8 =	sand.u32 $0xFE000, s26;
	s26 =	sadd.s32 $0x16, s3  }
0x2d: {  	s25 =	sor.u32 s6, s8;
	s28 =	sshll.u32 s26, $0xA;
	s8 =	sshll.u32 s26, $0x4  }
0x2e: {  	s3 =	sadd.s32 $0x17, s3;
	s11 =	sand.u32 $0xFE000, s28;
	s8 =	sand.u32 $0x70, s8  }
0x2f: {  	s28 =	sor.u32 s9, s5;
	s9 =	rddreg [dreg:$0x0];
	s5 =	simm.s32 $0x0  }
0x30: {  	s26 =	sor.u32 s8, s11;
	[dreg:$0x6] =	wrdreg s5;
	s6 =	sadd.s32 s2, s9  }
0x31: {  	s8 =	sshll.u32 s3, $0xA;
	s3 =	sshll.u32 s3, $0x4;
	s2 =	rddreg [dreg:$0x1]  }
0x32: {  	s11 =	sand.u32 $0xFE000, s8;
	s5 =	sand.u32 $0x70, s3;
	s3 =	rddreg [dreg:$0x2]  }
0x33: {  	s30 =	smul.u32 $0x620, s0;
	s29 =	sor.u32 s5, s11;
	s11 =	rddreg [dreg:$0x3]  }
0x34: {  	s31 =	sadd.s32 $0x132800, s6;
	s5 =	sadd.s32 $0xC8600, s6;
	s6 =	rddreg [dreg:$0x4]  }
0x35: {  	s8 =	sadd.s32 s30, s5;
	s5 =	sadd.s32 s30, s31;
	s31 =	smul.u32 $0x1880, s0  }
0x36: {  	s1 =	sand.u32 $0x3F0380, s1;
	[dreg:$0x7] =	wrdreg s8  }
0x37: {  	s30 =	sadd.s32 $0x600, s9;
	[dreg:$0x8] =	wrdreg s5;
	s0 =	sadd.s32 s31, s11  }
0x38: {  	_ =	strace $0x80000047;
	[dreg:$0x9] =	wrdreg s0;
	s0 =	sadd.s32 s31, s3  }
0x39: {  	s5 =	sadd.s32 s31, s2;
	s31 =	sadd.s32 s31, s6;
	[dreg:$0xb] =	wrdreg s0  }
0x3a: {  	s8 =	sadd.s32 $0x64600, s9;
	s0 =	sshrl.u32 s1, $0x3;
	[dreg:$0xc] =	wrdreg s31  }
0x3b: {  	s31 =	sadd.s32 s30, s0;
	s11 =	sadd.s32 s8, s0;
	s0 =	sadd.s32 s30, s4  }
0x3c: {  	[dreg:$0xf] =	wrdreg s0  }
0x3d: {  	s0 =	sld [smem:$0x7DB]  }
0x3e: {  	[dreg:$0xd] =	wrdreg s31  }
0x3f: {  	s4 =	sadd.s32 s8, s4;
	[dreg:$0xe] =	wrdreg s11  }
0x40: {  	[dreg:$0x10] =	wrdreg s4;
	s11 =	sadd.s32 s30, s0  }
0x41: {  	[dreg:$0x11] =	wrdreg s11;
	s11 =	sadd.s32 s8, s0  }
0x42: {  	s0 =	sadd.s32 s30, s7;
	[dreg:$0x12] =	wrdreg s11  }
0x43: {  	s7 =	sadd.s32 s8, s7;
	[dreg:$0x13] =	wrdreg s0  }
0x44: {  	[dreg:$0x14] =	wrdreg s7;
	s11 =	sadd.s32 s30, s12  }
0x45: {  	s0 =	sadd.s32 s8, s12;
	[dreg:$0x15] =	wrdreg s11  }
0x46: {  	s7 =	sadd.s32 s30, s10;
	[dreg:$0x16] =	wrdreg s0  }
0x47: {  	s10 =	sadd.s32 s8, s10;
	[dreg:$0x17] =	wrdreg s7  }
0x48: {  	[dreg:$0x18] =	wrdreg s10;
	s11 =	sadd.s32 s30, s13  }
0x49: {  	s0 =	sadd.s32 s8, s13;
	[dreg:$0x19] =	wrdreg s11  }
0x4a: {  	s10 =	sadd.s32 s30, s15;
	[dreg:$0x1a] =	wrdreg s0  }
0x4b: {  	s13 =	sadd.s32 s30, s14;
	[dreg:$0x1b] =	wrdreg s10  }
0x4c: {  	s12 =	sadd.s32 $0x10000, s1;
	s7 =	sadd.s32 s8, s16;
	[dreg:$0x1f] =	wrdreg s13  }
0x4d: {  	s4 =	sshrl.u32 s12, $0x3;
	s11 =	sadd.s32 s8, s15;
	[smem:$0x7DE] =	sst s7  }
0x4e: {  	s12 =	sadd.s32 s30, s4;
	[dreg:$0x1c] =	wrdreg s11  }
0x4f: {  	s4 =	sadd.s32 s8, s4;
	[dreg:$0x1d] =	wrdreg s12  }
0x50: {  	s15 =	sadd.s32 s8, s14;
	[dreg:$0x1e] =	wrdreg s4  }
0x51: {  	s0 =	sadd.s32 s30, s16;
	[smem:$0x7DC] =	sst s15  }
0x52: {  	s10 =	sadd.s32 s30, s18;
	[smem:$0x7DD] =	sst s0  }
0x53: {  	s13 =	sadd.s32 s8, s17;
	[smem:$0x7DF] =	sst s10  }
0x54: {  	s14 =	sadd.s32 s30, s19;
	[smem:$0x7E2] =	sst s13  }
0x55: {  	s16 =	sadd.s32 s30, s21;
	[smem:$0x7E3] =	sst s14  }
0x56: {  	s7 =	sadd.s32 s30, s22;
	[smem:$0x7E5] =	sst s16  }
0x57: {  	s11 =	sadd.s32 s8, s18;
	[smem:$0x7EB] =	sst s7  }
0x58: {  	s12 =	sadd.s32 s30, s17;
	[smem:$0x7E0] =	sst s11  }
0x59: {  	s15 =	sadd.s32 s8, s19;
	[smem:$0x7E1] =	sst s12  }
0x5a: {  	s18 =	sadd.s32 s8, s21;
	[smem:$0x7E4] =	sst s15  }
0x5b: {  	s19 =	sadd.s32 s30, s20;
	[smem:$0x7E6] =	sst s18  }
0x5c: {  	s21 =	sadd.s32 s8, s20;
	[smem:$0x7E7] =	sst s19  }
0x5d: {  	s9 =	sadd.s32 $0xCE800, s9;
	s10 =	sadd.s32 s8, s22;
	[smem:$0x7E8] =	sst s21  }
0x5e: {  	s31 =	simm.s32 $0xA200;
	s13 =	sadd.s32 s30, s23;
	[smem:$0x7EC] =	sst s10  }
0x5f: {  	s17 =	sadd.s32 $0x20000, s1;
	s14 =	sadd.s32 s8, s23;
	[smem:$0x7EF] =	sst s13  }
0x60: {  	s16 =	sadd.s32 s8, s25;
	s1 =	sadd.s32 $0x30000, s1;
	[smem:$0x7F0] =	sst s14  }
0x61: {  	s20 =	sadd.s32 s8, s26;
	s22 =	sadd.s32 s8, s29;
	[smem:$0x7F2] =	sst s16  }
0x62: {  	s7 =	simm.s32 $0x7;
	s4 =	sshrl.u32 s17, $0x3;
	[smem:$0x7F6] =	sst s20  }
0x63: {  	s11 =	sadd.s32 s30, s24;
	s12 =	sadd.s32 s8, s24;
	[smem:$0x7F8] =	sst s22  }
0x64: {  	s15 =	sadd.s32 s30, s25;
	s19 =	sadd.s32 s30, s26;
	s26 =	sld [smem:$0x7FB]  }
0x65: {  	s17 =	sadd.s32 s30, s28;
	s18 =	sadd.s32 s8, s28;
	[smem:$0x7ED] =	sst s11  }
0x66: {  	s1 =	sshrl.u32 s1, $0x3;
	s21 =	sadd.s32 s30, s29;
	[smem:$0x7EE] =	sst s12  }
0x67: {  	s24 =	stileid.u32;
	s20 =	simm.s32 $0x80;
	[smem:$0x7F1] =	sst s15  }
0x68: {  	s22 =	simm.s32 $0xC200;
	s13 =	simm.s32 $0x4;
	[smem:$0x7F3] =	sst s17  }
0x69: {  	s29 =	simm.s32 $0x2;
	s14 =	simm.s32 $0x8;
	[smem:$0x7F4] =	sst s18  }
0x6a: {  	s0 =	sadd.s32 s30, s4;
	s4 =	sadd.s32 s8, s4;
	[smem:$0x7F5] =	sst s19  }
0x6b: {  	[smem:$0x7F7] =	sst s21;
	s23 =	sadd.s32 s30, s1;
	s17 =	smul.u32 $0x190, s24  }
0x6c: {  	s30 =	smov.u32 s5;
	s25 =	sadd.s32 s8, s1;
	s28 =	smul.u32 $0x6400, s24  }
0x6d: {  	s19 =	simm.s32 $0xA;
	s18 =	simm.s32 $0x100;
	[smem:$0x7E9] =	sst s0  }
0x6e: {  	s21 =	simm.s32 $0x400;
	s24 =	simm.s32 $0x2000;
	[smem:$0x7EA] =	sst s4  }
0x6f: {  	s12 =	simm.s32 $0x10200;
	s5 =	simm.s32 $0x16200;
	[smem:$0x7F9] =	sst s23  }
0x70: {  	s1 =	simm.s32 $0x6;
	s15 =	simm.s32 $0x9;
	[smem:$0x7FA] =	sst s25  }
0x71: {  	s23 =	simm.s32 $0x12200;
	s25 =	simm.s32 $0x6200;
	[dreg:$0xa] =	wrdreg s30  }
0x72: {  	s4 =	simm.s32 $0x5;
	s0 =	smax.u32 s26, $0x1;
	[smem:$0x7FD] =	sst s28  }
0x73: {  	v0 =	vimm.f32 $0.0e+00;
	s26 =	simm.s32 $0x1;
	[smem:$0x7FC] =	sst s0;
	s0 =	simm.s32 $0x3  }
.LBB2_1:
0x74: {  	s11 =	simm.s32 $0x40;
	s16 =	simm.s32 $0x0  }
.LBB2_2:
0x75: {  	p0 =	sne.s32 s11, $0x61C0;
	[tilespmem:s16+$0x1CB80] =	vst v0;
	s16 =	smov.u32 s11;
	s11 =	sadd.s32 $0x40, s11  }
.Ltmp0:
0x76: {  	(pc) =	sbr.rel @p0 .LBB2_2-.Ltmp0, $2  }
0x77: {  	_ =	sdelay $0x2  }
0x78: {  	s16 =	sshra.s32 s16, $0x2  }
0x79: {  	[tilespmem:s16+$0x1CB80] =	vst v0;
	s11 =	simm.s32 $0x1CB80  }
0x7a: {  	[spmem:s30] =	stream.linear.scatter [tilespmem:s11], [sflag:$0xA], $0x1880, $0x38;
	[tilespmem:$0x1E400] =	vst v63  }
0x7b: {  	_ =	swait.ge [sflag:s19], $0x1880  }
0x7c: {  	[sflag:s19] =	ssyncset.done $0x0  }
0x7d: {  	s10 =	rddreg [dreg:$0xb];
	[sflag:s19] =	ssyncadd.s32 $0xFFFFE780  }
0x7e: {  	[spmem:s10] =	stream.linear.scatter [tilespmem:s11], [sflag:$0xA], $0x1880, $0x38;
	[tilespmem:$0x1E400] =	vst v63  }
0x7f: {  	_ =	swait.ge [sflag:s19], $0x1880  }
0x80: {  	[sflag:s19] =	ssyncset.done $0x0  }
0x81: {  	s30 =	simm.s32 $0x18200;
	s28 =	rddreg [dreg:$0x7];
	[sflag:s19] =	ssyncadd.s32 $0xFFFFE780  }
0x82: {  	[tilespmem:s30], [sflag:$0xA] =	stream.strided.gather [hbm4b:s28+s20], $0x1880, s18, s20, $0x38;
	[tilespmem:$0x1E400] =	vst v63  }
0x83: {  	_ =	swait.ge [sflag:s19], $0x1880  }
0x84: {  	[sflag:s19] =	ssyncset.done $0x0  }
0x85: {  	s16 =	rddreg [dreg:$0x9];
	[sflag:s19] =	ssyncadd.s32 $0xFFFFE780  }
0x86: {  	[spmem:s16] =	stream.linear.scatter [tilespmem:s30], [sflag:$0xA], $0x1880, $0x38;
	[tilespmem:$0x1E400] =	vst v63  }
0x87: {  	_ =	swait.ge [sflag:s19], $0x1880  }
0x88: {  	[sflag:s19] =	ssyncset.done $0x0  }
0x89: {  	s18 =	rddreg [dreg:$0xc];
	[sflag:s19] =	ssyncadd.s32 $0xFFFFE780  }
0x8a: {  	[spmem:s18] =	stream.linear.scatter [tilespmem:s30], [sflag:$0xA], $0x1880, $0x38;
	[tilespmem:$0x1E400] =	vst v63  }
0x8b: {  	_ =	swait.ge [sflag:s19], $0x1880  }
0x8c: {  	s30 =	sld [smem:$0x7FD];
	_ =	sdelay $0x1  }
0x8d: {  	s28 =	sadd.s32 $0x0, s17  }
0x8e: {  	s11 =	sand.u32 $0x70, s28;
	[sflag:s19] =	ssyncset.done $0x0;
	s18 =	sand.u32 $0xFE000, s30  }
0x8f: {  	[sflag:s19] =	ssyncadd.s32 $0xFFFFE780;
	s11 =	sor.u32 s11, s18  }
0x90: {  	[bflag:$0x0] =	sbarrier.arrive $0xFFFF;
	s16 =	sadd.s32 s8, s11  }
0x91: {  	[tilespmem:s22], [sflag:$0xA] =	stream.strided.gather [hbm4b:s16+s20], $0x2000, s21, s20, $0x38;
	[tilespmem:$0x1E400] =	vst v63  }
0x92: {  	_ =	swait.ge [sflag:s19], $0x2000  }
0x93: {  	[sflag:s19] =	ssyncset.done $0x0  }
0x94: {  	s11 =	sadd.s32 s9, s11;
	[sflag:s19] =	ssyncadd.s32 $0xFFFFE000  }
0x95: {  	[tilespmem:s23], [sflag:$0xA] =	stream.strided.gather [hbm4b:s11+s20], $0x2000, s21, s20, $0x38;
	[tilespmem:$0x1E400] =	vst v63  }
0x96: {  	_ =	swait.ge [sflag:s19], $0x2000  }
0x97: {  	[sflag:s19] =	ssyncset.done $0x0  }
0x98: {  	s28 =	sadd.s32 $0x10, s17;
	s18 =	sadd.s32 $0x400, s30;
	[sflag:s19] =	ssyncadd.s32 $0xFFFFE000  }
0x99: {  	[spmem:s3] =	stream.indirect.scatter [tilespmem:s23], [sflag:$0xA], $0x1, s22, s24, $0xb8;
	[tilespmem:$0x1E400] =	vst v63  }
0x9a: {  	s30 =	sand.u32 $0x70, s28;
	s10 =	sand.u32 $0xFE000, s18;
	_ =	swait.ge [sflag:s19], $0x2000  }
0x9b: {  	s16 =	sor.u32 s30, s10;
	s11 =	simm.s32 $0x20;
	[sflag:s19] =	ssyncset.done $0x0  }
.LBB2_4:
0x9c: {  	s28 =	sadd.s32 s8, s16  }
0x9d: {  	[sflag:s19] =	ssyncadd.s32 $0xFFFFE000;
	s10 =	smov.u32 s11;
	s30 =	sadd.s32 $0x10, s11  }
0x9e: {  	[tilespmem:s22], [sflag:$0xA] =	stream.strided.gather [hbm4b:s28+s20], $0x2000, s21, s20, $0x38;
	[tilespmem:$0x1E400] =	vst v63  }
0x9f: {  	p0 =	sne.s32 s11, $0x180;
	_ =	swait.ge [sflag:s19], $0x2000  }
0xa0: {  	[sflag:s19] =	ssyncset.done $0x0  }
0xa1: {  	s11 =	sadd.s32 s9, s16;
	[sflag:s19] =	ssyncadd.s32 $0xFFFFE000  }
0xa2: {  	[tilespmem:s23], [sflag:$0xA] =	stream.strided.gather [hbm4b:s11+s20], $0x2000, s21, s20, $0x38;
	[tilespmem:$0x1E400] =	vst v63  }
0xa3: {  	_ =	swait.ge [sflag:s19], $0x2000  }
.Ltmp1:
0xa4: {  	[sflag:s19] =	ssyncset.done $0x0;
	(pc) =	sbr.rel @p0 .LBB2_4-.Ltmp1, $4  }
0xa5: {  	s18 =	sadd.s32 $0x400, s18;
	s10 =	sadd.s32 s10, s17;
	[sflag:s19] =	ssyncadd.s32 $0xFFFFE000  }
0xa6: {  	[spmem:s3] =	stream.indirect.scatter [tilespmem:s23], [sflag:$0xA], $0x1, s22, s24, $0xb8;
	[tilespmem:$0x1E400] =	vst v63  }
0xa7: {  	s10 =	sand.u32 $0x70, s10;
	s11 =	sand.u32 $0xFE000, s18;
	_ =	swait.ge [sflag:s19], $0x2000  }
0xa8: {  	s16 =	sor.u32 s10, s11;
	s11 =	smov.u32 s30;
	[sflag:s19] =	ssyncset.done $0x0  }
0xa9: {  	s10 =	sadd.s32 s8, s16;
	[sflag:s19] =	ssyncadd.s32 $0xFFFFE000  }
0xaa: {  	[tilespmem:s22], [sflag:$0xA] =	stream.strided.gather [hbm4b:s10+s20], $0x2000, s21, s20, $0x38;
	[tilespmem:$0x1E400] =	vst v63  }
0xab: {  	_ =	swait.ge [sflag:s19], $0x2000  }
0xac: {  	[sflag:s19] =	ssyncset.done $0x0  }
0xad: {  	s28 =	sadd.s32 s9, s16;
	[sflag:s19] =	ssyncadd.s32 $0xFFFFE000  }
0xae: {  	[tilespmem:s23], [sflag:$0xA] =	stream.strided.gather [hbm4b:s28+s20], $0x2000, s21, s20, $0x38;
	[tilespmem:$0x1E400] =	vst v63  }
0xaf: {  	_ =	swait.ge [sflag:s19], $0x2000  }
0xb0: {  	[sflag:s19] =	ssyncset.done $0x0  }
0xb1: {  	[sflag:s19] =	ssyncadd.s32 $0xFFFFE000  }
0xb2: {  	[spmem:s3] =	stream.indirect.scatter [tilespmem:s23], [sflag:$0xA], $0x1, s22, s24, $0xb8;
	[tilespmem:$0x1E400] =	vst v63  }
0xb3: {  	_ =	swait.ge [sflag:s19], $0x2000  }
0xb4: {  	[sflag:s19] =	ssyncset.done $0x0  }
0xb5: {  	[sflag:s19] =	ssyncadd.s32 $0xFFFFE000  }
0xb6: {  	[bflag:$0x0] =	sbarrier.arrive $0xFFFF  }
0xb7: {  	s18 =	simm.s32 $0x0;
	s30 =	rddreg [dreg:$0xa]  }
.LBB2_6:
0xb8: {  	s10 =	rddreg [dreg:$0xd]  }
0xb9: {  	[tilespmem:s25], [sflag:$0x1] =	stream.strided.gather [hbm4b:s10+s20], $0x2000, s21, s20, $0x38;
	[tilespmem:$0x1E400] =	vst v63  }
0xba: {  	s11 =	rddreg [dreg:$0xe]  }
0xbb: {  	[tilespmem:s22], [sflag:$0x1] =	stream.strided.gather [hbm4b:s11+s20], $0x2000, s21, s20, $0x38;
	[tilespmem:$0x1E400] =	vst v63  }
0xbc: {  	_ =	swait.ge [sflag:s26], $0x2000  }
0xbd: {  	[sflag:s26] =	ssyncset.done $0x0  }
0xbe: {  	[sflag:s26] =	ssyncadd.s32 $0xFFFFE000  }
0xbf: {  	_ =	swait.ge [sflag:s26], $0x2000  }
0xc0: {  	[sflag:s26] =	ssyncset.done $0x0  }
0xc1: {  	[sflag:s26] =	ssyncadd.s32 $0xFFFFE000  }
0xc2: {  	[tilespmem:s23], [sflag:$0x4] =	stream.indirect.gather [spmem:s6], $0x1, s25, s24, $0xb8;
	[tilespmem:$0x1E400] =	vst v63  }
0xc3: {  	s11 =	simm.s32 $0x8200;
	s16 =	rddreg [dreg:$0xf]  }
0xc4: {  	[tilespmem:s11], [sflag:$0x2] =	stream.strided.gather [hbm4b:s16+s20], $0x2000, s21, s20, $0x38;
	[tilespmem:$0x1E400] =	vst v63  }
0xc5: {  	s10 =	rddreg [dreg:$0x10];
	s16 =	simm.s32 $0xE200  }
0xc6: {  	[tilespmem:s16], [sflag:$0x2] =	stream.strided.gather [hbm4b:s10+s20], $0x2000, s21, s20, $0x38;
	[tilespmem:$0x1E400] =	vst v63  }
0xc7: {  	_ =	swait.ge [sflag:s13], $0x2000  }
0xc8: {  	[sflag:s13] =	ssyncset.done $0x0  }
0xc9: {  	[sflag:s13] =	ssyncadd.s32 $0xFFFFE000  }
0xca: {  	[spmem:s2] =	stream.indirect.scatter.add.f32 [tilespmem:s23], [sflag:$0x7], $0x1, s22, s24, $0xb8;
	[tilespmem:$0x1E400] =	vst v63  }
0xcb: {  	_ =	swait.ge [sflag:s29], $0x2000  }
0xcc: {  	[sflag:s29] =	ssyncset.done $0x0  }
0xcd: {  	[sflag:s29] =	ssyncadd.s32 $0xFFFFE000  }
0xce: {  	_ =	swait.ge [sflag:s29], $0x2000  }
0xcf: {  	[sflag:s29] =	ssyncset.done $0x0  }
0xd0: {  	s28 =	simm.s32 $0x14200;
	[sflag:s29] =	ssyncadd.s32 $0xFFFFE000  }
0xd1: {  	[tilespmem:s28], [sflag:$0x5] =	stream.indirect.gather [spmem:s6], $0x1, s11, s24, $0xb8;
	[tilespmem:$0x1E400] =	vst v63  }
0xd2: {  	s10 =	rddreg [dreg:$0x11]  }
0xd3: {  	[tilespmem:s31], [sflag:$0x3] =	stream.strided.gather [hbm4b:s10+s20], $0x2000, s21, s20, $0x38;
	[tilespmem:$0x1E400] =	vst v63  }
0xd4: {  	s10 =	rddreg [dreg:$0x12]  }
0xd5: {  	[tilespmem:s12], [sflag:$0x3] =	stream.strided.gather [hbm4b:s10+s20], $0x2000, s21, s20, $0x38;
	[tilespmem:$0x1E400] =	vst v63  }
0xd6: {  	_ =	swait.ge [sflag:s4], $0x2000  }
0xd7: {  	[sflag:s4] =	ssyncset.done $0x0  }
0xd8: {  	[sflag:s4] =	ssyncadd.s32 $0xFFFFE000  }
0xd9: {  	[spmem:s2] =	stream.indirect.scatter.add.f32 [tilespmem:s28], [sflag:$0x8], $0x1, s16, s24, $0xb8;
	[tilespmem:$0x1E400] =	vst v63  }
0xda: {  	_ =	swait.ge [sflag:s0], $0x2000  }
0xdb: {  	[sflag:s0] =	ssyncset.done $0x0  }
0xdc: {  	[sflag:s0] =	ssyncadd.s32 $0xFFFFE000  }
0xdd: {  	_ =	swait.ge [sflag:s0], $0x2000  }
0xde: {  	[sflag:s0] =	ssyncset.done $0x0  }
0xdf: {  	[sflag:s0] =	ssyncadd.s32 $0xFFFFE000  }
0xe0: {  	[tilespmem:s5], [sflag:$0x6] =	stream.indirect.gather [spmem:s6], $0x1, s31, s24, $0xb8;
	[tilespmem:$0x1E400] =	vst v63  }
0xe1: {  	_ =	swait.ge [sflag:s7], $0x2000  }
0xe2: {  	[sflag:s7] =	ssyncset.done $0x0  }
0xe3: {  	s10 =	rddreg [dreg:$0x13];
	[sflag:s7] =	ssyncadd.s32 $0xFFFFE000  }
0xe4: {  	[tilespmem:s25], [sflag:$0x1] =	stream.strided.gather [hbm4b:s10+s20], $0x2000, s21, s20, $0x38;
	[tilespmem:$0x1E400] =	vst v63  }
0xe5: {  	s10 =	rddreg [dreg:$0x14]  }
0xe6: {  	[tilespmem:s22], [sflag:$0x1] =	stream.strided.gather [hbm4b:s10+s20], $0x2000, s21, s20, $0x38;
	[tilespmem:$0x1E400] =	vst v63  }
0xe7: {  	_ =	swait.ge [sflag:s1], $0x2000  }
0xe8: {  	[sflag:s1] =	ssyncset.done $0x0  }
0xe9: {  	[sflag:s1] =	ssyncadd.s32 $0xFFFFE000  }
0xea: {  	[spmem:s2] =	stream.indirect.scatter.add.f32 [tilespmem:s5], [sflag:$0x9], $0x1, s12, s24, $0xb8;
	[tilespmem:$0x1E400] =	vst v63  }
0xeb: {  	_ =	swait.ge [sflag:s26], $0x2000  }
0xec: {  	[sflag:s26] =	ssyncset.done $0x0  }
0xed: {  	[sflag:s26] =	ssyncadd.s32 $0xFFFFE000  }
0xee: {  	_ =	swait.ge [sflag:s26], $0x2000  }
0xef: {  	[sflag:s26] =	ssyncset.done $0x0  }
0xf0: {  	[sflag:s26] =	ssyncadd.s32 $0xFFFFE000  }
0xf1: {  	[tilespmem:s23], [sflag:$0x4] =	stream.indirect.gather [spmem:s6], $0x1, s25, s24, $0xb8;
	[tilespmem:$0x1E400] =	vst v63  }
0xf2: {  	_ =	swait.ge [sflag:s14], $0x2000  }
0xf3: {  	[sflag:s14] =	ssyncset.done $0x0  }
0xf4: {  	s10 =	rddreg [dreg:$0x15];
	[sflag:s14] =	ssyncadd.s32 $0xFFFFE000  }
0xf5: {  	[tilespmem:s11], [sflag:$0x2] =	stream.strided.gather [hbm4b:s10+s20], $0x2000, s21, s20, $0x38;
	[tilespmem:$0x1E400] =	vst v63  }
0xf6: {  	s10 =	rddreg [dreg:$0x16]  }
0xf7: {  	[tilespmem:s16], [sflag:$0x2] =	stream.strided.gather [hbm4b:s10+s20], $0x2000, s21, s20, $0x38;
	[tilespmem:$0x1E400] =	vst v63  }
0xf8: {  	_ =	swait.ge [sflag:s13], $0x2000  }
0xf9: {  	[sflag:s13] =	ssyncset.done $0x0  }
0xfa: {  	[sflag:s13] =	ssyncadd.s32 $0xFFFFE000  }
0xfb: {  	[spmem:s2] =	stream.indirect.scatter.add.f32 [tilespmem:s23], [sflag:$0x7], $0x1, s22, s24, $0xb8;
	[tilespmem:$0x1E400] =	vst v63  }
0xfc: {  	_ =	swait.ge [sflag:s29], $0x2000  }
0xfd: {  	[sflag:s29] =	ssyncset.done $0x0  }
0xfe: {  	[sflag:s29] =	ssyncadd.s32 $0xFFFFE000  }
0xff: {  	_ =	swait.ge [sflag:s29], $0x2000  }
0x100: {  	[sflag:s29] =	ssyncset.done $0x0  }
0x101: {  	[sflag:s29] =	ssyncadd.s32 $0xFFFFE000  }
0x102: {  	[tilespmem:s28], [sflag:$0x5] =	stream.indirect.gather [spmem:s6], $0x1, s11, s24, $0xb8;
	[tilespmem:$0x1E400] =	vst v63  }
0x103: {  	_ =	swait.ge [sflag:s15], $0x2000  }
0x104: {  	[sflag:s15] =	ssyncset.done $0x0  }
0x105: {  	s10 =	rddreg [dreg:$0x17];
	[sflag:s15] =	ssyncadd.s32 $0xFFFFE000  }
0x106: {  	[tilespmem:s31], [sflag:$0x3] =	stream.strided.gather [hbm4b:s10+s20], $0x2000, s21, s20, $0x38;
	[tilespmem:$0x1E400] =	vst v63  }
0x107: {  	s10 =	rddreg [dreg:$0x18]  }
0x108: {  	[tilespmem:s12], [sflag:$0x3] =	stream.strided.gather [hbm4b:s10+s20], $0x2000, s21, s20, $0x38;
	[tilespmem:$0x1E400] =	vst v63  }
0x109: {  	_ =	swait.ge [sflag:s4], $0x2000  }
0x10a: {  	[sflag:s4] =	ssyncset.done $0x0  }
0x10b: {  	[sflag:s4] =	ssyncadd.s32 $0xFFFFE000  }
0x10c: {  	[spmem:s2] =	stream.indirect.scatter.add.f32 [tilespmem:s28], [sflag:$0x8], $0x1, s16, s24, $0xb8;
	[tilespmem:$0x1E400] =	vst v63  }
0x10d: {  	_ =	swait.ge [sflag:s0], $0x2000  }
0x10e: {  	[sflag:s0] =	ssyncset.done $0x0  }
0x10f: {  	[sflag:s0] =	ssyncadd.s32 $0xFFFFE000  }
0x110: {  	_ =	swait.ge [sflag:s0], $0x2000  }
0x111: {  	[sflag:s0] =	ssyncset.done $0x0  }
0x112: {  	[sflag:s0] =	ssyncadd.s32 $0xFFFFE000  }
0x113: {  	[tilespmem:s5], [sflag:$0x6] =	stream.indirect.gather [spmem:s6], $0x1, s31, s24, $0xb8;
	[tilespmem:$0x1E400] =	vst v63  }
0x114: {  	_ =	swait.ge [sflag:s7], $0x2000  }
0x115: {  	[sflag:s7] =	ssyncset.done $0x0  }
0x116: {  	s10 =	rddreg [dreg:$0x19];
	[sflag:s7] =	ssyncadd.s32 $0xFFFFE000  }
0x117: {  	[tilespmem:s25], [sflag:$0x1] =	stream.strided.gather [hbm4b:s10+s20], $0x2000, s21, s20, $0x38;
	[tilespmem:$0x1E400] =	vst v63  }
0x118: {  	s10 =	rddreg [dreg:$0x1a]  }
0x119: {  	[tilespmem:s22], [sflag:$0x1] =	stream.strided.gather [hbm4b:s10+s20], $0x2000, s21, s20, $0x38;
	[tilespmem:$0x1E400] =	vst v63  }
0x11a: {  	_ =	swait.ge [sflag:s1], $0x2000  }
0x11b: {  	[sflag:s1] =	ssyncset.done $0x0  }
0x11c: {  	[sflag:s1] =	ssyncadd.s32 $0xFFFFE000  }
0x11d: {  	[spmem:s2] =	stream.indirect.scatter.add.f32 [tilespmem:s5], [sflag:$0x9], $0x1, s12, s24, $0xb8;
	[tilespmem:$0x1E400] =	vst v63  }
0x11e: {  	_ =	swait.ge [sflag:s26], $0x2000  }
0x11f: {  	[sflag:s26] =	ssyncset.done $0x0  }
0x120: {  	[sflag:s26] =	ssyncadd.s32 $0xFFFFE000  }
0x121: {  	_ =	swait.ge [sflag:s26], $0x2000  }
0x122: {  	[sflag:s26] =	ssyncset.done $0x0  }
0x123: {  	[sflag:s26] =	ssyncadd.s32 $0xFFFFE000  }
0x124: {  	[tilespmem:s23], [sflag:$0x4] =	stream.indirect.gather [spmem:s6], $0x1, s25, s24, $0xb8;
	[tilespmem:$0x1E400] =	vst v63  }
0x125: {  	_ =	swait.ge [sflag:s14], $0x2000  }
0x126: {  	[sflag:s14] =	ssyncset.done $0x0  }
0x127: {  	s10 =	rddreg [dreg:$0x1b];
	[sflag:s14] =	ssyncadd.s32 $0xFFFFE000  }
0x128: {  	[tilespmem:s11], [sflag:$0x2] =	stream.strided.gather [hbm4b:s10+s20], $0x2000, s21, s20, $0x38;
	[tilespmem:$0x1E400] =	vst v63  }
0x129: {  	s10 =	rddreg [dreg:$0x1c]  }
0x12a: {  	[tilespmem:s16], [sflag:$0x2] =	stream.strided.gather [hbm4b:s10+s20], $0x2000, s21, s20, $0x38;
	[tilespmem:$0x1E400] =	vst v63  }
0x12b: {  	_ =	swait.ge [sflag:s13], $0x2000  }
0x12c: {  	[sflag:s13] =	ssyncset.done $0x0  }
0x12d: {  	[sflag:s13] =	ssyncadd.s32 $0xFFFFE000  }
0x12e: {  	[spmem:s2] =	stream.indirect.scatter.add.f32 [tilespmem:s23], [sflag:$0x7], $0x1, s22, s24, $0xb8;
	[tilespmem:$0x1E400] =	vst v63  }
0x12f: {  	_ =	swait.ge [sflag:s29], $0x2000  }
0x130: {  	[sflag:s29] =	ssyncset.done $0x0  }
0x131: {  	[sflag:s29] =	ssyncadd.s32 $0xFFFFE000  }
0x132: {  	_ =	swait.ge [sflag:s29], $0x2000  }
0x133: {  	[sflag:s29] =	ssyncset.done $0x0  }
0x134: {  	[sflag:s29] =	ssyncadd.s32 $0xFFFFE000  }
0x135: {  	[tilespmem:s28], [sflag:$0x5] =	stream.indirect.gather [spmem:s6], $0x1, s11, s24, $0xb8;
	[tilespmem:$0x1E400] =	vst v63  }
0x136: {  	_ =	swait.ge [sflag:s15], $0x2000  }
0x137: {  	[sflag:s15] =	ssyncset.done $0x0  }
0x138: {  	s10 =	rddreg [dreg:$0x1d];
	[sflag:s15] =	ssyncadd.s32 $0xFFFFE000  }
0x139: {  	[tilespmem:s31], [sflag:$0x3] =	stream.strided.gather [hbm4b:s10+s20], $0x2000, s21, s20, $0x38;
	[tilespmem:$0x1E400] =	vst v63  }
0x13a: {  	s10 =	rddreg [dreg:$0x1e]  }
0x13b: {  	[tilespmem:s12], [sflag:$0x3] =	stream.strided.gather [hbm4b:s10+s20], $0x2000, s21, s20, $0x38;
	[tilespmem:$0x1E400] =	vst v63  }
0x13c: {  	_ =	swait.ge [sflag:s4], $0x2000  }
0x13d: {  	[sflag:s4] =	ssyncset.done $0x0  }
0x13e: {  	[sflag:s4] =	ssyncadd.s32 $0xFFFFE000  }
0x13f: {  	[spmem:s2] =	stream.indirect.scatter.add.f32 [tilespmem:s28], [sflag:$0x8], $0x1, s16, s24, $0xb8;
	[tilespmem:$0x1E400] =	vst v63  }
0x140: {  	_ =	swait.ge [sflag:s0], $0x2000  }
0x141: {  	[sflag:s0] =	ssyncset.done $0x0  }
0x142: {  	[sflag:s0] =	ssyncadd.s32 $0xFFFFE000  }
0x143: {  	_ =	swait.ge [sflag:s0], $0x2000  }
0x144: {  	[sflag:s0] =	ssyncset.done $0x0  }
0x145: {  	[sflag:s0] =	ssyncadd.s32 $0xFFFFE000  }
0x146: {  	[tilespmem:s5], [sflag:$0x6] =	stream.indirect.gather [spmem:s6], $0x1, s31, s24, $0xb8;
	[tilespmem:$0x1E400] =	vst v63  }
0x147: {  	_ =	swait.ge [sflag:s7], $0x2000  }
0x148: {  	[sflag:s7] =	ssyncset.done $0x0  }
0x149: {  	s10 =	rddreg [dreg:$0x1f];
	[sflag:s7] =	ssyncadd.s32 $0xFFFFE000  }
0x14a: {  	[tilespmem:s25], [sflag:$0x1] =	stream.strided.gather [hbm4b:s10+s20], $0x2000, s21, s20, $0x38;
	[tilespmem:$0x1E400] =	vst v63  }
0x14b: {  	s10 =	sld [smem:$0x7DC];
	_ =	sdelay $0x2  }
0x14c: {  	[tilespmem:s22], [sflag:$0x1] =	stream.strided.gather [hbm4b:s10+s20], $0x2000, s21, s20, $0x38;
	[tilespmem:$0x1E400] =	vst v63  }
0x14d: {  	_ =	swait.ge [sflag:s1], $0x2000  }
0x14e: {  	[sflag:s1] =	ssyncset.done $0x0  }
0x14f: {  	[sflag:s1] =	ssyncadd.s32 $0xFFFFE000  }
0x150: {  	[spmem:s2] =	stream.indirect.scatter.add.f32 [tilespmem:s5], [sflag:$0x9], $0x1, s12, s24, $0xb8;
	[tilespmem:$0x1E400] =	vst v63  }
0x151: {  	_ =	swait.ge [sflag:s26], $0x2000  }
0x152: {  	[sflag:s26] =	ssyncset.done $0x0  }
0x153: {  	[sflag:s26] =	ssyncadd.s32 $0xFFFFE000  }
0x154: {  	_ =	swait.ge [sflag:s26], $0x2000  }
0x155: {  	[sflag:s26] =	ssyncset.done $0x0  }
0x156: {  	[sflag:s26] =	ssyncadd.s32 $0xFFFFE000  }
0x157: {  	[tilespmem:s23], [sflag:$0x4] =	stream.indirect.gather [spmem:s6], $0x1, s25, s24, $0xb8;
	[tilespmem:$0x1E400] =	vst v63  }
0x158: {  	_ =	swait.ge [sflag:s14], $0x2000  }
0x159: {  	s10 =	sld [smem:$0x7DD]  }
0x15a: {  	[sflag:s14] =	ssyncset.done $0x0  }
0x15b: {  	[sflag:s14] =	ssyncadd.s32 $0xFFFFE000  }
0x15c: {  	[tilespmem:s11], [sflag:$0x2] =	stream.strided.gather [hbm4b:s10+s20], $0x2000, s21, s20, $0x38;
	[tilespmem:$0x1E400] =	vst v63  }
0x15d: {  	s10 =	sld [smem:$0x7DE];
	_ =	sdelay $0x2  }
0x15e: {  	[tilespmem:s16], [sflag:$0x2] =	stream.strided.gather [hbm4b:s10+s20], $0x2000, s21, s20, $0x38;
	[tilespmem:$0x1E400] =	vst v63  }
0x15f: {  	_ =	swait.ge [sflag:s13], $0x2000  }
0x160: {  	[sflag:s13] =	ssyncset.done $0x0  }
0x161: {  	[sflag:s13] =	ssyncadd.s32 $0xFFFFE000  }
0x162: {  	[spmem:s2] =	stream.indirect.scatter.add.f32 [tilespmem:s23], [sflag:$0x7], $0x1, s22, s24, $0xb8;
	[tilespmem:$0x1E400] =	vst v63  }
0x163: {  	_ =	swait.ge [sflag:s29], $0x2000  }
0x164: {  	[sflag:s29] =	ssyncset.done $0x0  }
0x165: {  	[sflag:s29] =	ssyncadd.s32 $0xFFFFE000  }
0x166: {  	_ =	swait.ge [sflag:s29], $0x2000  }
0x167: {  	[sflag:s29] =	ssyncset.done $0x0  }
0x168: {  	[sflag:s29] =	ssyncadd.s32 $0xFFFFE000  }
0x169: {  	[tilespmem:s28], [sflag:$0x5] =	stream.indirect.gather [spmem:s6], $0x1, s11, s24, $0xb8;
	[tilespmem:$0x1E400] =	vst v63  }
0x16a: {  	_ =	swait.ge [sflag:s15], $0x2000  }
0x16b: {  	s10 =	sld [smem:$0x7DF]  }
0x16c: {  	[sflag:s15] =	ssyncset.done $0x0  }
0x16d: {  	[sflag:s15] =	ssyncadd.s32 $0xFFFFE000  }
0x16e: {  	[tilespmem:s31], [sflag:$0x3] =	stream.strided.gather [hbm4b:s10+s20], $0x2000, s21, s20, $0x38;
	[tilespmem:$0x1E400] =	vst v63  }
0x16f: {  	s10 =	sld [smem:$0x7E0];
	_ =	sdelay $0x2  }
0x170: {  	[tilespmem:s12], [sflag:$0x3] =	stream.strided.gather [hbm4b:s10+s20], $0x2000, s21, s20, $0x38;
	[tilespmem:$0x1E400] =	vst v63  }
0x171: {  	_ =	swait.ge [sflag:s4], $0x2000  }
0x172: {  	[sflag:s4] =	ssyncset.done $0x0  }
0x173: {  	[sflag:s4] =	ssyncadd.s32 $0xFFFFE000  }
0x174: {  	[spmem:s2] =	stream.indirect.scatter.add.f32 [tilespmem:s28], [sflag:$0x8], $0x1, s16, s24, $0xb8;
	[tilespmem:$0x1E400] =	vst v63  }
0x175: {  	_ =	swait.ge [sflag:s0], $0x2000  }
0x176: {  	[sflag:s0] =	ssyncset.done $0x0  }
0x177: {  	[sflag:s0] =	ssyncadd.s32 $0xFFFFE000  }
0x178: {  	_ =	swait.ge [sflag:s0], $0x2000  }
0x179: {  	[sflag:s0] =	ssyncset.done $0x0  }
0x17a: {  	[sflag:s0] =	ssyncadd.s32 $0xFFFFE000  }
0x17b: {  	[tilespmem:s5], [sflag:$0x6] =	stream.indirect.gather [spmem:s6], $0x1, s31, s24, $0xb8;
	[tilespmem:$0x1E400] =	vst v63  }
0x17c: {  	_ =	swait.ge [sflag:s7], $0x2000  }
0x17d: {  	s10 =	sld [smem:$0x7E1]  }
0x17e: {  	[sflag:s7] =	ssyncset.done $0x0  }
0x17f: {  	[sflag:s7] =	ssyncadd.s32 $0xFFFFE000  }
0x180: {  	[tilespmem:s25], [sflag:$0x1] =	stream.strided.gather [hbm4b:s10+s20], $0x2000, s21, s20, $0x38;
	[tilespmem:$0x1E400] =	vst v63  }
0x181: {  	s10 =	sld [smem:$0x7E2];
	_ =	sdelay $0x2  }
0x182: {  	[tilespmem:s22], [sflag:$0x1] =	stream.strided.gather [hbm4b:s10+s20], $0x2000, s21, s20, $0x38;
	[tilespmem:$0x1E400] =	vst v63  }
0x183: {  	_ =	swait.ge [sflag:s1], $0x2000  }
0x184: {  	[sflag:s1] =	ssyncset.done $0x0  }
0x185: {  	[sflag:s1] =	ssyncadd.s32 $0xFFFFE000  }
0x186: {  	[spmem:s2] =	stream.indirect.scatter.add.f32 [tilespmem:s5], [sflag:$0x9], $0x1, s12, s24, $0xb8;
	[tilespmem:$0x1E400] =	vst v63  }
0x187: {  	_ =	swait.ge [sflag:s26], $0x2000  }
0x188: {  	[sflag:s26] =	ssyncset.done $0x0  }
0x189: {  	[sflag:s26] =	ssyncadd.s32 $0xFFFFE000  }
0x18a: {  	_ =	swait.ge [sflag:s26], $0x2000  }
0x18b: {  	[sflag:s26] =	ssyncset.done $0x0  }
0x18c: {  	[sflag:s26] =	ssyncadd.s32 $0xFFFFE000  }
0x18d: {  	[tilespmem:s23], [sflag:$0x4] =	stream.indirect.gather [spmem:s6], $0x1, s25, s24, $0xb8;
	[tilespmem:$0x1E400] =	vst v63  }
0x18e: {  	_ =	swait.ge [sflag:s14], $0x2000  }
0x18f: {  	s10 =	sld [smem:$0x7E3]  }
0x190: {  	[sflag:s14] =	ssyncset.done $0x0  }
0x191: {  	[sflag:s14] =	ssyncadd.s32 $0xFFFFE000  }
0x192: {  	[tilespmem:s11], [sflag:$0x2] =	stream.strided.gather [hbm4b:s10+s20], $0x2000, s21, s20, $0x38;
	[tilespmem:$0x1E400] =	vst v63  }
0x193: {  	s10 =	sld [smem:$0x7E4];
	_ =	sdelay $0x2  }
0x194: {  	[tilespmem:s16], [sflag:$0x2] =	stream.strided.gather [hbm4b:s10+s20], $0x2000, s21, s20, $0x38;
	[tilespmem:$0x1E400] =	vst v63  }
0x195: {  	_ =	swait.ge [sflag:s13], $0x2000  }
0x196: {  	[sflag:s13] =	ssyncset.done $0x0  }
0x197: {  	[sflag:s13] =	ssyncadd.s32 $0xFFFFE000  }
0x198: {  	[spmem:s2] =	stream.indirect.scatter.add.f32 [tilespmem:s23], [sflag:$0x7], $0x1, s22, s24, $0xb8;
	[tilespmem:$0x1E400] =	vst v63  }
0x199: {  	_ =	swait.ge [sflag:s29], $0x2000  }
0x19a: {  	[sflag:s29] =	ssyncset.done $0x0  }
0x19b: {  	[sflag:s29] =	ssyncadd.s32 $0xFFFFE000  }
0x19c: {  	_ =	swait.ge [sflag:s29], $0x2000  }
0x19d: {  	[sflag:s29] =	ssyncset.done $0x0  }
0x19e: {  	[sflag:s29] =	ssyncadd.s32 $0xFFFFE000  }
0x19f: {  	[tilespmem:s28], [sflag:$0x5] =	stream.indirect.gather [spmem:s6], $0x1, s11, s24, $0xb8;
	[tilespmem:$0x1E400] =	vst v63  }
0x1a0: {  	_ =	swait.ge [sflag:s15], $0x2000  }
0x1a1: {  	s10 =	sld [smem:$0x7E5]  }
0x1a2: {  	[sflag:s15] =	ssyncset.done $0x0  }
0x1a3: {  	[sflag:s15] =	ssyncadd.s32 $0xFFFFE000  }
0x1a4: {  	[tilespmem:s31], [sflag:$0x3] =	stream.strided.gather [hbm4b:s10+s20], $0x2000, s21, s20, $0x38;
	[tilespmem:$0x1E400] =	vst v63  }
0x1a5: {  	s10 =	sld [smem:$0x7E6];
	_ =	sdelay $0x2  }
0x1a6: {  	[tilespmem:s12], [sflag:$0x3] =	stream.strided.gather [hbm4b:s10+s20], $0x2000, s21, s20, $0x38;
	[tilespmem:$0x1E400] =	vst v63  }
0x1a7: {  	_ =	swait.ge [sflag:s4], $0x2000  }
0x1a8: {  	[sflag:s4] =	ssyncset.done $0x0  }
0x1a9: {  	[sflag:s4] =	ssyncadd.s32 $0xFFFFE000  }
0x1aa: {  	[spmem:s2] =	stream.indirect.scatter.add.f32 [tilespmem:s28], [sflag:$0x8], $0x1, s16, s24, $0xb8;
	[tilespmem:$0x1E400] =	vst v63  }
0x1ab: {  	_ =	swait.ge [sflag:s0], $0x2000  }
0x1ac: {  	[sflag:s0] =	ssyncset.done $0x0  }
0x1ad: {  	[sflag:s0] =	ssyncadd.s32 $0xFFFFE000  }
0x1ae: {  	_ =	swait.ge [sflag:s0], $0x2000  }
0x1af: {  	[sflag:s0] =	ssyncset.done $0x0  }
0x1b0: {  	[sflag:s0] =	ssyncadd.s32 $0xFFFFE000  }
0x1b1: {  	[tilespmem:s5], [sflag:$0x6] =	stream.indirect.gather [spmem:s6], $0x1, s31, s24, $0xb8;
	[tilespmem:$0x1E400] =	vst v63  }
0x1b2: {  	_ =	swait.ge [sflag:s7], $0x2000  }
0x1b3: {  	s10 =	sld [smem:$0x7E7]  }
0x1b4: {  	[sflag:s7] =	ssyncset.done $0x0  }
0x1b5: {  	[sflag:s7] =	ssyncadd.s32 $0xFFFFE000  }
0x1b6: {  	[tilespmem:s25], [sflag:$0x1] =	stream.strided.gather [hbm4b:s10+s20], $0x2000, s21, s20, $0x38;
	[tilespmem:$0x1E400] =	vst v63  }
0x1b7: {  	s10 =	sld [smem:$0x7E8];
	_ =	sdelay $0x2  }
0x1b8: {  	[tilespmem:s22], [sflag:$0x1] =	stream.strided.gather [hbm4b:s10+s20], $0x2000, s21, s20, $0x38;
	[tilespmem:$0x1E400] =	vst v63  }
0x1b9: {  	_ =	swait.ge [sflag:s1], $0x2000  }
0x1ba: {  	[sflag:s1] =	ssyncset.done $0x0  }
0x1bb: {  	[sflag:s1] =	ssyncadd.s32 $0xFFFFE000  }
0x1bc: {  	[spmem:s2] =	stream.indirect.scatter.add.f32 [tilespmem:s5], [sflag:$0x9], $0x1, s12, s24, $0xb8;
	[tilespmem:$0x1E400] =	vst v63  }
0x1bd: {  	_ =	swait.ge [sflag:s26], $0x2000  }
0x1be: {  	[sflag:s26] =	ssyncset.done $0x0  }
0x1bf: {  	[sflag:s26] =	ssyncadd.s32 $0xFFFFE000  }
0x1c0: {  	_ =	swait.ge [sflag:s26], $0x2000  }
0x1c1: {  	[sflag:s26] =	ssyncset.done $0x0  }
0x1c2: {  	[sflag:s26] =	ssyncadd.s32 $0xFFFFE000  }
0x1c3: {  	[tilespmem:s23], [sflag:$0x4] =	stream.indirect.gather [spmem:s6], $0x1, s25, s24, $0xb8;
	[tilespmem:$0x1E400] =	vst v63  }
0x1c4: {  	_ =	swait.ge [sflag:s14], $0x2000  }
0x1c5: {  	s10 =	sld [smem:$0x7E9]  }
0x1c6: {  	[sflag:s14] =	ssyncset.done $0x0  }
0x1c7: {  	[sflag:s14] =	ssyncadd.s32 $0xFFFFE000  }
0x1c8: {  	[tilespmem:s11], [sflag:$0x2] =	stream.strided.gather [hbm4b:s10+s20], $0x2000, s21, s20, $0x38;
	[tilespmem:$0x1E400] =	vst v63  }
0x1c9: {  	s10 =	sld [smem:$0x7EA];
	_ =	sdelay $0x2  }
0x1ca: {  	[tilespmem:s16], [sflag:$0x2] =	stream.strided.gather [hbm4b:s10+s20], $0x2000, s21, s20, $0x38;
	[tilespmem:$0x1E400] =	vst v63  }
0x1cb: {  	_ =	swait.ge [sflag:s13], $0x2000  }
0x1cc: {  	[sflag:s13] =	ssyncset.done $0x0  }
0x1cd: {  	[sflag:s13] =	ssyncadd.s32 $0xFFFFE000  }
0x1ce: {  	[spmem:s2] =	stream.indirect.scatter.add.f32 [tilespmem:s23], [sflag:$0x7], $0x1, s22, s24, $0xb8;
	[tilespmem:$0x1E400] =	vst v63  }
0x1cf: {  	_ =	swait.ge [sflag:s29], $0x2000  }
0x1d0: {  	[sflag:s29] =	ssyncset.done $0x0  }
0x1d1: {  	[sflag:s29] =	ssyncadd.s32 $0xFFFFE000  }
0x1d2: {  	_ =	swait.ge [sflag:s29], $0x2000  }
0x1d3: {  	[sflag:s29] =	ssyncset.done $0x0  }
0x1d4: {  	[sflag:s29] =	ssyncadd.s32 $0xFFFFE000  }
0x1d5: {  	[tilespmem:s28], [sflag:$0x5] =	stream.indirect.gather [spmem:s6], $0x1, s11, s24, $0xb8;
	[tilespmem:$0x1E400] =	vst v63  }
0x1d6: {  	_ =	swait.ge [sflag:s15], $0x2000  }
0x1d7: {  	s10 =	sld [smem:$0x7EB]  }
0x1d8: {  	[sflag:s15] =	ssyncset.done $0x0  }
0x1d9: {  	[sflag:s15] =	ssyncadd.s32 $0xFFFFE000  }
0x1da: {  	[tilespmem:s31], [sflag:$0x3] =	stream.strided.gather [hbm4b:s10+s20], $0x2000, s21, s20, $0x38;
	[tilespmem:$0x1E400] =	vst v63  }
0x1db: {  	s10 =	sld [smem:$0x7EC];
	_ =	sdelay $0x2  }
0x1dc: {  	[tilespmem:s12], [sflag:$0x3] =	stream.strided.gather [hbm4b:s10+s20], $0x2000, s21, s20, $0x38;
	[tilespmem:$0x1E400] =	vst v63  }
0x1dd: {  	_ =	swait.ge [sflag:s4], $0x2000  }
0x1de: {  	[sflag:s4] =	ssyncset.done $0x0  }
0x1df: {  	[sflag:s4] =	ssyncadd.s32 $0xFFFFE000  }
0x1e0: {  	[spmem:s2] =	stream.indirect.scatter.add.f32 [tilespmem:s28], [sflag:$0x8], $0x1, s16, s24, $0xb8;
	[tilespmem:$0x1E400] =	vst v63  }
0x1e1: {  	_ =	swait.ge [sflag:s0], $0x2000  }
0x1e2: {  	[sflag:s0] =	ssyncset.done $0x0  }
0x1e3: {  	[sflag:s0] =	ssyncadd.s32 $0xFFFFE000  }
0x1e4: {  	_ =	swait.ge [sflag:s0], $0x2000  }
0x1e5: {  	[sflag:s0] =	ssyncset.done $0x0  }
0x1e6: {  	[sflag:s0] =	ssyncadd.s32 $0xFFFFE000  }
0x1e7: {  	[tilespmem:s5], [sflag:$0x6] =	stream.indirect.gather [spmem:s6], $0x1, s31, s24, $0xb8;
	[tilespmem:$0x1E400] =	vst v63  }
0x1e8: {  	_ =	swait.ge [sflag:s7], $0x2000  }
0x1e9: {  	s10 =	sld [smem:$0x7ED]  }
0x1ea: {  	[sflag:s7] =	ssyncset.done $0x0  }
0x1eb: {  	[sflag:s7] =	ssyncadd.s32 $0xFFFFE000  }
0x1ec: {  	[tilespmem:s25], [sflag:$0x1] =	stream.strided.gather [hbm4b:s10+s20], $0x2000, s21, s20, $0x38;
	[tilespmem:$0x1E400] =	vst v63  }
0x1ed: {  	s10 =	sld [smem:$0x7EE];
	_ =	sdelay $0x2  }
0x1ee: {  	[tilespmem:s22], [sflag:$0x1] =	stream.strided.gather [hbm4b:s10+s20], $0x2000, s21, s20, $0x38;
	[tilespmem:$0x1E400] =	vst v63  }
0x1ef: {  	_ =	swait.ge [sflag:s1], $0x2000  }
0x1f0: {  	[sflag:s1] =	ssyncset.done $0x0  }
0x1f1: {  	[sflag:s1] =	ssyncadd.s32 $0xFFFFE000  }
0x1f2: {  	[spmem:s2] =	stream.indirect.scatter.add.f32 [tilespmem:s5], [sflag:$0x9], $0x1, s12, s24, $0xb8;
	[tilespmem:$0x1E400] =	vst v63  }
0x1f3: {  	_ =	swait.ge [sflag:s26], $0x2000  }
0x1f4: {  	[sflag:s26] =	ssyncset.done $0x0  }
0x1f5: {  	[sflag:s26] =	ssyncadd.s32 $0xFFFFE000  }
0x1f6: {  	_ =	swait.ge [sflag:s26], $0x2000  }
0x1f7: {  	[sflag:s26] =	ssyncset.done $0x0  }
0x1f8: {  	[sflag:s26] =	ssyncadd.s32 $0xFFFFE000  }
0x1f9: {  	[tilespmem:s23], [sflag:$0x4] =	stream.indirect.gather [spmem:s6], $0x1, s25, s24, $0xb8;
	[tilespmem:$0x1E400] =	vst v63  }
0x1fa: {  	_ =	swait.ge [sflag:s14], $0x2000  }
0x1fb: {  	s10 =	sld [smem:$0x7EF]  }
0x1fc: {  	[sflag:s14] =	ssyncset.done $0x0  }
0x1fd: {  	[sflag:s14] =	ssyncadd.s32 $0xFFFFE000  }
0x1fe: {  	[tilespmem:s11], [sflag:$0x2] =	stream.strided.gather [hbm4b:s10+s20], $0x2000, s21, s20, $0x38;
	[tilespmem:$0x1E400] =	vst v63  }
0x1ff: {  	s10 =	sld [smem:$0x7F0];
	_ =	sdelay $0x2  }
0x200: {  	[tilespmem:s16], [sflag:$0x2] =	stream.strided.gather [hbm4b:s10+s20], $0x2000, s21, s20, $0x38;
	[tilespmem:$0x1E400] =	vst v63  }
0x201: {  	_ =	swait.ge [sflag:s13], $0x2000  }
0x202: {  	[sflag:s13] =	ssyncset.done $0x0  }
0x203: {  	[sflag:s13] =	ssyncadd.s32 $0xFFFFE000  }
0x204: {  	[spmem:s2] =	stream.indirect.scatter.add.f32 [tilespmem:s23], [sflag:$0x7], $0x1, s22, s24, $0xb8;
	[tilespmem:$0x1E400] =	vst v63  }
0x205: {  	_ =	swait.ge [sflag:s29], $0x2000  }
0x206: {  	[sflag:s29] =	ssyncset.done $0x0  }
0x207: {  	[sflag:s29] =	ssyncadd.s32 $0xFFFFE000  }
0x208: {  	_ =	swait.ge [sflag:s29], $0x2000  }
0x209: {  	[sflag:s29] =	ssyncset.done $0x0  }
0x20a: {  	[sflag:s29] =	ssyncadd.s32 $0xFFFFE000  }
0x20b: {  	[tilespmem:s28], [sflag:$0x5] =	stream.indirect.gather [spmem:s6], $0x1, s11, s24, $0xb8;
	[tilespmem:$0x1E400] =	vst v63  }
0x20c: {  	_ =	swait.ge [sflag:s15], $0x2000  }
0x20d: {  	s10 =	sld [smem:$0x7F1]  }
0x20e: {  	[sflag:s15] =	ssyncset.done $0x0  }
0x20f: {  	[sflag:s15] =	ssyncadd.s32 $0xFFFFE000  }
0x210: {  	[tilespmem:s31], [sflag:$0x3] =	stream.strided.gather [hbm4b:s10+s20], $0x2000, s21, s20, $0x38;
	[tilespmem:$0x1E400] =	vst v63  }
0x211: {  	s10 =	sld [smem:$0x7F2];
	_ =	sdelay $0x2  }
0x212: {  	[tilespmem:s12], [sflag:$0x3] =	stream.strided.gather [hbm4b:s10+s20], $0x2000, s21, s20, $0x38;
	[tilespmem:$0x1E400] =	vst v63  }
0x213: {  	_ =	swait.ge [sflag:s4], $0x2000  }
0x214: {  	[sflag:s4] =	ssyncset.done $0x0  }
0x215: {  	[sflag:s4] =	ssyncadd.s32 $0xFFFFE000  }
0x216: {  	[spmem:s2] =	stream.indirect.scatter.add.f32 [tilespmem:s28], [sflag:$0x8], $0x1, s16, s24, $0xb8;
	[tilespmem:$0x1E400] =	vst v63  }
0x217: {  	_ =	swait.ge [sflag:s0], $0x2000  }
0x218: {  	[sflag:s0] =	ssyncset.done $0x0  }
0x219: {  	[sflag:s0] =	ssyncadd.s32 $0xFFFFE000  }
0x21a: {  	_ =	swait.ge [sflag:s0], $0x2000  }
0x21b: {  	[sflag:s0] =	ssyncset.done $0x0  }
0x21c: {  	[sflag:s0] =	ssyncadd.s32 $0xFFFFE000  }
0x21d: {  	[tilespmem:s5], [sflag:$0x6] =	stream.indirect.gather [spmem:s6], $0x1, s31, s24, $0xb8;
	[tilespmem:$0x1E400] =	vst v63  }
0x21e: {  	_ =	swait.ge [sflag:s7], $0x2000  }
0x21f: {  	s10 =	sld [smem:$0x7F3]  }
0x220: {  	[sflag:s7] =	ssyncset.done $0x0  }
0x221: {  	[sflag:s7] =	ssyncadd.s32 $0xFFFFE000  }
0x222: {  	[tilespmem:s25], [sflag:$0x1] =	stream.strided.gather [hbm4b:s10+s20], $0x2000, s21, s20, $0x38;
	[tilespmem:$0x1E400] =	vst v63  }
0x223: {  	s10 =	sld [smem:$0x7F4];
	_ =	sdelay $0x2  }
0x224: {  	[tilespmem:s22], [sflag:$0x1] =	stream.strided.gather [hbm4b:s10+s20], $0x2000, s21, s20, $0x38;
	[tilespmem:$0x1E400] =	vst v63  }
0x225: {  	_ =	swait.ge [sflag:s1], $0x2000  }
0x226: {  	[sflag:s1] =	ssyncset.done $0x0  }
0x227: {  	[sflag:s1] =	ssyncadd.s32 $0xFFFFE000  }
0x228: {  	[spmem:s2] =	stream.indirect.scatter.add.f32 [tilespmem:s5], [sflag:$0x9], $0x1, s12, s24, $0xb8;
	[tilespmem:$0x1E400] =	vst v63  }
0x229: {  	_ =	swait.ge [sflag:s26], $0x2000  }
0x22a: {  	[sflag:s26] =	ssyncset.done $0x0  }
0x22b: {  	[sflag:s26] =	ssyncadd.s32 $0xFFFFE000  }
0x22c: {  	_ =	swait.ge [sflag:s26], $0x2000  }
0x22d: {  	[sflag:s26] =	ssyncset.done $0x0  }
0x22e: {  	[sflag:s26] =	ssyncadd.s32 $0xFFFFE000  }
0x22f: {  	[tilespmem:s23], [sflag:$0x4] =	stream.indirect.gather [spmem:s6], $0x1, s25, s24, $0xb8;
	[tilespmem:$0x1E400] =	vst v63  }
0x230: {  	_ =	swait.ge [sflag:s14], $0x2000  }
0x231: {  	s10 =	sld [smem:$0x7F5]  }
0x232: {  	[sflag:s14] =	ssyncset.done $0x0  }
0x233: {  	[sflag:s14] =	ssyncadd.s32 $0xFFFFE000  }
0x234: {  	[tilespmem:s11], [sflag:$0x2] =	stream.strided.gather [hbm4b:s10+s20], $0x2000, s21, s20, $0x38;
	[tilespmem:$0x1E400] =	vst v63  }
0x235: {  	s10 =	sld [smem:$0x7F6];
	_ =	sdelay $0x2  }
0x236: {  	[tilespmem:s16], [sflag:$0x2] =	stream.strided.gather [hbm4b:s10+s20], $0x2000, s21, s20, $0x38;
	[tilespmem:$0x1E400] =	vst v63  }
0x237: {  	_ =	swait.ge [sflag:s13], $0x2000  }
0x238: {  	[sflag:s13] =	ssyncset.done $0x0  }
0x239: {  	[sflag:s13] =	ssyncadd.s32 $0xFFFFE000  }
0x23a: {  	[spmem:s2] =	stream.indirect.scatter.add.f32 [tilespmem:s23], [sflag:$0x7], $0x1, s22, s24, $0xb8;
	[tilespmem:$0x1E400] =	vst v63  }
0x23b: {  	_ =	swait.ge [sflag:s29], $0x2000  }
0x23c: {  	[sflag:s29] =	ssyncset.done $0x0  }
0x23d: {  	[sflag:s29] =	ssyncadd.s32 $0xFFFFE000  }
0x23e: {  	_ =	swait.ge [sflag:s29], $0x2000  }
0x23f: {  	[sflag:s29] =	ssyncset.done $0x0  }
0x240: {  	[sflag:s29] =	ssyncadd.s32 $0xFFFFE000  }
0x241: {  	[tilespmem:s28], [sflag:$0x5] =	stream.indirect.gather [spmem:s6], $0x1, s11, s24, $0xb8;
	[tilespmem:$0x1E400] =	vst v63  }
0x242: {  	_ =	swait.ge [sflag:s15], $0x2000  }
0x243: {  	s11 =	sld [smem:$0x7F7]  }
0x244: {  	[sflag:s15] =	ssyncset.done $0x0  }
0x245: {  	[sflag:s15] =	ssyncadd.s32 $0xFFFFE000  }
0x246: {  	[tilespmem:s31], [sflag:$0x3] =	stream.strided.gather [hbm4b:s11+s20], $0x2000, s21, s20, $0x38;
	[tilespmem:$0x1E400] =	vst v63  }
0x247: {  	s11 =	sld [smem:$0x7F8];
	_ =	sdelay $0x2  }
0x248: {  	[tilespmem:s12], [sflag:$0x3] =	stream.strided.gather [hbm4b:s11+s20], $0x2000, s21, s20, $0x38;
	[tilespmem:$0x1E400] =	vst v63  }
0x249: {  	_ =	swait.ge [sflag:s4], $0x2000  }
0x24a: {  	[sflag:s4] =	ssyncset.done $0x0  }
0x24b: {  	[sflag:s4] =	ssyncadd.s32 $0xFFFFE000  }
0x24c: {  	[spmem:s2] =	stream.indirect.scatter.add.f32 [tilespmem:s28], [sflag:$0x8], $0x1, s16, s24, $0xb8;
	[tilespmem:$0x1E400] =	vst v63  }
0x24d: {  	_ =	swait.ge [sflag:s0], $0x2000  }
0x24e: {  	[sflag:s0] =	ssyncset.done $0x0  }
0x24f: {  	[sflag:s0] =	ssyncadd.s32 $0xFFFFE000  }
0x250: {  	_ =	swait.ge [sflag:s0], $0x2000  }
0x251: {  	[sflag:s0] =	ssyncset.done $0x0  }
0x252: {  	[sflag:s0] =	ssyncadd.s32 $0xFFFFE000  }
0x253: {  	[tilespmem:s5], [sflag:$0x6] =	stream.indirect.gather [spmem:s6], $0x1, s31, s24, $0xb8;
	[tilespmem:$0x1E400] =	vst v63  }
0x254: {  	_ =	swait.ge [sflag:s7], $0x2000  }
0x255: {  	s11 =	sld [smem:$0x7F9]  }
0x256: {  	[sflag:s7] =	ssyncset.done $0x0  }
0x257: {  	s16 =	sld [smem:$0x7FA];
	[sflag:s7] =	ssyncadd.s32 $0xFFFFE000  }
0x258: {  	[tilespmem:s25], [sflag:$0x1] =	stream.strided.gather [hbm4b:s11+s20], $0x2000, s21, s20, $0x38;
	[tilespmem:$0x1E400] =	vst v63  }
0x259: {  	_ = 	snop  }
0x25a: {  	[tilespmem:s22], [sflag:$0x1] =	stream.strided.gather [hbm4b:s16+s20], $0x2000, s21, s20, $0x38;
	[tilespmem:$0x1E400] =	vst v63  }
0x25b: {  	_ =	swait.ge [sflag:s1], $0x2000  }
0x25c: {  	[sflag:s1] =	ssyncset.done $0x0  }
0x25d: {  	[sflag:s1] =	ssyncadd.s32 $0xFFFFE000  }
0x25e: {  	[spmem:s2] =	stream.indirect.scatter.add.f32 [tilespmem:s5], [sflag:$0x9], $0x1, s12, s24, $0xb8;
	[tilespmem:$0x1E400] =	vst v63  }
0x25f: {  	_ =	swait.ge [sflag:s26], $0x2000  }
0x260: {  	[sflag:s26] =	ssyncset.done $0x0  }
0x261: {  	[sflag:s26] =	ssyncadd.s32 $0xFFFFE000  }
0x262: {  	_ =	swait.ge [sflag:s26], $0x2000  }
0x263: {  	[sflag:s26] =	ssyncset.done $0x0  }
0x264: {  	[sflag:s26] =	ssyncadd.s32 $0xFFFFE000  }
0x265: {  	[tilespmem:s23], [sflag:$0x4] =	stream.indirect.gather [spmem:s6], $0x1, s25, s24, $0xb8;
	[tilespmem:$0x1E400] =	vst v63  }
0x266: {  	_ =	swait.ge [sflag:s13], $0x2000  }
0x267: {  	[sflag:s13] =	ssyncset.done $0x0  }
0x268: {  	[sflag:s13] =	ssyncadd.s32 $0xFFFFE000  }
0x269: {  	[spmem:s2] =	stream.indirect.scatter.add.f32 [tilespmem:s23], [sflag:$0x7], $0x1, s22, s24, $0xb8;
	[tilespmem:$0x1E400] =	vst v63  }
0x26a: {  	_ =	swait.ge [sflag:s14], $0x2000  }
0x26b: {  	[sflag:s14] =	ssyncset.done $0x0  }
0x26c: {  	[sflag:s14] =	ssyncadd.s32 $0xFFFFE000  }
0x26d: {  	_ =	swait.ge [sflag:s15], $0x2000  }
0x26e: {  	[sflag:s15] =	ssyncset.done $0x0  }
0x26f: {  	[sflag:s15] =	ssyncadd.s32 $0xFFFFE000  }
0x270: {  	_ =	swait.ge [sflag:s7], $0x2000  }
0x271: {  	[sflag:s7] =	ssyncset.done $0x0  }
0x272: {  	[sflag:s7] =	ssyncadd.s32 $0xFFFFE000  }
0x273: {  	[bflag:$0x0] =	sbarrier.arrive $0xFFFF  }
0x274: {  	s11 =	simm.s32 $0x18200;
	s16 =	rddreg [dreg:$0x9]  }
0x275: {  	[tilespmem:s11], [sflag:$0xA] =	stream.linear.gather [spmem:s16], $0x1880, $0x38;
	[tilespmem:$0x1E400] =	vst v63  }
0x276: {  	_ =	swait.ge [sflag:s19], $0x1880  }
0x277: {  	[sflag:s19] =	ssyncset.done $0x0  }
0x278: {  	s16 =	simm.s32 $0x19A80;
	[sflag:s19] =	ssyncadd.s32 $0xFFFFE780  }
0x279: {  	[tilespmem:s16], [sflag:$0xA] =	stream.linear.gather [spmem:s30], $0x1880, $0x38;
	[tilespmem:$0x1E400] =	vst v63  }
0x27a: {  	_ =	swait.ge [sflag:s19], $0x1880  }
0x27b: {  	[sflag:s19] =	ssyncset.done $0x0  }
0x27c: {  	s16 =	simm.s32 $0x1B300;
	s11 =	rddreg [dreg:$0xb];
	[sflag:s19] =	ssyncadd.s32 $0xFFFFE780  }
0x27d: {  	[tilespmem:s16], [sflag:$0xA] =	stream.linear.gather [spmem:s11], $0x1880, $0x38;
	[tilespmem:$0x1E400] =	vst v63  }
0x27e: {  	_ =	swait.ge [sflag:s19], $0x1880  }
0x27f: {  	[sflag:s19] =	ssyncset.done $0x0  }
0x280: {  	s16 =	simm.s32 $0x0;
	[sflag:s19] =	ssyncadd.s32 $0xFFFFE780  }
0x281: {  	s28 =	simm.s32 $0x19A80;
	s11 =	simm.s32 $0x40;
	v1 =	vld [tilespmem:s16+$0x1B300]  }
.LBB2_7:
0x282: {  	p0 =	sne.s32 s11, $0x61C0;
	v2 =	vld [tilespmem:s16+$0x19A80];
	_ =	sdelay $0x1  }
0x283: {  	v3 =	vld [tilespmem:s16+$0x18200];
	_ =	sdelay $0x2  }
0x284: {  	v1 =	vmul.f32 v2, v1;
	_ =	sdelay $0x1  }
.Ltmp2:
0x285: {  	v2 =	vmul.f32 $1.000000010e-01, v3;
	v1 =	vmul.f32 $8.999999760e-01, v1;
	(pc) =	sbr.rel @p0 .LBB2_7-.Ltmp2, $4  }
0x286: {  	_ = 	snop  }
0x287: {  	v2 =	vadd.f32 v1, v2  }
0x288: {  	s10 =	sshra.s32 s11, $0x2  }
0x289: {  	s11 =	sadd.s32 $0x40, s11;
	v1 =	vld [tilespmem:s10+$0x1B300];
	[tilespmem:s16+$0x19A80] =	vst v2;
	s16 =	smov.u32 s10  }
0x28a: {  	v2 =	vld [tilespmem:s16+$0x19A80];
	_ =	sdelay $0x1  }
0x28b: {  	v3 =	vld [tilespmem:s16+$0x18200];
	_ =	sdelay $0x2  }
0x28c: {  	v1 =	vmul.f32 v2, v1;
	_ =	sdelay $0x1  }
0x28d: {  	v2 =	vmul.f32 $1.000000010e-01, v3;
	v1 =	vmul.f32 $8.999999760e-01, v1;
	_ =	sdelay $0x1  }
0x28e: {  	v1 =	vadd.f32 v1, v2;
	_ =	sdelay $0x1  }
0x28f: {  	s10 =	rddreg [dreg:$0xc];
	[tilespmem:s16+$0x19A80] =	vst v1  }
0x290: {  	[spmem:s10] =	stream.linear.scatter [tilespmem:s28], [sflag:$0xA], $0x1880, $0x38;
	[tilespmem:$0x1E400] =	vst v63  }
0x291: {  	_ =	swait.ge [sflag:s19], $0x1880  }
0x292: {  	s18 =	sadd.s32 $0x1, s18;
	[sflag:s19] =	ssyncset.done $0x0  }
0x293: {  	p0 =	sne.s32 s18, $0xA;
	s28 =	simm.s32 $0x1CB80;
	[sflag:s19] =	ssyncadd.s32 $0xFFFFE780  }
0x294: {  	[spmem:s30] =	stream.linear.scatter [tilespmem:s28], [sflag:$0xA], $0x1880, $0x38;
	[tilespmem:$0x1E400] =	vst v63  }
.Ltmp3:
0x295: {  	_ =	swait.ge [sflag:s19], $0x1880;
	(pc) =	sbr.rel @p0 .LBB2_6-.Ltmp3, $3  }
0x296: {  	[sflag:s19] =	ssyncset.done $0x0  }
0x297: {  	[sflag:s19] =	ssyncadd.s32 $0xFFFFE780  }
0x298: {  	[bflag:$0x0] =	sbarrier.arrive $0xFFFF;
	_ =	sdelay $0x1  }
0x299: {  	s10 =	rddreg [dreg:$0xc];
	s11 =	simm.s32 $0x18200  }
0x29a: {  	[tilespmem:s11], [sflag:$0xA] =	stream.linear.gather [spmem:s10], $0x1880, $0x38;
	[tilespmem:$0x1E400] =	vst v63  }
0x29b: {  	_ =	swait.ge [sflag:s19], $0x1880  }
0x29c: {  	[sflag:s19] =	ssyncset.done $0x0  }
0x29d: {  	s18 =	simm.s32 $0x100;
	s28 =	rddreg [dreg:$0x8];
	[sflag:s19] =	ssyncadd.s32 $0xFFFFE780  }
0x29e: {  	[hbm4b:s28+s20] =	stream.strided.scatter [tilespmem:s11], [sflag:$0xA], $0x1880, s18, s20, $0x38;
	[tilespmem:$0x1E400] =	vst v63  }
0x29f: {  	_ =	swait.ge [sflag:s19], $0x1880  }
0x2a0: {  	s28 =	sld [smem:$0x7FC]  }
0x2a1: {  	s16 =	rddreg [dreg:$0x6]  }
0x2a2: {  	s10 =	sadd.s32 $0x1, s16  }
0x2a3: {  	p0 =	sne.s32 s10, s28  }
.Ltmp4:
0x2a4: {  	_ = 	snop;
	(pc) =	sbr.rel @p0 .LBB2_1-.Ltmp4, $3  }
0x2a5: {  	_ =	sdelay $0x1  }
0x2a6: {  	[sflag:s19] =	ssyncset.done $0x0  }
0x2a7: {  	[sflag:s19] =	ssyncadd.s32 $0xFFFFE780;
	[dreg:$0x6] =	wrdreg s10  }
0x2a8: {  	_ =	sfence.sel $0x180000  }
0x2a9: {  	[bflag:$0x0] =	sbarrier.arrive $0xFFFF  }
0x2aa: {  	_ =	strace $0x90000047  }
0x2ab: {  	s0 =	stileid.u32;
	[bflag:$0x2] =	sbarrier.arrive $0xFFFF  }
0x2ac: {  	p0 =	sne.s32 s0, $0x0;
	s0 =	rddreg [dreg:$0x5]  }
0x2ad: {  	s0 =	sadd.s32 @!p0 $0x100000, s0  }
0x2ae: {  	[sflag:s0] =	ssyncadd.tile.s32 @!p0 $0x1;
	_ =	shalt  }
.Lfunc_end2:
_tile_overlayer_lowered:
.L_overlay_start_2:
0x2af: {  	(tag) =	ssettag $0x2  }
0x2b0: {  	s0 =	rddreg [dreg:$0x0];
	s2 =	stileid.u32  }
0x2b1: {  	s1 =	rddreg [dreg:$0x1];
	p0 =	sne.s32 s2, $0x0  }
0x2b2: {  	s3 =	rddreg [dreg:$0x2];
	[bflag:$0x3] =	sbarrier.arrive $0xFFFF;
	s2 =	simm.s32 @!p0 $0x1C0A  }
0x2b3: {  	[timem:s3], [sflag:s2] =	dma.local @!p0 [hbm:s0], s1  }
0x2b4: {  	s0 =	simm.s32 @!p0 $0xA  }
0x2b5: {  	_ =	swait.ge @!p0 [sflag:s0], s1  }
0x2b6: {  	s1 =	ssub.s32 @!p0 $0x0, s1;
	[sflag:s0] =	ssyncset.done @!p0 $0x0  }
0x2b7: {  	[sflag:s0] =	ssyncadd.s32 @!p0 s1  }
0x2b8: {  	[bflag:$0x3] =	sbarrier.arrive $0xFFFF  }
0x2b9: {  	_ =	shalt  }

</sc_bundles>
